<compile_context>
chip_gen: v7x
topology: tpu7x:2x2x1
jax: 0.10.2.dev20260603
libtpu: 0.0.44.dev20260713+nightly
codegen_flags: <defaults>
</compile_context>

<pallas_src>
import functools

import jax
import jax.numpy as jnp
from jax import lax
from jax.experimental import pallas as pl
from jax.experimental.pallas import tpu as pltpu
from jax.experimental.pallas import tpu_sc as plsc

N = 10000
NP = 10240
E = 320000
DIN = 128
F1 = 512
F2 = 256
F3 = 64
G = 64
NC = 10

NCORES = 2
NSUB = 16
NW = NCORES * NSUB
K = 128
CH = 2560
SPLIT0 = 0.75
EP = CH * K
ROWS_PT = NP // NSUB


def _sc_mesh():
    return plsc.VectorSubcoreMesh(core_axis_name="c", subcore_axis_name="s")


DW = 128


DEG_CPT = CH // NW


@functools.partial(
    pl.kernel,
    out_type=[
        jax.ShapeDtypeStruct((NP, DW), jnp.float32),
        jax.ShapeDtypeStruct((NP, DW), jnp.float32),
    ],
    mesh=_sc_mesh(),
    scratch_types=[
        pltpu.VMEM((DEG_CPT, K), jnp.int32),
        pltpu.VMEM((K, DW), jnp.float32),
        pltpu.VMEM_SHARED((NP, DW), jnp.float32),
        pltpu.SemaphoreType.DMA,
    ],
)
def _deg_kernel(dst2_hbm, out0_hbm, out1_hbm, dsts_v, ones_v, acc_sh, ssem):
    cid = lax.axis_index("c")
    sid = lax.axis_index("s")
    wid = cid * NSUB + sid

    def zero_body(i, carry):
        for jj in range(DW // 16):
            ones_v[i, pl.ds(jj * 16, 16)] = jnp.zeros((16,), jnp.float32)
        return carry

    lax.fori_loop(0, K, zero_body, 0)
    r0 = sid * ROWS_PT
    for t in range(ROWS_PT // K):
        pltpu.sync_copy(ones_v, acc_sh.at[pl.ds(r0 + t * K, K)])

    def fill_body(i, carry):
        for jj in range(DW // 16):
            ones_v[i, pl.ds(jj * 16, 16)] = jnp.ones((16,), jnp.float32)
        return carry

    lax.fori_loop(0, K, fill_body, 0)
    pltpu.sync_copy(dst2_hbm.at[pl.ds(wid * DEG_CPT, DEG_CPT)], dsts_v)
    plsc.subcore_barrier()

    pltpu.async_copy(ones_v, acc_sh.at[dsts_v.at[0]], ssem, add=True)

    def chunk_body(j, carry):
        pltpu.async_copy(ones_v, acc_sh.at[dsts_v.at[j + 1]], ssem, add=True)
        pltpu.make_async_copy(ones_v, acc_sh.at[dsts_v.at[0]], ssem).wait()
        return carry

    lax.fori_loop(0, DEG_CPT - 1, chunk_body, 0)
    pltpu.make_async_copy(ones_v, acc_sh.at[dsts_v.at[0]], ssem).wait()
    plsc.subcore_barrier()

    @pl.when(cid == 0)
    def _():
        pltpu.sync_copy(acc_sh.at[pl.ds(r0, ROWS_PT)],
                        out0_hbm.at[pl.ds(r0, ROWS_PT)])

    @pl.when(cid == 1)
    def _():
        pltpu.sync_copy(acc_sh.at[pl.ds(r0, ROWS_PT)],
                        out1_hbm.at[pl.ds(r0, ROWS_PT)])


def _make_prop(F, feature_split):
    if feature_split:
        cpt0 = cpt1 = CH // NSUB
    else:
        ch0 = int(CH * SPLIT0) // 128 * 128
        cpt0 = ch0 // NSUB
        cpt1 = (CH - ch0) // NSUB
    IB = 40
    assert cpt0 % IB == 0 and cpt1 % IB == 0

    @functools.partial(
        pl.kernel,
        out_type=[
            jax.ShapeDtypeStruct((NP, F), jnp.float32),
            jax.ShapeDtypeStruct((NP, F), jnp.float32),
        ],
        mesh=_sc_mesh(),
        scratch_types=[
            pltpu.VMEM((IB, K), jnp.int32),
            pltpu.VMEM((IB, K), jnp.int32),
            pltpu.VMEM((K, F), jnp.float32),
            pltpu.VMEM((K, F), jnp.float32),
            pltpu.VMEM_SHARED((NP, F), jnp.float32),
            pltpu.SemaphoreType.DMA,
            pltpu.SemaphoreType.DMA,
        ],
    )
    def prop(u0_hbm, u1_hbm, src2_hbm, dst2_hbm, out0_hbm, out1_hbm,
             srcs_v, dsts_v, rows0_v, rows1_v, acc_sh, gs0, gs1):
        cid = lax.axis_index("c")
        sid = lax.axis_index("s")

        def zero_body(i, carry):
            for jj in range(F // 16):
                rows0_v[i, pl.ds(jj * 16, 16)] = jnp.zeros((16,), jnp.float32)
            return carry

        lax.fori_loop(0, K, zero_body, 0)
        r0 = sid * ROWS_PT
        for t in range(ROWS_PT // K):
            pltpu.sync_copy(rows0_v, acc_sh.at[pl.ds(r0 + t * K, K)])

        plsc.subcore_barrier()

        def run_edges(u_hbm, c0, cpt):
            bufs = (rows0_v, rows1_v)
            sems = (gs0, gs1)
            for blk in range(cpt // IB):
                pltpu.sync_copy(
                    src2_hbm.at[pl.ds(c0 + blk * IB, IB)], srcs_v)
                pltpu.sync_copy(
                    dst2_hbm.at[pl.ds(c0 + blk * IB, IB)], dsts_v)
                pltpu.async_copy(u_hbm.at[srcs_v.at[0]], rows0_v, gs0)
                pltpu.async_copy(u_hbm.at[srcs_v.at[1]], rows1_v, gs1)

                def pair_body(t, carry):
                    j = 2 * t
                    for b in range(2):
                        buf, sem = bufs[b], sems[b]
                        pltpu.make_async_copy(
                            u_hbm.at[srcs_v.at[0]], buf, sem).wait()
                        pltpu.sync_copy(buf, acc_sh.at[dsts_v.at[j + b]],
                                        add=True)

                        @pl.when(j + b + 2 < IB)
                        def _():
                            pltpu.async_copy(
                                u_hbm.at[srcs_v.at[j + b + 2]], buf, sem)
                    return carry

                lax.fori_loop(0, IB // 2, pair_body, 0)

        if feature_split:
            @pl.when(cid == 0)
            def _():
                run_edges(u0_hbm, sid * cpt0, cpt0)

            @pl.when(cid == 1)
            def _():
                run_edges(u1_hbm, sid * cpt1, cpt1)
        else:
            @pl.when(cid == 0)
            def _():
                run_edges(u0_hbm, sid * cpt0, cpt0)

            @pl.when(cid == 1)
            def _():
                run_edges(u0_hbm, cpt0 * NSUB + sid * cpt1, cpt1)

        plsc.subcore_barrier()

        @pl.when(cid == 0)
        def _():
            pltpu.sync_copy(acc_sh.at[pl.ds(r0, ROWS_PT)],
                            out0_hbm.at[pl.ds(r0, ROWS_PT)])

        @pl.when(cid == 1)
        def _():
            pltpu.sync_copy(acc_sh.at[pl.ds(r0, ROWS_PT)],
                            out1_hbm.at[pl.ds(r0, ROWS_PT)])

    return prop


_prop2 = _make_prop(F2 // 2, feature_split=True)


def _make_prop_sync(F):
    K8 = 80
    ept = E // NW
    nchunks = ept // K8

    @functools.partial(
        pl.kernel,
        out_type=[
            jax.ShapeDtypeStruct((NP, F), jnp.float32),
            jax.ShapeDtypeStruct((NP, F), jnp.float32),
        ],
        mesh=_sc_mesh(),
        scratch_types=[
            pltpu.VMEM((K8,), jnp.int32),
            pltpu.VMEM((K8,), jnp.int32),
            pltpu.VMEM((K8, F), jnp.float32),
            pltpu.VMEM_SHARED((NP, F), jnp.float32),
            pltpu.SemaphoreType.DMA,
        ],
    )
    def prop(u0_hbm, u1_hbm, src_hbm, dst_hbm, out0_hbm, out1_hbm,
             src_v, dst_v, rows_v, acc_sh, sem):
        cid = lax.axis_index("c")
        sid = lax.axis_index("s")

        def zero_body(i, carry):
            for jj in range(F // 16):
                rows_v[i, pl.ds(jj * 16, 16)] = jnp.zeros((16,), jnp.float32)
            return carry

        lax.fori_loop(0, K8, zero_body, 0)
        r0 = sid * ROWS_PT
        for t in range(ROWS_PT // K8):
            pltpu.sync_copy(rows_v, acc_sh.at[pl.ds(r0 + t * K8, K8)])
        plsc.subcore_barrier()

        tile_base = (cid * NSUB + sid) * ept

        def run_edges(u_hbm):
            def body(j, carry):
                base = tile_base + j * K8
                pltpu.sync_copy(src_hbm.at[pl.ds(base, K8)], src_v)
                pltpu.sync_copy(dst_hbm.at[pl.ds(base, K8)], dst_v)
                pltpu.async_copy(u_hbm.at[src_v], rows_v, sem).wait()
                pltpu.sync_copy(rows_v, acc_sh.at[dst_v], add=True)
                return carry

            lax.fori_loop(0, nchunks, body, 0)

        @pl.when(cid == 0)
        def _():
            run_edges(u0_hbm)

        @pl.when(cid == 1)
        def _():
            run_edges(u1_hbm)

        plsc.subcore_barrier()

        @pl.when(cid == 0)
        def _():
            pltpu.sync_copy(acc_sh.at[pl.ds(r0, ROWS_PT)],
                            out0_hbm.at[pl.ds(r0, ROWS_PT)])

        @pl.when(cid == 1)
        def _():
            pltpu.sync_copy(acc_sh.at[pl.ds(r0, ROWS_PT)],
                            out1_hbm.at[pl.ds(r0, ROWS_PT)])

    return prop


_prop13 = _make_prop_sync(DIN)
_prop1 = _prop13
_prop3 = _prop13


def _tc_scale_body(d0_ref, d1_ref, x_ref, dinv_ref, u1_ref):
    deg = d0_ref[:, :1] + d1_ref[:, :1] + 1.0
    dinv = lax.rsqrt(deg)
    dinv_ref[...] = dinv
    u1_ref[...] = x_ref[...] * dinv


def _tc_scale(d0, d1, x_pad):
    return pl.pallas_call(
        _tc_scale_body,
        out_shape=[
            jax.ShapeDtypeStruct((NP, 1), jnp.float32),
            jax.ShapeDtypeStruct((NP, DIN), jnp.float32),
        ],
    )(d0, d1, x_pad)


R1 = 2048


def _tc_mm1_body(s1a, s1b, u1, dinv, W1, b1, W2, o_a, o_b):
    a1 = (s1a[...] + s1b[...] + u1[...]) * dinv[...]
    h1 = jnp.maximum(
        jnp.dot(a1, W1[...], preferred_element_type=jnp.float32) + b1[...], 0.0)
    z2 = jnp.dot(h1, W2[...], preferred_element_type=jnp.float32)
    u2 = z2 * dinv[...]
    o_a[...] = u2[:, :F2 // 2]
    o_b[...] = u2[:, F2 // 2:]


def _tc_mm1(s1a, s1b, u1, dinv, W1, b1, W2):
    nb = NP // R1
    return pl.pallas_call(
        _tc_mm1_body,
        grid=(nb,),
        in_specs=[
            pl.BlockSpec((R1, DIN), lambda i: (i, 0)),
            pl.BlockSpec((R1, DIN), lambda i: (i, 0)),
            pl.BlockSpec((R1, DIN), lambda i: (i, 0)),
            pl.BlockSpec((R1, 1), lambda i: (i, 0)),
            pl.BlockSpec((DIN, F1), lambda i: (0, 0)),
            pl.BlockSpec((1, F1), lambda i: (0, 0)),
            pl.BlockSpec((F1, F2), lambda i: (0, 0)),
        ],
        out_specs=[
            pl.BlockSpec((R1, F2 // 2), lambda i: (i, 0)),
            pl.BlockSpec((R1, F2 // 2), lambda i: (i, 0)),
        ],
        out_shape=[
            jax.ShapeDtypeStruct((NP, F2 // 2), jnp.float32),
            jax.ShapeDtypeStruct((NP, F2 // 2), jnp.float32),
        ],
    )(s1a, s1b, u1, dinv, W1, b1, W2)


def _tc_mm3_body(s2a, s2b, u2a, u2b, dinv, b2, W3, u3_ref):
    t = jnp.concatenate([s2a[...] + u2a[...], s2b[...] + u2b[...]], axis=1)
    h2 = jnp.maximum(t * dinv[...] + b2[...], 0.0)
    z3 = jnp.dot(h2, W3[...], preferred_element_type=jnp.float32)
    u3 = z3 * dinv[...]
    u3_ref[...] = jnp.concatenate(
        [u3, jnp.zeros((u3.shape[0], DIN - F3), jnp.float32)], axis=1)


def _tc_mm3(s2a, s2b, u2a, u2b, dinv, b2, W3):
    nb = NP // R1
    return pl.pallas_call(
        _tc_mm3_body,
        grid=(nb,),
        in_specs=[
            pl.BlockSpec((R1, F2 // 2), lambda i: (i, 0)),
            pl.BlockSpec((R1, F2 // 2), lambda i: (i, 0)),
            pl.BlockSpec((R1, F2 // 2), lambda i: (i, 0)),
            pl.BlockSpec((R1, F2 // 2), lambda i: (i, 0)),
            pl.BlockSpec((R1, 1), lambda i: (i, 0)),
            pl.BlockSpec((1, F2), lambda i: (0, 0)),
            pl.BlockSpec((F2, F3), lambda i: (0, 0)),
        ],
        out_specs=pl.BlockSpec((R1, DIN), lambda i: (i, 0)),
        out_shape=jax.ShapeDtypeStruct((NP, DIN), jnp.float32),
    )(s2a, s2b, u2a, u2b, dinv, b2, W3)


def _tc_head_body(s3a, s3b, u3, dinv, b3, batch_row, Wl, bl, out_ref):
    a3 = ((s3a[...] + s3b[...] + u3[...]) * dinv[...])[:, :F3] + b3[...]
    gids = lax.broadcasted_iota(jnp.int32, (G, NP), 0)
    oneh = (batch_row[...] == gids).astype(jnp.float32)
    sums = jnp.dot(oneh, a3, preferred_element_type=jnp.float32)
    cnt = jnp.dot(oneh, jnp.ones((NP, 1), jnp.float32),
                  preferred_element_type=jnp.float32)
    pooled = sums / jnp.maximum(cnt, 1.0)
    out_ref[...] = (
        jnp.dot(pooled, Wl[...], preferred_element_type=jnp.float32) + bl[...])


def _tc_head(s3a, s3b, u3, dinv, b3, batch_row, Wl, bl):
    return pl.pallas_call(
        _tc_head_body,
        out_shape=jax.ShapeDtypeStruct((G, NC), jnp.float32),
    )(s3a, s3b, u3, dinv, b3, batch_row, Wl, bl)


def kernel(x, edge_index, batch, W1, b1, W2, b2, W3, b3, Wl, bl):
    npad = EP - E
    src2 = jnp.concatenate(
        [edge_index[0], jnp.zeros((npad,), jnp.int32)]).reshape(CH, K)
    dst2 = jnp.concatenate(
        [edge_index[1], jnp.full((npad,), NP - 1, jnp.int32)]).reshape(CH, K)
    x_pad = jnp.pad(x, ((0, NP - N), (0, 0)))
    batch_row = jnp.pad(batch, (0, NP - N), constant_values=G)[None, :]

    d0, d1 = _deg_kernel(dst2)
    dinv, u1 = _tc_scale(d0, d1, x_pad)

    s1a, s1b = _prop1(u1, u1, edge_index[0], edge_index[1])
    u2a, u2b = _tc_mm1(s1a, s1b, u1, dinv, W1, b1[None, :], W2)

    s2a, s2b = _prop2(u2a, u2b, src2, dst2)
    u3 = _tc_mm3(s2a, s2b, u2a, u2b, dinv, b2[None, :], W3)

    s3a, s3b = _prop3(u3, u3, edge_index[0], edge_index[1])
    return _tc_head(s3a, s3b, u3, dinv, b3[None, :], batch_row, Wl, bl)

# --- scband reference (transcript-rebuilt; emitter-appended) ---
"""Pipeline reference for scband-gcn-7301444403344 (READ-ONLY COPY).

The authoritative reference and input builder live on the scoring server;
editing this copy changes nothing except your own understanding.
"""

import jax, jax.numpy as jnp
import numpy as np

N = 10000
E = 320000
DIN = 128
HB = 64
G = 64
NC = 10


def setup_inputs(seed: int = 0) -> dict:
    key = jax.random.key(seed)
    ks = jax.random.split(key, 12)
    x = jax.random.normal(ks[0], (N, DIN), dtype=jnp.float32)
    edge_index = jax.random.randint(ks[1], (2, E), 0, N, dtype=jnp.int32)
    batch = jnp.sort(jax.random.randint(ks[2], (N,), 0, G, dtype=jnp.int32))
    W1 = jax.random.normal(ks[3], (DIN, HB * 8), dtype=jnp.float32) * 0.05
    b1 = jnp.zeros((HB * 8,), dtype=jnp.float32)
    W2 = jax.random.normal(ks[4], (HB * 8, HB * 4), dtype=jnp.float32) * 0.05
    b2 = jnp.zeros((HB * 4,), dtype=jnp.float32)
    W3 = jax.random.normal(ks[5], (HB * 4, HB), dtype=jnp.float32) * 0.05
    b3 = jnp.zeros((HB,), dtype=jnp.float32)
    Wl = jax.random.normal(ks[6], (HB, NC), dtype=jnp.float32) * 0.05
    bl = jnp.zeros((NC,), dtype=jnp.float32)
    return {"x": x, "edge_index": edge_index, "batch": batch,
            "W1": W1, "b1": b1, "W2": W2, "b2": b2,
            "W3": W3, "b3": b3, "Wl": Wl, "bl": bl}


def gcn_conv(x, edge_index, W, b):
    # GCNConv: h = D^{-1/2} (A + I) D^{-1/2} (x W) + b
    n = x.shape[0]
    loop = jnp.arange(n, dtype=edge_index.dtype)
    src = jnp.concatenate([edge_index[0], loop])
    dst = jnp.concatenate([edge_index[1], loop])
    h = x @ W
    deg = jax.ops.segment_sum(jnp.ones(src.shape[0], dtype=h.dtype), dst, num_segments=n)
    dinv = jnp.where(deg > 0, 1.0 / jnp.sqrt(deg), 0.0)
    norm = dinv[src] * dinv[dst]
    msg = h[src] * norm[:, None]
    out = jax.ops.segment_sum(msg, dst, num_segments=n)
    return out + b


def reference(x, edge_index, batch, W1, b1, W2, b2, W3, b3, Wl, bl):
    h = jax.nn.relu(gcn_conv(x, edge_index, W1, b1))
    # dropout p=0.3 is identity in eval mode
    h = jax.nn.relu(gcn_conv(h, edge_index, W2, b2))
    h = gcn_conv(h, edge_index, W3, b3)
    # global_mean_pool over batch assignments
    s = jax.ops.segment_sum(h, batch, num_segments=G)
    cnt = jax.ops.segment_sum(jnp.ones((h.shape[0],), dtype=h.dtype), batch, num_segments=G)
    pooled = s / jnp.maximum(cnt, 1.0)[:, None]
    return pooled @ Wl + bl

if __name__ == "__main__":
    import jax
    _d = setup_inputs()
    print(jax.jit(kernel)(*tuple(_d.values())))

</pallas_src>

<mosaic_0001>
#map = affine_map<(d0, d1) -> (0, 0)>
#map1 = affine_map<(d0, d1) -> (0)>
module attributes {stable_mosaic.version = 14 : i64} {
  func.func @prop(%arg0: i32, %arg1: i32, %arg2: memref<10240x128xf32, #tpu.memory_space<hbm>>, %arg3: memref<10240x128xf32, #tpu.memory_space<hbm>>, %arg4: memref<320000xi32, #tpu.memory_space<hbm>>, %arg5: memref<320000xi32, #tpu.memory_space<hbm>>, %arg6: memref<10240x128xf32, #tpu.memory_space<hbm>>, %arg7: memref<10240x128xf32, #tpu.memory_space<hbm>>, %arg8: memref<80xi32, #tpu.memory_space<vmem>>, %arg9: memref<80xi32, #tpu.memory_space<vmem>>, %arg10: memref<80x128xf32, #tpu.memory_space<vmem>>, %arg11: memref<10240x128xf32, #tpu.memory_space<vmem_shared>>, %arg12: memref<!tpu.dma_semaphore, #tpu.memory_space<semaphore_mem>>) attributes {dimension_semantics = [#tpu.dimension_semantics<core_parallel>, #tpu.dimension_semantics<subcore_parallel>], iteration_bounds = array<i64: 2, 16>, scalar_prefetch = 0 : i64, scratch_operands = 5 : i64, tpu.core_type = #tpu.core_type<sc_vector_subcore>, window_params = [{transform_indices = #map}, {transform_indices = #map}, {transform_indices = #map1}, {transform_indices = #map1}, {transform_indices = #map}, {transform_indices = #map}]} {
    %scan3A = arith.constant 0 : i32
    %scan3A_0 = arith.constant 0 : i32
    %scan3A_1 = arith.constant 80 : i32
    %scan3A_2 = arith.addi %scan3A_0, %scan3A_1 : i32
    %scan3A_3 = arith.constant 1 : i32
    scf.for %scan3A_44 = %scan3A_0 to %scan3A_2 step %scan3A_3  : i32 {
      %broadcast_in_dim3A = arith.constant 0.000000e+00 : f32
      %broadcast_in_dim3A_45 = vector.broadcast %broadcast_in_dim3A : f32 to vector<16xf32>
      %swap3A = arith.index_cast %scan3A_44 : i32 to index
      %swap3A_46 = arith.constant 0 : index
      %swap3A_47 = tpu.vector_load %arg10[%swap3A, %swap3A_46] {strides = array<i32>} : memref<80x128xf32, #tpu.memory_space<vmem>>, vector<1x16xf32>,
      %swap3A_48 = vector.shape_cast %swap3A_47 : vector<1x16xf32> to vector<16xf32>
      %swap3A_49 = vector.shape_cast %broadcast_in_dim3A_45 : vector<16xf32> to vector<1x16xf32>
      tpu.vector_store %arg10[%swap3A, %swap3A_46], %swap3A_49 {strides = array<i32>} : memref<80x128xf32, #tpu.memory_space<vmem>>, vector<1x16xf32>,
      %broadcast_in_dim3A_50 = arith.constant 0.000000e+00 : f32
      %broadcast_in_dim3A_51 = vector.broadcast %broadcast_in_dim3A_50 : f32 to vector<16xf32>
      %swap3A_52 = arith.index_cast %scan3A_44 : i32 to index
      %swap3A_53 = arith.constant 16 : index
      %swap3A_54 = tpu.vector_load %arg10[%swap3A_52, %swap3A_53] {strides = array<i32>} : memref<80x128xf32, #tpu.memory_space<vmem>>, vector<1x16xf32>,
      %swap3A_55 = vector.shape_cast %swap3A_54 : vector<1x16xf32> to vector<16xf32>
      %swap3A_56 = vector.shape_cast %broadcast_in_dim3A_51 : vector<16xf32> to vector<1x16xf32>
      tpu.vector_store %arg10[%swap3A_52, %swap3A_53], %swap3A_56 {strides = array<i32>} : memref<80x128xf32, #tpu.memory_space<vmem>>, vector<1x16xf32>,
      %broadcast_in_dim3A_57 = arith.constant 0.000000e+00 : f32
      %broadcast_in_dim3A_58 = vector.broadcast %broadcast_in_dim3A_57 : f32 to vector<16xf32>
      %swap3A_59 = arith.index_cast %scan3A_44 : i32 to index
      %swap3A_60 = arith.constant 32 : index
      %swap3A_61 = tpu.vector_load %arg10[%swap3A_59, %swap3A_60] {strides = array<i32>} : memref<80x128xf32, #tpu.memory_space<vmem>>, vector<1x16xf32>,
      %swap3A_62 = vector.shape_cast %swap3A_61 : vector<1x16xf32> to vector<16xf32>
      %swap3A_63 = vector.shape_cast %broadcast_in_dim3A_58 : vector<16xf32> to vector<1x16xf32>
      tpu.vector_store %arg10[%swap3A_59, %swap3A_60], %swap3A_63 {strides = array<i32>} : memref<80x128xf32, #tpu.memory_space<vmem>>, vector<1x16xf32>,
      %broadcast_in_dim3A_64 = arith.constant 0.000000e+00 : f32
      %broadcast_in_dim3A_65 = vector.broadcast %broadcast_in_dim3A_64 : f32 to vector<16xf32>
      %swap3A_66 = arith.index_cast %scan3A_44 : i32 to index
      %swap3A_67 = arith.constant 48 : index
      %swap3A_68 = tpu.vector_load %arg10[%swap3A_66, %swap3A_67] {strides = array<i32>} : memref<80x128xf32, #tpu.memory_space<vmem>>, vector<1x16xf32>,
      %swap3A_69 = vector.shape_cast %swap3A_68 : vector<1x16xf32> to vector<16xf32>
      %swap3A_70 = vector.shape_cast %broadcast_in_dim3A_65 : vector<16xf32> to vector<1x16xf32>
      tpu.vector_store %arg10[%swap3A_66, %swap3A_67], %swap3A_70 {strides = array<i32>} : memref<80x128xf32, #tpu.memory_space<vmem>>, vector<1x16xf32>,
      %broadcast_in_dim3A_71 = arith.constant 0.000000e+00 : f32
      %broadcast_in_dim3A_72 = vector.broadcast %broadcast_in_dim3A_71 : f32 to vector<16xf32>
      %swap3A_73 = arith.index_cast %scan3A_44 : i32 to index
      %swap3A_74 = arith.constant 64 : index
      %swap3A_75 = tpu.vector_load %arg10[%swap3A_73, %swap3A_74] {strides = array<i32>} : memref<80x128xf32, #tpu.memory_space<vmem>>, vector<1x16xf32>,
      %swap3A_76 = vector.shape_cast %swap3A_75 : vector<1x16xf32> to vector<16xf32>
      %swap3A_77 = vector.shape_cast %broadcast_in_dim3A_72 : vector<16xf32> to vector<1x16xf32>
      tpu.vector_store %arg10[%swap3A_73, %swap3A_74], %swap3A_77 {strides = array<i32>} : memref<80x128xf32, #tpu.memory_space<vmem>>, vector<1x16xf32>,
      %broadcast_in_dim3A_78 = arith.constant 0.000000e+00 : f32
      %broadcast_in_dim3A_79 = vector.broadcast %broadcast_in_dim3A_78 : f32 to vector<16xf32>
      %swap3A_80 = arith.index_cast %scan3A_44 : i32 to index
      %swap3A_81 = arith.constant 80 : index
      %swap3A_82 = tpu.vector_load %arg10[%swap3A_80, %swap3A_81] {strides = array<i32>} : memref<80x128xf32, #tpu.memory_space<vmem>>, vector<1x16xf32>,
      %swap3A_83 = vector.shape_cast %swap3A_82 : vector<1x16xf32> to vector<16xf32>
      %swap3A_84 = vector.shape_cast %broadcast_in_dim3A_79 : vector<16xf32> to vector<1x16xf32>
      tpu.vector_store %arg10[%swap3A_80, %swap3A_81], %swap3A_84 {strides = array<i32>} : memref<80x128xf32, #tpu.memory_space<vmem>>, vector<1x16xf32>,
      %broadcast_in_dim3A_85 = arith.constant 0.000000e+00 : f32
      %broadcast_in_dim3A_86 = vector.broadcast %broadcast_in_dim3A_85 : f32 to vector<16xf32>
      %swap3A_87 = arith.index_cast %scan3A_44 : i32 to index
      %swap3A_88 = arith.constant 96 : index
      %swap3A_89 = tpu.vector_load %arg10[%swap3A_87, %swap3A_88] {strides = array<i32>} : memref<80x128xf32, #tpu.memory_space<vmem>>, vector<1x16xf32>,
      %swap3A_90 = vector.shape_cast %swap3A_89 : vector<1x16xf32> to vector<16xf32>
      %swap3A_91 = vector.shape_cast %broadcast_in_dim3A_86 : vector<16xf32> to vector<1x16xf32>
      tpu.vector_store %arg10[%swap3A_87, %swap3A_88], %swap3A_91 {strides = array<i32>} : memref<80x128xf32, #tpu.memory_space<vmem>>, vector<1x16xf32>,
      %broadcast_in_dim3A_92 = arith.constant 0.000000e+00 : f32
      %broadcast_in_dim3A_93 = vector.broadcast %broadcast_in_dim3A_92 : f32 to vector<16xf32>
      %swap3A_94 = arith.index_cast %scan3A_44 : i32 to index
      %swap3A_95 = arith.constant 112 : index
      %swap3A_96 = tpu.vector_load %arg10[%swap3A_94, %swap3A_95] {strides = array<i32>} : memref<80x128xf32, #tpu.memory_space<vmem>>, vector<1x16xf32>,
      %swap3A_97 = vector.shape_cast %swap3A_96 : vector<1x16xf32> to vector<16xf32>
      %swap3A_98 = vector.shape_cast %broadcast_in_dim3A_93 : vector<16xf32> to vector<1x16xf32>
      tpu.vector_store %arg10[%swap3A_94, %swap3A_95], %swap3A_98 {strides = array<i32>} : memref<80x128xf32, #tpu.memory_space<vmem>>, vector<1x16xf32>,
    }
    %scan3A_4 = arith.constant 80 : i32
    %mul3A = arith.constant 640 : i32
    %mul3A_5 = arith.muli %arg1, %mul3A : i32
    %add3A = arith.constant 0 : i32
    %add3A_6 = arith.addi %mul3A_5, %add3A : i32
    "tpu.region"() ({
      %run_scoped3A = tpu.sem_alloc : memref<!tpu.dma_semaphore, #tpu.memory_space<semaphore_mem>>
      %dma_start3A = arith.constant 0 : i32
      %dma_start3A_44 = tpu.memref_slice %arg11[%add3A_6, %dma_start3A] : memref<10240x128xf32, #tpu.memory_space<vmem_shared>> -> memref<80x128xf32, #tpu.memory_space<vmem_shared>>
      %dma_start3A_45 = arith.constant 0 : i32
      %dma_start3A_46 = tpu.memref_slice %arg11[%add3A_6, %dma_start3A_45] : memref<10240x128xf32, #tpu.memory_space<vmem_shared>> -> memref<80x128xf32, #tpu.memory_space<vmem_shared>>
      tpu.enqueue_dma source(%arg10 : memref<80x128xf32, #tpu.memory_space<vmem>>) target(%dma_start3A_46 : memref<80x128xf32, #tpu.memory_space<vmem_shared>>) target_semaphore(%run_scoped3A : memref<!tpu.dma_semaphore, #tpu.memory_space<semaphore_mem>>)
      %dma_wait3A = arith.constant 0 : i32
      %dma_wait3A_47 = tpu.memref_slice %arg11[%add3A_6, %dma_wait3A] : memref<10240x128xf32, #tpu.memory_space<vmem_shared>> -> memref<80x128xf32, #tpu.memory_space<vmem_shared>>
      %dma_wait3A_48 = arith.constant 0 : i32
      %dma_wait3A_49 = tpu.memref_slice %arg11[%add3A_6, %dma_wait3A_48] : memref<10240x128xf32, #tpu.memory_space<vmem_shared>> -> memref<80x128xf32, #tpu.memory_space<vmem_shared>>
      tpu.wait_dma2 semaphore(%run_scoped3A : memref<!tpu.dma_semaphore, #tpu.memory_space<semaphore_mem>>) src(%arg10 : memref<80x128xf32, #tpu.memory_space<vmem>>) dst(%dma_wait3A_49 : memref<80x128xf32, #tpu.memory_space<vmem_shared>>)
      tpu.yield
    }) : () -> ()
    %add3A_7 = arith.constant 80 : i32
    %add3A_8 = arith.addi %mul3A_5, %add3A_7 : i32
    "tpu.region"() ({
      %run_scoped3A = tpu.sem_alloc : memref<!tpu.dma_semaphore, #tpu.memory_space<semaphore_mem>>
      %dma_start3A = arith.constant 0 : i32
      %dma_start3A_44 = tpu.memref_slice %arg11[%add3A_8, %dma_start3A] : memref<10240x128xf32, #tpu.memory_space<vmem_shared>> -> memref<80x128xf32, #tpu.memory_space<vmem_shared>>
      %dma_start3A_45 = arith.constant 0 : i32
      %dma_start3A_46 = tpu.memref_slice %arg11[%add3A_8, %dma_start3A_45] : memref<10240x128xf32, #tpu.memory_space<vmem_shared>> -> memref<80x128xf32, #tpu.memory_space<vmem_shared>>
      tpu.enqueue_dma source(%arg10 : memref<80x128xf32, #tpu.memory_space<vmem>>) target(%dma_start3A_46 : memref<80x128xf32, #tpu.memory_space<vmem_shared>>) target_semaphore(%run_scoped3A : memref<!tpu.dma_semaphore, #tpu.memory_space<semaphore_mem>>)
      %dma_wait3A = arith.constant 0 : i32
      %dma_wait3A_47 = tpu.memref_slice %arg11[%add3A_8, %dma_wait3A] : memref<10240x128xf32, #tpu.memory_space<vmem_shared>> -> memref<80x128xf32, #tpu.memory_space<vmem_shared>>
      %dma_wait3A_48 = arith.constant 0 : i32
      %dma_wait3A_49 = tpu.memref_slice %arg11[%add3A_8, %dma_wait3A_48] : memref<10240x128xf32, #tpu.memory_space<vmem_shared>> -> memref<80x128xf32, #tpu.memory_space<vmem_shared>>
      tpu.wait_dma2 semaphore(%run_scoped3A : memref<!tpu.dma_semaphore, #tpu.memory_space<semaphore_mem>>) src(%arg10 : memref<80x128xf32, #tpu.memory_space<vmem>>) dst(%dma_wait3A_49 : memref<80x128xf32, #tpu.memory_space<vmem_shared>>)
      tpu.yield
    }) : () -> ()
    %add3A_9 = arith.constant 160 : i32
    %add3A_10 = arith.addi %mul3A_5, %add3A_9 : i32
    "tpu.region"() ({
      %run_scoped3A = tpu.sem_alloc : memref<!tpu.dma_semaphore, #tpu.memory_space<semaphore_mem>>
      %dma_start3A = arith.constant 0 : i32
      %dma_start3A_44 = tpu.memref_slice %arg11[%add3A_10, %dma_start3A] : memref<10240x128xf32, #tpu.memory_space<vmem_shared>> -> memref<80x128xf32, #tpu.memory_space<vmem_shared>>
      %dma_start3A_45 = arith.constant 0 : i32
      %dma_start3A_46 = tpu.memref_slice %arg11[%add3A_10, %dma_start3A_45] : memref<10240x128xf32, #tpu.memory_space<vmem_shared>> -> memref<80x128xf32, #tpu.memory_space<vmem_shared>>
      tpu.enqueue_dma source(%arg10 : memref<80x128xf32, #tpu.memory_space<vmem>>) target(%dma_start3A_46 : memref<80x128xf32, #tpu.memory_space<vmem_shared>>) target_semaphore(%run_scoped3A : memref<!tpu.dma_semaphore, #tpu.memory_space<semaphore_mem>>)
      %dma_wait3A = arith.constant 0 : i32
      %dma_wait3A_47 = tpu.memref_slice %arg11[%add3A_10, %dma_wait3A] : memref<10240x128xf32, #tpu.memory_space<vmem_shared>> -> memref<80x128xf32, #tpu.memory_space<vmem_shared>>
      %dma_wait3A_48 = arith.constant 0 : i32
      %dma_wait3A_49 = tpu.memref_slice %arg11[%add3A_10, %dma_wait3A_48] : memref<10240x128xf32, #tpu.memory_space<vmem_shared>> -> memref<80x128xf32, #tpu.memory_space<vmem_shared>>
      tpu.wait_dma2 semaphore(%run_scoped3A : memref<!tpu.dma_semaphore, #tpu.memory_space<semaphore_mem>>) src(%arg10 : memref<80x128xf32, #tpu.memory_space<vmem>>) dst(%dma_wait3A_49 : memref<80x128xf32, #tpu.memory_space<vmem_shared>>)
      tpu.yield
    }) : () -> ()
    %add3A_11 = arith.constant 240 : i32
    %add3A_12 = arith.addi %mul3A_5, %add3A_11 : i32
    "tpu.region"() ({
      %run_scoped3A = tpu.sem_alloc : memref<!tpu.dma_semaphore, #tpu.memory_space<semaphore_mem>>
      %dma_start3A = arith.constant 0 : i32
      %dma_start3A_44 = tpu.memref_slice %arg11[%add3A_12, %dma_start3A] : memref<10240x128xf32, #tpu.memory_space<vmem_shared>> -> memref<80x128xf32, #tpu.memory_space<vmem_shared>>
      %dma_start3A_45 = arith.constant 0 : i32
      %dma_start3A_46 = tpu.memref_slice %arg11[%add3A_12, %dma_start3A_45] : memref<10240x128xf32, #tpu.memory_space<vmem_shared>> -> memref<80x128xf32, #tpu.memory_space<vmem_shared>>
      tpu.enqueue_dma source(%arg10 : memref<80x128xf32, #tpu.memory_space<vmem>>) target(%dma_start3A_46 : memref<80x128xf32, #tpu.memory_space<vmem_shared>>) target_semaphore(%run_scoped3A : memref<!tpu.dma_semaphore, #tpu.memory_space<semaphore_mem>>)
      %dma_wait3A = arith.constant 0 : i32
      %dma_wait3A_47 = tpu.memref_slice %arg11[%add3A_12, %dma_wait3A] : memref<10240x128xf32, #tpu.memory_space<vmem_shared>> -> memref<80x128xf32, #tpu.memory_space<vmem_shared>>
      %dma_wait3A_48 = arith.constant 0 : i32
      %dma_wait3A_49 = tpu.memref_slice %arg11[%add3A_12, %dma_wait3A_48] : memref<10240x128xf32, #tpu.memory_space<vmem_shared>> -> memref<80x128xf32, #tpu.memory_space<vmem_shared>>
      tpu.wait_dma2 semaphore(%run_scoped3A : memref<!tpu.dma_semaphore, #tpu.memory_space<semaphore_mem>>) src(%arg10 : memref<80x128xf32, #tpu.memory_space<vmem>>) dst(%dma_wait3A_49 : memref<80x128xf32, #tpu.memory_space<vmem_shared>>)
      tpu.yield
    }) : () -> ()
    %add3A_13 = arith.constant 320 : i32
    %add3A_14 = arith.addi %mul3A_5, %add3A_13 : i32
    "tpu.region"() ({
      %run_scoped3A = tpu.sem_alloc : memref<!tpu.dma_semaphore, #tpu.memory_space<semaphore_mem>>
      %dma_start3A = arith.constant 0 : i32
      %dma_start3A_44 = tpu.memref_slice %arg11[%add3A_14, %dma_start3A] : memref<10240x128xf32, #tpu.memory_space<vmem_shared>> -> memref<80x128xf32, #tpu.memory_space<vmem_shared>>
      %dma_start3A_45 = arith.constant 0 : i32
      %dma_start3A_46 = tpu.memref_slice %arg11[%add3A_14, %dma_start3A_45] : memref<10240x128xf32, #tpu.memory_space<vmem_shared>> -> memref<80x128xf32, #tpu.memory_space<vmem_shared>>
      tpu.enqueue_dma source(%arg10 : memref<80x128xf32, #tpu.memory_space<vmem>>) target(%dma_start3A_46 : memref<80x128xf32, #tpu.memory_space<vmem_shared>>) target_semaphore(%run_scoped3A : memref<!tpu.dma_semaphore, #tpu.memory_space<semaphore_mem>>)
      %dma_wait3A = arith.constant 0 : i32
      %dma_wait3A_47 = tpu.memref_slice %arg11[%add3A_14, %dma_wait3A] : memref<10240x128xf32, #tpu.memory_space<vmem_shared>> -> memref<80x128xf32, #tpu.memory_space<vmem_shared>>
      %dma_wait3A_48 = arith.constant 0 : i32
      %dma_wait3A_49 = tpu.memref_slice %arg11[%add3A_14, %dma_wait3A_48] : memref<10240x128xf32, #tpu.memory_space<vmem_shared>> -> memref<80x128xf32, #tpu.memory_space<vmem_shared>>
      tpu.wait_dma2 semaphore(%run_scoped3A : memref<!tpu.dma_semaphore, #tpu.memory_space<semaphore_mem>>) src(%arg10 : memref<80x128xf32, #tpu.memory_space<vmem>>) dst(%dma_wait3A_49 : memref<80x128xf32, #tpu.memory_space<vmem_shared>>)
      tpu.yield
    }) : () -> ()
    %add3A_15 = arith.constant 400 : i32
    %add3A_16 = arith.addi %mul3A_5, %add3A_15 : i32
    "tpu.region"() ({
      %run_scoped3A = tpu.sem_alloc : memref<!tpu.dma_semaphore, #tpu.memory_space<semaphore_mem>>
      %dma_start3A = arith.constant 0 : i32
      %dma_start3A_44 = tpu.memref_slice %arg11[%add3A_16, %dma_start3A] : memref<10240x128xf32, #tpu.memory_space<vmem_shared>> -> memref<80x128xf32, #tpu.memory_space<vmem_shared>>
      %dma_start3A_45 = arith.constant 0 : i32
      %dma_start3A_46 = tpu.memref_slice %arg11[%add3A_16, %dma_start3A_45] : memref<10240x128xf32, #tpu.memory_space<vmem_shared>> -> memref<80x128xf32, #tpu.memory_space<vmem_shared>>
      tpu.enqueue_dma source(%arg10 : memref<80x128xf32, #tpu.memory_space<vmem>>) target(%dma_start3A_46 : memref<80x128xf32, #tpu.memory_space<vmem_shared>>) target_semaphore(%run_scoped3A : memref<!tpu.dma_semaphore, #tpu.memory_space<semaphore_mem>>)
      %dma_wait3A = arith.constant 0 : i32
      %dma_wait3A_47 = tpu.memref_slice %arg11[%add3A_16, %dma_wait3A] : memref<10240x128xf32, #tpu.memory_space<vmem_shared>> -> memref<80x128xf32, #tpu.memory_space<vmem_shared>>
      %dma_wait3A_48 = arith.constant 0 : i32
      %dma_wait3A_49 = tpu.memref_slice %arg11[%add3A_16, %dma_wait3A_48] : memref<10240x128xf32, #tpu.memory_space<vmem_shared>> -> memref<80x128xf32, #tpu.memory_space<vmem_shared>>
      tpu.wait_dma2 semaphore(%run_scoped3A : memref<!tpu.dma_semaphore, #tpu.memory_space<semaphore_mem>>) src(%arg10 : memref<80x128xf32, #tpu.memory_space<vmem>>) dst(%dma_wait3A_49 : memref<80x128xf32, #tpu.memory_space<vmem_shared>>)
      tpu.yield
    }) : () -> ()
    %add3A_17 = arith.constant 480 : i32
    %add3A_18 = arith.addi %mul3A_5, %add3A_17 : i32
    "tpu.region"() ({
      %run_scoped3A = tpu.sem_alloc : memref<!tpu.dma_semaphore, #tpu.memory_space<semaphore_mem>>
      %dma_start3A = arith.constant 0 : i32
      %dma_start3A_44 = tpu.memref_slice %arg11[%add3A_18, %dma_start3A] : memref<10240x128xf32, #tpu.memory_space<vmem_shared>> -> memref<80x128xf32, #tpu.memory_space<vmem_shared>>
      %dma_start3A_45 = arith.constant 0 : i32
      %dma_start3A_46 = tpu.memref_slice %arg11[%add3A_18, %dma_start3A_45] : memref<10240x128xf32, #tpu.memory_space<vmem_shared>> -> memref<80x128xf32, #tpu.memory_space<vmem_shared>>
      tpu.enqueue_dma source(%arg10 : memref<80x128xf32, #tpu.memory_space<vmem>>) target(%dma_start3A_46 : memref<80x128xf32, #tpu.memory_space<vmem_shared>>) target_semaphore(%run_scoped3A : memref<!tpu.dma_semaphore, #tpu.memory_space<semaphore_mem>>)
      %dma_wait3A = arith.constant 0 : i32
      %dma_wait3A_47 = tpu.memref_slice %arg11[%add3A_18, %dma_wait3A] : memref<10240x128xf32, #tpu.memory_space<vmem_shared>> -> memref<80x128xf32, #tpu.memory_space<vmem_shared>>
      %dma_wait3A_48 = arith.constant 0 : i32
      %dma_wait3A_49 = tpu.memref_slice %arg11[%add3A_18, %dma_wait3A_48] : memref<10240x128xf32, #tpu.memory_space<vmem_shared>> -> memref<80x128xf32, #tpu.memory_space<vmem_shared>>
      tpu.wait_dma2 semaphore(%run_scoped3A : memref<!tpu.dma_semaphore, #tpu.memory_space<semaphore_mem>>) src(%arg10 : memref<80x128xf32, #tpu.memory_space<vmem>>) dst(%dma_wait3A_49 : memref<80x128xf32, #tpu.memory_space<vmem_shared>>)
      tpu.yield
    }) : () -> ()
    %add3A_19 = arith.constant 560 : i32
    %add3A_20 = arith.addi %mul3A_5, %add3A_19 : i32
    "tpu.region"() ({
      %run_scoped3A = tpu.sem_alloc : memref<!tpu.dma_semaphore, #tpu.memory_space<semaphore_mem>>
      %dma_start3A = arith.constant 0 : i32
      %dma_start3A_44 = tpu.memref_slice %arg11[%add3A_20, %dma_start3A] : memref<10240x128xf32, #tpu.memory_space<vmem_shared>> -> memref<80x128xf32, #tpu.memory_space<vmem_shared>>
      %dma_start3A_45 = arith.constant 0 : i32
      %dma_start3A_46 = tpu.memref_slice %arg11[%add3A_20, %dma_start3A_45] : memref<10240x128xf32, #tpu.memory_space<vmem_shared>> -> memref<80x128xf32, #tpu.memory_space<vmem_shared>>
      tpu.enqueue_dma source(%arg10 : memref<80x128xf32, #tpu.memory_space<vmem>>) target(%dma_start3A_46 : memref<80x128xf32, #tpu.memory_space<vmem_shared>>) target_semaphore(%run_scoped3A : memref<!tpu.dma_semaphore, #tpu.memory_space<semaphore_mem>>)
      %dma_wait3A = arith.constant 0 : i32
      %dma_wait3A_47 = tpu.memref_slice %arg11[%add3A_20, %dma_wait3A] : memref<10240x128xf32, #tpu.memory_space<vmem_shared>> -> memref<80x128xf32, #tpu.memory_space<vmem_shared>>
      %dma_wait3A_48 = arith.constant 0 : i32
      %dma_wait3A_49 = tpu.memref_slice %arg11[%add3A_20, %dma_wait3A_48] : memref<10240x128xf32, #tpu.memory_space<vmem_shared>> -> memref<80x128xf32, #tpu.memory_space<vmem_shared>>
      tpu.wait_dma2 semaphore(%run_scoped3A : memref<!tpu.dma_semaphore, #tpu.memory_space<semaphore_mem>>) src(%arg10 : memref<80x128xf32, #tpu.memory_space<vmem>>) dst(%dma_wait3A_49 : memref<80x128xf32, #tpu.memory_space<vmem_shared>>)
      tpu.yield
    }) : () -> ()
    %barrier3A = arith.constant 0 : index
    tpu.barrier barrier_id(%barrier3A)
    %mul3A_21 = arith.constant 16 : i32
    %mul3A_22 = arith.muli %arg0, %mul3A_21 : i32
    %add3A_23 = arith.addi %mul3A_22, %arg1 : i32
    %mul3A_24 = arith.constant 10000 : i32
    %mul3A_25 = arith.muli %add3A_23, %mul3A_24 : i32
    %eq3A = arith.constant 0 : i32
    %eq3A_26 = arith.cmpi eq, %arg0, %eq3A : i32
    %convert_element_type3A = arith.extui %eq3A_26 : i1 to i32
    %cond3A = arith.constant 0 : i32
    %cond3A_27 = arith.cmpi ne, %convert_element_type3A, %cond3A : i32
    scf.if %cond3A_27 {
      %scan3A_44 = arith.constant 0 : i32
      %scan3A_45 = arith.constant 0 : i32
      %scan3A_46 = arith.constant 125 : i32
      %scan3A_47 = arith.addi %scan3A_45, %scan3A_46 : i32
      %scan3A_48 = arith.constant 1 : i32
      scf.for %scan3A_50 = %scan3A_45 to %scan3A_47 step %scan3A_48  : i32 {
        %mul3A_51 = arith.constant 80 : i32
        %mul3A_52 = arith.muli %scan3A_50, %mul3A_51 : i32
        %add3A_53 = arith.addi %mul3A_25, %mul3A_52 : i32
        "tpu.region"() ({
          %run_scoped3A = tpu.sem_alloc : memref<!tpu.dma_semaphore, #tpu.memory_space<semaphore_mem>>
          %dma_start3A_58 = tpu.memref_slice %arg4[%add3A_53] : memref<320000xi32, #tpu.memory_space<hbm>> -> memref<80xi32, #tpu.memory_space<hbm>>
          %dma_start3A_59 = tpu.memref_slice %arg4[%add3A_53] : memref<320000xi32, #tpu.memory_space<hbm>> -> memref<80xi32, #tpu.memory_space<hbm>>
          tpu.enqueue_dma source(%dma_start3A_59 : memref<80xi32, #tpu.memory_space<hbm>>) target(%arg8 : memref<80xi32, #tpu.memory_space<vmem>>) target_semaphore(%run_scoped3A : memref<!tpu.dma_semaphore, #tpu.memory_space<semaphore_mem>>)
          %dma_wait3A_60 = tpu.memref_slice %arg4[%add3A_53] : memref<320000xi32, #tpu.memory_space<hbm>> -> memref<80xi32, #tpu.memory_space<hbm>>
          %dma_wait3A_61 = tpu.memref_slice %arg4[%add3A_53] : memref<320000xi32, #tpu.memory_space<hbm>> -> memref<80xi32, #tpu.memory_space<hbm>>
          tpu.wait_dma2 semaphore(%run_scoped3A : memref<!tpu.dma_semaphore, #tpu.memory_space<semaphore_mem>>) src(%dma_wait3A_61 : memref<80xi32, #tpu.memory_space<hbm>>) dst(%arg8 : memref<80xi32, #tpu.memory_space<vmem>>)
          tpu.yield
        }) : () -> ()
        "tpu.region"() ({
          %run_scoped3A = tpu.sem_alloc : memref<!tpu.dma_semaphore, #tpu.memory_space<semaphore_mem>>
          %dma_start3A_58 = tpu.memref_slice %arg5[%add3A_53] : memref<320000xi32, #tpu.memory_space<hbm>> -> memref<80xi32, #tpu.memory_space<hbm>>
          %dma_start3A_59 = tpu.memref_slice %arg5[%add3A_53] : memref<320000xi32, #tpu.memory_space<hbm>> -> memref<80xi32, #tpu.memory_space<hbm>>
          tpu.enqueue_dma source(%dma_start3A_59 : memref<80xi32, #tpu.memory_space<hbm>>) target(%arg9 : memref<80xi32, #tpu.memory_space<vmem>>) target_semaphore(%run_scoped3A : memref<!tpu.dma_semaphore, #tpu.memory_space<semaphore_mem>>)
          %dma_wait3A_60 = tpu.memref_slice %arg5[%add3A_53] : memref<320000xi32, #tpu.memory_space<hbm>> -> memref<80xi32, #tpu.memory_space<hbm>>
          %dma_wait3A_61 = tpu.memref_slice %arg5[%add3A_53] : memref<320000xi32, #tpu.memory_space<hbm>> -> memref<80xi32, #tpu.memory_space<hbm>>
          tpu.wait_dma2 semaphore(%run_scoped3A : memref<!tpu.dma_semaphore, #tpu.memory_space<semaphore_mem>>) src(%dma_wait3A_61 : memref<80xi32, #tpu.memory_space<hbm>>) dst(%arg9 : memref<80xi32, #tpu.memory_space<vmem>>)
          tpu.yield
        }) : () -> ()
        %dma_start3A = arith.constant 0 : i32
        %dma_start3A_54 = arith.constant 0 : i32
        %dma_start3A_55 = tpu.memref_slice %arg2[%dma_start3A, %dma_start3A_54] : memref<10240x128xf32, #tpu.memory_space<hbm>> -> memref<10240x128xf32, #tpu.memory_space<hbm>>
        tpu.enqueue_indirect_dma source(%dma_start3A_55 : memref<10240x128xf32, #tpu.memory_space<hbm>>) target(%arg10 : memref<80x128xf32, #tpu.memory_space<vmem>>) offsets(%arg8 : memref<80xi32, #tpu.memory_space<vmem>>) semaphore(%arg12 : memref<!tpu.dma_semaphore, #tpu.memory_space<semaphore_mem>>)
        %dma_wait3A = arith.constant 0 : i32
        %dma_wait3A_56 = arith.constant 0 : i32
        %dma_wait3A_57 = tpu.memref_slice %arg2[%dma_wait3A, %dma_wait3A_56] : memref<10240x128xf32, #tpu.memory_space<hbm>> -> memref<10240x128xf32, #tpu.memory_space<hbm>>
        tpu.wait_indirect_dma semaphore(%arg12 : memref<!tpu.dma_semaphore, #tpu.memory_space<semaphore_mem>>) src(%dma_wait3A_57 : memref<10240x128xf32, #tpu.memory_space<hbm>>) dst(%arg10 : memref<80x128xf32, #tpu.memory_space<vmem>>)
        "tpu.region"() ({
          %run_scoped3A = tpu.sem_alloc : memref<!tpu.dma_semaphore, #tpu.memory_space<semaphore_mem>>
          %dma_start3A_58 = arith.constant 0 : i32
          %dma_start3A_59 = arith.constant 0 : i32
          %dma_start3A_60 = tpu.memref_slice %arg11[%dma_start3A_58, %dma_start3A_59] : memref<10240x128xf32, #tpu.memory_space<vmem_shared>> -> memref<10240x128xf32, #tpu.memory_space<vmem_shared>>
          tpu.enqueue_indirect_dma source(%arg10 : memref<80x128xf32, #tpu.memory_space<vmem>>) target(%dma_start3A_60 : memref<10240x128xf32, #tpu.memory_space<vmem_shared>>) offsets(%arg9 : memref<80xi32, #tpu.memory_space<vmem>>) semaphore(%run_scoped3A : memref<!tpu.dma_semaphore, #tpu.memory_space<semaphore_mem>>) {add = true}
          %dma_wait3A_61 = arith.constant 0 : i32
          %dma_wait3A_62 = arith.constant 0 : i32
          %dma_wait3A_63 = tpu.memref_slice %arg11[%dma_wait3A_61, %dma_wait3A_62] : memref<10240x128xf32, #tpu.memory_space<vmem_shared>> -> memref<10240x128xf32, #tpu.memory_space<vmem_shared>>
          tpu.wait_indirect_dma semaphore(%run_scoped3A : memref<!tpu.dma_semaphore, #tpu.memory_space<semaphore_mem>>) src(%arg10 : memref<80x128xf32, #tpu.memory_space<vmem>>) dst(%dma_wait3A_63 : memref<10240x128xf32, #tpu.memory_space<vmem_shared>>)
          tpu.yield
        }) : () -> ()
      }
      %scan3A_49 = arith.constant 125 : i32
    } else {
    }
    %eq3A_28 = arith.constant 1 : i32
    %eq3A_29 = arith.cmpi eq, %arg0, %eq3A_28 : i32
    %convert_element_type3A_30 = arith.extui %eq3A_29 : i1 to i32
    %cond3A_31 = arith.constant 0 : i32
    %cond3A_32 = arith.cmpi ne, %convert_element_type3A_30, %cond3A_31 : i32
    scf.if %cond3A_32 {
      %scan3A_44 = arith.constant 0 : i32
      %scan3A_45 = arith.constant 0 : i32
      %scan3A_46 = arith.constant 125 : i32
      %scan3A_47 = arith.addi %scan3A_45, %scan3A_46 : i32
      %scan3A_48 = arith.constant 1 : i32
      scf.for %scan3A_50 = %scan3A_45 to %scan3A_47 step %scan3A_48  : i32 {
        %mul3A_51 = arith.constant 80 : i32
        %mul3A_52 = arith.muli %scan3A_50, %mul3A_51 : i32
        %add3A_53 = arith.addi %mul3A_25, %mul3A_52 : i32
        "tpu.region"() ({
          %run_scoped3A = tpu.sem_alloc : memref<!tpu.dma_semaphore, #tpu.memory_space<semaphore_mem>>
          %dma_start3A_58 = tpu.memref_slice %arg4[%add3A_53] : memref<320000xi32, #tpu.memory_space<hbm>> -> memref<80xi32, #tpu.memory_space<hbm>>
          %dma_start3A_59 = tpu.memref_slice %arg4[%add3A_53] : memref<320000xi32, #tpu.memory_space<hbm>> -> memref<80xi32, #tpu.memory_space<hbm>>
          tpu.enqueue_dma source(%dma_start3A_59 : memref<80xi32, #tpu.memory_space<hbm>>) target(%arg8 : memref<80xi32, #tpu.memory_space<vmem>>) target_semaphore(%run_scoped3A : memref<!tpu.dma_semaphore, #tpu.memory_space<semaphore_mem>>)
          %dma_wait3A_60 = tpu.memref_slice %arg4[%add3A_53] : memref<320000xi32, #tpu.memory_space<hbm>> -> memref<80xi32, #tpu.memory_space<hbm>>
          %dma_wait3A_61 = tpu.memref_slice %arg4[%add3A_53] : memref<320000xi32, #tpu.memory_space<hbm>> -> memref<80xi32, #tpu.memory_space<hbm>>
          tpu.wait_dma2 semaphore(%run_scoped3A : memref<!tpu.dma_semaphore, #tpu.memory_space<semaphore_mem>>) src(%dma_wait3A_61 : memref<80xi32, #tpu.memory_space<hbm>>) dst(%arg8 : memref<80xi32, #tpu.memory_space<vmem>>)
          tpu.yield
        }) : () -> ()
        "tpu.region"() ({
          %run_scoped3A = tpu.sem_alloc : memref<!tpu.dma_semaphore, #tpu.memory_space<semaphore_mem>>
          %dma_start3A_58 = tpu.memref_slice %arg5[%add3A_53] : memref<320000xi32, #tpu.memory_space<hbm>> -> memref<80xi32, #tpu.memory_space<hbm>>
          %dma_start3A_59 = tpu.memref_slice %arg5[%add3A_53] : memref<320000xi32, #tpu.memory_space<hbm>> -> memref<80xi32, #tpu.memory_space<hbm>>
          tpu.enqueue_dma source(%dma_start3A_59 : memref<80xi32, #tpu.memory_space<hbm>>) target(%arg9 : memref<80xi32, #tpu.memory_space<vmem>>) target_semaphore(%run_scoped3A : memref<!tpu.dma_semaphore, #tpu.memory_space<semaphore_mem>>)
          %dma_wait3A_60 = tpu.memref_slice %arg5[%add3A_53] : memref<320000xi32, #tpu.memory_space<hbm>> -> memref<80xi32, #tpu.memory_space<hbm>>
          %dma_wait3A_61 = tpu.memref_slice %arg5[%add3A_53] : memref<320000xi32, #tpu.memory_space<hbm>> -> memref<80xi32, #tpu.memory_space<hbm>>
          tpu.wait_dma2 semaphore(%run_scoped3A : memref<!tpu.dma_semaphore, #tpu.memory_space<semaphore_mem>>) src(%dma_wait3A_61 : memref<80xi32, #tpu.memory_space<hbm>>) dst(%arg9 : memref<80xi32, #tpu.memory_space<vmem>>)
          tpu.yield
        }) : () -> ()
        %dma_start3A = arith.constant 0 : i32
        %dma_start3A_54 = arith.constant 0 : i32
        %dma_start3A_55 = tpu.memref_slice %arg3[%dma_start3A, %dma_start3A_54] : memref<10240x128xf32, #tpu.memory_space<hbm>> -> memref<10240x128xf32, #tpu.memory_space<hbm>>
        tpu.enqueue_indirect_dma source(%dma_start3A_55 : memref<10240x128xf32, #tpu.memory_space<hbm>>) target(%arg10 : memref<80x128xf32, #tpu.memory_space<vmem>>) offsets(%arg8 : memref<80xi32, #tpu.memory_space<vmem>>) semaphore(%arg12 : memref<!tpu.dma_semaphore, #tpu.memory_space<semaphore_mem>>)
        %dma_wait3A = arith.constant 0 : i32
        %dma_wait3A_56 = arith.constant 0 : i32
        %dma_wait3A_57 = tpu.memref_slice %arg3[%dma_wait3A, %dma_wait3A_56] : memref<10240x128xf32, #tpu.memory_space<hbm>> -> memref<10240x128xf32, #tpu.memory_space<hbm>>
        tpu.wait_indirect_dma semaphore(%arg12 : memref<!tpu.dma_semaphore, #tpu.memory_space<semaphore_mem>>) src(%dma_wait3A_57 : memref<10240x128xf32, #tpu.memory_space<hbm>>) dst(%arg10 : memref<80x128xf32, #tpu.memory_space<vmem>>)
        "tpu.region"() ({
          %run_scoped3A = tpu.sem_alloc : memref<!tpu.dma_semaphore, #tpu.memory_space<semaphore_mem>>
          %dma_start3A_58 = arith.constant 0 : i32
          %dma_start3A_59 = arith.constant 0 : i32
          %dma_start3A_60 = tpu.memref_slice %arg11[%dma_start3A_58, %dma_start3A_59] : memref<10240x128xf32, #tpu.memory_space<vmem_shared>> -> memref<10240x128xf32, #tpu.memory_space<vmem_shared>>
          tpu.enqueue_indirect_dma source(%arg10 : memref<80x128xf32, #tpu.memory_space<vmem>>) target(%dma_start3A_60 : memref<10240x128xf32, #tpu.memory_space<vmem_shared>>) offsets(%arg9 : memref<80xi32, #tpu.memory_space<vmem>>) semaphore(%run_scoped3A : memref<!tpu.dma_semaphore, #tpu.memory_space<semaphore_mem>>) {add = true}
          %dma_wait3A_61 = arith.constant 0 : i32
          %dma_wait3A_62 = arith.constant 0 : i32
          %dma_wait3A_63 = tpu.memref_slice %arg11[%dma_wait3A_61, %dma_wait3A_62] : memref<10240x128xf32, #tpu.memory_space<vmem_shared>> -> memref<10240x128xf32, #tpu.memory_space<vmem_shared>>
          tpu.wait_indirect_dma semaphore(%run_scoped3A : memref<!tpu.dma_semaphore, #tpu.memory_space<semaphore_mem>>) src(%arg10 : memref<80x128xf32, #tpu.memory_space<vmem>>) dst(%dma_wait3A_63 : memref<10240x128xf32, #tpu.memory_space<vmem_shared>>)
          tpu.yield
        }) : () -> ()
      }
      %scan3A_49 = arith.constant 125 : i32
    } else {
    }
    %barrier3A_33 = arith.constant 0 : index
    tpu.barrier barrier_id(%barrier3A_33)
    %eq3A_34 = arith.constant 0 : i32
    %eq3A_35 = arith.cmpi eq, %arg0, %eq3A_34 : i32
    %convert_element_type3A_36 = arith.extui %eq3A_35 : i1 to i32
    %cond3A_37 = arith.constant 0 : i32
    %cond3A_38 = arith.cmpi ne, %convert_element_type3A_36, %cond3A_37 : i32
    scf.if %cond3A_38 {
      "tpu.region"() ({
        %run_scoped3A = tpu.sem_alloc : memref<!tpu.dma_semaphore, #tpu.memory_space<semaphore_mem>>
        %dma_start3A = arith.constant 0 : i32
        %dma_start3A_44 = tpu.memref_slice %arg6[%mul3A_5, %dma_start3A] : memref<10240x128xf32, #tpu.memory_space<hbm>> -> memref<640x128xf32, #tpu.memory_space<hbm>>
        %dma_start3A_45 = arith.constant 0 : i32
        %dma_start3A_46 = tpu.memref_slice %arg11[%mul3A_5, %dma_start3A_45] : memref<10240x128xf32, #tpu.memory_space<vmem_shared>> -> memref<640x128xf32, #tpu.memory_space<vmem_shared>>
        tpu.enqueue_dma source(%dma_start3A_46 : memref<640x128xf32, #tpu.memory_space<vmem_shared>>) target(%dma_start3A_44 : memref<640x128xf32, #tpu.memory_space<hbm>>) target_semaphore(%run_scoped3A : memref<!tpu.dma_semaphore, #tpu.memory_space<semaphore_mem>>)
        %dma_wait3A = arith.constant 0 : i32
        %dma_wait3A_47 = tpu.memref_slice %arg6[%mul3A_5, %dma_wait3A] : memref<10240x128xf32, #tpu.memory_space<hbm>> -> memref<640x128xf32, #tpu.memory_space<hbm>>
        %dma_wait3A_48 = arith.constant 0 : i32
        %dma_wait3A_49 = tpu.memref_slice %arg11[%mul3A_5, %dma_wait3A_48] : memref<10240x128xf32, #tpu.memory_space<vmem_shared>> -> memref<640x128xf32, #tpu.memory_space<vmem_shared>>
        tpu.wait_dma2 semaphore(%run_scoped3A : memref<!tpu.dma_semaphore, #tpu.memory_space<semaphore_mem>>) src(%dma_wait3A_49 : memref<640x128xf32, #tpu.memory_space<vmem_shared>>) dst(%dma_wait3A_47 : memref<640x128xf32, #tpu.memory_space<hbm>>)
        tpu.yield
      }) : () -> ()
    } else {
    }
    %eq3A_39 = arith.constant 1 : i32
    %eq3A_40 = arith.cmpi eq, %arg0, %eq3A_39 : i32
    %convert_element_type3A_41 = arith.extui %eq3A_40 : i1 to i32
    %cond3A_42 = arith.constant 0 : i32
    %cond3A_43 = arith.cmpi ne, %convert_element_type3A_41, %cond3A_42 : i32
    scf.if %cond3A_43 {
      "tpu.region"() ({
        %run_scoped3A = tpu.sem_alloc : memref<!tpu.dma_semaphore, #tpu.memory_space<semaphore_mem>>
        %dma_start3A = arith.constant 0 : i32
        %dma_start3A_44 = tpu.memref_slice %arg7[%mul3A_5, %dma_start3A] : memref<10240x128xf32, #tpu.memory_space<hbm>> -> memref<640x128xf32, #tpu.memory_space<hbm>>
        %dma_start3A_45 = arith.constant 0 : i32
        %dma_start3A_46 = tpu.memref_slice %arg11[%mul3A_5, %dma_start3A_45] : memref<10240x128xf32, #tpu.memory_space<vmem_shared>> -> memref<640x128xf32, #tpu.memory_space<vmem_shared>>
        tpu.enqueue_dma source(%dma_start3A_46 : memref<640x128xf32, #tpu.memory_space<vmem_shared>>) target(%dma_start3A_44 : memref<640x128xf32, #tpu.memory_space<hbm>>) target_semaphore(%run_scoped3A : memref<!tpu.dma_semaphore, #tpu.memory_space<semaphore_mem>>)
        %dma_wait3A = arith.constant 0 : i32
        %dma_wait3A_47 = tpu.memref_slice %arg7[%mul3A_5, %dma_wait3A] : memref<10240x128xf32, #tpu.memory_space<hbm>> -> memref<640x128xf32, #tpu.memory_space<hbm>>
        %dma_wait3A_48 = arith.constant 0 : i32
        %dma_wait3A_49 = tpu.memref_slice %arg11[%mul3A_5, %dma_wait3A_48] : memref<10240x128xf32, #tpu.memory_space<vmem_shared>> -> memref<640x128xf32, #tpu.memory_space<vmem_shared>>
        tpu.wait_dma2 semaphore(%run_scoped3A : memref<!tpu.dma_semaphore, #tpu.memory_space<semaphore_mem>>) src(%dma_wait3A_49 : memref<640x128xf32, #tpu.memory_space<vmem_shared>>) dst(%dma_wait3A_47 : memref<640x128xf32, #tpu.memory_space<hbm>>)
        tpu.yield
      }) : () -> ()
    } else {
    }
    return
  }
}

#map = affine_map<(d0, d1) -> (0, 0)>
#map1 = affine_map<(d0, d1) -> (0)>
module attributes {stable_mosaic.version = 14 : i64} {
  func.func @prop(%arg0: i32, %arg1: i32, %arg2: memref<10240x128xf32, #tpu.memory_space<hbm>>, %arg3: memref<10240x128xf32, #tpu.memory_space<hbm>>, %arg4: memref<320000xi32, #tpu.memory_space<hbm>>, %arg5: memref<320000xi32, #tpu.memory_space<hbm>>, %arg6: memref<10240x128xf32, #tpu.memory_space<hbm>>, %arg7: memref<10240x128xf32, #tpu.memory_space<hbm>>, %arg8: memref<80xi32, #tpu.memory_space<vmem>>, %arg9: memref<80xi32, #tpu.memory_space<vmem>>, %arg10: memref<80x128xf32, #tpu.memory_space<vmem>>, %arg11: memref<10240x128xf32, #tpu.memory_space<vmem_shared>>, %arg12: memref<!tpu.dma_semaphore, #tpu.memory_space<semaphore_mem>>) attributes {dimension_semantics = [#tpu.dimension_semantics<core_parallel>, #tpu.dimension_semantics<subcore_parallel>], iteration_bounds = array<i64: 2, 16>, scalar_prefetch = 0 : i64, scratch_operands = 5 : i64, tpu.core_type = #tpu.core_type<sc_vector_subcore>, window_params = [{transform_indices = #map}, {transform_indices = #map}, {transform_indices = #map1}, {transform_indices = #map1}, {transform_indices = #map}, {transform_indices = #map}]} {
    %scan3A = arith.constant 0 : i32
    %scan3A_0 = arith.constant 0 : i32
    %scan3A_1 = arith.constant 80 : i32
    %scan3A_2 = arith.addi %scan3A_0, %scan3A_1 : i32
    %scan3A_3 = arith.constant 1 : i32
    scf.for %scan3A_44 = %scan3A_0 to %scan3A_2 step %scan3A_3  : i32 {
      %broadcast_in_dim3A = arith.constant 0.000000e+00 : f32
      %broadcast_in_dim3A_45 = vector.broadcast %broadcast_in_dim3A : f32 to vector<16xf32>
      %swap3A = arith.index_cast %scan3A_44 : i32 to index
      %swap3A_46 = arith.constant 0 : index
      %swap3A_47 = tpu.vector_load %arg10[%swap3A, %swap3A_46] {strides = array<i32>} : memref<80x128xf32, #tpu.memory_space<vmem>>, vector<1x16xf32>,
      %swap3A_48 = vector.shape_cast %swap3A_47 : vector<1x16xf32> to vector<16xf32>
      %swap3A_49 = vector.shape_cast %broadcast_in_dim3A_45 : vector<16xf32> to vector<1x16xf32>
      tpu.vector_store %arg10[%swap3A, %swap3A_46], %swap3A_49 {strides = array<i32>} : memref<80x128xf32, #tpu.memory_space<vmem>>, vector<1x16xf32>,
      %broadcast_in_dim3A_50 = arith.constant 0.000000e+00 : f32
      %broadcast_in_dim3A_51 = vector.broadcast %broadcast_in_dim3A_50 : f32 to vector<16xf32>
      %swap3A_52 = arith.index_cast %scan3A_44 : i32 to index
      %swap3A_53 = arith.constant 16 : index
      %swap3A_54 = tpu.vector_load %arg10[%swap3A_52, %swap3A_53] {strides = array<i32>} : memref<80x128xf32, #tpu.memory_space<vmem>>, vector<1x16xf32>,
      %swap3A_55 = vector.shape_cast %swap3A_54 : vector<1x16xf32> to vector<16xf32>
      %swap3A_56 = vector.shape_cast %broadcast_in_dim3A_51 : vector<16xf32> to vector<1x16xf32>
      tpu.vector_store %arg10[%swap3A_52, %swap3A_53], %swap3A_56 {strides = array<i32>} : memref<80x128xf32, #tpu.memory_space<vmem>>, vector<1x16xf32>,
      %broadcast_in_dim3A_57 = arith.constant 0.000000e+00 : f32
      %broadcast_in_dim3A_58 = vector.broadcast %broadcast_in_dim3A_57 : f32 to vector<16xf32>
      %swap3A_59 = arith.index_cast %scan3A_44 : i32 to index
      %swap3A_60 = arith.constant 32 : index
      %swap3A_61 = tpu.vector_load %arg10[%swap3A_59, %swap3A_60] {strides = array<i32>} : memref<80x128xf32, #tpu.memory_space<vmem>>, vector<1x16xf32>,
      %swap3A_62 = vector.shape_cast %swap3A_61 : vector<1x16xf32> to vector<16xf32>
      %swap3A_63 = vector.shape_cast %broadcast_in_dim3A_58 : vector<16xf32> to vector<1x16xf32>
      tpu.vector_store %arg10[%swap3A_59, %swap3A_60], %swap3A_63 {strides = array<i32>} : memref<80x128xf32, #tpu.memory_space<vmem>>, vector<1x16xf32>,
      %broadcast_in_dim3A_64 = arith.constant 0.000000e+00 : f32
      %broadcast_in_dim3A_65 = vector.broadcast %broadcast_in_dim3A_64 : f32 to vector<16xf32>
      %swap3A_66 = arith.index_cast %scan3A_44 : i32 to index
      %swap3A_67 = arith.constant 48 : index
      %swap3A_68 = tpu.vector_load %arg10[%swap3A_66, %swap3A_67] {strides = array<i32>} : memref<80x128xf32, #tpu.memory_space<vmem>>, vector<1x16xf32>,
      %swap3A_69 = vector.shape_cast %swap3A_68 : vector<1x16xf32> to vector<16xf32>
      %swap3A_70 = vector.shape_cast %broadcast_in_dim3A_65 : vector<16xf32> to vector<1x16xf32>
      tpu.vector_store %arg10[%swap3A_66, %swap3A_67], %swap3A_70 {strides = array<i32>} : memref<80x128xf32, #tpu.memory_space<vmem>>, vector<1x16xf32>,
      %broadcast_in_dim3A_71 = arith.constant 0.000000e+00 : f32
      %broadcast_in_dim3A_72 = vector.broadcast %broadcast_in_dim3A_71 : f32 to vector<16xf32>
      %swap3A_73 = arith.index_cast %scan3A_44 : i32 to index
      %swap3A_74 = arith.constant 64 : index
      %swap3A_75 = tpu.vector_load %arg10[%swap3A_73, %swap3A_74] {strides = array<i32>} : memref<80x128xf32, #tpu.memory_space<vmem>>, vector<1x16xf32>,
      %swap3A_76 = vector.shape_cast %swap3A_75 : vector<1x16xf32> to vector<16xf32>
      %swap3A_77 = vector.shape_cast %broadcast_in_dim3A_72 : vector<16xf32> to vector<1x16xf32>
      tpu.vector_store %arg10[%swap3A_73, %swap3A_74], %swap3A_77 {strides = array<i32>} : memref<80x128xf32, #tpu.memory_space<vmem>>, vector<1x16xf32>,
      %broadcast_in_dim3A_78 = arith.constant 0.000000e+00 : f32
      %broadcast_in_dim3A_79 = vector.broadcast %broadcast_in_dim3A_78 : f32 to vector<16xf32>
      %swap3A_80 = arith.index_cast %scan3A_44 : i32 to index
      %swap3A_81 = arith.constant 80 : index
      %swap3A_82 = tpu.vector_load %arg10[%swap3A_80, %swap3A_81] {strides = array<i32>} : memref<80x128xf32, #tpu.memory_space<vmem>>, vector<1x16xf32>,
      %swap3A_83 = vector.shape_cast %swap3A_82 : vector<1x16xf32> to vector<16xf32>
      %swap3A_84 = vector.shape_cast %broadcast_in_dim3A_79 : vector<16xf32> to vector<1x16xf32>
      tpu.vector_store %arg10[%swap3A_80, %swap3A_81], %swap3A_84 {strides = array<i32>} : memref<80x128xf32, #tpu.memory_space<vmem>>, vector<1x16xf32>,
      %broadcast_in_dim3A_85 = arith.constant 0.000000e+00 : f32
      %broadcast_in_dim3A_86 = vector.broadcast %broadcast_in_dim3A_85 : f32 to vector<16xf32>
      %swap3A_87 = arith.index_cast %scan3A_44 : i32 to index
      %swap3A_88 = arith.constant 96 : index
      %swap3A_89 = tpu.vector_load %arg10[%swap3A_87, %swap3A_88] {strides = array<i32>} : memref<80x128xf32, #tpu.memory_space<vmem>>, vector<1x16xf32>,
      %swap3A_90 = vector.shape_cast %swap3A_89 : vector<1x16xf32> to vector<16xf32>
      %swap3A_91 = vector.shape_cast %broadcast_in_dim3A_86 : vector<16xf32> to vector<1x16xf32>
      tpu.vector_store %arg10[%swap3A_87, %swap3A_88], %swap3A_91 {strides = array<i32>} : memref<80x128xf32, #tpu.memory_space<vmem>>, vector<1x16xf32>,
      %broadcast_in_dim3A_92 = arith.constant 0.000000e+00 : f32
      %broadcast_in_dim3A_93 = vector.broadcast %broadcast_in_dim3A_92 : f32 to vector<16xf32>
      %swap3A_94 = arith.index_cast %scan3A_44 : i32 to index
      %swap3A_95 = arith.constant 112 : index
      %swap3A_96 = tpu.vector_load %arg10[%swap3A_94, %swap3A_95] {strides = array<i32>} : memref<80x128xf32, #tpu.memory_space<vmem>>, vector<1x16xf32>,
      %swap3A_97 = vector.shape_cast %swap3A_96 : vector<1x16xf32> to vector<16xf32>
      %swap3A_98 = vector.shape_cast %broadcast_in_dim3A_93 : vector<16xf32> to vector<1x16xf32>
      tpu.vector_store %arg10[%swap3A_94, %swap3A_95], %swap3A_98 {strides = array<i32>} : memref<80x128xf32, #tpu.memory_space<vmem>>, vector<1x16xf32>,
    }
    %scan3A_4 = arith.constant 80 : i32
    %mul3A = arith.constant 640 : i32
    %mul3A_5 = arith.muli %arg1, %mul3A : i32
    %add3A = arith.constant 0 : i32
    %add3A_6 = arith.addi %mul3A_5, %add3A : i32
    "tpu.region"() ({
      %run_scoped3A = tpu.sem_alloc : memref<!tpu.dma_semaphore, #tpu.memory_space<semaphore_mem>>
      %dma_start3A = arith.constant 0 : i32
      %dma_start3A_44 = tpu.memref_slice %arg11[%add3A_6, %dma_start3A] : memref<10240x128xf32, #tpu.memory_space<vmem_shared>> -> memref<80x128xf32, #tpu.memory_space<vmem_shared>>
      %dma_start3A_45 = arith.constant 0 : i32
      %dma_start3A_46 = tpu.memref_slice %arg11[%add3A_6, %dma_start3A_45] : memref<10240x128xf32, #tpu.memory_space<vmem_shared>> -> memref<80x128xf32, #tpu.memory_space<vmem_shared>>
      tpu.enqueue_dma source(%arg10 : memref<80x128xf32, #tpu.memory_space<vmem>>) target(%dma_start3A_46 : memref<80x128xf32, #tpu.memory_space<vmem_shared>>) target_semaphore(%run_scoped3A : memref<!tpu.dma_semaphore, #tpu.memory_space<semaphore_mem>>)
      %dma_wait3A = arith.constant 0 : i32
      %dma_wait3A_47 = tpu.memref_slice %arg11[%add3A_6, %dma_wait3A] : memref<10240x128xf32, #tpu.memory_space<vmem_shared>> -> memref<80x128xf32, #tpu.memory_space<vmem_shared>>
      %dma_wait3A_48 = arith.constant 0 : i32
      %dma_wait3A_49 = tpu.memref_slice %arg11[%add3A_6, %dma_wait3A_48] : memref<10240x128xf32, #tpu.memory_space<vmem_shared>> -> memref<80x128xf32, #tpu.memory_space<vmem_shared>>
      tpu.wait_dma2 semaphore(%run_scoped3A : memref<!tpu.dma_semaphore, #tpu.memory_space<semaphore_mem>>) src(%arg10 : memref<80x128xf32, #tpu.memory_space<vmem>>) dst(%dma_wait3A_49 : memref<80x128xf32, #tpu.memory_space<vmem_shared>>)
      tpu.yield
    }) : () -> ()
    %add3A_7 = arith.constant 80 : i32
    %add3A_8 = arith.addi %mul3A_5, %add3A_7 : i32
    "tpu.region"() ({
      %run_scoped3A = tpu.sem_alloc : memref<!tpu.dma_semaphore, #tpu.memory_space<semaphore_mem>>
      %dma_start3A = arith.constant 0 : i32
      %dma_start3A_44 = tpu.memref_slice %arg11[%add3A_8, %dma_start3A] : memref<10240x128xf32, #tpu.memory_space<vmem_shared>> -> memref<80x128xf32, #tpu.memory_space<vmem_shared>>
      %dma_start3A_45 = arith.constant 0 : i32
      %dma_start3A_46 = tpu.memref_slice %arg11[%add3A_8, %dma_start3A_45] : memref<10240x128xf32, #tpu.memory_space<vmem_shared>> -> memref<80x128xf32, #tpu.memory_space<vmem_shared>>
      tpu.enqueue_dma source(%arg10 : memref<80x128xf32, #tpu.memory_space<vmem>>) target(%dma_start3A_46 : memref<80x128xf32, #tpu.memory_space<vmem_shared>>) target_semaphore(%run_scoped3A : memref<!tpu.dma_semaphore, #tpu.memory_space<semaphore_mem>>)
      %dma_wait3A = arith.constant 0 : i32
      %dma_wait3A_47 = tpu.memref_slice %arg11[%add3A_8, %dma_wait3A] : memref<10240x128xf32, #tpu.memory_space<vmem_shared>> -> memref<80x128xf32, #tpu.memory_space<vmem_shared>>
      %dma_wait3A_48 = arith.constant 0 : i32
      %dma_wait3A_49 = tpu.memref_slice %arg11[%add3A_8, %dma_wait3A_48] : memref<10240x128xf32, #tpu.memory_space<vmem_shared>> -> memref<80x128xf32, #tpu.memory_space<vmem_shared>>
      tpu.wait_dma2 semaphore(%run_scoped3A : memref<!tpu.dma_semaphore, #tpu.memory_space<semaphore_mem>>) src(%arg10 : memref<80x128xf32, #tpu.memory_space<vmem>>) dst(%dma_wait3A_49 : memref<80x128xf32, #tpu.memory_space<vmem_shared>>)
      tpu.yield
    }) : () -> ()
    %add3A_9 = arith.constant 160 : i32
    %add3A_10 = arith.addi %mul3A_5, %add3A_9 : i32
    "tpu.region"() ({
      %run_scoped3A = tpu.sem_alloc : memref<!tpu.dma_semaphore, #tpu.memory_space<semaphore_mem>>
      %dma_start3A = arith.constant 0 : i32
      %dma_start3A_44 = tpu.memref_slice %arg11[%add3A_10, %dma_start3A] : memref<10240x128xf32, #tpu.memory_space<vmem_shared>> -> memref<80x128xf32, #tpu.memory_space<vmem_shared>>
      %dma_start3A_45 = arith.constant 0 : i32
      %dma_start3A_46 = tpu.memref_slice %arg11[%add3A_10, %dma_start3A_45] : memref<10240x128xf32, #tpu.memory_space<vmem_shared>> -> memref<80x128xf32, #tpu.memory_space<vmem_shared>>
      tpu.enqueue_dma source(%arg10 : memref<80x128xf32, #tpu.memory_space<vmem>>) target(%dma_start3A_46 : memref<80x128xf32, #tpu.memory_space<vmem_shared>>) target_semaphore(%run_scoped3A : memref<!tpu.dma_semaphore, #tpu.memory_space<semaphore_mem>>)
      %dma_wait3A = arith.constant 0 : i32
      %dma_wait3A_47 = tpu.memref_slice %arg11[%add3A_10, %dma_wait3A] : memref<10240x128xf32, #tpu.memory_space<vmem_shared>> -> memref<80x128xf32, #tpu.memory_space<vmem_shared>>
      %dma_wait3A_48 = arith.constant 0 : i32
      %dma_wait3A_49 = tpu.memref_slice %arg11[%add3A_10, %dma_wait3A_48] : memref<10240x128xf32, #tpu.memory_space<vmem_shared>> -> memref<80x128xf32, #tpu.memory_space<vmem_shared>>
      tpu.wait_dma2 semaphore(%run_scoped3A : memref<!tpu.dma_semaphore, #tpu.memory_space<semaphore_mem>>) src(%arg10 : memref<80x128xf32, #tpu.memory_space<vmem>>) dst(%dma_wait3A_49 : memref<80x128xf32, #tpu.memory_space<vmem_shared>>)
      tpu.yield
    }) : () -> ()
    %add3A_11 = arith.constant 240 : i32
    %add3A_12 = arith.addi %mul3A_5, %add3A_11 : i32
    "tpu.region"() ({
      %run_scoped3A = tpu.sem_alloc : memref<!tpu.dma_semaphore, #tpu.memory_space<semaphore_mem>>
      %dma_start3A = arith.constant 0 : i32
      %dma_start3A_44 = tpu.memref_slice %arg11[%add3A_12, %dma_start3A] : memref<10240x128xf32, #tpu.memory_space<vmem_shared>> -> memref<80x128xf32, #tpu.memory_space<vmem_shared>>
      %dma_start3A_45 = arith.constant 0 : i32
      %dma_start3A_46 = tpu.memref_slice %arg11[%add3A_12, %dma_start3A_45] : memref<10240x128xf32, #tpu.memory_space<vmem_shared>> -> memref<80x128xf32, #tpu.memory_space<vmem_shared>>
      tpu.enqueue_dma source(%arg10 : memref<80x128xf32, #tpu.memory_space<vmem>>) target(%dma_start3A_46 : memref<80x128xf32, #tpu.memory_space<vmem_shared>>) target_semaphore(%run_scoped3A : memref<!tpu.dma_semaphore, #tpu.memory_space<semaphore_mem>>)
      %dma_wait3A = arith.constant 0 : i32
      %dma_wait3A_47 = tpu.memref_slice %arg11[%add3A_12, %dma_wait3A] : memref<10240x128xf32, #tpu.memory_space<vmem_shared>> -> memref<80x128xf32, #tpu.memory_space<vmem_shared>>
      %dma_wait3A_48 = arith.constant 0 : i32
      %dma_wait3A_49 = tpu.memref_slice %arg11[%add3A_12, %dma_wait3A_48] : memref<10240x128xf32, #tpu.memory_space<vmem_shared>> -> memref<80x128xf32, #tpu.memory_space<vmem_shared>>
      tpu.wait_dma2 semaphore(%run_scoped3A : memref<!tpu.dma_semaphore, #tpu.memory_space<semaphore_mem>>) src(%arg10 : memref<80x128xf32, #tpu.memory_space<vmem>>) dst(%dma_wait3A_49 : memref<80x128xf32, #tpu.memory_space<vmem_shared>>)
      tpu.yield
    }) : () -> ()
    %add3A_13 = arith.constant 320 : i32
    %add3A_14 = arith.addi %mul3A_5, %add3A_13 : i32
    "tpu.region"() ({
      %run_scoped3A = tpu.sem_alloc : memref<!tpu.dma_semaphore, #tpu.memory_space<semaphore_mem>>
      %dma_start3A = arith.constant 0 : i32
      %dma_start3A_44 = tpu.memref_slice %arg11[%add3A_14, %dma_start3A] : memref<10240x128xf32, #tpu.memory_space<vmem_shared>> -> memref<80x128xf32, #tpu.memory_space<vmem_shared>>
      %dma_start3A_45 = arith.constant 0 : i32
      %dma_start3A_46 = tpu.memref_slice %arg11[%add3A_14, %dma_start3A_45] : memref<10240x128xf32, #tpu.memory_space<vmem_shared>> -> memref<80x128xf32, #tpu.memory_space<vmem_shared>>
      tpu.enqueue_dma source(%arg10 : memref<80x128xf32, #tpu.memory_space<vmem>>) target(%dma_start3A_46 : memref<80x128xf32, #tpu.memory_space<vmem_shared>>) target_semaphore(%run_scoped3A : memref<!tpu.dma_semaphore, #tpu.memory_space<semaphore_mem>>)
      %dma_wait3A = arith.constant 0 : i32
      %dma_wait3A_47 = tpu.memref_slice %arg11[%add3A_14, %dma_wait3A] : memref<10240x128xf32, #tpu.memory_space<vmem_shared>> -> memref<80x128xf32, #tpu.memory_space<vmem_shared>>
      %dma_wait3A_48 = arith.constant 0 : i32
      %dma_wait3A_49 = tpu.memref_slice %arg11[%add3A_14, %dma_wait3A_48] : memref<10240x128xf32, #tpu.memory_space<vmem_shared>> -> memref<80x128xf32, #tpu.memory_space<vmem_shared>>
      tpu.wait_dma2 semaphore(%run_scoped3A : memref<!tpu.dma_semaphore, #tpu.memory_space<semaphore_mem>>) src(%arg10 : memref<80x128xf32, #tpu.memory_space<vmem>>) dst(%dma_wait3A_49 : memref<80x128xf32, #tpu.memory_space<vmem_shared>>)
      tpu.yield
    }) : () -> ()
    %add3A_15 = arith.constant 400 : i32
    %add3A_16 = arith.addi %mul3A_5, %add3A_15 : i32
    "tpu.region"() ({
      %run_scoped3A = tpu.sem_alloc : memref<!tpu.dma_semaphore, #tpu.memory_space<semaphore_mem>>
      %dma_start3A = arith.constant 0 : i32
      %dma_start3A_44 = tpu.memref_slice %arg11[%add3A_16, %dma_start3A] : memref<10240x128xf32, #tpu.memory_space<vmem_shared>> -> memref<80x128xf32, #tpu.memory_space<vmem_shared>>
      %dma_start3A_45 = arith.constant 0 : i32
      %dma_start3A_46 = tpu.memref_slice %arg11[%add3A_16, %dma_start3A_45] : memref<10240x128xf32, #tpu.memory_space<vmem_shared>> -> memref<80x128xf32, #tpu.memory_space<vmem_shared>>
      tpu.enqueue_dma source(%arg10 : memref<80x128xf32, #tpu.memory_space<vmem>>) target(%dma_start3A_46 : memref<80x128xf32, #tpu.memory_space<vmem_shared>>) target_semaphore(%run_scoped3A : memref<!tpu.dma_semaphore, #tpu.memory_space<semaphore_mem>>)
      %dma_wait3A = arith.constant 0 : i32
      %dma_wait3A_47 = tpu.memref_slice %arg11[%add3A_16, %dma_wait3A] : memref<10240x128xf32, #tpu.memory_space<vmem_shared>> -> memref<80x128xf32, #tpu.memory_space<vmem_shared>>
      %dma_wait3A_48 = arith.constant 0 : i32
      %dma_wait3A_49 = tpu.memref_slice %arg11[%add3A_16, %dma_wait3A_48] : memref<10240x128xf32, #tpu.memory_space<vmem_shared>> -> memref<80x128xf32, #tpu.memory_space<vmem_shared>>
      tpu.wait_dma2 semaphore(%run_scoped3A : memref<!tpu.dma_semaphore, #tpu.memory_space<semaphore_mem>>) src(%arg10 : memref<80x128xf32, #tpu.memory_space<vmem>>) dst(%dma_wait3A_49 : memref<80x128xf32, #tpu.memory_space<vmem_shared>>)
      tpu.yield
    }) : () -> ()
    %add3A_17 = arith.constant 480 : i32
    %add3A_18 = arith.addi %mul3A_5, %add3A_17 : i32
    "tpu.region"() ({
      %run_scoped3A = tpu.sem_alloc : memref<!tpu.dma_semaphore, #tpu.memory_space<semaphore_mem>>
      %dma_start3A = arith.constant 0 : i32
      %dma_start3A_44 = tpu.memref_slice %arg11[%add3A_18, %dma_start3A] : memref<10240x128xf32, #tpu.memory_space<vmem_shared>> -> memref<80x128xf32, #tpu.memory_space<vmem_shared>>
      %dma_start3A_45 = arith.constant 0 : i32
      %dma_start3A_46 = tpu.memref_slice %arg11[%add3A_18, %dma_start3A_45] : memref<10240x128xf32, #tpu.memory_space<vmem_shared>> -> memref<80x128xf32, #tpu.memory_space<vmem_shared>>
      tpu.enqueue_dma source(%arg10 : memref<80x128xf32, #tpu.memory_space<vmem>>) target(%dma_start3A_46 : memref<80x128xf32, #tpu.memory_space<vmem_shared>>) target_semaphore(%run_scoped3A : memref<!tpu.dma_semaphore, #tpu.memory_space<semaphore_mem>>)
      %dma_wait3A = arith.constant 0 : i32
      %dma_wait3A_47 = tpu.memref_slice %arg11[%add3A_18, %dma_wait3A] : memref<10240x128xf32, #tpu.memory_space<vmem_shared>> -> memref<80x128xf32, #tpu.memory_space<vmem_shared>>
      %dma_wait3A_48 = arith.constant 0 : i32
      %dma_wait3A_49 = tpu.memref_slice %arg11[%add3A_18, %dma_wait3A_48] : memref<10240x128xf32, #tpu.memory_space<vmem_shared>> -> memref<80x128xf32, #tpu.memory_space<vmem_shared>>
      tpu.wait_dma2 semaphore(%run_scoped3A : memref<!tpu.dma_semaphore, #tpu.memory_space<semaphore_mem>>) src(%arg10 : memref<80x128xf32, #tpu.memory_space<vmem>>) dst(%dma_wait3A_49 : memref<80x128xf32, #tpu.memory_space<vmem_shared>>)
      tpu.yield
    }) : () -> ()
    %add3A_19 = arith.constant 560 : i32
    %add3A_20 = arith.addi %mul3A_5, %add3A_19 : i32
    "tpu.region"() ({
      %run_scoped3A = tpu.sem_alloc : memref<!tpu.dma_semaphore, #tpu.memory_space<semaphore_mem>>
      %dma_start3A = arith.constant 0 : i32
      %dma_start3A_44 = tpu.memref_slice %arg11[%add3A_20, %dma_start3A] : memref<10240x128xf32, #tpu.memory_space<vmem_shared>> -> memref<80x128xf32, #tpu.memory_space<vmem_shared>>
      %dma_start3A_45 = arith.constant 0 : i32
      %dma_start3A_46 = tpu.memref_slice %arg11[%add3A_20, %dma_start3A_45] : memref<10240x128xf32, #tpu.memory_space<vmem_shared>> -> memref<80x128xf32, #tpu.memory_space<vmem_shared>>
      tpu.enqueue_dma source(%arg10 : memref<80x128xf32, #tpu.memory_space<vmem>>) target(%dma_start3A_46 : memref<80x128xf32, #tpu.memory_space<vmem_shared>>) target_semaphore(%run_scoped3A : memref<!tpu.dma_semaphore, #tpu.memory_space<semaphore_mem>>)
      %dma_wait3A = arith.constant 0 : i32
      %dma_wait3A_47 = tpu.memref_slice %arg11[%add3A_20, %dma_wait3A] : memref<10240x128xf32, #tpu.memory_space<vmem_shared>> -> memref<80x128xf32, #tpu.memory_space<vmem_shared>>
      %dma_wait3A_48 = arith.constant 0 : i32
      %dma_wait3A_49 = tpu.memref_slice %arg11[%add3A_20, %dma_wait3A_48] : memref<10240x128xf32, #tpu.memory_space<vmem_shared>> -> memref<80x128xf32, #tpu.memory_space<vmem_shared>>
      tpu.wait_dma2 semaphore(%run_scoped3A : memref<!tpu.dma_semaphore, #tpu.memory_space<semaphore_mem>>) src(%arg10 : memref<80x128xf32, #tpu.memory_space<vmem>>) dst(%dma_wait3A_49 : memref<80x128xf32, #tpu.memory_space<vmem_shared>>)
      tpu.yield
    }) : () -> ()
    %barrier3A = arith.constant 0 : index
    tpu.barrier barrier_id(%barrier3A)
    %mul3A_21 = arith.constant 16 : i32
    %mul3A_22 = arith.muli %arg0, %mul3A_21 : i32
    %add3A_23 = arith.addi %mul3A_22, %arg1 : i32
    %mul3A_24 = arith.constant 10000 : i32
    %mul3A_25 = arith.muli %add3A_23, %mul3A_24 : i32
    %eq3A = arith.constant 0 : i32
    %eq3A_26 = arith.cmpi eq, %arg0, %eq3A : i32
    %convert_element_type3A = arith.extui %eq3A_26 : i1 to i32
    %cond3A = arith.constant 0 : i32
    %cond3A_27 = arith.cmpi ne, %convert_element_type3A, %cond3A : i32
    scf.if %cond3A_27 {
      %scan3A_44 = arith.constant 0 : i32
      %scan3A_45 = arith.constant 0 : i32
      %scan3A_46 = arith.constant 125 : i32
      %scan3A_47 = arith.addi %scan3A_45, %scan3A_46 : i32
      %scan3A_48 = arith.constant 1 : i32
      scf.for %scan3A_50 = %scan3A_45 to %scan3A_47 step %scan3A_48  : i32 {
        %mul3A_51 = arith.constant 80 : i32
        %mul3A_52 = arith.muli %scan3A_50, %mul3A_51 : i32
        %add3A_53 = arith.addi %mul3A_25, %mul3A_52 : i32
        "tpu.region"() ({
          %run_scoped3A = tpu.sem_alloc : memref<!tpu.dma_semaphore, #tpu.memory_space<semaphore_mem>>
          %dma_start3A_58 = tpu.memref_slice %arg4[%add3A_53] : memref<320000xi32, #tpu.memory_space<hbm>> -> memref<80xi32, #tpu.memory_space<hbm>>
          %dma_start3A_59 = tpu.memref_slice %arg4[%add3A_53] : memref<320000xi32, #tpu.memory_space<hbm>> -> memref<80xi32, #tpu.memory_space<hbm>>
          tpu.enqueue_dma source(%dma_start3A_59 : memref<80xi32, #tpu.memory_space<hbm>>) target(%arg8 : memref<80xi32, #tpu.memory_space<vmem>>) target_semaphore(%run_scoped3A : memref<!tpu.dma_semaphore, #tpu.memory_space<semaphore_mem>>)
          %dma_wait3A_60 = tpu.memref_slice %arg4[%add3A_53] : memref<320000xi32, #tpu.memory_space<hbm>> -> memref<80xi32, #tpu.memory_space<hbm>>
          %dma_wait3A_61 = tpu.memref_slice %arg4[%add3A_53] : memref<320000xi32, #tpu.memory_space<hbm>> -> memref<80xi32, #tpu.memory_space<hbm>>
          tpu.wait_dma2 semaphore(%run_scoped3A : memref<!tpu.dma_semaphore, #tpu.memory_space<semaphore_mem>>) src(%dma_wait3A_61 : memref<80xi32, #tpu.memory_space<hbm>>) dst(%arg8 : memref<80xi32, #tpu.memory_space<vmem>>)
          tpu.yield
        }) : () -> ()
        "tpu.region"() ({
          %run_scoped3A = tpu.sem_alloc : memref<!tpu.dma_semaphore, #tpu.memory_space<semaphore_mem>>
          %dma_start3A_58 = tpu.memref_slice %arg5[%add3A_53] : memref<320000xi32, #tpu.memory_space<hbm>> -> memref<80xi32, #tpu.memory_space<hbm>>
          %dma_start3A_59 = tpu.memref_slice %arg5[%add3A_53] : memref<320000xi32, #tpu.memory_space<hbm>> -> memref<80xi32, #tpu.memory_space<hbm>>
          tpu.enqueue_dma source(%dma_start3A_59 : memref<80xi32, #tpu.memory_space<hbm>>) target(%arg9 : memref<80xi32, #tpu.memory_space<vmem>>) target_semaphore(%run_scoped3A : memref<!tpu.dma_semaphore, #tpu.memory_space<semaphore_mem>>)
          %dma_wait3A_60 = tpu.memref_slice %arg5[%add3A_53] : memref<320000xi32, #tpu.memory_space<hbm>> -> memref<80xi32, #tpu.memory_space<hbm>>
          %dma_wait3A_61 = tpu.memref_slice %arg5[%add3A_53] : memref<320000xi32, #tpu.memory_space<hbm>> -> memref<80xi32, #tpu.memory_space<hbm>>
          tpu.wait_dma2 semaphore(%run_scoped3A : memref<!tpu.dma_semaphore, #tpu.memory_space<semaphore_mem>>) src(%dma_wait3A_61 : memref<80xi32, #tpu.memory_space<hbm>>) dst(%arg9 : memref<80xi32, #tpu.memory_space<vmem>>)
          tpu.yield
        }) : () -> ()
        %dma_start3A = arith.constant 0 : i32
        %dma_start3A_54 = arith.constant 0 : i32
        %dma_start3A_55 = tpu.memref_slice %arg2[%dma_start3A, %dma_start3A_54] : memref<10240x128xf32, #tpu.memory_space<hbm>> -> memref<10240x128xf32, #tpu.memory_space<hbm>>
        tpu.enqueue_indirect_dma source(%dma_start3A_55 : memref<10240x128xf32, #tpu.memory_space<hbm>>) target(%arg10 : memref<80x128xf32, #tpu.memory_space<vmem>>) offsets(%arg8 : memref<80xi32, #tpu.memory_space<vmem>>) semaphore(%arg12 : memref<!tpu.dma_semaphore, #tpu.memory_space<semaphore_mem>>)
        %dma_wait3A = arith.constant 0 : i32
        %dma_wait3A_56 = arith.constant 0 : i32
        %dma_wait3A_57 = tpu.memref_slice %arg2[%dma_wait3A, %dma_wait3A_56] : memref<10240x128xf32, #tpu.memory_space<hbm>> -> memref<10240x128xf32, #tpu.memory_space<hbm>>
        tpu.wait_indirect_dma semaphore(%arg12 : memref<!tpu.dma_semaphore, #tpu.memory_space<semaphore_mem>>) src(%dma_wait3A_57 : memref<10240x128xf32, #tpu.memory_space<hbm>>) dst(%arg10 : memref<80x128xf32, #tpu.memory_space<vmem>>)
        "tpu.region"() ({
          %run_scoped3A = tpu.sem_alloc : memref<!tpu.dma_semaphore, #tpu.memory_space<semaphore_mem>>
          %dma_start3A_58 = arith.constant 0 : i32
          %dma_start3A_59 = arith.constant 0 : i32
          %dma_start3A_60 = tpu.memref_slice %arg11[%dma_start3A_58, %dma_start3A_59] : memref<10240x128xf32, #tpu.memory_space<vmem_shared>> -> memref<10240x128xf32, #tpu.memory_space<vmem_shared>>
          tpu.enqueue_indirect_dma source(%arg10 : memref<80x128xf32, #tpu.memory_space<vmem>>) target(%dma_start3A_60 : memref<10240x128xf32, #tpu.memory_space<vmem_shared>>) offsets(%arg9 : memref<80xi32, #tpu.memory_space<vmem>>) semaphore(%run_scoped3A : memref<!tpu.dma_semaphore, #tpu.memory_space<semaphore_mem>>) {add = true}
          %dma_wait3A_61 = arith.constant 0 : i32
          %dma_wait3A_62 = arith.constant 0 : i32
          %dma_wait3A_63 = tpu.memref_slice %arg11[%dma_wait3A_61, %dma_wait3A_62] : memref<10240x128xf32, #tpu.memory_space<vmem_shared>> -> memref<10240x128xf32, #tpu.memory_space<vmem_shared>>
          tpu.wait_indirect_dma semaphore(%run_scoped3A : memref<!tpu.dma_semaphore, #tpu.memory_space<semaphore_mem>>) src(%arg10 : memref<80x128xf32, #tpu.memory_space<vmem>>) dst(%dma_wait3A_63 : memref<10240x128xf32, #tpu.memory_space<vmem_shared>>)
          tpu.yield
        }) : () -> ()
      }
      %scan3A_49 = arith.constant 125 : i32
    } else {
    }
    %eq3A_28 = arith.constant 1 : i32
    %eq3A_29 = arith.cmpi eq, %arg0, %eq3A_28 : i32
    %convert_element_type3A_30 = arith.extui %eq3A_29 : i1 to i32
    %cond3A_31 = arith.constant 0 : i32
    %cond3A_32 = arith.cmpi ne, %convert_element_type3A_30, %cond3A_31 : i32
    scf.if %cond3A_32 {
      %scan3A_44 = arith.constant 0 : i32
      %scan3A_45 = arith.constant 0 : i32
      %scan3A_46 = arith.constant 125 : i32
      %scan3A_47 = arith.addi %scan3A_45, %scan3A_46 : i32
      %scan3A_48 = arith.constant 1 : i32
      scf.for %scan3A_50 = %scan3A_45 to %scan3A_47 step %scan3A_48  : i32 {
        %mul3A_51 = arith.constant 80 : i32
        %mul3A_52 = arith.muli %scan3A_50, %mul3A_51 : i32
        %add3A_53 = arith.addi %mul3A_25, %mul3A_52 : i32
        "tpu.region"() ({
          %run_scoped3A = tpu.sem_alloc : memref<!tpu.dma_semaphore, #tpu.memory_space<semaphore_mem>>
          %dma_start3A_58 = tpu.memref_slice %arg4[%add3A_53] : memref<320000xi32, #tpu.memory_space<hbm>> -> memref<80xi32, #tpu.memory_space<hbm>>
          %dma_start3A_59 = tpu.memref_slice %arg4[%add3A_53] : memref<320000xi32, #tpu.memory_space<hbm>> -> memref<80xi32, #tpu.memory_space<hbm>>
          tpu.enqueue_dma source(%dma_start3A_59 : memref<80xi32, #tpu.memory_space<hbm>>) target(%arg8 : memref<80xi32, #tpu.memory_space<vmem>>) target_semaphore(%run_scoped3A : memref<!tpu.dma_semaphore, #tpu.memory_space<semaphore_mem>>)
          %dma_wait3A_60 = tpu.memref_slice %arg4[%add3A_53] : memref<320000xi32, #tpu.memory_space<hbm>> -> memref<80xi32, #tpu.memory_space<hbm>>
          %dma_wait3A_61 = tpu.memref_slice %arg4[%add3A_53] : memref<320000xi32, #tpu.memory_space<hbm>> -> memref<80xi32, #tpu.memory_space<hbm>>
          tpu.wait_dma2 semaphore(%run_scoped3A : memref<!tpu.dma_semaphore, #tpu.memory_space<semaphore_mem>>) src(%dma_wait3A_61 : memref<80xi32, #tpu.memory_space<hbm>>) dst(%arg8 : memref<80xi32, #tpu.memory_space<vmem>>)
          tpu.yield
        }) : () -> ()
        "tpu.region"() ({
          %run_scoped3A = tpu.sem_alloc : memref<!tpu.dma_semaphore, #tpu.memory_space<semaphore_mem>>
          %dma_start3A_58 = tpu.memref_slice %arg5[%add3A_53] : memref<320000xi32, #tpu.memory_space<hbm>> -> memref<80xi32, #tpu.memory_space<hbm>>
          %dma_start3A_59 = tpu.memref_slice %arg5[%add3A_53] : memref<320000xi32, #tpu.memory_space<hbm>> -> memref<80xi32, #tpu.memory_space<hbm>>
          tpu.enqueue_dma source(%dma_start3A_59 : memref<80xi32, #tpu.memory_space<hbm>>) target(%arg9 : memref<80xi32, #tpu.memory_space<vmem>>) target_semaphore(%run_scoped3A : memref<!tpu.dma_semaphore, #tpu.memory_space<semaphore_mem>>)
          %dma_wait3A_60 = tpu.memref_slice %arg5[%add3A_53] : memref<320000xi32, #tpu.memory_space<hbm>> -> memref<80xi32, #tpu.memory_space<hbm>>
          %dma_wait3A_61 = tpu.memref_slice %arg5[%add3A_53] : memref<320000xi32, #tpu.memory_space<hbm>> -> memref<80xi32, #tpu.memory_space<hbm>>
          tpu.wait_dma2 semaphore(%run_scoped3A : memref<!tpu.dma_semaphore, #tpu.memory_space<semaphore_mem>>) src(%dma_wait3A_61 : memref<80xi32, #tpu.memory_space<hbm>>) dst(%arg9 : memref<80xi32, #tpu.memory_space<vmem>>)
          tpu.yield
        }) : () -> ()
        %dma_start3A = arith.constant 0 : i32
        %dma_start3A_54 = arith.constant 0 : i32
        %dma_start3A_55 = tpu.memref_slice %arg3[%dma_start3A, %dma_start3A_54] : memref<10240x128xf32, #tpu.memory_space<hbm>> -> memref<10240x128xf32, #tpu.memory_space<hbm>>
        tpu.enqueue_indirect_dma source(%dma_start3A_55 : memref<10240x128xf32, #tpu.memory_space<hbm>>) target(%arg10 : memref<80x128xf32, #tpu.memory_space<vmem>>) offsets(%arg8 : memref<80xi32, #tpu.memory_space<vmem>>) semaphore(%arg12 : memref<!tpu.dma_semaphore, #tpu.memory_space<semaphore_mem>>)
        %dma_wait3A = arith.constant 0 : i32
        %dma_wait3A_56 = arith.constant 0 : i32
        %dma_wait3A_57 = tpu.memref_slice %arg3[%dma_wait3A, %dma_wait3A_56] : memref<10240x128xf32, #tpu.memory_space<hbm>> -> memref<10240x128xf32, #tpu.memory_space<hbm>>
        tpu.wait_indirect_dma semaphore(%arg12 : memref<!tpu.dma_semaphore, #tpu.memory_space<semaphore_mem>>) src(%dma_wait3A_57 : memref<10240x128xf32, #tpu.memory_space<hbm>>) dst(%arg10 : memref<80x128xf32, #tpu.memory_space<vmem>>)
        "tpu.region"() ({
          %run_scoped3A = tpu.sem_alloc : memref<!tpu.dma_semaphore, #tpu.memory_space<semaphore_mem>>
          %dma_start3A_58 = arith.constant 0 : i32
          %dma_start3A_59 = arith.constant 0 : i32
          %dma_start3A_60 = tpu.memref_slice %arg11[%dma_start3A_58, %dma_start3A_59] : memref<10240x128xf32, #tpu.memory_space<vmem_shared>> -> memref<10240x128xf32, #tpu.memory_space<vmem_shared>>
          tpu.enqueue_indirect_dma source(%arg10 : memref<80x128xf32, #tpu.memory_space<vmem>>) target(%dma_start3A_60 : memref<10240x128xf32, #tpu.memory_space<vmem_shared>>) offsets(%arg9 : memref<80xi32, #tpu.memory_space<vmem>>) semaphore(%run_scoped3A : memref<!tpu.dma_semaphore, #tpu.memory_space<semaphore_mem>>) {add = true}
          %dma_wait3A_61 = arith.constant 0 : i32
          %dma_wait3A_62 = arith.constant 0 : i32
          %dma_wait3A_63 = tpu.memref_slice %arg11[%dma_wait3A_61, %dma_wait3A_62] : memref<10240x128xf32, #tpu.memory_space<vmem_shared>> -> memref<10240x128xf32, #tpu.memory_space<vmem_shared>>
          tpu.wait_indirect_dma semaphore(%run_scoped3A : memref<!tpu.dma_semaphore, #tpu.memory_space<semaphore_mem>>) src(%arg10 : memref<80x128xf32, #tpu.memory_space<vmem>>) dst(%dma_wait3A_63 : memref<10240x128xf32, #tpu.memory_space<vmem_shared>>)
          tpu.yield
        }) : () -> ()
      }
      %scan3A_49 = arith.constant 125 : i32
    } else {
    }
    %barrier3A_33 = arith.constant 0 : index
    tpu.barrier barrier_id(%barrier3A_33)
    %eq3A_34 = arith.constant 0 : i32
    %eq3A_35 = arith.cmpi eq, %arg0, %eq3A_34 : i32
    %convert_element_type3A_36 = arith.extui %eq3A_35 : i1 to i32
    %cond3A_37 = arith.constant 0 : i32
    %cond3A_38 = arith.cmpi ne, %convert_element_type3A_36, %cond3A_37 : i32
    scf.if %cond3A_38 {
      "tpu.region"() ({
        %run_scoped3A = tpu.sem_alloc : memref<!tpu.dma_semaphore, #tpu.memory_space<semaphore_mem>>
        %dma_start3A = arith.constant 0 : i32
        %dma_start3A_44 = tpu.memref_slice %arg6[%mul3A_5, %dma_start3A] : memref<10240x128xf32, #tpu.memory_space<hbm>> -> memref<640x128xf32, #tpu.memory_space<hbm>>
        %dma_start3A_45 = arith.constant 0 : i32
        %dma_start3A_46 = tpu.memref_slice %arg11[%mul3A_5, %dma_start3A_45] : memref<10240x128xf32, #tpu.memory_space<vmem_shared>> -> memref<640x128xf32, #tpu.memory_space<vmem_shared>>
        tpu.enqueue_dma source(%dma_start3A_46 : memref<640x128xf32, #tpu.memory_space<vmem_shared>>) target(%dma_start3A_44 : memref<640x128xf32, #tpu.memory_space<hbm>>) target_semaphore(%run_scoped3A : memref<!tpu.dma_semaphore, #tpu.memory_space<semaphore_mem>>)
        %dma_wait3A = arith.constant 0 : i32
        %dma_wait3A_47 = tpu.memref_slice %arg6[%mul3A_5, %dma_wait3A] : memref<10240x128xf32, #tpu.memory_space<hbm>> -> memref<640x128xf32, #tpu.memory_space<hbm>>
        %dma_wait3A_48 = arith.constant 0 : i32
        %dma_wait3A_49 = tpu.memref_slice %arg11[%mul3A_5, %dma_wait3A_48] : memref<10240x128xf32, #tpu.memory_space<vmem_shared>> -> memref<640x128xf32, #tpu.memory_space<vmem_shared>>
        tpu.wait_dma2 semaphore(%run_scoped3A : memref<!tpu.dma_semaphore, #tpu.memory_space<semaphore_mem>>) src(%dma_wait3A_49 : memref<640x128xf32, #tpu.memory_space<vmem_shared>>) dst(%dma_wait3A_47 : memref<640x128xf32, #tpu.memory_space<hbm>>)
        tpu.yield
      }) : () -> ()
    } else {
    }
    %eq3A_39 = arith.constant 1 : i32
    %eq3A_40 = arith.cmpi eq, %arg0, %eq3A_39 : i32
    %convert_element_type3A_41 = arith.extui %eq3A_40 : i1 to i32
    %cond3A_42 = arith.constant 0 : i32
    %cond3A_43 = arith.cmpi ne, %convert_element_type3A_41, %cond3A_42 : i32
    scf.if %cond3A_43 {
      "tpu.region"() ({
        %run_scoped3A = tpu.sem_alloc : memref<!tpu.dma_semaphore, #tpu.memory_space<semaphore_mem>>
        %dma_start3A = arith.constant 0 : i32
        %dma_start3A_44 = tpu.memref_slice %arg7[%mul3A_5, %dma_start3A] : memref<10240x128xf32, #tpu.memory_space<hbm>> -> memref<640x128xf32, #tpu.memory_space<hbm>>
        %dma_start3A_45 = arith.constant 0 : i32
        %dma_start3A_46 = tpu.memref_slice %arg11[%mul3A_5, %dma_start3A_45] : memref<10240x128xf32, #tpu.memory_space<vmem_shared>> -> memref<640x128xf32, #tpu.memory_space<vmem_shared>>
        tpu.enqueue_dma source(%dma_start3A_46 : memref<640x128xf32, #tpu.memory_space<vmem_shared>>) target(%dma_start3A_44 : memref<640x128xf32, #tpu.memory_space<hbm>>) target_semaphore(%run_scoped3A : memref<!tpu.dma_semaphore, #tpu.memory_space<semaphore_mem>>)
        %dma_wait3A = arith.constant 0 : i32
        %dma_wait3A_47 = tpu.memref_slice %arg7[%mul3A_5, %dma_wait3A] : memref<10240x128xf32, #tpu.memory_space<hbm>> -> memref<640x128xf32, #tpu.memory_space<hbm>>
        %dma_wait3A_48 = arith.constant 0 : i32
        %dma_wait3A_49 = tpu.memref_slice %arg11[%mul3A_5, %dma_wait3A_48] : memref<10240x128xf32, #tpu.memory_space<vmem_shared>> -> memref<640x128xf32, #tpu.memory_space<vmem_shared>>
        tpu.wait_dma2 semaphore(%run_scoped3A : memref<!tpu.dma_semaphore, #tpu.memory_space<semaphore_mem>>) src(%dma_wait3A_49 : memref<640x128xf32, #tpu.memory_space<vmem_shared>>) dst(%dma_wait3A_47 : memref<640x128xf32, #tpu.memory_space<hbm>>)
        tpu.yield
      }) : () -> ()
    } else {
    }
    return
  }
}

#map = affine_map<(d0, d1) -> (0, 0)>
module attributes {stable_mosaic.version = 14 : i64} {
  func.func @_deg_kernel(%arg0: i32, %arg1: i32, %arg2: memref<2560x128xi32, #tpu.memory_space<hbm>>, %arg3: memref<10240x128xf32, #tpu.memory_space<hbm>>, %arg4: memref<10240x128xf32, #tpu.memory_space<hbm>>, %arg5: memref<80x128xi32, #tpu.memory_space<vmem>>, %arg6: memref<128x128xf32, #tpu.memory_space<vmem>>, %arg7: memref<10240x128xf32, #tpu.memory_space<vmem_shared>>, %arg8: memref<!tpu.dma_semaphore, #tpu.memory_space<semaphore_mem>>) attributes {dimension_semantics = [#tpu.dimension_semantics<core_parallel>, #tpu.dimension_semantics<subcore_parallel>], iteration_bounds = array<i64: 2, 16>, scalar_prefetch = 0 : i64, scratch_operands = 4 : i64, tpu.core_type = #tpu.core_type<sc_vector_subcore>, window_params = [{transform_indices = #map}, {transform_indices = #map}, {transform_indices = #map}]} {
    %mul3A = arith.constant 16 : i32
    %mul3A_0 = arith.muli %arg0, %mul3A : i32
    %add3A = arith.addi %mul3A_0, %arg1 : i32
    %scan3A = arith.constant 0 : i32
    %scan3A_1 = arith.constant 0 : i32
    %scan3A_2 = arith.constant 128 : i32
    %scan3A_3 = arith.addi %scan3A_1, %scan3A_2 : i32
    %scan3A_4 = arith.constant 1 : i32
    scf.for %scan3A_52 = %scan3A_1 to %scan3A_3 step %scan3A_4  : i32 {
      %broadcast_in_dim3A = arith.constant 0.000000e+00 : f32
      %broadcast_in_dim3A_53 = vector.broadcast %broadcast_in_dim3A : f32 to vector<16xf32>
      %swap3A = arith.index_cast %scan3A_52 : i32 to index
      %swap3A_54 = arith.constant 0 : index
      %swap3A_55 = tpu.vector_load %arg6[%swap3A, %swap3A_54] {strides = array<i32>} : memref<128x128xf32, #tpu.memory_space<vmem>>, vector<1x16xf32>,
      %swap3A_56 = vector.shape_cast %swap3A_55 : vector<1x16xf32> to vector<16xf32>
      %swap3A_57 = vector.shape_cast %broadcast_in_dim3A_53 : vector<16xf32> to vector<1x16xf32>
      tpu.vector_store %arg6[%swap3A, %swap3A_54], %swap3A_57 {strides = array<i32>} : memref<128x128xf32, #tpu.memory_space<vmem>>, vector<1x16xf32>,
      %broadcast_in_dim3A_58 = arith.constant 0.000000e+00 : f32
      %broadcast_in_dim3A_59 = vector.broadcast %broadcast_in_dim3A_58 : f32 to vector<16xf32>
      %swap3A_60 = arith.index_cast %scan3A_52 : i32 to index
      %swap3A_61 = arith.constant 16 : index
      %swap3A_62 = tpu.vector_load %arg6[%swap3A_60, %swap3A_61] {strides = array<i32>} : memref<128x128xf32, #tpu.memory_space<vmem>>, vector<1x16xf32>,
      %swap3A_63 = vector.shape_cast %swap3A_62 : vector<1x16xf32> to vector<16xf32>
      %swap3A_64 = vector.shape_cast %broadcast_in_dim3A_59 : vector<16xf32> to vector<1x16xf32>
      tpu.vector_store %arg6[%swap3A_60, %swap3A_61], %swap3A_64 {strides = array<i32>} : memref<128x128xf32, #tpu.memory_space<vmem>>, vector<1x16xf32>,
      %broadcast_in_dim3A_65 = arith.constant 0.000000e+00 : f32
      %broadcast_in_dim3A_66 = vector.broadcast %broadcast_in_dim3A_65 : f32 to vector<16xf32>
      %swap3A_67 = arith.index_cast %scan3A_52 : i32 to index
      %swap3A_68 = arith.constant 32 : index
      %swap3A_69 = tpu.vector_load %arg6[%swap3A_67, %swap3A_68] {strides = array<i32>} : memref<128x128xf32, #tpu.memory_space<vmem>>, vector<1x16xf32>,
      %swap3A_70 = vector.shape_cast %swap3A_69 : vector<1x16xf32> to vector<16xf32>
      %swap3A_71 = vector.shape_cast %broadcast_in_dim3A_66 : vector<16xf32> to vector<1x16xf32>
      tpu.vector_store %arg6[%swap3A_67, %swap3A_68], %swap3A_71 {strides = array<i32>} : memref<128x128xf32, #tpu.memory_space<vmem>>, vector<1x16xf32>,
      %broadcast_in_dim3A_72 = arith.constant 0.000000e+00 : f32
      %broadcast_in_dim3A_73 = vector.broadcast %broadcast_in_dim3A_72 : f32 to vector<16xf32>
      %swap3A_74 = arith.index_cast %scan3A_52 : i32 to index
      %swap3A_75 = arith.constant 48 : index
      %swap3A_76 = tpu.vector_load %arg6[%swap3A_74, %swap3A_75] {strides = array<i32>} : memref<128x128xf32, #tpu.memory_space<vmem>>, vector<1x16xf32>,
      %swap3A_77 = vector.shape_cast %swap3A_76 : vector<1x16xf32> to vector<16xf32>
      %swap3A_78 = vector.shape_cast %broadcast_in_dim3A_73 : vector<16xf32> to vector<1x16xf32>
      tpu.vector_store %arg6[%swap3A_74, %swap3A_75], %swap3A_78 {strides = array<i32>} : memref<128x128xf32, #tpu.memory_space<vmem>>, vector<1x16xf32>,
      %broadcast_in_dim3A_79 = arith.constant 0.000000e+00 : f32
      %broadcast_in_dim3A_80 = vector.broadcast %broadcast_in_dim3A_79 : f32 to vector<16xf32>
      %swap3A_81 = arith.index_cast %scan3A_52 : i32 to index
      %swap3A_82 = arith.constant 64 : index
      %swap3A_83 = tpu.vector_load %arg6[%swap3A_81, %swap3A_82] {strides = array<i32>} : memref<128x128xf32, #tpu.memory_space<vmem>>, vector<1x16xf32>,
      %swap3A_84 = vector.shape_cast %swap3A_83 : vector<1x16xf32> to vector<16xf32>
      %swap3A_85 = vector.shape_cast %broadcast_in_dim3A_80 : vector<16xf32> to vector<1x16xf32>
      tpu.vector_store %arg6[%swap3A_81, %swap3A_82], %swap3A_85 {strides = array<i32>} : memref<128x128xf32, #tpu.memory_space<vmem>>, vector<1x16xf32>,
      %broadcast_in_dim3A_86 = arith.constant 0.000000e+00 : f32
      %broadcast_in_dim3A_87 = vector.broadcast %broadcast_in_dim3A_86 : f32 to vector<16xf32>
      %swap3A_88 = arith.index_cast %scan3A_52 : i32 to index
      %swap3A_89 = arith.constant 80 : index
      %swap3A_90 = tpu.vector_load %arg6[%swap3A_88, %swap3A_89] {strides = array<i32>} : memref<128x128xf32, #tpu.memory_space<vmem>>, vector<1x16xf32>,
      %swap3A_91 = vector.shape_cast %swap3A_90 : vector<1x16xf32> to vector<16xf32>
      %swap3A_92 = vector.shape_cast %broadcast_in_dim3A_87 : vector<16xf32> to vector<1x16xf32>
      tpu.vector_store %arg6[%swap3A_88, %swap3A_89], %swap3A_92 {strides = array<i32>} : memref<128x128xf32, #tpu.memory_space<vmem>>, vector<1x16xf32>,
      %broadcast_in_dim3A_93 = arith.constant 0.000000e+00 : f32
      %broadcast_in_dim3A_94 = vector.broadcast %broadcast_in_dim3A_93 : f32 to vector<16xf32>
      %swap3A_95 = arith.index_cast %scan3A_52 : i32 to index
      %swap3A_96 = arith.constant 96 : index
      %swap3A_97 = tpu.vector_load %arg6[%swap3A_95, %swap3A_96] {strides = array<i32>} : memref<128x128xf32, #tpu.memory_space<vmem>>, vector<1x16xf32>,
      %swap3A_98 = vector.shape_cast %swap3A_97 : vector<1x16xf32> to vector<16xf32>
      %swap3A_99 = vector.shape_cast %broadcast_in_dim3A_94 : vector<16xf32> to vector<1x16xf32>
      tpu.vector_store %arg6[%swap3A_95, %swap3A_96], %swap3A_99 {strides = array<i32>} : memref<128x128xf32, #tpu.memory_space<vmem>>, vector<1x16xf32>,
      %broadcast_in_dim3A_100 = arith.constant 0.000000e+00 : f32
      %broadcast_in_dim3A_101 = vector.broadcast %broadcast_in_dim3A_100 : f32 to vector<16xf32>
      %swap3A_102 = arith.index_cast %scan3A_52 : i32 to index
      %swap3A_103 = arith.constant 112 : index
      %swap3A_104 = tpu.vector_load %arg6[%swap3A_102, %swap3A_103] {strides = array<i32>} : memref<128x128xf32, #tpu.memory_space<vmem>>, vector<1x16xf32>,
      %swap3A_105 = vector.shape_cast %swap3A_104 : vector<1x16xf32> to vector<16xf32>
      %swap3A_106 = vector.shape_cast %broadcast_in_dim3A_101 : vector<16xf32> to vector<1x16xf32>
      tpu.vector_store %arg6[%swap3A_102, %swap3A_103], %swap3A_106 {strides = array<i32>} : memref<128x128xf32, #tpu.memory_space<vmem>>, vector<1x16xf32>,
    }
    %scan3A_5 = arith.constant 128 : i32
    %mul3A_6 = arith.constant 640 : i32
    %mul3A_7 = arith.muli %arg1, %mul3A_6 : i32
    %add3A_8 = arith.constant 0 : i32
    %add3A_9 = arith.addi %mul3A_7, %add3A_8 : i32
    "tpu.region"() ({
      %run_scoped3A = tpu.sem_alloc : memref<!tpu.dma_semaphore, #tpu.memory_space<semaphore_mem>>
      %dma_start3A_52 = arith.constant 0 : i32
      %dma_start3A_53 = tpu.memref_slice %arg7[%add3A_9, %dma_start3A_52] : memref<10240x128xf32, #tpu.memory_space<vmem_shared>> -> memref<128x128xf32, #tpu.memory_space<vmem_shared>>
      %dma_start3A_54 = arith.constant 0 : i32
      %dma_start3A_55 = tpu.memref_slice %arg7[%add3A_9, %dma_start3A_54] : memref<10240x128xf32, #tpu.memory_space<vmem_shared>> -> memref<128x128xf32, #tpu.memory_space<vmem_shared>>
      tpu.enqueue_dma source(%arg6 : memref<128x128xf32, #tpu.memory_space<vmem>>) target(%dma_start3A_55 : memref<128x128xf32, #tpu.memory_space<vmem_shared>>) target_semaphore(%run_scoped3A : memref<!tpu.dma_semaphore, #tpu.memory_space<semaphore_mem>>)
      %dma_wait3A_56 = arith.constant 0 : i32
      %dma_wait3A_57 = tpu.memref_slice %arg7[%add3A_9, %dma_wait3A_56] : memref<10240x128xf32, #tpu.memory_space<vmem_shared>> -> memref<128x128xf32, #tpu.memory_space<vmem_shared>>
      %dma_wait3A_58 = arith.constant 0 : i32
      %dma_wait3A_59 = tpu.memref_slice %arg7[%add3A_9, %dma_wait3A_58] : memref<10240x128xf32, #tpu.memory_space<vmem_shared>> -> memref<128x128xf32, #tpu.memory_space<vmem_shared>>
      tpu.wait_dma2 semaphore(%run_scoped3A : memref<!tpu.dma_semaphore, #tpu.memory_space<semaphore_mem>>) src(%arg6 : memref<128x128xf32, #tpu.memory_space<vmem>>) dst(%dma_wait3A_59 : memref<128x128xf32, #tpu.memory_space<vmem_shared>>)
      tpu.yield
    }) : () -> ()
    %add3A_10 = arith.constant 128 : i32
    %add3A_11 = arith.addi %mul3A_7, %add3A_10 : i32
    "tpu.region"() ({
      %run_scoped3A = tpu.sem_alloc : memref<!tpu.dma_semaphore, #tpu.memory_space<semaphore_mem>>
      %dma_start3A_52 = arith.constant 0 : i32
      %dma_start3A_53 = tpu.memref_slice %arg7[%add3A_11, %dma_start3A_52] : memref<10240x128xf32, #tpu.memory_space<vmem_shared>> -> memref<128x128xf32, #tpu.memory_space<vmem_shared>>
      %dma_start3A_54 = arith.constant 0 : i32
      %dma_start3A_55 = tpu.memref_slice %arg7[%add3A_11, %dma_start3A_54] : memref<10240x128xf32, #tpu.memory_space<vmem_shared>> -> memref<128x128xf32, #tpu.memory_space<vmem_shared>>
      tpu.enqueue_dma source(%arg6 : memref<128x128xf32, #tpu.memory_space<vmem>>) target(%dma_start3A_55 : memref<128x128xf32, #tpu.memory_space<vmem_shared>>) target_semaphore(%run_scoped3A : memref<!tpu.dma_semaphore, #tpu.memory_space<semaphore_mem>>)
      %dma_wait3A_56 = arith.constant 0 : i32
      %dma_wait3A_57 = tpu.memref_slice %arg7[%add3A_11, %dma_wait3A_56] : memref<10240x128xf32, #tpu.memory_space<vmem_shared>> -> memref<128x128xf32, #tpu.memory_space<vmem_shared>>
      %dma_wait3A_58 = arith.constant 0 : i32
      %dma_wait3A_59 = tpu.memref_slice %arg7[%add3A_11, %dma_wait3A_58] : memref<10240x128xf32, #tpu.memory_space<vmem_shared>> -> memref<128x128xf32, #tpu.memory_space<vmem_shared>>
      tpu.wait_dma2 semaphore(%run_scoped3A : memref<!tpu.dma_semaphore, #tpu.memory_space<semaphore_mem>>) src(%arg6 : memref<128x128xf32, #tpu.memory_space<vmem>>) dst(%dma_wait3A_59 : memref<128x128xf32, #tpu.memory_space<vmem_shared>>)
      tpu.yield
    }) : () -> ()
    %add3A_12 = arith.constant 256 : i32
    %add3A_13 = arith.addi %mul3A_7, %add3A_12 : i32
    "tpu.region"() ({
      %run_scoped3A = tpu.sem_alloc : memref<!tpu.dma_semaphore, #tpu.memory_space<semaphore_mem>>
      %dma_start3A_52 = arith.constant 0 : i32
      %dma_start3A_53 = tpu.memref_slice %arg7[%add3A_13, %dma_start3A_52] : memref<10240x128xf32, #tpu.memory_space<vmem_shared>> -> memref<128x128xf32, #tpu.memory_space<vmem_shared>>
      %dma_start3A_54 = arith.constant 0 : i32
      %dma_start3A_55 = tpu.memref_slice %arg7[%add3A_13, %dma_start3A_54] : memref<10240x128xf32, #tpu.memory_space<vmem_shared>> -> memref<128x128xf32, #tpu.memory_space<vmem_shared>>
      tpu.enqueue_dma source(%arg6 : memref<128x128xf32, #tpu.memory_space<vmem>>) target(%dma_start3A_55 : memref<128x128xf32, #tpu.memory_space<vmem_shared>>) target_semaphore(%run_scoped3A : memref<!tpu.dma_semaphore, #tpu.memory_space<semaphore_mem>>)
      %dma_wait3A_56 = arith.constant 0 : i32
      %dma_wait3A_57 = tpu.memref_slice %arg7[%add3A_13, %dma_wait3A_56] : memref<10240x128xf32, #tpu.memory_space<vmem_shared>> -> memref<128x128xf32, #tpu.memory_space<vmem_shared>>
      %dma_wait3A_58 = arith.constant 0 : i32
      %dma_wait3A_59 = tpu.memref_slice %arg7[%add3A_13, %dma_wait3A_58] : memref<10240x128xf32, #tpu.memory_space<vmem_shared>> -> memref<128x128xf32, #tpu.memory_space<vmem_shared>>
      tpu.wait_dma2 semaphore(%run_scoped3A : memref<!tpu.dma_semaphore, #tpu.memory_space<semaphore_mem>>) src(%arg6 : memref<128x128xf32, #tpu.memory_space<vmem>>) dst(%dma_wait3A_59 : memref<128x128xf32, #tpu.memory_space<vmem_shared>>)
      tpu.yield
    }) : () -> ()
    %add3A_14 = arith.constant 384 : i32
    %add3A_15 = arith.addi %mul3A_7, %add3A_14 : i32
    "tpu.region"() ({
      %run_scoped3A = tpu.sem_alloc : memref<!tpu.dma_semaphore, #tpu.memory_space<semaphore_mem>>
      %dma_start3A_52 = arith.constant 0 : i32
      %dma_start3A_53 = tpu.memref_slice %arg7[%add3A_15, %dma_start3A_52] : memref<10240x128xf32, #tpu.memory_space<vmem_shared>> -> memref<128x128xf32, #tpu.memory_space<vmem_shared>>
      %dma_start3A_54 = arith.constant 0 : i32
      %dma_start3A_55 = tpu.memref_slice %arg7[%add3A_15, %dma_start3A_54] : memref<10240x128xf32, #tpu.memory_space<vmem_shared>> -> memref<128x128xf32, #tpu.memory_space<vmem_shared>>
      tpu.enqueue_dma source(%arg6 : memref<128x128xf32, #tpu.memory_space<vmem>>) target(%dma_start3A_55 : memref<128x128xf32, #tpu.memory_space<vmem_shared>>) target_semaphore(%run_scoped3A : memref<!tpu.dma_semaphore, #tpu.memory_space<semaphore_mem>>)
      %dma_wait3A_56 = arith.constant 0 : i32
      %dma_wait3A_57 = tpu.memref_slice %arg7[%add3A_15, %dma_wait3A_56] : memref<10240x128xf32, #tpu.memory_space<vmem_shared>> -> memref<128x128xf32, #tpu.memory_space<vmem_shared>>
      %dma_wait3A_58 = arith.constant 0 : i32
      %dma_wait3A_59 = tpu.memref_slice %arg7[%add3A_15, %dma_wait3A_58] : memref<10240x128xf32, #tpu.memory_space<vmem_shared>> -> memref<128x128xf32, #tpu.memory_space<vmem_shared>>
      tpu.wait_dma2 semaphore(%run_scoped3A : memref<!tpu.dma_semaphore, #tpu.memory_space<semaphore_mem>>) src(%arg6 : memref<128x128xf32, #tpu.memory_space<vmem>>) dst(%dma_wait3A_59 : memref<128x128xf32, #tpu.memory_space<vmem_shared>>)
      tpu.yield
    }) : () -> ()
    %add3A_16 = arith.constant 512 : i32
    %add3A_17 = arith.addi %mul3A_7, %add3A_16 : i32
    "tpu.region"() ({
      %run_scoped3A = tpu.sem_alloc : memref<!tpu.dma_semaphore, #tpu.memory_space<semaphore_mem>>
      %dma_start3A_52 = arith.constant 0 : i32
      %dma_start3A_53 = tpu.memref_slice %arg7[%add3A_17, %dma_start3A_52] : memref<10240x128xf32, #tpu.memory_space<vmem_shared>> -> memref<128x128xf32, #tpu.memory_space<vmem_shared>>
      %dma_start3A_54 = arith.constant 0 : i32
      %dma_start3A_55 = tpu.memref_slice %arg7[%add3A_17, %dma_start3A_54] : memref<10240x128xf32, #tpu.memory_space<vmem_shared>> -> memref<128x128xf32, #tpu.memory_space<vmem_shared>>
      tpu.enqueue_dma source(%arg6 : memref<128x128xf32, #tpu.memory_space<vmem>>) target(%dma_start3A_55 : memref<128x128xf32, #tpu.memory_space<vmem_shared>>) target_semaphore(%run_scoped3A : memref<!tpu.dma_semaphore, #tpu.memory_space<semaphore_mem>>)
      %dma_wait3A_56 = arith.constant 0 : i32
      %dma_wait3A_57 = tpu.memref_slice %arg7[%add3A_17, %dma_wait3A_56] : memref<10240x128xf32, #tpu.memory_space<vmem_shared>> -> memref<128x128xf32, #tpu.memory_space<vmem_shared>>
      %dma_wait3A_58 = arith.constant 0 : i32
      %dma_wait3A_59 = tpu.memref_slice %arg7[%add3A_17, %dma_wait3A_58] : memref<10240x128xf32, #tpu.memory_space<vmem_shared>> -> memref<128x128xf32, #tpu.memory_space<vmem_shared>>
      tpu.wait_dma2 semaphore(%run_scoped3A : memref<!tpu.dma_semaphore, #tpu.memory_space<semaphore_mem>>) src(%arg6 : memref<128x128xf32, #tpu.memory_space<vmem>>) dst(%dma_wait3A_59 : memref<128x128xf32, #tpu.memory_space<vmem_shared>>)
      tpu.yield
    }) : () -> ()
    %scan3A_18 = arith.constant 0 : i32
    %scan3A_19 = arith.constant 0 : i32
    %scan3A_20 = arith.constant 128 : i32
    %scan3A_21 = arith.addi %scan3A_19, %scan3A_20 : i32
    %scan3A_22 = arith.constant 1 : i32
    scf.for %scan3A_52 = %scan3A_19 to %scan3A_21 step %scan3A_22  : i32 {
      %broadcast_in_dim3A = arith.constant 1.000000e+00 : f32
      %broadcast_in_dim3A_53 = vector.broadcast %broadcast_in_dim3A : f32 to vector<16xf32>
      %swap3A = arith.index_cast %scan3A_52 : i32 to index
      %swap3A_54 = arith.constant 0 : index
      %swap3A_55 = tpu.vector_load %arg6[%swap3A, %swap3A_54] {strides = array<i32>} : memref<128x128xf32, #tpu.memory_space<vmem>>, vector<1x16xf32>,
      %swap3A_56 = vector.shape_cast %swap3A_55 : vector<1x16xf32> to vector<16xf32>
      %swap3A_57 = vector.shape_cast %broadcast_in_dim3A_53 : vector<16xf32> to vector<1x16xf32>
      tpu.vector_store %arg6[%swap3A, %swap3A_54], %swap3A_57 {strides = array<i32>} : memref<128x128xf32, #tpu.memory_space<vmem>>, vector<1x16xf32>,
      %broadcast_in_dim3A_58 = arith.constant 1.000000e+00 : f32
      %broadcast_in_dim3A_59 = vector.broadcast %broadcast_in_dim3A_58 : f32 to vector<16xf32>
      %swap3A_60 = arith.index_cast %scan3A_52 : i32 to index
      %swap3A_61 = arith.constant 16 : index
      %swap3A_62 = tpu.vector_load %arg6[%swap3A_60, %swap3A_61] {strides = array<i32>} : memref<128x128xf32, #tpu.memory_space<vmem>>, vector<1x16xf32>,
      %swap3A_63 = vector.shape_cast %swap3A_62 : vector<1x16xf32> to vector<16xf32>
      %swap3A_64 = vector.shape_cast %broadcast_in_dim3A_59 : vector<16xf32> to vector<1x16xf32>
      tpu.vector_store %arg6[%swap3A_60, %swap3A_61], %swap3A_64 {strides = array<i32>} : memref<128x128xf32, #tpu.memory_space<vmem>>, vector<1x16xf32>,
      %broadcast_in_dim3A_65 = arith.constant 1.000000e+00 : f32
      %broadcast_in_dim3A_66 = vector.broadcast %broadcast_in_dim3A_65 : f32 to vector<16xf32>
      %swap3A_67 = arith.index_cast %scan3A_52 : i32 to index
      %swap3A_68 = arith.constant 32 : index
      %swap3A_69 = tpu.vector_load %arg6[%swap3A_67, %swap3A_68] {strides = array<i32>} : memref<128x128xf32, #tpu.memory_space<vmem>>, vector<1x16xf32>,
      %swap3A_70 = vector.shape_cast %swap3A_69 : vector<1x16xf32> to vector<16xf32>
      %swap3A_71 = vector.shape_cast %broadcast_in_dim3A_66 : vector<16xf32> to vector<1x16xf32>
      tpu.vector_store %arg6[%swap3A_67, %swap3A_68], %swap3A_71 {strides = array<i32>} : memref<128x128xf32, #tpu.memory_space<vmem>>, vector<1x16xf32>,
      %broadcast_in_dim3A_72 = arith.constant 1.000000e+00 : f32
      %broadcast_in_dim3A_73 = vector.broadcast %broadcast_in_dim3A_72 : f32 to vector<16xf32>
      %swap3A_74 = arith.index_cast %scan3A_52 : i32 to index
      %swap3A_75 = arith.constant 48 : index
      %swap3A_76 = tpu.vector_load %arg6[%swap3A_74, %swap3A_75] {strides = array<i32>} : memref<128x128xf32, #tpu.memory_space<vmem>>, vector<1x16xf32>,
      %swap3A_77 = vector.shape_cast %swap3A_76 : vector<1x16xf32> to vector<16xf32>
      %swap3A_78 = vector.shape_cast %broadcast_in_dim3A_73 : vector<16xf32> to vector<1x16xf32>
      tpu.vector_store %arg6[%swap3A_74, %swap3A_75], %swap3A_78 {strides = array<i32>} : memref<128x128xf32, #tpu.memory_space<vmem>>, vector<1x16xf32>,
      %broadcast_in_dim3A_79 = arith.constant 1.000000e+00 : f32
      %broadcast_in_dim3A_80 = vector.broadcast %broadcast_in_dim3A_79 : f32 to vector<16xf32>
      %swap3A_81 = arith.index_cast %scan3A_52 : i32 to index
      %swap3A_82 = arith.constant 64 : index
      %swap3A_83 = tpu.vector_load %arg6[%swap3A_81, %swap3A_82] {strides = array<i32>} : memref<128x128xf32, #tpu.memory_space<vmem>>, vector<1x16xf32>,
      %swap3A_84 = vector.shape_cast %swap3A_83 : vector<1x16xf32> to vector<16xf32>
      %swap3A_85 = vector.shape_cast %broadcast_in_dim3A_80 : vector<16xf32> to vector<1x16xf32>
      tpu.vector_store %arg6[%swap3A_81, %swap3A_82], %swap3A_85 {strides = array<i32>} : memref<128x128xf32, #tpu.memory_space<vmem>>, vector<1x16xf32>,
      %broadcast_in_dim3A_86 = arith.constant 1.000000e+00 : f32
      %broadcast_in_dim3A_87 = vector.broadcast %broadcast_in_dim3A_86 : f32 to vector<16xf32>
      %swap3A_88 = arith.index_cast %scan3A_52 : i32 to index
      %swap3A_89 = arith.constant 80 : index
      %swap3A_90 = tpu.vector_load %arg6[%swap3A_88, %swap3A_89] {strides = array<i32>} : memref<128x128xf32, #tpu.memory_space<vmem>>, vector<1x16xf32>,
      %swap3A_91 = vector.shape_cast %swap3A_90 : vector<1x16xf32> to vector<16xf32>
      %swap3A_92 = vector.shape_cast %broadcast_in_dim3A_87 : vector<16xf32> to vector<1x16xf32>
      tpu.vector_store %arg6[%swap3A_88, %swap3A_89], %swap3A_92 {strides = array<i32>} : memref<128x128xf32, #tpu.memory_space<vmem>>, vector<1x16xf32>,
      %broadcast_in_dim3A_93 = arith.constant 1.000000e+00 : f32
      %broadcast_in_dim3A_94 = vector.broadcast %broadcast_in_dim3A_93 : f32 to vector<16xf32>
      %swap3A_95 = arith.index_cast %scan3A_52 : i32 to index
      %swap3A_96 = arith.constant 96 : index
      %swap3A_97 = tpu.vector_load %arg6[%swap3A_95, %swap3A_96] {strides = array<i32>} : memref<128x128xf32, #tpu.memory_space<vmem>>, vector<1x16xf32>,
      %swap3A_98 = vector.shape_cast %swap3A_97 : vector<1x16xf32> to vector<16xf32>
      %swap3A_99 = vector.shape_cast %broadcast_in_dim3A_94 : vector<16xf32> to vector<1x16xf32>
      tpu.vector_store %arg6[%swap3A_95, %swap3A_96], %swap3A_99 {strides = array<i32>} : memref<128x128xf32, #tpu.memory_space<vmem>>, vector<1x16xf32>,
      %broadcast_in_dim3A_100 = arith.constant 1.000000e+00 : f32
      %broadcast_in_dim3A_101 = vector.broadcast %broadcast_in_dim3A_100 : f32 to vector<16xf32>
      %swap3A_102 = arith.index_cast %scan3A_52 : i32 to index
      %swap3A_103 = arith.constant 112 : index
      %swap3A_104 = tpu.vector_load %arg6[%swap3A_102, %swap3A_103] {strides = array<i32>} : memref<128x128xf32, #tpu.memory_space<vmem>>, vector<1x16xf32>,
      %swap3A_105 = vector.shape_cast %swap3A_104 : vector<1x16xf32> to vector<16xf32>
      %swap3A_106 = vector.shape_cast %broadcast_in_dim3A_101 : vector<16xf32> to vector<1x16xf32>
      tpu.vector_store %arg6[%swap3A_102, %swap3A_103], %swap3A_106 {strides = array<i32>} : memref<128x128xf32, #tpu.memory_space<vmem>>, vector<1x16xf32>,
    }
    %scan3A_23 = arith.constant 128 : i32
    %mul3A_24 = arith.constant 80 : i32
    %mul3A_25 = arith.muli %add3A, %mul3A_24 : i32
    "tpu.region"() ({
      %run_scoped3A = tpu.sem_alloc : memref<!tpu.dma_semaphore, #tpu.memory_space<semaphore_mem>>
      %dma_start3A_52 = arith.constant 0 : i32
      %dma_start3A_53 = tpu.memref_slice %arg2[%mul3A_25, %dma_start3A_52] : memref<2560x128xi32, #tpu.memory_space<hbm>> -> memref<80x128xi32, #tpu.memory_space<hbm>>
      %dma_start3A_54 = arith.constant 0 : i32
      %dma_start3A_55 = tpu.memref_slice %arg2[%mul3A_25, %dma_start3A_54] : memref<2560x128xi32, #tpu.memory_space<hbm>> -> memref<80x128xi32, #tpu.memory_space<hbm>>
      tpu.enqueue_dma source(%dma_start3A_55 : memref<80x128xi32, #tpu.memory_space<hbm>>) target(%arg5 : memref<80x128xi32, #tpu.memory_space<vmem>>) target_semaphore(%run_scoped3A : memref<!tpu.dma_semaphore, #tpu.memory_space<semaphore_mem>>)
      %dma_wait3A_56 = arith.constant 0 : i32
      %dma_wait3A_57 = tpu.memref_slice %arg2[%mul3A_25, %dma_wait3A_56] : memref<2560x128xi32, #tpu.memory_space<hbm>> -> memref<80x128xi32, #tpu.memory_space<hbm>>
      %dma_wait3A_58 = arith.constant 0 : i32
      %dma_wait3A_59 = tpu.memref_slice %arg2[%mul3A_25, %dma_wait3A_58] : memref<2560x128xi32, #tpu.memory_space<hbm>> -> memref<80x128xi32, #tpu.memory_space<hbm>>
      tpu.wait_dma2 semaphore(%run_scoped3A : memref<!tpu.dma_semaphore, #tpu.memory_space<semaphore_mem>>) src(%dma_wait3A_59 : memref<80x128xi32, #tpu.memory_space<hbm>>) dst(%arg5 : memref<80x128xi32, #tpu.memory_space<vmem>>)
      tpu.yield
    }) : () -> ()
    %barrier3A = arith.constant 0 : index
    tpu.barrier barrier_id(%barrier3A)
    %dma_start3A = arith.constant 0 : i32
    %dma_start3A_26 = arith.constant 0 : i32
    %dma_start3A_27 = tpu.memref_slice %arg5[%dma_start3A, %dma_start3A_26] : memref<80x128xi32, #tpu.memory_space<vmem>> -> memref<1x128xi32, #tpu.memory_space<vmem>>
    %dma_start3A_28 = tpu.memref_squeeze %dma_start3A_27 : memref<1x128xi32, #tpu.memory_space<vmem>> -> memref<128xi32, #tpu.memory_space<vmem>>
    %dma_start3A_29 = arith.constant 0 : i32
    %dma_start3A_30 = arith.constant 0 : i32
    %dma_start3A_31 = tpu.memref_slice %arg7[%dma_start3A_29, %dma_start3A_30] : memref<10240x128xf32, #tpu.memory_space<vmem_shared>> -> memref<10240x128xf32, #tpu.memory_space<vmem_shared>>
    tpu.enqueue_indirect_dma source(%arg6 : memref<128x128xf32, #tpu.memory_space<vmem>>) target(%dma_start3A_31 : memref<10240x128xf32, #tpu.memory_space<vmem_shared>>) offsets(%dma_start3A_28 : memref<128xi32, #tpu.memory_space<vmem>>) semaphore(%arg8 : memref<!tpu.dma_semaphore, #tpu.memory_space<semaphore_mem>>) {add = true}
    %scan3A_32 = arith.constant 0 : i32
    %scan3A_33 = arith.constant 0 : i32
    %scan3A_34 = arith.constant 79 : i32
    %scan3A_35 = arith.addi %scan3A_33, %scan3A_34 : i32
    %scan3A_36 = arith.constant 1 : i32
    scf.for %scan3A_52 = %scan3A_33 to %scan3A_35 step %scan3A_36  : i32 {
      %add3A_53 = arith.constant 1 : i32
      %add3A_54 = arith.addi %scan3A_52, %add3A_53 : i32
      %dma_start3A_55 = arith.constant 0 : i32
      %dma_start3A_56 = tpu.memref_slice %arg5[%add3A_54, %dma_start3A_55] : memref<80x128xi32, #tpu.memory_space<vmem>> -> memref<1x128xi32, #tpu.memory_space<vmem>>
      %dma_start3A_57 = tpu.memref_squeeze %dma_start3A_56 : memref<1x128xi32, #tpu.memory_space<vmem>> -> memref<128xi32, #tpu.memory_space<vmem>>
      %dma_start3A_58 = arith.constant 0 : i32
      %dma_start3A_59 = arith.constant 0 : i32
      %dma_start3A_60 = tpu.memref_slice %arg7[%dma_start3A_58, %dma_start3A_59] : memref<10240x128xf32, #tpu.memory_space<vmem_shared>> -> memref<10240x128xf32, #tpu.memory_space<vmem_shared>>
      tpu.enqueue_indirect_dma source(%arg6 : memref<128x128xf32, #tpu.memory_space<vmem>>) target(%dma_start3A_60 : memref<10240x128xf32, #tpu.memory_space<vmem_shared>>) offsets(%dma_start3A_57 : memref<128xi32, #tpu.memory_space<vmem>>) semaphore(%arg8 : memref<!tpu.dma_semaphore, #tpu.memory_space<semaphore_mem>>) {add = true}
      %dma_wait3A_61 = arith.constant 0 : i32
      %dma_wait3A_62 = arith.constant 0 : i32
      %dma_wait3A_63 = tpu.memref_slice %arg5[%dma_wait3A_61, %dma_wait3A_62] : memref<80x128xi32, #tpu.memory_space<vmem>> -> memref<1x128xi32, #tpu.memory_space<vmem>>
      %dma_wait3A_64 = tpu.memref_squeeze %dma_wait3A_63 : memref<1x128xi32, #tpu.memory_space<vmem>> -> memref<128xi32, #tpu.memory_space<vmem>>
      %dma_wait3A_65 = arith.constant 0 : i32
      %dma_wait3A_66 = arith.constant 0 : i32
      %dma_wait3A_67 = tpu.memref_slice %arg7[%dma_wait3A_65, %dma_wait3A_66] : memref<10240x128xf32, #tpu.memory_space<vmem_shared>> -> memref<10240x128xf32, #tpu.memory_space<vmem_shared>>
      tpu.wait_indirect_dma semaphore(%arg8 : memref<!tpu.dma_semaphore, #tpu.memory_space<semaphore_mem>>) src(%arg6 : memref<128x128xf32, #tpu.memory_space<vmem>>) dst(%dma_wait3A_67 : memref<10240x128xf32, #tpu.memory_space<vmem_shared>>)
    }
    %scan3A_37 = arith.constant 79 : i32
    %dma_wait3A = arith.constant 0 : i32
    %dma_wait3A_38 = arith.constant 0 : i32
    %dma_wait3A_39 = tpu.memref_slice %arg5[%dma_wait3A, %dma_wait3A_38] : memref<80x128xi32, #tpu.memory_space<vmem>> -> memref<1x128xi32, #tpu.memory_space<vmem>>
    %dma_wait3A_40 = tpu.memref_squeeze %dma_wait3A_39 : memref<1x128xi32, #tpu.memory_space<vmem>> -> memref<128xi32, #tpu.memory_space<vmem>>
    %dma_wait3A_41 = arith.constant 0 : i32
    %dma_wait3A_42 = arith.constant 0 : i32
    %dma_wait3A_43 = tpu.memref_slice %arg7[%dma_wait3A_41, %dma_wait3A_42] : memref<10240x128xf32, #tpu.memory_space<vmem_shared>> -> memref<10240x128xf32, #tpu.memory_space<vmem_shared>>
    tpu.wait_indirect_dma semaphore(%arg8 : memref<!tpu.dma_semaphore, #tpu.memory_space<semaphore_mem>>) src(%arg6 : memref<128x128xf32, #tpu.memory_space<vmem>>) dst(%dma_wait3A_43 : memref<10240x128xf32, #tpu.memory_space<vmem_shared>>)
    %barrier3A_44 = arith.constant 0 : index
    tpu.barrier barrier_id(%barrier3A_44)
    %eq3A = arith.constant 0 : i32
    %eq3A_45 = arith.cmpi eq, %arg0, %eq3A : i32
    %convert_element_type3A = arith.extui %eq3A_45 : i1 to i32
    %cond3A = arith.constant 0 : i32
    %cond3A_46 = arith.cmpi ne, %convert_element_type3A, %cond3A : i32
    scf.if %cond3A_46 {
      "tpu.region"() ({
        %run_scoped3A = tpu.sem_alloc : memref<!tpu.dma_semaphore, #tpu.memory_space<semaphore_mem>>
        %dma_start3A_52 = arith.constant 0 : i32
        %dma_start3A_53 = tpu.memref_slice %arg3[%mul3A_7, %dma_start3A_52] : memref<10240x128xf32, #tpu.memory_space<hbm>> -> memref<640x128xf32, #tpu.memory_space<hbm>>
        %dma_start3A_54 = arith.constant 0 : i32
        %dma_start3A_55 = tpu.memref_slice %arg7[%mul3A_7, %dma_start3A_54] : memref<10240x128xf32, #tpu.memory_space<vmem_shared>> -> memref<640x128xf32, #tpu.memory_space<vmem_shared>>
        tpu.enqueue_dma source(%dma_start3A_55 : memref<640x128xf32, #tpu.memory_space<vmem_shared>>) target(%dma_start3A_53 : memref<640x128xf32, #tpu.memory_space<hbm>>) target_semaphore(%run_scoped3A : memref<!tpu.dma_semaphore, #tpu.memory_space<semaphore_mem>>)
        %dma_wait3A_56 = arith.constant 0 : i32
        %dma_wait3A_57 = tpu.memref_slice %arg3[%mul3A_7, %dma_wait3A_56] : memref<10240x128xf32, #tpu.memory_space<hbm>> -> memref<640x128xf32, #tpu.memory_space<hbm>>
        %dma_wait3A_58 = arith.constant 0 : i32
        %dma_wait3A_59 = tpu.memref_slice %arg7[%mul3A_7, %dma_wait3A_58] : memref<10240x128xf32, #tpu.memory_space<vmem_shared>> -> memref<640x128xf32, #tpu.memory_space<vmem_shared>>
        tpu.wait_dma2 semaphore(%run_scoped3A : memref<!tpu.dma_semaphore, #tpu.memory_space<semaphore_mem>>) src(%dma_wait3A_59 : memref<640x128xf32, #tpu.memory_space<vmem_shared>>) dst(%dma_wait3A_57 : memref<640x128xf32, #tpu.memory_space<hbm>>)
        tpu.yield
      }) : () -> ()
    } else {
    }
    %eq3A_47 = arith.constant 1 : i32
    %eq3A_48 = arith.cmpi eq, %arg0, %eq3A_47 : i32
    %convert_element_type3A_49 = arith.extui %eq3A_48 : i1 to i32
    %cond3A_50 = arith.constant 0 : i32
    %cond3A_51 = arith.cmpi ne, %convert_element_type3A_49, %cond3A_50 : i32
    scf.if %cond3A_51 {
      "tpu.region"() ({
        %run_scoped3A = tpu.sem_alloc : memref<!tpu.dma_semaphore, #tpu.memory_space<semaphore_mem>>
        %dma_start3A_52 = arith.constant 0 : i32
        %dma_start3A_53 = tpu.memref_slice %arg4[%mul3A_7, %dma_start3A_52] : memref<10240x128xf32, #tpu.memory_space<hbm>> -> memref<640x128xf32, #tpu.memory_space<hbm>>
        %dma_start3A_54 = arith.constant 0 : i32
        %dma_start3A_55 = tpu.memref_slice %arg7[%mul3A_7, %dma_start3A_54] : memref<10240x128xf32, #tpu.memory_space<vmem_shared>> -> memref<640x128xf32, #tpu.memory_space<vmem_shared>>
        tpu.enqueue_dma source(%dma_start3A_55 : memref<640x128xf32, #tpu.memory_space<vmem_shared>>) target(%dma_start3A_53 : memref<640x128xf32, #tpu.memory_space<hbm>>) target_semaphore(%run_scoped3A : memref<!tpu.dma_semaphore, #tpu.memory_space<semaphore_mem>>)
        %dma_wait3A_56 = arith.constant 0 : i32
        %dma_wait3A_57 = tpu.memref_slice %arg4[%mul3A_7, %dma_wait3A_56] : memref<10240x128xf32, #tpu.memory_space<hbm>> -> memref<640x128xf32, #tpu.memory_space<hbm>>
        %dma_wait3A_58 = arith.constant 0 : i32
        %dma_wait3A_59 = tpu.memref_slice %arg7[%mul3A_7, %dma_wait3A_58] : memref<10240x128xf32, #tpu.memory_space<vmem_shared>> -> memref<640x128xf32, #tpu.memory_space<vmem_shared>>
        tpu.wait_dma2 semaphore(%run_scoped3A : memref<!tpu.dma_semaphore, #tpu.memory_space<semaphore_mem>>) src(%dma_wait3A_59 : memref<640x128xf32, #tpu.memory_space<vmem_shared>>) dst(%dma_wait3A_57 : memref<640x128xf32, #tpu.memory_space<hbm>>)
        tpu.yield
      }) : () -> ()
    } else {
    }
    return
  }
}

#map = affine_map<(d0, d1) -> (0, 0)>
module attributes {stable_mosaic.version = 14 : i64} {
  func.func @prop(%arg0: i32, %arg1: i32, %arg2: memref<10240x128xf32, #tpu.memory_space<hbm>>, %arg3: memref<10240x128xf32, #tpu.memory_space<hbm>>, %arg4: memref<2560x128xi32, #tpu.memory_space<hbm>>, %arg5: memref<2560x128xi32, #tpu.memory_space<hbm>>, %arg6: memref<10240x128xf32, #tpu.memory_space<hbm>>, %arg7: memref<10240x128xf32, #tpu.memory_space<hbm>>, %arg8: memref<40x128xi32, #tpu.memory_space<vmem>>, %arg9: memref<40x128xi32, #tpu.memory_space<vmem>>, %arg10: memref<128x128xf32, #tpu.memory_space<vmem>>, %arg11: memref<128x128xf32, #tpu.memory_space<vmem>>, %arg12: memref<10240x128xf32, #tpu.memory_space<vmem_shared>>, %arg13: memref<!tpu.dma_semaphore, #tpu.memory_space<semaphore_mem>>, %arg14: memref<!tpu.dma_semaphore, #tpu.memory_space<semaphore_mem>>) attributes {dimension_semantics = [#tpu.dimension_semantics<core_parallel>, #tpu.dimension_semantics<subcore_parallel>], iteration_bounds = array<i64: 2, 16>, scalar_prefetch = 0 : i64, scratch_operands = 7 : i64, tpu.core_type = #tpu.core_type<sc_vector_subcore>, window_params = [{transform_indices = #map}, {transform_indices = #map}, {transform_indices = #map}, {transform_indices = #map}, {transform_indices = #map}, {transform_indices = #map}]} {
    %scan3A = arith.constant 0 : i32
    %scan3A_0 = arith.constant 0 : i32
    %scan3A_1 = arith.constant 128 : i32
    %scan3A_2 = arith.addi %scan3A_0, %scan3A_1 : i32
    %scan3A_3 = arith.constant 1 : i32
    scf.for %scan3A_33 = %scan3A_0 to %scan3A_2 step %scan3A_3  : i32 {
      %broadcast_in_dim3A = arith.constant 0.000000e+00 : f32
      %broadcast_in_dim3A_34 = vector.broadcast %broadcast_in_dim3A : f32 to vector<16xf32>
      %swap3A = arith.index_cast %scan3A_33 : i32 to index
      %swap3A_35 = arith.constant 0 : index
      %swap3A_36 = tpu.vector_load %arg10[%swap3A, %swap3A_35] {strides = array<i32>} : memref<128x128xf32, #tpu.memory_space<vmem>>, vector<1x16xf32>,
      %swap3A_37 = vector.shape_cast %swap3A_36 : vector<1x16xf32> to vector<16xf32>
      %swap3A_38 = vector.shape_cast %broadcast_in_dim3A_34 : vector<16xf32> to vector<1x16xf32>
      tpu.vector_store %arg10[%swap3A, %swap3A_35], %swap3A_38 {strides = array<i32>} : memref<128x128xf32, #tpu.memory_space<vmem>>, vector<1x16xf32>,
      %broadcast_in_dim3A_39 = arith.constant 0.000000e+00 : f32
      %broadcast_in_dim3A_40 = vector.broadcast %broadcast_in_dim3A_39 : f32 to vector<16xf32>
      %swap3A_41 = arith.index_cast %scan3A_33 : i32 to index
      %swap3A_42 = arith.constant 16 : index
      %swap3A_43 = tpu.vector_load %arg10[%swap3A_41, %swap3A_42] {strides = array<i32>} : memref<128x128xf32, #tpu.memory_space<vmem>>, vector<1x16xf32>,
      %swap3A_44 = vector.shape_cast %swap3A_43 : vector<1x16xf32> to vector<16xf32>
      %swap3A_45 = vector.shape_cast %broadcast_in_dim3A_40 : vector<16xf32> to vector<1x16xf32>
      tpu.vector_store %arg10[%swap3A_41, %swap3A_42], %swap3A_45 {strides = array<i32>} : memref<128x128xf32, #tpu.memory_space<vmem>>, vector<1x16xf32>,
      %broadcast_in_dim3A_46 = arith.constant 0.000000e+00 : f32
      %broadcast_in_dim3A_47 = vector.broadcast %broadcast_in_dim3A_46 : f32 to vector<16xf32>
      %swap3A_48 = arith.index_cast %scan3A_33 : i32 to index
      %swap3A_49 = arith.constant 32 : index
      %swap3A_50 = tpu.vector_load %arg10[%swap3A_48, %swap3A_49] {strides = array<i32>} : memref<128x128xf32, #tpu.memory_space<vmem>>, vector<1x16xf32>,
      %swap3A_51 = vector.shape_cast %swap3A_50 : vector<1x16xf32> to vector<16xf32>
      %swap3A_52 = vector.shape_cast %broadcast_in_dim3A_47 : vector<16xf32> to vector<1x16xf32>
      tpu.vector_store %arg10[%swap3A_48, %swap3A_49], %swap3A_52 {strides = array<i32>} : memref<128x128xf32, #tpu.memory_space<vmem>>, vector<1x16xf32>,
      %broadcast_in_dim3A_53 = arith.constant 0.000000e+00 : f32
      %broadcast_in_dim3A_54 = vector.broadcast %broadcast_in_dim3A_53 : f32 to vector<16xf32>
      %swap3A_55 = arith.index_cast %scan3A_33 : i32 to index
      %swap3A_56 = arith.constant 48 : index
      %swap3A_57 = tpu.vector_load %arg10[%swap3A_55, %swap3A_56] {strides = array<i32>} : memref<128x128xf32, #tpu.memory_space<vmem>>, vector<1x16xf32>,
      %swap3A_58 = vector.shape_cast %swap3A_57 : vector<1x16xf32> to vector<16xf32>
      %swap3A_59 = vector.shape_cast %broadcast_in_dim3A_54 : vector<16xf32> to vector<1x16xf32>
      tpu.vector_store %arg10[%swap3A_55, %swap3A_56], %swap3A_59 {strides = array<i32>} : memref<128x128xf32, #tpu.memory_space<vmem>>, vector<1x16xf32>,
      %broadcast_in_dim3A_60 = arith.constant 0.000000e+00 : f32
      %broadcast_in_dim3A_61 = vector.broadcast %broadcast_in_dim3A_60 : f32 to vector<16xf32>
      %swap3A_62 = arith.index_cast %scan3A_33 : i32 to index
      %swap3A_63 = arith.constant 64 : index
      %swap3A_64 = tpu.vector_load %arg10[%swap3A_62, %swap3A_63] {strides = array<i32>} : memref<128x128xf32, #tpu.memory_space<vmem>>, vector<1x16xf32>,
      %swap3A_65 = vector.shape_cast %swap3A_64 : vector<1x16xf32> to vector<16xf32>
      %swap3A_66 = vector.shape_cast %broadcast_in_dim3A_61 : vector<16xf32> to vector<1x16xf32>
      tpu.vector_store %arg10[%swap3A_62, %swap3A_63], %swap3A_66 {strides = array<i32>} : memref<128x128xf32, #tpu.memory_space<vmem>>, vector<1x16xf32>,
      %broadcast_in_dim3A_67 = arith.constant 0.000000e+00 : f32
      %broadcast_in_dim3A_68 = vector.broadcast %broadcast_in_dim3A_67 : f32 to vector<16xf32>
      %swap3A_69 = arith.index_cast %scan3A_33 : i32 to index
      %swap3A_70 = arith.constant 80 : index
      %swap3A_71 = tpu.vector_load %arg10[%swap3A_69, %swap3A_70] {strides = array<i32>} : memref<128x128xf32, #tpu.memory_space<vmem>>, vector<1x16xf32>,
      %swap3A_72 = vector.shape_cast %swap3A_71 : vector<1x16xf32> to vector<16xf32>
      %swap3A_73 = vector.shape_cast %broadcast_in_dim3A_68 : vector<16xf32> to vector<1x16xf32>
      tpu.vector_store %arg10[%swap3A_69, %swap3A_70], %swap3A_73 {strides = array<i32>} : memref<128x128xf32, #tpu.memory_space<vmem>>, vector<1x16xf32>,
      %broadcast_in_dim3A_74 = arith.constant 0.000000e+00 : f32
      %broadcast_in_dim3A_75 = vector.broadcast %broadcast_in_dim3A_74 : f32 to vector<16xf32>
      %swap3A_76 = arith.index_cast %scan3A_33 : i32 to index
      %swap3A_77 = arith.constant 96 : index
      %swap3A_78 = tpu.vector_load %arg10[%swap3A_76, %swap3A_77] {strides = array<i32>} : memref<128x128xf32, #tpu.memory_space<vmem>>, vector<1x16xf32>,
      %swap3A_79 = vector.shape_cast %swap3A_78 : vector<1x16xf32> to vector<16xf32>
      %swap3A_80 = vector.shape_cast %broadcast_in_dim3A_75 : vector<16xf32> to vector<1x16xf32>
      tpu.vector_store %arg10[%swap3A_76, %swap3A_77], %swap3A_80 {strides = array<i32>} : memref<128x128xf32, #tpu.memory_space<vmem>>, vector<1x16xf32>,
      %broadcast_in_dim3A_81 = arith.constant 0.000000e+00 : f32
      %broadcast_in_dim3A_82 = vector.broadcast %broadcast_in_dim3A_81 : f32 to vector<16xf32>
      %swap3A_83 = arith.index_cast %scan3A_33 : i32 to index
      %swap3A_84 = arith.constant 112 : index
      %swap3A_85 = tpu.vector_load %arg10[%swap3A_83, %swap3A_84] {strides = array<i32>} : memref<128x128xf32, #tpu.memory_space<vmem>>, vector<1x16xf32>,
      %swap3A_86 = vector.shape_cast %swap3A_85 : vector<1x16xf32> to vector<16xf32>
      %swap3A_87 = vector.shape_cast %broadcast_in_dim3A_82 : vector<16xf32> to vector<1x16xf32>
      tpu.vector_store %arg10[%swap3A_83, %swap3A_84], %swap3A_87 {strides = array<i32>} : memref<128x128xf32, #tpu.memory_space<vmem>>, vector<1x16xf32>,
    }
    %scan3A_4 = arith.constant 128 : i32
    %mul3A = arith.constant 640 : i32
    %mul3A_5 = arith.muli %arg1, %mul3A : i32
    %add3A = arith.constant 0 : i32
    %add3A_6 = arith.addi %mul3A_5, %add3A : i32
    "tpu.region"() ({
      %run_scoped3A = tpu.sem_alloc : memref<!tpu.dma_semaphore, #tpu.memory_space<semaphore_mem>>
      %dma_start3A = arith.constant 0 : i32
      %dma_start3A_33 = tpu.memref_slice %arg12[%add3A_6, %dma_start3A] : memref<10240x128xf32, #tpu.memory_space<vmem_shared>> -> memref<128x128xf32, #tpu.memory_space<vmem_shared>>
      %dma_start3A_34 = arith.constant 0 : i32
      %dma_start3A_35 = tpu.memref_slice %arg12[%add3A_6, %dma_start3A_34] : memref<10240x128xf32, #tpu.memory_space<vmem_shared>> -> memref<128x128xf32, #tpu.memory_space<vmem_shared>>
      tpu.enqueue_dma source(%arg10 : memref<128x128xf32, #tpu.memory_space<vmem>>) target(%dma_start3A_35 : memref<128x128xf32, #tpu.memory_space<vmem_shared>>) target_semaphore(%run_scoped3A : memref<!tpu.dma_semaphore, #tpu.memory_space<semaphore_mem>>)
      %dma_wait3A = arith.constant 0 : i32
      %dma_wait3A_36 = tpu.memref_slice %arg12[%add3A_6, %dma_wait3A] : memref<10240x128xf32, #tpu.memory_space<vmem_shared>> -> memref<128x128xf32, #tpu.memory_space<vmem_shared>>
      %dma_wait3A_37 = arith.constant 0 : i32
      %dma_wait3A_38 = tpu.memref_slice %arg12[%add3A_6, %dma_wait3A_37] : memref<10240x128xf32, #tpu.memory_space<vmem_shared>> -> memref<128x128xf32, #tpu.memory_space<vmem_shared>>
      tpu.wait_dma2 semaphore(%run_scoped3A : memref<!tpu.dma_semaphore, #tpu.memory_space<semaphore_mem>>) src(%arg10 : memref<128x128xf32, #tpu.memory_space<vmem>>) dst(%dma_wait3A_38 : memref<128x128xf32, #tpu.memory_space<vmem_shared>>)
      tpu.yield
    }) : () -> ()
    %add3A_7 = arith.constant 128 : i32
    %add3A_8 = arith.addi %mul3A_5, %add3A_7 : i32
    "tpu.region"() ({
      %run_scoped3A = tpu.sem_alloc : memref<!tpu.dma_semaphore, #tpu.memory_space<semaphore_mem>>
      %dma_start3A = arith.constant 0 : i32
      %dma_start3A_33 = tpu.memref_slice %arg12[%add3A_8, %dma_start3A] : memref<10240x128xf32, #tpu.memory_space<vmem_shared>> -> memref<128x128xf32, #tpu.memory_space<vmem_shared>>
      %dma_start3A_34 = arith.constant 0 : i32
      %dma_start3A_35 = tpu.memref_slice %arg12[%add3A_8, %dma_start3A_34] : memref<10240x128xf32, #tpu.memory_space<vmem_shared>> -> memref<128x128xf32, #tpu.memory_space<vmem_shared>>
      tpu.enqueue_dma source(%arg10 : memref<128x128xf32, #tpu.memory_space<vmem>>) target(%dma_start3A_35 : memref<128x128xf32, #tpu.memory_space<vmem_shared>>) target_semaphore(%run_scoped3A : memref<!tpu.dma_semaphore, #tpu.memory_space<semaphore_mem>>)
      %dma_wait3A = arith.constant 0 : i32
      %dma_wait3A_36 = tpu.memref_slice %arg12[%add3A_8, %dma_wait3A] : memref<10240x128xf32, #tpu.memory_space<vmem_shared>> -> memref<128x128xf32, #tpu.memory_space<vmem_shared>>
      %dma_wait3A_37 = arith.constant 0 : i32
      %dma_wait3A_38 = tpu.memref_slice %arg12[%add3A_8, %dma_wait3A_37] : memref<10240x128xf32, #tpu.memory_space<vmem_shared>> -> memref<128x128xf32, #tpu.memory_space<vmem_shared>>
      tpu.wait_dma2 semaphore(%run_scoped3A : memref<!tpu.dma_semaphore, #tpu.memory_space<semaphore_mem>>) src(%arg10 : memref<128x128xf32, #tpu.memory_space<vmem>>) dst(%dma_wait3A_38 : memref<128x128xf32, #tpu.memory_space<vmem_shared>>)
      tpu.yield
    }) : () -> ()
    %add3A_9 = arith.constant 256 : i32
    %add3A_10 = arith.addi %mul3A_5, %add3A_9 : i32
    "tpu.region"() ({
      %run_scoped3A = tpu.sem_alloc : memref<!tpu.dma_semaphore, #tpu.memory_space<semaphore_mem>>
      %dma_start3A = arith.constant 0 : i32
      %dma_start3A_33 = tpu.memref_slice %arg12[%add3A_10, %dma_start3A] : memref<10240x128xf32, #tpu.memory_space<vmem_shared>> -> memref<128x128xf32, #tpu.memory_space<vmem_shared>>
      %dma_start3A_34 = arith.constant 0 : i32
      %dma_start3A_35 = tpu.memref_slice %arg12[%add3A_10, %dma_start3A_34] : memref<10240x128xf32, #tpu.memory_space<vmem_shared>> -> memref<128x128xf32, #tpu.memory_space<vmem_shared>>
      tpu.enqueue_dma source(%arg10 : memref<128x128xf32, #tpu.memory_space<vmem>>) target(%dma_start3A_35 : memref<128x128xf32, #tpu.memory_space<vmem_shared>>) target_semaphore(%run_scoped3A : memref<!tpu.dma_semaphore, #tpu.memory_space<semaphore_mem>>)
      %dma_wait3A = arith.constant 0 : i32
      %dma_wait3A_36 = tpu.memref_slice %arg12[%add3A_10, %dma_wait3A] : memref<10240x128xf32, #tpu.memory_space<vmem_shared>> -> memref<128x128xf32, #tpu.memory_space<vmem_shared>>
      %dma_wait3A_37 = arith.constant 0 : i32
      %dma_wait3A_38 = tpu.memref_slice %arg12[%add3A_10, %dma_wait3A_37] : memref<10240x128xf32, #tpu.memory_space<vmem_shared>> -> memref<128x128xf32, #tpu.memory_space<vmem_shared>>
      tpu.wait_dma2 semaphore(%run_scoped3A : memref<!tpu.dma_semaphore, #tpu.memory_space<semaphore_mem>>) src(%arg10 : memref<128x128xf32, #tpu.memory_space<vmem>>) dst(%dma_wait3A_38 : memref<128x128xf32, #tpu.memory_space<vmem_shared>>)
      tpu.yield
    }) : () -> ()
    %add3A_11 = arith.constant 384 : i32
    %add3A_12 = arith.addi %mul3A_5, %add3A_11 : i32
    "tpu.region"() ({
      %run_scoped3A = tpu.sem_alloc : memref<!tpu.dma_semaphore, #tpu.memory_space<semaphore_mem>>
      %dma_start3A = arith.constant 0 : i32
      %dma_start3A_33 = tpu.memref_slice %arg12[%add3A_12, %dma_start3A] : memref<10240x128xf32, #tpu.memory_space<vmem_shared>> -> memref<128x128xf32, #tpu.memory_space<vmem_shared>>
      %dma_start3A_34 = arith.constant 0 : i32
      %dma_start3A_35 = tpu.memref_slice %arg12[%add3A_12, %dma_start3A_34] : memref<10240x128xf32, #tpu.memory_space<vmem_shared>> -> memref<128x128xf32, #tpu.memory_space<vmem_shared>>
      tpu.enqueue_dma source(%arg10 : memref<128x128xf32, #tpu.memory_space<vmem>>) target(%dma_start3A_35 : memref<128x128xf32, #tpu.memory_space<vmem_shared>>) target_semaphore(%run_scoped3A : memref<!tpu.dma_semaphore, #tpu.memory_space<semaphore_mem>>)
      %dma_wait3A = arith.constant 0 : i32
      %dma_wait3A_36 = tpu.memref_slice %arg12[%add3A_12, %dma_wait3A] : memref<10240x128xf32, #tpu.memory_space<vmem_shared>> -> memref<128x128xf32, #tpu.memory_space<vmem_shared>>
      %dma_wait3A_37 = arith.constant 0 : i32
      %dma_wait3A_38 = tpu.memref_slice %arg12[%add3A_12, %dma_wait3A_37] : memref<10240x128xf32, #tpu.memory_space<vmem_shared>> -> memref<128x128xf32, #tpu.memory_space<vmem_shared>>
      tpu.wait_dma2 semaphore(%run_scoped3A : memref<!tpu.dma_semaphore, #tpu.memory_space<semaphore_mem>>) src(%arg10 : memref<128x128xf32, #tpu.memory_space<vmem>>) dst(%dma_wait3A_38 : memref<128x128xf32, #tpu.memory_space<vmem_shared>>)
      tpu.yield
    }) : () -> ()
    %add3A_13 = arith.constant 512 : i32
    %add3A_14 = arith.addi %mul3A_5, %add3A_13 : i32
    "tpu.region"() ({
      %run_scoped3A = tpu.sem_alloc : memref<!tpu.dma_semaphore, #tpu.memory_space<semaphore_mem>>
      %dma_start3A = arith.constant 0 : i32
      %dma_start3A_33 = tpu.memref_slice %arg12[%add3A_14, %dma_start3A] : memref<10240x128xf32, #tpu.memory_space<vmem_shared>> -> memref<128x128xf32, #tpu.memory_space<vmem_shared>>
      %dma_start3A_34 = arith.constant 0 : i32
      %dma_start3A_35 = tpu.memref_slice %arg12[%add3A_14, %dma_start3A_34] : memref<10240x128xf32, #tpu.memory_space<vmem_shared>> -> memref<128x128xf32, #tpu.memory_space<vmem_shared>>
      tpu.enqueue_dma source(%arg10 : memref<128x128xf32, #tpu.memory_space<vmem>>) target(%dma_start3A_35 : memref<128x128xf32, #tpu.memory_space<vmem_shared>>) target_semaphore(%run_scoped3A : memref<!tpu.dma_semaphore, #tpu.memory_space<semaphore_mem>>)
      %dma_wait3A = arith.constant 0 : i32
      %dma_wait3A_36 = tpu.memref_slice %arg12[%add3A_14, %dma_wait3A] : memref<10240x128xf32, #tpu.memory_space<vmem_shared>> -> memref<128x128xf32, #tpu.memory_space<vmem_shared>>
      %dma_wait3A_37 = arith.constant 0 : i32
      %dma_wait3A_38 = tpu.memref_slice %arg12[%add3A_14, %dma_wait3A_37] : memref<10240x128xf32, #tpu.memory_space<vmem_shared>> -> memref<128x128xf32, #tpu.memory_space<vmem_shared>>
      tpu.wait_dma2 semaphore(%run_scoped3A : memref<!tpu.dma_semaphore, #tpu.memory_space<semaphore_mem>>) src(%arg10 : memref<128x128xf32, #tpu.memory_space<vmem>>) dst(%dma_wait3A_38 : memref<128x128xf32, #tpu.memory_space<vmem_shared>>)
      tpu.yield
    }) : () -> ()
    %barrier3A = arith.constant 0 : index
    tpu.barrier barrier_id(%barrier3A)
    %eq3A = arith.constant 0 : i32
    %eq3A_15 = arith.cmpi eq, %arg0, %eq3A : i32
    %convert_element_type3A = arith.extui %eq3A_15 : i1 to i32
    %cond3A = arith.constant 0 : i32
    %cond3A_16 = arith.cmpi ne, %convert_element_type3A, %cond3A : i32
    scf.if %cond3A_16 {
      %mul3A_33 = arith.constant 160 : i32
      %mul3A_34 = arith.muli %arg1, %mul3A_33 : i32
      %add3A_35 = arith.constant 0 : i32
      %add3A_36 = arith.addi %mul3A_34, %add3A_35 : i32
      "tpu.region"() ({
        %run_scoped3A = tpu.sem_alloc : memref<!tpu.dma_semaphore, #tpu.memory_space<semaphore_mem>>
        %dma_start3A_130 = arith.constant 0 : i32
        %dma_start3A_131 = tpu.memref_slice %arg4[%add3A_36, %dma_start3A_130] : memref<2560x128xi32, #tpu.memory_space<hbm>> -> memref<40x128xi32, #tpu.memory_space<hbm>>
        %dma_start3A_132 = arith.constant 0 : i32
        %dma_start3A_133 = tpu.memref_slice %arg4[%add3A_36, %dma_start3A_132] : memref<2560x128xi32, #tpu.memory_space<hbm>> -> memref<40x128xi32, #tpu.memory_space<hbm>>
        tpu.enqueue_dma source(%dma_start3A_133 : memref<40x128xi32, #tpu.memory_space<hbm>>) target(%arg8 : memref<40x128xi32, #tpu.memory_space<vmem>>) target_semaphore(%run_scoped3A : memref<!tpu.dma_semaphore, #tpu.memory_space<semaphore_mem>>)
        %dma_wait3A = arith.constant 0 : i32
        %dma_wait3A_134 = tpu.memref_slice %arg4[%add3A_36, %dma_wait3A] : memref<2560x128xi32, #tpu.memory_space<hbm>> -> memref<40x128xi32, #tpu.memory_space<hbm>>
        %dma_wait3A_135 = arith.constant 0 : i32
        %dma_wait3A_136 = tpu.memref_slice %arg4[%add3A_36, %dma_wait3A_135] : memref<2560x128xi32, #tpu.memory_space<hbm>> -> memref<40x128xi32, #tpu.memory_space<hbm>>
        tpu.wait_dma2 semaphore(%run_scoped3A : memref<!tpu.dma_semaphore, #tpu.memory_space<semaphore_mem>>) src(%dma_wait3A_136 : memref<40x128xi32, #tpu.memory_space<hbm>>) dst(%arg8 : memref<40x128xi32, #tpu.memory_space<vmem>>)
        tpu.yield
      }) : () -> ()
      %add3A_37 = arith.constant 0 : i32
      %add3A_38 = arith.addi %mul3A_34, %add3A_37 : i32
      "tpu.region"() ({
        %run_scoped3A = tpu.sem_alloc : memref<!tpu.dma_semaphore, #tpu.memory_space<semaphore_mem>>
        %dma_start3A_130 = arith.constant 0 : i32
        %dma_start3A_131 = tpu.memref_slice %arg5[%add3A_38, %dma_start3A_130] : memref<2560x128xi32, #tpu.memory_space<hbm>> -> memref<40x128xi32, #tpu.memory_space<hbm>>
        %dma_start3A_132 = arith.constant 0 : i32
        %dma_start3A_133 = tpu.memref_slice %arg5[%add3A_38, %dma_start3A_132] : memref<2560x128xi32, #tpu.memory_space<hbm>> -> memref<40x128xi32, #tpu.memory_space<hbm>>
        tpu.enqueue_dma source(%dma_start3A_133 : memref<40x128xi32, #tpu.memory_space<hbm>>) target(%arg9 : memref<40x128xi32, #tpu.memory_space<vmem>>) target_semaphore(%run_scoped3A : memref<!tpu.dma_semaphore, #tpu.memory_space<semaphore_mem>>)
        %dma_wait3A = arith.constant 0 : i32
        %dma_wait3A_134 = tpu.memref_slice %arg5[%add3A_38, %dma_wait3A] : memref<2560x128xi32, #tpu.memory_space<hbm>> -> memref<40x128xi32, #tpu.memory_space<hbm>>
        %dma_wait3A_135 = arith.constant 0 : i32
        %dma_wait3A_136 = tpu.memref_slice %arg5[%add3A_38, %dma_wait3A_135] : memref<2560x128xi32, #tpu.memory_space<hbm>> -> memref<40x128xi32, #tpu.memory_space<hbm>>
        tpu.wait_dma2 semaphore(%run_scoped3A : memref<!tpu.dma_semaphore, #tpu.memory_space<semaphore_mem>>) src(%dma_wait3A_136 : memref<40x128xi32, #tpu.memory_space<hbm>>) dst(%arg9 : memref<40x128xi32, #tpu.memory_space<vmem>>)
        tpu.yield
      }) : () -> ()
      %dma_start3A = arith.constant 0 : i32
      %dma_start3A_39 = arith.constant 0 : i32
      %dma_start3A_40 = tpu.memref_slice %arg8[%dma_start3A, %dma_start3A_39] : memref<40x128xi32, #tpu.memory_space<vmem>> -> memref<1x128xi32, #tpu.memory_space<vmem>>
      %dma_start3A_41 = tpu.memref_squeeze %dma_start3A_40 : memref<1x128xi32, #tpu.memory_space<vmem>> -> memref<128xi32, #tpu.memory_space<vmem>>
      %dma_start3A_42 = arith.constant 0 : i32
      %dma_start3A_43 = arith.constant 0 : i32
      %dma_start3A_44 = tpu.memref_slice %arg2[%dma_start3A_42, %dma_start3A_43] : memref<10240x128xf32, #tpu.memory_space<hbm>> -> memref<10240x128xf32, #tpu.memory_space<hbm>>
      tpu.enqueue_indirect_dma source(%dma_start3A_44 : memref<10240x128xf32, #tpu.memory_space<hbm>>) target(%arg10 : memref<128x128xf32, #tpu.memory_space<vmem>>) offsets(%dma_start3A_41 : memref<128xi32, #tpu.memory_space<vmem>>) semaphore(%arg13 : memref<!tpu.dma_semaphore, #tpu.memory_space<semaphore_mem>>)
      %dma_start3A_45 = arith.constant 1 : i32
      %dma_start3A_46 = arith.constant 0 : i32
      %dma_start3A_47 = tpu.memref_slice %arg8[%dma_start3A_45, %dma_start3A_46] : memref<40x128xi32, #tpu.memory_space<vmem>> -> memref<1x128xi32, #tpu.memory_space<vmem>>
      %dma_start3A_48 = tpu.memref_squeeze %dma_start3A_47 : memref<1x128xi32, #tpu.memory_space<vmem>> -> memref<128xi32, #tpu.memory_space<vmem>>
      %dma_start3A_49 = arith.constant 0 : i32
      %dma_start3A_50 = arith.constant 0 : i32
      %dma_start3A_51 = tpu.memref_slice %arg2[%dma_start3A_49, %dma_start3A_50] : memref<10240x128xf32, #tpu.memory_space<hbm>> -> memref<10240x128xf32, #tpu.memory_space<hbm>>
      tpu.enqueue_indirect_dma source(%dma_start3A_51 : memref<10240x128xf32, #tpu.memory_space<hbm>>) target(%arg11 : memref<128x128xf32, #tpu.memory_space<vmem>>) offsets(%dma_start3A_48 : memref<128xi32, #tpu.memory_space<vmem>>) semaphore(%arg14 : memref<!tpu.dma_semaphore, #tpu.memory_space<semaphore_mem>>)
      %scan3A_52 = arith.constant 0 : i32
      %scan3A_53 = arith.constant 0 : i32
      %scan3A_54 = arith.constant 20 : i32
      %scan3A_55 = arith.addi %scan3A_53, %scan3A_54 : i32
      %scan3A_56 = arith.constant 1 : i32
      scf.for %scan3A_130 = %scan3A_53 to %scan3A_55 step %scan3A_56  : i32 {
        %mul3A_131 = arith.constant 2 : i32
        %mul3A_132 = arith.muli %mul3A_131, %scan3A_130 : i32
        %dma_wait3A = arith.constant 0 : i32
        %dma_wait3A_133 = arith.constant 0 : i32
        %dma_wait3A_134 = tpu.memref_slice %arg8[%dma_wait3A, %dma_wait3A_133] : memref<40x128xi32, #tpu.memory_space<vmem>> -> memref<1x128xi32, #tpu.memory_space<vmem>>
        %dma_wait3A_135 = tpu.memref_squeeze %dma_wait3A_134 : memref<1x128xi32, #tpu.memory_space<vmem>> -> memref<128xi32, #tpu.memory_space<vmem>>
        %dma_wait3A_136 = arith.constant 0 : i32
        %dma_wait3A_137 = arith.constant 0 : i32
        %dma_wait3A_138 = tpu.memref_slice %arg2[%dma_wait3A_136, %dma_wait3A_137] : memref<10240x128xf32, #tpu.memory_space<hbm>> -> memref<10240x128xf32, #tpu.memory_space<hbm>>
        tpu.wait_indirect_dma semaphore(%arg13 : memref<!tpu.dma_semaphore, #tpu.memory_space<semaphore_mem>>) src(%dma_wait3A_138 : memref<10240x128xf32, #tpu.memory_space<hbm>>) dst(%arg10 : memref<128x128xf32, #tpu.memory_space<vmem>>)
        %add3A_139 = arith.constant 0 : i32
        %add3A_140 = arith.addi %mul3A_132, %add3A_139 : i32
        "tpu.region"() ({
          %run_scoped3A = tpu.sem_alloc : memref<!tpu.dma_semaphore, #tpu.memory_space<semaphore_mem>>
          %dma_start3A_167 = arith.constant 0 : i32
          %dma_start3A_168 = tpu.memref_slice %arg9[%add3A_140, %dma_start3A_167] : memref<40x128xi32, #tpu.memory_space<vmem>> -> memref<1x128xi32, #tpu.memory_space<vmem>>
          %dma_start3A_169 = tpu.memref_squeeze %dma_start3A_168 : memref<1x128xi32, #tpu.memory_space<vmem>> -> memref<128xi32, #tpu.memory_space<vmem>>
          %dma_start3A_170 = arith.constant 0 : i32
          %dma_start3A_171 = arith.constant 0 : i32
          %dma_start3A_172 = tpu.memref_slice %arg12[%dma_start3A_170, %dma_start3A_171] : memref<10240x128xf32, #tpu.memory_space<vmem_shared>> -> memref<10240x128xf32, #tpu.memory_space<vmem_shared>>
          tpu.enqueue_indirect_dma source(%arg10 : memref<128x128xf32, #tpu.memory_space<vmem>>) target(%dma_start3A_172 : memref<10240x128xf32, #tpu.memory_space<vmem_shared>>) offsets(%dma_start3A_169 : memref<128xi32, #tpu.memory_space<vmem>>) semaphore(%run_scoped3A : memref<!tpu.dma_semaphore, #tpu.memory_space<semaphore_mem>>) {add = true}
          %dma_wait3A_173 = arith.constant 0 : i32
          %dma_wait3A_174 = tpu.memref_slice %arg9[%add3A_140, %dma_wait3A_173] : memref<40x128xi32, #tpu.memory_space<vmem>> -> memref<1x128xi32, #tpu.memory_space<vmem>>
          %dma_wait3A_175 = tpu.memref_squeeze %dma_wait3A_174 : memref<1x128xi32, #tpu.memory_space<vmem>> -> memref<128xi32, #tpu.memory_space<vmem>>
          %dma_wait3A_176 = arith.constant 0 : i32
          %dma_wait3A_177 = arith.constant 0 : i32
          %dma_wait3A_178 = tpu.memref_slice %arg12[%dma_wait3A_176, %dma_wait3A_177] : memref<10240x128xf32, #tpu.memory_space<vmem_shared>> -> memref<10240x128xf32, #tpu.memory_space<vmem_shared>>
          tpu.wait_indirect_dma semaphore(%run_scoped3A : memref<!tpu.dma_semaphore, #tpu.memory_space<semaphore_mem>>) src(%arg10 : memref<128x128xf32, #tpu.memory_space<vmem>>) dst(%dma_wait3A_178 : memref<10240x128xf32, #tpu.memory_space<vmem_shared>>)
          tpu.yield
        }) : () -> ()
        %add3A_141 = arith.constant 0 : i32
        %add3A_142 = arith.addi %mul3A_132, %add3A_141 : i32
        %add3A_143 = arith.constant 2 : i32
        %add3A_144 = arith.addi %add3A_142, %add3A_143 : i32
        %lt3A = arith.constant 40 : i32
        %lt3A_145 = arith.cmpi slt, %add3A_144, %lt3A : i32
        %convert_element_type3A_146 = arith.extui %lt3A_145 : i1 to i32
        %cond3A_147 = arith.constant 0 : i32
        %cond3A_148 = arith.cmpi ne, %convert_element_type3A_146, %cond3A_147 : i32
        scf.if %cond3A_148 {
          %add3A_167 = arith.constant 0 : i32
          %add3A_168 = arith.addi %mul3A_132, %add3A_167 : i32
          %add3A_169 = arith.constant 2 : i32
          %add3A_170 = arith.addi %add3A_168, %add3A_169 : i32
          %dma_start3A_171 = arith.constant 0 : i32
          %dma_start3A_172 = tpu.memref_slice %arg8[%add3A_170, %dma_start3A_171] : memref<40x128xi32, #tpu.memory_space<vmem>> -> memref<1x128xi32, #tpu.memory_space<vmem>>
          %dma_start3A_173 = tpu.memref_squeeze %dma_start3A_172 : memref<1x128xi32, #tpu.memory_space<vmem>> -> memref<128xi32, #tpu.memory_space<vmem>>
          %dma_start3A_174 = arith.constant 0 : i32
          %dma_start3A_175 = arith.constant 0 : i32
          %dma_start3A_176 = tpu.memref_slice %arg2[%dma_start3A_174, %dma_start3A_175] : memref<10240x128xf32, #tpu.memory_space<hbm>> -> memref<10240x128xf32, #tpu.memory_space<hbm>>
          tpu.enqueue_indirect_dma source(%dma_start3A_176 : memref<10240x128xf32, #tpu.memory_space<hbm>>) target(%arg10 : memref<128x128xf32, #tpu.memory_space<vmem>>) offsets(%dma_start3A_173 : memref<128xi32, #tpu.memory_space<vmem>>) semaphore(%arg13 : memref<!tpu.dma_semaphore, #tpu.memory_space<semaphore_mem>>)
        } else {
        }
        %dma_wait3A_149 = arith.constant 0 : i32
        %dma_wait3A_150 = arith.constant 0 : i32
        %dma_wait3A_151 = tpu.memref_slice %arg8[%dma_wait3A_149, %dma_wait3A_150] : memref<40x128xi32, #tpu.memory_space<vmem>> -> memref<1x128xi32, #tpu.memory_space<vmem>>
        %dma_wait3A_152 = tpu.memref_squeeze %dma_wait3A_151 : memref<1x128xi32, #tpu.memory_space<vmem>> -> memref<128xi32, #tpu.memory_space<vmem>>
        %dma_wait3A_153 = arith.constant 0 : i32
        %dma_wait3A_154 = arith.constant 0 : i32
        %dma_wait3A_155 = tpu.memref_slice %arg2[%dma_wait3A_153, %dma_wait3A_154] : memref<10240x128xf32, #tpu.memory_space<hbm>> -> memref<10240x128xf32, #tpu.memory_space<hbm>>
        tpu.wait_indirect_dma semaphore(%arg14 : memref<!tpu.dma_semaphore, #tpu.memory_space<semaphore_mem>>) src(%dma_wait3A_155 : memref<10240x128xf32, #tpu.memory_space<hbm>>) dst(%arg11 : memref<128x128xf32, #tpu.memory_space<vmem>>)
        %add3A_156 = arith.constant 1 : i32
        %add3A_157 = arith.addi %mul3A_132, %add3A_156 : i32
        "tpu.region"() ({
          %run_scoped3A = tpu.sem_alloc : memref<!tpu.dma_semaphore, #tpu.memory_space<semaphore_mem>>
          %dma_start3A_167 = arith.constant 0 : i32
          %dma_start3A_168 = tpu.memref_slice %arg9[%add3A_157, %dma_start3A_167] : memref<40x128xi32, #tpu.memory_space<vmem>> -> memref<1x128xi32, #tpu.memory_space<vmem>>
          %dma_start3A_169 = tpu.memref_squeeze %dma_start3A_168 : memref<1x128xi32, #tpu.memory_space<vmem>> -> memref<128xi32, #tpu.memory_space<vmem>>
          %dma_start3A_170 = arith.constant 0 : i32
          %dma_start3A_171 = arith.constant 0 : i32
          %dma_start3A_172 = tpu.memref_slice %arg12[%dma_start3A_170, %dma_start3A_171] : memref<10240x128xf32, #tpu.memory_space<vmem_shared>> -> memref<10240x128xf32, #tpu.memory_space<vmem_shared>>
          tpu.enqueue_indirect_dma source(%arg11 : memref<128x128xf32, #tpu.memory_space<vmem>>) target(%dma_start3A_172 : memref<10240x128xf32, #tpu.memory_space<vmem_shared>>) offsets(%dma_start3A_169 : memref<128xi32, #tpu.memory_space<vmem>>) semaphore(%run_scoped3A : memref<!tpu.dma_semaphore, #tpu.memory_space<semaphore_mem>>) {add = true}
          %dma_wait3A_173 = arith.constant 0 : i32
          %dma_wait3A_174 = tpu.memref_slice %arg9[%add3A_157, %dma_wait3A_173] : memref<40x128xi32, #tpu.memory_space<vmem>> -> memref<1x128xi32, #tpu.memory_space<vmem>>
          %dma_wait3A_175 = tpu.memref_squeeze %dma_wait3A_174 : memref<1x128xi32, #tpu.memory_space<vmem>> -> memref<128xi32, #tpu.memory_space<vmem>>
          %dma_wait3A_176 = arith.constant 0 : i32
          %dma_wait3A_177 = arith.constant 0 : i32
          %dma_wait3A_178 = tpu.memref_slice %arg12[%dma_wait3A_176, %dma_wait3A_177] : memref<10240x128xf32, #tpu.memory_space<vmem_shared>> -> memref<10240x128xf32, #tpu.memory_space<vmem_shared>>
          tpu.wait_indirect_dma semaphore(%run_scoped3A : memref<!tpu.dma_semaphore, #tpu.memory_space<semaphore_mem>>) src(%arg11 : memref<128x128xf32, #tpu.memory_space<vmem>>) dst(%dma_wait3A_178 : memref<10240x128xf32, #tpu.memory_space<vmem_shared>>)
          tpu.yield
        }) : () -> ()
        %add3A_158 = arith.constant 1 : i32
        %add3A_159 = arith.addi %mul3A_132, %add3A_158 : i32
        %add3A_160 = arith.constant 2 : i32
        %add3A_161 = arith.addi %add3A_159, %add3A_160 : i32
        %lt3A_162 = arith.constant 40 : i32
        %lt3A_163 = arith.cmpi slt, %add3A_161, %lt3A_162 : i32
        %convert_element_type3A_164 = arith.extui %lt3A_163 : i1 to i32
        %cond3A_165 = arith.constant 0 : i32
        %cond3A_166 = arith.cmpi ne, %convert_element_type3A_164, %cond3A_165 : i32
        scf.if %cond3A_166 {
          %add3A_167 = arith.constant 1 : i32
          %add3A_168 = arith.addi %mul3A_132, %add3A_167 : i32
          %add3A_169 = arith.constant 2 : i32
          %add3A_170 = arith.addi %add3A_168, %add3A_169 : i32
          %dma_start3A_171 = arith.constant 0 : i32
          %dma_start3A_172 = tpu.memref_slice %arg8[%add3A_170, %dma_start3A_171] : memref<40x128xi32, #tpu.memory_space<vmem>> -> memref<1x128xi32, #tpu.memory_space<vmem>>
          %dma_start3A_173 = tpu.memref_squeeze %dma_start3A_172 : memref<1x128xi32, #tpu.memory_space<vmem>> -> memref<128xi32, #tpu.memory_space<vmem>>
          %dma_start3A_174 = arith.constant 0 : i32
          %dma_start3A_175 = arith.constant 0 : i32
          %dma_start3A_176 = tpu.memref_slice %arg2[%dma_start3A_174, %dma_start3A_175] : memref<10240x128xf32, #tpu.memory_space<hbm>> -> memref<10240x128xf32, #tpu.memory_space<hbm>>
          tpu.enqueue_indirect_dma source(%dma_start3A_176 : memref<10240x128xf32, #tpu.memory_space<hbm>>) target(%arg11 : memref<128x128xf32, #tpu.memory_space<vmem>>) offsets(%dma_start3A_173 : memref<128xi32, #tpu.memory_space<vmem>>) semaphore(%arg14 : memref<!tpu.dma_semaphore, #tpu.memory_space<semaphore_mem>>)
        } else {
        }
      }
      %scan3A_57 = arith.constant 20 : i32
      %add3A_58 = arith.constant 40 : i32
      %add3A_59 = arith.addi %mul3A_34, %add3A_58 : i32
      "tpu.region"() ({
        %run_scoped3A = tpu.sem_alloc : memref<!tpu.dma_semaphore, #tpu.memory_space<semaphore_mem>>
        %dma_start3A_130 = arith.constant 0 : i32
        %dma_start3A_131 = tpu.memref_slice %arg4[%add3A_59, %dma_start3A_130] : memref<2560x128xi32, #tpu.memory_space<hbm>> -> memref<40x128xi32, #tpu.memory_space<hbm>>
        %dma_start3A_132 = arith.constant 0 : i32
        %dma_start3A_133 = tpu.memref_slice %arg4[%add3A_59, %dma_start3A_132] : memref<2560x128xi32, #tpu.memory_space<hbm>> -> memref<40x128xi32, #tpu.memory_space<hbm>>
        tpu.enqueue_dma source(%dma_start3A_133 : memref<40x128xi32, #tpu.memory_space<hbm>>) target(%arg8 : memref<40x128xi32, #tpu.memory_space<vmem>>) target_semaphore(%run_scoped3A : memref<!tpu.dma_semaphore, #tpu.memory_space<semaphore_mem>>)
        %dma_wait3A = arith.constant 0 : i32
        %dma_wait3A_134 = tpu.memref_slice %arg4[%add3A_59, %dma_wait3A] : memref<2560x128xi32, #tpu.memory_space<hbm>> -> memref<40x128xi32, #tpu.memory_space<hbm>>
        %dma_wait3A_135 = arith.constant 0 : i32
        %dma_wait3A_136 = tpu.memref_slice %arg4[%add3A_59, %dma_wait3A_135] : memref<2560x128xi32, #tpu.memory_space<hbm>> -> memref<40x128xi32, #tpu.memory_space<hbm>>
        tpu.wait_dma2 semaphore(%run_scoped3A : memref<!tpu.dma_semaphore, #tpu.memory_space<semaphore_mem>>) src(%dma_wait3A_136 : memref<40x128xi32, #tpu.memory_space<hbm>>) dst(%arg8 : memref<40x128xi32, #tpu.memory_space<vmem>>)
        tpu.yield
      }) : () -> ()
      %add3A_60 = arith.constant 40 : i32
      %add3A_61 = arith.addi %mul3A_34, %add3A_60 : i32
      "tpu.region"() ({
        %run_scoped3A = tpu.sem_alloc : memref<!tpu.dma_semaphore, #tpu.memory_space<semaphore_mem>>
        %dma_start3A_130 = arith.constant 0 : i32
        %dma_start3A_131 = tpu.memref_slice %arg5[%add3A_61, %dma_start3A_130] : memref<2560x128xi32, #tpu.memory_space<hbm>> -> memref<40x128xi32, #tpu.memory_space<hbm>>
        %dma_start3A_132 = arith.constant 0 : i32
        %dma_start3A_133 = tpu.memref_slice %arg5[%add3A_61, %dma_start3A_132] : memref<2560x128xi32, #tpu.memory_space<hbm>> -> memref<40x128xi32, #tpu.memory_space<hbm>>
        tpu.enqueue_dma source(%dma_start3A_133 : memref<40x128xi32, #tpu.memory_space<hbm>>) target(%arg9 : memref<40x128xi32, #tpu.memory_space<vmem>>) target_semaphore(%run_scoped3A : memref<!tpu.dma_semaphore, #tpu.memory_space<semaphore_mem>>)
        %dma_wait3A = arith.constant 0 : i32
        %dma_wait3A_134 = tpu.memref_slice %arg5[%add3A_61, %dma_wait3A] : memref<2560x128xi32, #tpu.memory_space<hbm>> -> memref<40x128xi32, #tpu.memory_space<hbm>>
        %dma_wait3A_135 = arith.constant 0 : i32
        %dma_wait3A_136 = tpu.memref_slice %arg5[%add3A_61, %dma_wait3A_135] : memref<2560x128xi32, #tpu.memory_space<hbm>> -> memref<40x128xi32, #tpu.memory_space<hbm>>
        tpu.wait_dma2 semaphore(%run_scoped3A : memref<!tpu.dma_semaphore, #tpu.memory_space<semaphore_mem>>) src(%dma_wait3A_136 : memref<40x128xi32, #tpu.memory_space<hbm>>) dst(%arg9 : memref<40x128xi32, #tpu.memory_space<vmem>>)
        tpu.yield
      }) : () -> ()
      %dma_start3A_62 = arith.constant 0 : i32
      %dma_start3A_63 = arith.constant 0 : i32
      %dma_start3A_64 = tpu.memref_slice %arg8[%dma_start3A_62, %dma_start3A_63] : memref<40x128xi32, #tpu.memory_space<vmem>> -> memref<1x128xi32, #tpu.memory_space<vmem>>
      %dma_start3A_65 = tpu.memref_squeeze %dma_start3A_64 : memref<1x128xi32, #tpu.memory_space<vmem>> -> memref<128xi32, #tpu.memory_space<vmem>>
      %dma_start3A_66 = arith.constant 0 : i32
      %dma_start3A_67 = arith.constant 0 : i32
      %dma_start3A_68 = tpu.memref_slice %arg2[%dma_start3A_66, %dma_start3A_67] : memref<10240x128xf32, #tpu.memory_space<hbm>> -> memref<10240x128xf32, #tpu.memory_space<hbm>>
      tpu.enqueue_indirect_dma source(%dma_start3A_68 : memref<10240x128xf32, #tpu.memory_space<hbm>>) target(%arg10 : memref<128x128xf32, #tpu.memory_space<vmem>>) offsets(%dma_start3A_65 : memref<128xi32, #tpu.memory_space<vmem>>) semaphore(%arg13 : memref<!tpu.dma_semaphore, #tpu.memory_space<semaphore_mem>>)
      %dma_start3A_69 = arith.constant 1 : i32
      %dma_start3A_70 = arith.constant 0 : i32
      %dma_start3A_71 = tpu.memref_slice %arg8[%dma_start3A_69, %dma_start3A_70] : memref<40x128xi32, #tpu.memory_space<vmem>> -> memref<1x128xi32, #tpu.memory_space<vmem>>
      %dma_start3A_72 = tpu.memref_squeeze %dma_start3A_71 : memref<1x128xi32, #tpu.memory_space<vmem>> -> memref<128xi32, #tpu.memory_space<vmem>>
      %dma_start3A_73 = arith.constant 0 : i32
      %dma_start3A_74 = arith.constant 0 : i32
      %dma_start3A_75 = tpu.memref_slice %arg2[%dma_start3A_73, %dma_start3A_74] : memref<10240x128xf32, #tpu.memory_space<hbm>> -> memref<10240x128xf32, #tpu.memory_space<hbm>>
      tpu.enqueue_indirect_dma source(%dma_start3A_75 : memref<10240x128xf32, #tpu.memory_space<hbm>>) target(%arg11 : memref<128x128xf32, #tpu.memory_space<vmem>>) offsets(%dma_start3A_72 : memref<128xi32, #tpu.memory_space<vmem>>) semaphore(%arg14 : memref<!tpu.dma_semaphore, #tpu.memory_space<semaphore_mem>>)
      %scan3A_76 = arith.constant 0 : i32
      %scan3A_77 = arith.constant 0 : i32
      %scan3A_78 = arith.constant 20 : i32
      %scan3A_79 = arith.addi %scan3A_77, %scan3A_78 : i32
      %scan3A_80 = arith.constant 1 : i32
      scf.for %scan3A_130 = %scan3A_77 to %scan3A_79 step %scan3A_80  : i32 {
        %mul3A_131 = arith.constant 2 : i32
        %mul3A_132 = arith.muli %mul3A_131, %scan3A_130 : i32
        %dma_wait3A = arith.constant 0 : i32
        %dma_wait3A_133 = arith.constant 0 : i32
        %dma_wait3A_134 = tpu.memref_slice %arg8[%dma_wait3A, %dma_wait3A_133] : memref<40x128xi32, #tpu.memory_space<vmem>> -> memref<1x128xi32, #tpu.memory_space<vmem>>
        %dma_wait3A_135 = tpu.memref_squeeze %dma_wait3A_134 : memref<1x128xi32, #tpu.memory_space<vmem>> -> memref<128xi32, #tpu.memory_space<vmem>>
        %dma_wait3A_136 = arith.constant 0 : i32
        %dma_wait3A_137 = arith.constant 0 : i32
        %dma_wait3A_138 = tpu.memref_slice %arg2[%dma_wait3A_136, %dma_wait3A_137] : memref<10240x128xf32, #tpu.memory_space<hbm>> -> memref<10240x128xf32, #tpu.memory_space<hbm>>
        tpu.wait_indirect_dma semaphore(%arg13 : memref<!tpu.dma_semaphore, #tpu.memory_space<semaphore_mem>>) src(%dma_wait3A_138 : memref<10240x128xf32, #tpu.memory_space<hbm>>) dst(%arg10 : memref<128x128xf32, #tpu.memory_space<vmem>>)
        %add3A_139 = arith.constant 0 : i32
        %add3A_140 = arith.addi %mul3A_132, %add3A_139 : i32
        "tpu.region"() ({
          %run_scoped3A = tpu.sem_alloc : memref<!tpu.dma_semaphore, #tpu.memory_space<semaphore_mem>>
          %dma_start3A_167 = arith.constant 0 : i32
          %dma_start3A_168 = tpu.memref_slice %arg9[%add3A_140, %dma_start3A_167] : memref<40x128xi32, #tpu.memory_space<vmem>> -> memref<1x128xi32, #tpu.memory_space<vmem>>
          %dma_start3A_169 = tpu.memref_squeeze %dma_start3A_168 : memref<1x128xi32, #tpu.memory_space<vmem>> -> memref<128xi32, #tpu.memory_space<vmem>>
          %dma_start3A_170 = arith.constant 0 : i32
          %dma_start3A_171 = arith.constant 0 : i32
          %dma_start3A_172 = tpu.memref_slice %arg12[%dma_start3A_170, %dma_start3A_171] : memref<10240x128xf32, #tpu.memory_space<vmem_shared>> -> memref<10240x128xf32, #tpu.memory_space<vmem_shared>>
          tpu.enqueue_indirect_dma source(%arg10 : memref<128x128xf32, #tpu.memory_space<vmem>>) target(%dma_start3A_172 : memref<10240x128xf32, #tpu.memory_space<vmem_shared>>) offsets(%dma_start3A_169 : memref<128xi32, #tpu.memory_space<vmem>>) semaphore(%run_scoped3A : memref<!tpu.dma_semaphore, #tpu.memory_space<semaphore_mem>>) {add = true}
          %dma_wait3A_173 = arith.constant 0 : i32
          %dma_wait3A_174 = tpu.memref_slice %arg9[%add3A_140, %dma_wait3A_173] : memref<40x128xi32, #tpu.memory_space<vmem>> -> memref<1x128xi32, #tpu.memory_space<vmem>>
          %dma_wait3A_175 = tpu.memref_squeeze %dma_wait3A_174 : memref<1x128xi32, #tpu.memory_space<vmem>> -> memref<128xi32, #tpu.memory_space<vmem>>
          %dma_wait3A_176 = arith.constant 0 : i32
          %dma_wait3A_177 = arith.constant 0 : i32
          %dma_wait3A_178 = tpu.memref_slice %arg12[%dma_wait3A_176, %dma_wait3A_177] : memref<10240x128xf32, #tpu.memory_space<vmem_shared>> -> memref<10240x128xf32, #tpu.memory_space<vmem_shared>>
          tpu.wait_indirect_dma semaphore(%run_scoped3A : memref<!tpu.dma_semaphore, #tpu.memory_space<semaphore_mem>>) src(%arg10 : memref<128x128xf32, #tpu.memory_space<vmem>>) dst(%dma_wait3A_178 : memref<10240x128xf32, #tpu.memory_space<vmem_shared>>)
          tpu.yield
        }) : () -> ()
        %add3A_141 = arith.constant 0 : i32
        %add3A_142 = arith.addi %mul3A_132, %add3A_141 : i32
        %add3A_143 = arith.constant 2 : i32
        %add3A_144 = arith.addi %add3A_142, %add3A_143 : i32
        %lt3A = arith.constant 40 : i32
        %lt3A_145 = arith.cmpi slt, %add3A_144, %lt3A : i32
        %convert_element_type3A_146 = arith.extui %lt3A_145 : i1 to i32
        %cond3A_147 = arith.constant 0 : i32
        %cond3A_148 = arith.cmpi ne, %convert_element_type3A_146, %cond3A_147 : i32
        scf.if %cond3A_148 {
          %add3A_167 = arith.constant 0 : i32
          %add3A_168 = arith.addi %mul3A_132, %add3A_167 : i32
          %add3A_169 = arith.constant 2 : i32
          %add3A_170 = arith.addi %add3A_168, %add3A_169 : i32
          %dma_start3A_171 = arith.constant 0 : i32
          %dma_start3A_172 = tpu.memref_slice %arg8[%add3A_170, %dma_start3A_171] : memref<40x128xi32, #tpu.memory_space<vmem>> -> memref<1x128xi32, #tpu.memory_space<vmem>>
          %dma_start3A_173 = tpu.memref_squeeze %dma_start3A_172 : memref<1x128xi32, #tpu.memory_space<vmem>> -> memref<128xi32, #tpu.memory_space<vmem>>
          %dma_start3A_174 = arith.constant 0 : i32
          %dma_start3A_175 = arith.constant 0 : i32
          %dma_start3A_176 = tpu.memref_slice %arg2[%dma_start3A_174, %dma_start3A_175] : memref<10240x128xf32, #tpu.memory_space<hbm>> -> memref<10240x128xf32, #tpu.memory_space<hbm>>
          tpu.enqueue_indirect_dma source(%dma_start3A_176 : memref<10240x128xf32, #tpu.memory_space<hbm>>) target(%arg10 : memref<128x128xf32, #tpu.memory_space<vmem>>) offsets(%dma_start3A_173 : memref<128xi32, #tpu.memory_space<vmem>>) semaphore(%arg13 : memref<!tpu.dma_semaphore, #tpu.memory_space<semaphore_mem>>)
        } else {
        }
        %dma_wait3A_149 = arith.constant 0 : i32
        %dma_wait3A_150 = arith.constant 0 : i32
        %dma_wait3A_151 = tpu.memref_slice %arg8[%dma_wait3A_149, %dma_wait3A_150] : memref<40x128xi32, #tpu.memory_space<vmem>> -> memref<1x128xi32, #tpu.memory_space<vmem>>
        %dma_wait3A_152 = tpu.memref_squeeze %dma_wait3A_151 : memref<1x128xi32, #tpu.memory_space<vmem>> -> memref<128xi32, #tpu.memory_space<vmem>>
        %dma_wait3A_153 = arith.constant 0 : i32
        %dma_wait3A_154 = arith.constant 0 : i32
        %dma_wait3A_155 = tpu.memref_slice %arg2[%dma_wait3A_153, %dma_wait3A_154] : memref<10240x128xf32, #tpu.memory_space<hbm>> -> memref<10240x128xf32, #tpu.memory_space<hbm>>
        tpu.wait_indirect_dma semaphore(%arg14 : memref<!tpu.dma_semaphore, #tpu.memory_space<semaphore_mem>>) src(%dma_wait3A_155 : memref<10240x128xf32, #tpu.memory_space<hbm>>) dst(%arg11 : memref<128x128xf32, #tpu.memory_space<vmem>>)
        %add3A_156 = arith.constant 1 : i32
        %add3A_157 = arith.addi %mul3A_132, %add3A_156 : i32
        "tpu.region"() ({
          %run_scoped3A = tpu.sem_alloc : memref<!tpu.dma_semaphore, #tpu.memory_space<semaphore_mem>>
          %dma_start3A_167 = arith.constant 0 : i32
          %dma_start3A_168 = tpu.memref_slice %arg9[%add3A_157, %dma_start3A_167] : memref<40x128xi32, #tpu.memory_space<vmem>> -> memref<1x128xi32, #tpu.memory_space<vmem>>
          %dma_start3A_169 = tpu.memref_squeeze %dma_start3A_168 : memref<1x128xi32, #tpu.memory_space<vmem>> -> memref<128xi32, #tpu.memory_space<vmem>>
          %dma_start3A_170 = arith.constant 0 : i32
          %dma_start3A_171 = arith.constant 0 : i32
          %dma_start3A_172 = tpu.memref_slice %arg12[%dma_start3A_170, %dma_start3A_171] : memref<10240x128xf32, #tpu.memory_space<vmem_shared>> -> memref<10240x128xf32, #tpu.memory_space<vmem_shared>>
          tpu.enqueue_indirect_dma source(%arg11 : memref<128x128xf32, #tpu.memory_space<vmem>>) target(%dma_start3A_172 : memref<10240x128xf32, #tpu.memory_space<vmem_shared>>) offsets(%dma_start3A_169 : memref<128xi32, #tpu.memory_space<vmem>>) semaphore(%run_scoped3A : memref<!tpu.dma_semaphore, #tpu.memory_space<semaphore_mem>>) {add = true}
          %dma_wait3A_173 = arith.constant 0 : i32
          %dma_wait3A_174 = tpu.memref_slice %arg9[%add3A_157, %dma_wait3A_173] : memref<40x128xi32, #tpu.memory_space<vmem>> -> memref<1x128xi32, #tpu.memory_space<vmem>>
          %dma_wait3A_175 = tpu.memref_squeeze %dma_wait3A_174 : memref<1x128xi32, #tpu.memory_space<vmem>> -> memref<128xi32, #tpu.memory_space<vmem>>
          %dma_wait3A_176 = arith.constant 0 : i32
          %dma_wait3A_177 = arith.constant 0 : i32
          %dma_wait3A_178 = tpu.memref_slice %arg12[%dma_wait3A_176, %dma_wait3A_177] : memref<10240x128xf32, #tpu.memory_space<vmem_shared>> -> memref<10240x128xf32, #tpu.memory_space<vmem_shared>>
          tpu.wait_indirect_dma semaphore(%run_scoped3A : memref<!tpu.dma_semaphore, #tpu.memory_space<semaphore_mem>>) src(%arg11 : memref<128x128xf32, #tpu.memory_space<vmem>>) dst(%dma_wait3A_178 : memref<10240x128xf32, #tpu.memory_space<vmem_shared>>)
          tpu.yield
        }) : () -> ()
        %add3A_158 = arith.constant 1 : i32
        %add3A_159 = arith.addi %mul3A_132, %add3A_158 : i32
        %add3A_160 = arith.constant 2 : i32
        %add3A_161 = arith.addi %add3A_159, %add3A_160 : i32
        %lt3A_162 = arith.constant 40 : i32
        %lt3A_163 = arith.cmpi slt, %add3A_161, %lt3A_162 : i32
        %convert_element_type3A_164 = arith.extui %lt3A_163 : i1 to i32
        %cond3A_165 = arith.constant 0 : i32
        %cond3A_166 = arith.cmpi ne, %convert_element_type3A_164, %cond3A_165 : i32
        scf.if %cond3A_166 {
          %add3A_167 = arith.constant 1 : i32
          %add3A_168 = arith.addi %mul3A_132, %add3A_167 : i32
          %add3A_169 = arith.constant 2 : i32
          %add3A_170 = arith.addi %add3A_168, %add3A_169 : i32
          %dma_start3A_171 = arith.constant 0 : i32
          %dma_start3A_172 = tpu.memref_slice %arg8[%add3A_170, %dma_start3A_171] : memref<40x128xi32, #tpu.memory_space<vmem>> -> memref<1x128xi32, #tpu.memory_space<vmem>>
          %dma_start3A_173 = tpu.memref_squeeze %dma_start3A_172 : memref<1x128xi32, #tpu.memory_space<vmem>> -> memref<128xi32, #tpu.memory_space<vmem>>
          %dma_start3A_174 = arith.constant 0 : i32
          %dma_start3A_175 = arith.constant 0 : i32
          %dma_start3A_176 = tpu.memref_slice %arg2[%dma_start3A_174, %dma_start3A_175] : memref<10240x128xf32, #tpu.memory_space<hbm>> -> memref<10240x128xf32, #tpu.memory_space<hbm>>
          tpu.enqueue_indirect_dma source(%dma_start3A_176 : memref<10240x128xf32, #tpu.memory_space<hbm>>) target(%arg11 : memref<128x128xf32, #tpu.memory_space<vmem>>) offsets(%dma_start3A_173 : memref<128xi32, #tpu.memory_space<vmem>>) semaphore(%arg14 : memref<!tpu.dma_semaphore, #tpu.memory_space<semaphore_mem>>)
        } else {
        }
      }
      %scan3A_81 = arith.constant 20 : i32
      %add3A_82 = arith.constant 80 : i32
      %add3A_83 = arith.addi %mul3A_34, %add3A_82 : i32
      "tpu.region"() ({
        %run_scoped3A = tpu.sem_alloc : memref<!tpu.dma_semaphore, #tpu.memory_space<semaphore_mem>>
        %dma_start3A_130 = arith.constant 0 : i32
        %dma_start3A_131 = tpu.memref_slice %arg4[%add3A_83, %dma_start3A_130] : memref<2560x128xi32, #tpu.memory_space<hbm>> -> memref<40x128xi32, #tpu.memory_space<hbm>>
        %dma_start3A_132 = arith.constant 0 : i32
        %dma_start3A_133 = tpu.memref_slice %arg4[%add3A_83, %dma_start3A_132] : memref<2560x128xi32, #tpu.memory_space<hbm>> -> memref<40x128xi32, #tpu.memory_space<hbm>>
        tpu.enqueue_dma source(%dma_start3A_133 : memref<40x128xi32, #tpu.memory_space<hbm>>) target(%arg8 : memref<40x128xi32, #tpu.memory_space<vmem>>) target_semaphore(%run_scoped3A : memref<!tpu.dma_semaphore, #tpu.memory_space<semaphore_mem>>)
        %dma_wait3A = arith.constant 0 : i32
        %dma_wait3A_134 = tpu.memref_slice %arg4[%add3A_83, %dma_wait3A] : memref<2560x128xi32, #tpu.memory_space<hbm>> -> memref<40x128xi32, #tpu.memory_space<hbm>>
        %dma_wait3A_135 = arith.constant 0 : i32
        %dma_wait3A_136 = tpu.memref_slice %arg4[%add3A_83, %dma_wait3A_135] : memref<2560x128xi32, #tpu.memory_space<hbm>> -> memref<40x128xi32, #tpu.memory_space<hbm>>
        tpu.wait_dma2 semaphore(%run_scoped3A : memref<!tpu.dma_semaphore, #tpu.memory_space<semaphore_mem>>) src(%dma_wait3A_136 : memref<40x128xi32, #tpu.memory_space<hbm>>) dst(%arg8 : memref<40x128xi32, #tpu.memory_space<vmem>>)
        tpu.yield
      }) : () -> ()
      %add3A_84 = arith.constant 80 : i32
      %add3A_85 = arith.addi %mul3A_34, %add3A_84 : i32
      "tpu.region"() ({
        %run_scoped3A = tpu.sem_alloc : memref<!tpu.dma_semaphore, #tpu.memory_space<semaphore_mem>>
        %dma_start3A_130 = arith.constant 0 : i32
        %dma_start3A_131 = tpu.memref_slice %arg5[%add3A_85, %dma_start3A_130] : memref<2560x128xi32, #tpu.memory_space<hbm>> -> memref<40x128xi32, #tpu.memory_space<hbm>>
        %dma_start3A_132 = arith.constant 0 : i32
        %dma_start3A_133 = tpu.memref_slice %arg5[%add3A_85, %dma_start3A_132] : memref<2560x128xi32, #tpu.memory_space<hbm>> -> memref<40x128xi32, #tpu.memory_space<hbm>>
        tpu.enqueue_dma source(%dma_start3A_133 : memref<40x128xi32, #tpu.memory_space<hbm>>) target(%arg9 : memref<40x128xi32, #tpu.memory_space<vmem>>) target_semaphore(%run_scoped3A : memref<!tpu.dma_semaphore, #tpu.memory_space<semaphore_mem>>)
        %dma_wait3A = arith.constant 0 : i32
        %dma_wait3A_134 = tpu.memref_slice %arg5[%add3A_85, %dma_wait3A] : memref<2560x128xi32, #tpu.memory_space<hbm>> -> memref<40x128xi32, #tpu.memory_space<hbm>>
        %dma_wait3A_135 = arith.constant 0 : i32
        %dma_wait3A_136 = tpu.memref_slice %arg5[%add3A_85, %dma_wait3A_135] : memref<2560x128xi32, #tpu.memory_space<hbm>> -> memref<40x128xi32, #tpu.memory_space<hbm>>
        tpu.wait_dma2 semaphore(%run_scoped3A : memref<!tpu.dma_semaphore, #tpu.memory_space<semaphore_mem>>) src(%dma_wait3A_136 : memref<40x128xi32, #tpu.memory_space<hbm>>) dst(%arg9 : memref<40x128xi32, #tpu.memory_space<vmem>>)
        tpu.yield
      }) : () -> ()
      %dma_start3A_86 = arith.constant 0 : i32
      %dma_start3A_87 = arith.constant 0 : i32
      %dma_start3A_88 = tpu.memref_slice %arg8[%dma_start3A_86, %dma_start3A_87] : memref<40x128xi32, #tpu.memory_space<vmem>> -> memref<1x128xi32, #tpu.memory_space<vmem>>
      %dma_start3A_89 = tpu.memref_squeeze %dma_start3A_88 : memref<1x128xi32, #tpu.memory_space<vmem>> -> memref<128xi32, #tpu.memory_space<vmem>>
      %dma_start3A_90 = arith.constant 0 : i32
      %dma_start3A_91 = arith.constant 0 : i32
      %dma_start3A_92 = tpu.memref_slice %arg2[%dma_start3A_90, %dma_start3A_91] : memref<10240x128xf32, #tpu.memory_space<hbm>> -> memref<10240x128xf32, #tpu.memory_space<hbm>>
      tpu.enqueue_indirect_dma source(%dma_start3A_92 : memref<10240x128xf32, #tpu.memory_space<hbm>>) target(%arg10 : memref<128x128xf32, #tpu.memory_space<vmem>>) offsets(%dma_start3A_89 : memref<128xi32, #tpu.memory_space<vmem>>) semaphore(%arg13 : memref<!tpu.dma_semaphore, #tpu.memory_space<semaphore_mem>>)
      %dma_start3A_93 = arith.constant 1 : i32
      %dma_start3A_94 = arith.constant 0 : i32
      %dma_start3A_95 = tpu.memref_slice %arg8[%dma_start3A_93, %dma_start3A_94] : memref<40x128xi32, #tpu.memory_space<vmem>> -> memref<1x128xi32, #tpu.memory_space<vmem>>
      %dma_start3A_96 = tpu.memref_squeeze %dma_start3A_95 : memref<1x128xi32, #tpu.memory_space<vmem>> -> memref<128xi32, #tpu.memory_space<vmem>>
      %dma_start3A_97 = arith.constant 0 : i32
      %dma_start3A_98 = arith.constant 0 : i32
      %dma_start3A_99 = tpu.memref_slice %arg2[%dma_start3A_97, %dma_start3A_98] : memref<10240x128xf32, #tpu.memory_space<hbm>> -> memref<10240x128xf32, #tpu.memory_space<hbm>>
      tpu.enqueue_indirect_dma source(%dma_start3A_99 : memref<10240x128xf32, #tpu.memory_space<hbm>>) target(%arg11 : memref<128x128xf32, #tpu.memory_space<vmem>>) offsets(%dma_start3A_96 : memref<128xi32, #tpu.memory_space<vmem>>) semaphore(%arg14 : memref<!tpu.dma_semaphore, #tpu.memory_space<semaphore_mem>>)
      %scan3A_100 = arith.constant 0 : i32
      %scan3A_101 = arith.constant 0 : i32
      %scan3A_102 = arith.constant 20 : i32
      %scan3A_103 = arith.addi %scan3A_101, %scan3A_102 : i32
      %scan3A_104 = arith.constant 1 : i32
      scf.for %scan3A_130 = %scan3A_101 to %scan3A_103 step %scan3A_104  : i32 {
        %mul3A_131 = arith.constant 2 : i32
        %mul3A_132 = arith.muli %mul3A_131, %scan3A_130 : i32
        %dma_wait3A = arith.constant 0 : i32
        %dma_wait3A_133 = arith.constant 0 : i32
        %dma_wait3A_134 = tpu.memref_slice %arg8[%dma_wait3A, %dma_wait3A_133] : memref<40x128xi32, #tpu.memory_space<vmem>> -> memref<1x128xi32, #tpu.memory_space<vmem>>
        %dma_wait3A_135 = tpu.memref_squeeze %dma_wait3A_134 : memref<1x128xi32, #tpu.memory_space<vmem>> -> memref<128xi32, #tpu.memory_space<vmem>>
        %dma_wait3A_136 = arith.constant 0 : i32
        %dma_wait3A_137 = arith.constant 0 : i32
        %dma_wait3A_138 = tpu.memref_slice %arg2[%dma_wait3A_136, %dma_wait3A_137] : memref<10240x128xf32, #tpu.memory_space<hbm>> -> memref<10240x128xf32, #tpu.memory_space<hbm>>
        tpu.wait_indirect_dma semaphore(%arg13 : memref<!tpu.dma_semaphore, #tpu.memory_space<semaphore_mem>>) src(%dma_wait3A_138 : memref<10240x128xf32, #tpu.memory_space<hbm>>) dst(%arg10 : memref<128x128xf32, #tpu.memory_space<vmem>>)
        %add3A_139 = arith.constant 0 : i32
        %add3A_140 = arith.addi %mul3A_132, %add3A_139 : i32
        "tpu.region"() ({
          %run_scoped3A = tpu.sem_alloc : memref<!tpu.dma_semaphore, #tpu.memory_space<semaphore_mem>>
          %dma_start3A_167 = arith.constant 0 : i32
          %dma_start3A_168 = tpu.memref_slice %arg9[%add3A_140, %dma_start3A_167] : memref<40x128xi32, #tpu.memory_space<vmem>> -> memref<1x128xi32, #tpu.memory_space<vmem>>
          %dma_start3A_169 = tpu.memref_squeeze %dma_start3A_168 : memref<1x128xi32, #tpu.memory_space<vmem>> -> memref<128xi32, #tpu.memory_space<vmem>>
          %dma_start3A_170 = arith.constant 0 : i32
          %dma_start3A_171 = arith.constant 0 : i32
          %dma_start3A_172 = tpu.memref_slice %arg12[%dma_start3A_170, %dma_start3A_171] : memref<10240x128xf32, #tpu.memory_space<vmem_shared>> -> memref<10240x128xf32, #tpu.memory_space<vmem_shared>>
          tpu.enqueue_indirect_dma source(%arg10 : memref<128x128xf32, #tpu.memory_space<vmem>>) target(%dma_start3A_172 : memref<10240x128xf32, #tpu.memory_space<vmem_shared>>) offsets(%dma_start3A_169 : memref<128xi32, #tpu.memory_space<vmem>>) semaphore(%run_scoped3A : memref<!tpu.dma_semaphore, #tpu.memory_space<semaphore_mem>>) {add = true}
          %dma_wait3A_173 = arith.constant 0 : i32
          %dma_wait3A_174 = tpu.memref_slice %arg9[%add3A_140, %dma_wait3A_173] : memref<40x128xi32, #tpu.memory_space<vmem>> -> memref<1x128xi32, #tpu.memory_space<vmem>>
          %dma_wait3A_175 = tpu.memref_squeeze %dma_wait3A_174 : memref<1x128xi32, #tpu.memory_space<vmem>> -> memref<128xi32, #tpu.memory_space<vmem>>
          %dma_wait3A_176 = arith.constant 0 : i32
          %dma_wait3A_177 = arith.constant 0 : i32
          %dma_wait3A_178 = tpu.memref_slice %arg12[%dma_wait3A_176, %dma_wait3A_177] : memref<10240x128xf32, #tpu.memory_space<vmem_shared>> -> memref<10240x128xf32, #tpu.memory_space<vmem_shared>>
          tpu.wait_indirect_dma semaphore(%run_scoped3A : memref<!tpu.dma_semaphore, #tpu.memory_space<semaphore_mem>>) src(%arg10 : memref<128x128xf32, #tpu.memory_space<vmem>>) dst(%dma_wait3A_178 : memref<10240x128xf32, #tpu.memory_space<vmem_shared>>)
          tpu.yield
        }) : () -> ()
        %add3A_141 = arith.constant 0 : i32
        %add3A_142 = arith.addi %mul3A_132, %add3A_141 : i32
        %add3A_143 = arith.constant 2 : i32
        %add3A_144 = arith.addi %add3A_142, %add3A_143 : i32
        %lt3A = arith.constant 40 : i32
        %lt3A_145 = arith.cmpi slt, %add3A_144, %lt3A : i32
        %convert_element_type3A_146 = arith.extui %lt3A_145 : i1 to i32
        %cond3A_147 = arith.constant 0 : i32
        %cond3A_148 = arith.cmpi ne, %convert_element_type3A_146, %cond3A_147 : i32
        scf.if %cond3A_148 {
          %add3A_167 = arith.constant 0 : i32
          %add3A_168 = arith.addi %mul3A_132, %add3A_167 : i32
          %add3A_169 = arith.constant 2 : i32
          %add3A_170 = arith.addi %add3A_168, %add3A_169 : i32
          %dma_start3A_171 = arith.constant 0 : i32
          %dma_start3A_172 = tpu.memref_slice %arg8[%add3A_170, %dma_start3A_171] : memref<40x128xi32, #tpu.memory_space<vmem>> -> memref<1x128xi32, #tpu.memory_space<vmem>>
          %dma_start3A_173 = tpu.memref_squeeze %dma_start3A_172 : memref<1x128xi32, #tpu.memory_space<vmem>> -> memref<128xi32, #tpu.memory_space<vmem>>
          %dma_start3A_174 = arith.constant 0 : i32
          %dma_start3A_175 = arith.constant 0 : i32
          %dma_start3A_176 = tpu.memref_slice %arg2[%dma_start3A_174, %dma_start3A_175] : memref<10240x128xf32, #tpu.memory_space<hbm>> -> memref<10240x128xf32, #tpu.memory_space<hbm>>
          tpu.enqueue_indirect_dma source(%dma_start3A_176 : memref<10240x128xf32, #tpu.memory_space<hbm>>) target(%arg10 : memref<128x128xf32, #tpu.memory_space<vmem>>) offsets(%dma_start3A_173 : memref<128xi32, #tpu.memory_space<vmem>>) semaphore(%arg13 : memref<!tpu.dma_semaphore, #tpu.memory_space<semaphore_mem>>)
        } else {
        }
        %dma_wait3A_149 = arith.constant 0 : i32
        %dma_wait3A_150 = arith.constant 0 : i32
        %dma_wait3A_151 = tpu.memref_slice %arg8[%dma_wait3A_149, %dma_wait3A_150] : memref<40x128xi32, #tpu.memory_space<vmem>> -> memref<1x128xi32, #tpu.memory_space<vmem>>
        %dma_wait3A_152 = tpu.memref_squeeze %dma_wait3A_151 : memref<1x128xi32, #tpu.memory_space<vmem>> -> memref<128xi32, #tpu.memory_space<vmem>>
        %dma_wait3A_153 = arith.constant 0 : i32
        %dma_wait3A_154 = arith.constant 0 : i32
        %dma_wait3A_155 = tpu.memref_slice %arg2[%dma_wait3A_153, %dma_wait3A_154] : memref<10240x128xf32, #tpu.memory_space<hbm>> -> memref<10240x128xf32, #tpu.memory_space<hbm>>
        tpu.wait_indirect_dma semaphore(%arg14 : memref<!tpu.dma_semaphore, #tpu.memory_space<semaphore_mem>>) src(%dma_wait3A_155 : memref<10240x128xf32, #tpu.memory_space<hbm>>) dst(%arg11 : memref<128x128xf32, #tpu.memory_space<vmem>>)
        %add3A_156 = arith.constant 1 : i32
        %add3A_157 = arith.addi %mul3A_132, %add3A_156 : i32
        "tpu.region"() ({
          %run_scoped3A = tpu.sem_alloc : memref<!tpu.dma_semaphore, #tpu.memory_space<semaphore_mem>>
          %dma_start3A_167 = arith.constant 0 : i32
          %dma_start3A_168 = tpu.memref_slice %arg9[%add3A_157, %dma_start3A_167] : memref<40x128xi32, #tpu.memory_space<vmem>> -> memref<1x128xi32, #tpu.memory_space<vmem>>
          %dma_start3A_169 = tpu.memref_squeeze %dma_start3A_168 : memref<1x128xi32, #tpu.memory_space<vmem>> -> memref<128xi32, #tpu.memory_space<vmem>>
          %dma_start3A_170 = arith.constant 0 : i32
          %dma_start3A_171 = arith.constant 0 : i32
          %dma_start3A_172 = tpu.memref_slice %arg12[%dma_start3A_170, %dma_start3A_171] : memref<10240x128xf32, #tpu.memory_space<vmem_shared>> -> memref<10240x128xf32, #tpu.memory_space<vmem_shared>>
          tpu.enqueue_indirect_dma source(%arg11 : memref<128x128xf32, #tpu.memory_space<vmem>>) target(%dma_start3A_172 : memref<10240x128xf32, #tpu.memory_space<vmem_shared>>) offsets(%dma_start3A_169 : memref<128xi32, #tpu.memory_space<vmem>>) semaphore(%run_scoped3A : memref<!tpu.dma_semaphore, #tpu.memory_space<semaphore_mem>>) {add = true}
          %dma_wait3A_173 = arith.constant 0 : i32
          %dma_wait3A_174 = tpu.memref_slice %arg9[%add3A_157, %dma_wait3A_173] : memref<40x128xi32, #tpu.memory_space<vmem>> -> memref<1x128xi32, #tpu.memory_space<vmem>>
          %dma_wait3A_175 = tpu.memref_squeeze %dma_wait3A_174 : memref<1x128xi32, #tpu.memory_space<vmem>> -> memref<128xi32, #tpu.memory_space<vmem>>
          %dma_wait3A_176 = arith.constant 0 : i32
          %dma_wait3A_177 = arith.constant 0 : i32
          %dma_wait3A_178 = tpu.memref_slice %arg12[%dma_wait3A_176, %dma_wait3A_177] : memref<10240x128xf32, #tpu.memory_space<vmem_shared>> -> memref<10240x128xf32, #tpu.memory_space<vmem_shared>>
          tpu.wait_indirect_dma semaphore(%run_scoped3A : memref<!tpu.dma_semaphore, #tpu.memory_space<semaphore_mem>>) src(%arg11 : memref<128x128xf32, #tpu.memory_space<vmem>>) dst(%dma_wait3A_178 : memref<10240x128xf32, #tpu.memory_space<vmem_shared>>)
          tpu.yield
        }) : () -> ()
        %add3A_158 = arith.constant 1 : i32
        %add3A_159 = arith.addi %mul3A_132, %add3A_158 : i32
        %add3A_160 = arith.constant 2 : i32
        %add3A_161 = arith.addi %add3A_159, %add3A_160 : i32
        %lt3A_162 = arith.constant 40 : i32
        %lt3A_163 = arith.cmpi slt, %add3A_161, %lt3A_162 : i32
        %convert_element_type3A_164 = arith.extui %lt3A_163 : i1 to i32
        %cond3A_165 = arith.constant 0 : i32
        %cond3A_166 = arith.cmpi ne, %convert_element_type3A_164, %cond3A_165 : i32
        scf.if %cond3A_166 {
          %add3A_167 = arith.constant 1 : i32
          %add3A_168 = arith.addi %mul3A_132, %add3A_167 : i32
          %add3A_169 = arith.constant 2 : i32
          %add3A_170 = arith.addi %add3A_168, %add3A_169 : i32
          %dma_start3A_171 = arith.constant 0 : i32
          %dma_start3A_172 = tpu.memref_slice %arg8[%add3A_170, %dma_start3A_171] : memref<40x128xi32, #tpu.memory_space<vmem>> -> memref<1x128xi32, #tpu.memory_space<vmem>>
          %dma_start3A_173 = tpu.memref_squeeze %dma_start3A_172 : memref<1x128xi32, #tpu.memory_space<vmem>> -> memref<128xi32, #tpu.memory_space<vmem>>
          %dma_start3A_174 = arith.constant 0 : i32
          %dma_start3A_175 = arith.constant 0 : i32
          %dma_start3A_176 = tpu.memref_slice %arg2[%dma_start3A_174, %dma_start3A_175] : memref<10240x128xf32, #tpu.memory_space<hbm>> -> memref<10240x128xf32, #tpu.memory_space<hbm>>
          tpu.enqueue_indirect_dma source(%dma_start3A_176 : memref<10240x128xf32, #tpu.memory_space<hbm>>) target(%arg11 : memref<128x128xf32, #tpu.memory_space<vmem>>) offsets(%dma_start3A_173 : memref<128xi32, #tpu.memory_space<vmem>>) semaphore(%arg14 : memref<!tpu.dma_semaphore, #tpu.memory_space<semaphore_mem>>)
        } else {
        }
      }
      %scan3A_105 = arith.constant 20 : i32
      %add3A_106 = arith.constant 120 : i32
      %add3A_107 = arith.addi %mul3A_34, %add3A_106 : i32
      "tpu.region"() ({
        %run_scoped3A = tpu.sem_alloc : memref<!tpu.dma_semaphore, #tpu.memory_space<semaphore_mem>>
        %dma_start3A_130 = arith.constant 0 : i32
        %dma_start3A_131 = tpu.memref_slice %arg4[%add3A_107, %dma_start3A_130] : memref<2560x128xi32, #tpu.memory_space<hbm>> -> memref<40x128xi32, #tpu.memory_space<hbm>>
        %dma_start3A_132 = arith.constant 0 : i32
        %dma_start3A_133 = tpu.memref_slice %arg4[%add3A_107, %dma_start3A_132] : memref<2560x128xi32, #tpu.memory_space<hbm>> -> memref<40x128xi32, #tpu.memory_space<hbm>>
        tpu.enqueue_dma source(%dma_start3A_133 : memref<40x128xi32, #tpu.memory_space<hbm>>) target(%arg8 : memref<40x128xi32, #tpu.memory_space<vmem>>) target_semaphore(%run_scoped3A : memref<!tpu.dma_semaphore, #tpu.memory_space<semaphore_mem>>)
        %dma_wait3A = arith.constant 0 : i32
        %dma_wait3A_134 = tpu.memref_slice %arg4[%add3A_107, %dma_wait3A] : memref<2560x128xi32, #tpu.memory_space<hbm>> -> memref<40x128xi32, #tpu.memory_space<hbm>>
        %dma_wait3A_135 = arith.constant 0 : i32
        %dma_wait3A_136 = tpu.memref_slice %arg4[%add3A_107, %dma_wait3A_135] : memref<2560x128xi32, #tpu.memory_space<hbm>> -> memref<40x128xi32, #tpu.memory_space<hbm>>
        tpu.wait_dma2 semaphore(%run_scoped3A : memref<!tpu.dma_semaphore, #tpu.memory_space<semaphore_mem>>) src(%dma_wait3A_136 : memref<40x128xi32, #tpu.memory_space<hbm>>) dst(%arg8 : memref<40x128xi32, #tpu.memory_space<vmem>>)
        tpu.yield
      }) : () -> ()
      %add3A_108 = arith.constant 120 : i32
      %add3A_109 = arith.addi %mul3A_34, %add3A_108 : i32
      "tpu.region"() ({
        %run_scoped3A = tpu.sem_alloc : memref<!tpu.dma_semaphore, #tpu.memory_space<semaphore_mem>>
        %dma_start3A_130 = arith.constant 0 : i32
        %dma_start3A_131 = tpu.memref_slice %arg5[%add3A_109, %dma_start3A_130] : memref<2560x128xi32, #tpu.memory_space<hbm>> -> memref<40x128xi32, #tpu.memory_space<hbm>>
        %dma_start3A_132 = arith.constant 0 : i32
        %dma_start3A_133 = tpu.memref_slice %arg5[%add3A_109, %dma_start3A_132] : memref<2560x128xi32, #tpu.memory_space<hbm>> -> memref<40x128xi32, #tpu.memory_space<hbm>>
        tpu.enqueue_dma source(%dma_start3A_133 : memref<40x128xi32, #tpu.memory_space<hbm>>) target(%arg9 : memref<40x128xi32, #tpu.memory_space<vmem>>) target_semaphore(%run_scoped3A : memref<!tpu.dma_semaphore, #tpu.memory_space<semaphore_mem>>)
        %dma_wait3A = arith.constant 0 : i32
        %dma_wait3A_134 = tpu.memref_slice %arg5[%add3A_109, %dma_wait3A] : memref<2560x128xi32, #tpu.memory_space<hbm>> -> memref<40x128xi32, #tpu.memory_space<hbm>>
        %dma_wait3A_135 = arith.constant 0 : i32
        %dma_wait3A_136 = tpu.memref_slice %arg5[%add3A_109, %dma_wait3A_135] : memref<2560x128xi32, #tpu.memory_space<hbm>> -> memref<40x128xi32, #tpu.memory_space<hbm>>
        tpu.wait_dma2 semaphore(%run_scoped3A : memref<!tpu.dma_semaphore, #tpu.memory_space<semaphore_mem>>) src(%dma_wait3A_136 : memref<40x128xi32, #tpu.memory_space<hbm>>) dst(%arg9 : memref<40x128xi32, #tpu.memory_space<vmem>>)
        tpu.yield
      }) : () -> ()
      %dma_start3A_110 = arith.constant 0 : i32
      %dma_start3A_111 = arith.constant 0 : i32
      %dma_start3A_112 = tpu.memref_slice %arg8[%dma_start3A_110, %dma_start3A_111] : memref<40x128xi32, #tpu.memory_space<vmem>> -> memref<1x128xi32, #tpu.memory_space<vmem>>
      %dma_start3A_113 = tpu.memref_squeeze %dma_start3A_112 : memref<1x128xi32, #tpu.memory_space<vmem>> -> memref<128xi32, #tpu.memory_space<vmem>>
      %dma_start3A_114 = arith.constant 0 : i32
      %dma_start3A_115 = arith.constant 0 : i32
      %dma_start3A_116 = tpu.memref_slice %arg2[%dma_start3A_114, %dma_start3A_115] : memref<10240x128xf32, #tpu.memory_space<hbm>> -> memref<10240x128xf32, #tpu.memory_space<hbm>>
      tpu.enqueue_indirect_dma source(%dma_start3A_116 : memref<10240x128xf32, #tpu.memory_space<hbm>>) target(%arg10 : memref<128x128xf32, #tpu.memory_space<vmem>>) offsets(%dma_start3A_113 : memref<128xi32, #tpu.memory_space<vmem>>) semaphore(%arg13 : memref<!tpu.dma_semaphore, #tpu.memory_space<semaphore_mem>>)
      %dma_start3A_117 = arith.constant 1 : i32
      %dma_start3A_118 = arith.constant 0 : i32
      %dma_start3A_119 = tpu.memref_slice %arg8[%dma_start3A_117, %dma_start3A_118] : memref<40x128xi32, #tpu.memory_space<vmem>> -> memref<1x128xi32, #tpu.memory_space<vmem>>
      %dma_start3A_120 = tpu.memref_squeeze %dma_start3A_119 : memref<1x128xi32, #tpu.memory_space<vmem>> -> memref<128xi32, #tpu.memory_space<vmem>>
      %dma_start3A_121 = arith.constant 0 : i32
      %dma_start3A_122 = arith.constant 0 : i32
      %dma_start3A_123 = tpu.memref_slice %arg2[%dma_start3A_121, %dma_start3A_122] : memref<10240x128xf32, #tpu.memory_space<hbm>> -> memref<10240x128xf32, #tpu.memory_space<hbm>>
      tpu.enqueue_indirect_dma source(%dma_start3A_123 : memref<10240x128xf32, #tpu.memory_space<hbm>>) target(%arg11 : memref<128x128xf32, #tpu.memory_space<vmem>>) offsets(%dma_start3A_120 : memref<128xi32, #tpu.memory_space<vmem>>) semaphore(%arg14 : memref<!tpu.dma_semaphore, #tpu.memory_space<semaphore_mem>>)
      %scan3A_124 = arith.constant 0 : i32
      %scan3A_125 = arith.constant 0 : i32
      %scan3A_126 = arith.constant 20 : i32
      %scan3A_127 = arith.addi %scan3A_125, %scan3A_126 : i32
      %scan3A_128 = arith.constant 1 : i32
      scf.for %scan3A_130 = %scan3A_125 to %scan3A_127 step %scan3A_128  : i32 {
        %mul3A_131 = arith.constant 2 : i32
        %mul3A_132 = arith.muli %mul3A_131, %scan3A_130 : i32
        %dma_wait3A = arith.constant 0 : i32
        %dma_wait3A_133 = arith.constant 0 : i32
        %dma_wait3A_134 = tpu.memref_slice %arg8[%dma_wait3A, %dma_wait3A_133] : memref<40x128xi32, #tpu.memory_space<vmem>> -> memref<1x128xi32, #tpu.memory_space<vmem>>
        %dma_wait3A_135 = tpu.memref_squeeze %dma_wait3A_134 : memref<1x128xi32, #tpu.memory_space<vmem>> -> memref<128xi32, #tpu.memory_space<vmem>>
        %dma_wait3A_136 = arith.constant 0 : i32
        %dma_wait3A_137 = arith.constant 0 : i32
        %dma_wait3A_138 = tpu.memref_slice %arg2[%dma_wait3A_136, %dma_wait3A_137] : memref<10240x128xf32, #tpu.memory_space<hbm>> -> memref<10240x128xf32, #tpu.memory_space<hbm>>
        tpu.wait_indirect_dma semaphore(%arg13 : memref<!tpu.dma_semaphore, #tpu.memory_space<semaphore_mem>>) src(%dma_wait3A_138 : memref<10240x128xf32, #tpu.memory_space<hbm>>) dst(%arg10 : memref<128x128xf32, #tpu.memory_space<vmem>>)
        %add3A_139 = arith.constant 0 : i32
        %add3A_140 = arith.addi %mul3A_132, %add3A_139 : i32
        "tpu.region"() ({
          %run_scoped3A = tpu.sem_alloc : memref<!tpu.dma_semaphore, #tpu.memory_space<semaphore_mem>>
          %dma_start3A_167 = arith.constant 0 : i32
          %dma_start3A_168 = tpu.memref_slice %arg9[%add3A_140, %dma_start3A_167] : memref<40x128xi32, #tpu.memory_space<vmem>> -> memref<1x128xi32, #tpu.memory_space<vmem>>
          %dma_start3A_169 = tpu.memref_squeeze %dma_start3A_168 : memref<1x128xi32, #tpu.memory_space<vmem>> -> memref<128xi32, #tpu.memory_space<vmem>>
          %dma_start3A_170 = arith.constant 0 : i32
          %dma_start3A_171 = arith.constant 0 : i32
          %dma_start3A_172 = tpu.memref_slice %arg12[%dma_start3A_170, %dma_start3A_171] : memref<10240x128xf32, #tpu.memory_space<vmem_shared>> -> memref<10240x128xf32, #tpu.memory_space<vmem_shared>>
          tpu.enqueue_indirect_dma source(%arg10 : memref<128x128xf32, #tpu.memory_space<vmem>>) target(%dma_start3A_172 : memref<10240x128xf32, #tpu.memory_space<vmem_shared>>) offsets(%dma_start3A_169 : memref<128xi32, #tpu.memory_space<vmem>>) semaphore(%run_scoped3A : memref<!tpu.dma_semaphore, #tpu.memory_space<semaphore_mem>>) {add = true}
          %dma_wait3A_173 = arith.constant 0 : i32
          %dma_wait3A_174 = tpu.memref_slice %arg9[%add3A_140, %dma_wait3A_173] : memref<40x128xi32, #tpu.memory_space<vmem>> -> memref<1x128xi32, #tpu.memory_space<vmem>>
          %dma_wait3A_175 = tpu.memref_squeeze %dma_wait3A_174 : memref<1x128xi32, #tpu.memory_space<vmem>> -> memref<128xi32, #tpu.memory_space<vmem>>
          %dma_wait3A_176 = arith.constant 0 : i32
          %dma_wait3A_177 = arith.constant 0 : i32
          %dma_wait3A_178 = tpu.memref_slice %arg12[%dma_wait3A_176, %dma_wait3A_177] : memref<10240x128xf32, #tpu.memory_space<vmem_shared>> -> memref<10240x128xf32, #tpu.memory_space<vmem_shared>>
          tpu.wait_indirect_dma semaphore(%run_scoped3A : memref<!tpu.dma_semaphore, #tpu.memory_space<semaphore_mem>>) src(%arg10 : memref<128x128xf32, #tpu.memory_space<vmem>>) dst(%dma_wait3A_178 : memref<10240x128xf32, #tpu.memory_space<vmem_shared>>)
          tpu.yield
        }) : () -> ()
        %add3A_141 = arith.constant 0 : i32
        %add3A_142 = arith.addi %mul3A_132, %add3A_141 : i32
        %add3A_143 = arith.constant 2 : i32
        %add3A_144 = arith.addi %add3A_142, %add3A_143 : i32
        %lt3A = arith.constant 40 : i32
        %lt3A_145 = arith.cmpi slt, %add3A_144, %lt3A : i32
        %convert_element_type3A_146 = arith.extui %lt3A_145 : i1 to i32
        %cond3A_147 = arith.constant 0 : i32
        %cond3A_148 = arith.cmpi ne, %convert_element_type3A_146, %cond3A_147 : i32
        scf.if %cond3A_148 {
          %add3A_167 = arith.constant 0 : i32
          %add3A_168 = arith.addi %mul3A_132, %add3A_167 : i32
          %add3A_169 = arith.constant 2 : i32
          %add3A_170 = arith.addi %add3A_168, %add3A_169 : i32
          %dma_start3A_171 = arith.constant 0 : i32
          %dma_start3A_172 = tpu.memref_slice %arg8[%add3A_170, %dma_start3A_171] : memref<40x128xi32, #tpu.memory_space<vmem>> -> memref<1x128xi32, #tpu.memory_space<vmem>>
          %dma_start3A_173 = tpu.memref_squeeze %dma_start3A_172 : memref<1x128xi32, #tpu.memory_space<vmem>> -> memref<128xi32, #tpu.memory_space<vmem>>
          %dma_start3A_174 = arith.constant 0 : i32
          %dma_start3A_175 = arith.constant 0 : i32
          %dma_start3A_176 = tpu.memref_slice %arg2[%dma_start3A_174, %dma_start3A_175] : memref<10240x128xf32, #tpu.memory_space<hbm>> -> memref<10240x128xf32, #tpu.memory_space<hbm>>
          tpu.enqueue_indirect_dma source(%dma_start3A_176 : memref<10240x128xf32, #tpu.memory_space<hbm>>) target(%arg10 : memref<128x128xf32, #tpu.memory_space<vmem>>) offsets(%dma_start3A_173 : memref<128xi32, #tpu.memory_space<vmem>>) semaphore(%arg13 : memref<!tpu.dma_semaphore, #tpu.memory_space<semaphore_mem>>)
        } else {
        }
        %dma_wait3A_149 = arith.constant 0 : i32
        %dma_wait3A_150 = arith.constant 0 : i32
        %dma_wait3A_151 = tpu.memref_slice %arg8[%dma_wait3A_149, %dma_wait3A_150] : memref<40x128xi32, #tpu.memory_space<vmem>> -> memref<1x128xi32, #tpu.memory_space<vmem>>
        %dma_wait3A_152 = tpu.memref_squeeze %dma_wait3A_151 : memref<1x128xi32, #tpu.memory_space<vmem>> -> memref<128xi32, #tpu.memory_space<vmem>>
        %dma_wait3A_153 = arith.constant 0 : i32
        %dma_wait3A_154 = arith.constant 0 : i32
        %dma_wait3A_155 = tpu.memref_slice %arg2[%dma_wait3A_153, %dma_wait3A_154] : memref<10240x128xf32, #tpu.memory_space<hbm>> -> memref<10240x128xf32, #tpu.memory_space<hbm>>
        tpu.wait_indirect_dma semaphore(%arg14 : memref<!tpu.dma_semaphore, #tpu.memory_space<semaphore_mem>>) src(%dma_wait3A_155 : memref<10240x128xf32, #tpu.memory_space<hbm>>) dst(%arg11 : memref<128x128xf32, #tpu.memory_space<vmem>>)
        %add3A_156 = arith.constant 1 : i32
        %add3A_157 = arith.addi %mul3A_132, %add3A_156 : i32
        "tpu.region"() ({
          %run_scoped3A = tpu.sem_alloc : memref<!tpu.dma_semaphore, #tpu.memory_space<semaphore_mem>>
          %dma_start3A_167 = arith.constant 0 : i32
          %dma_start3A_168 = tpu.memref_slice %arg9[%add3A_157, %dma_start3A_167] : memref<40x128xi32, #tpu.memory_space<vmem>> -> memref<1x128xi32, #tpu.memory_space<vmem>>
          %dma_start3A_169 = tpu.memref_squeeze %dma_start3A_168 : memref<1x128xi32, #tpu.memory_space<vmem>> -> memref<128xi32, #tpu.memory_space<vmem>>
          %dma_start3A_170 = arith.constant 0 : i32
          %dma_start3A_171 = arith.constant 0 : i32
          %dma_start3A_172 = tpu.memref_slice %arg12[%dma_start3A_170, %dma_start3A_171] : memref<10240x128xf32, #tpu.memory_space<vmem_shared>> -> memref<10240x128xf32, #tpu.memory_space<vmem_shared>>
          tpu.enqueue_indirect_dma source(%arg11 : memref<128x128xf32, #tpu.memory_space<vmem>>) target(%dma_start3A_172 : memref<10240x128xf32, #tpu.memory_space<vmem_shared>>) offsets(%dma_start3A_169 : memref<128xi32, #tpu.memory_space<vmem>>) semaphore(%run_scoped3A : memref<!tpu.dma_semaphore, #tpu.memory_space<semaphore_mem>>) {add = true}
          %dma_wait3A_173 = arith.constant 0 : i32
          %dma_wait3A_174 = tpu.memref_slice %arg9[%add3A_157, %dma_wait3A_173] : memref<40x128xi32, #tpu.memory_space<vmem>> -> memref<1x128xi32, #tpu.memory_space<vmem>>
          %dma_wait3A_175 = tpu.memref_squeeze %dma_wait3A_174 : memref<1x128xi32, #tpu.memory_space<vmem>> -> memref<128xi32, #tpu.memory_space<vmem>>
          %dma_wait3A_176 = arith.constant 0 : i32
          %dma_wait3A_177 = arith.constant 0 : i32
          %dma_wait3A_178 = tpu.memref_slice %arg12[%dma_wait3A_176, %dma_wait3A_177] : memref<10240x128xf32, #tpu.memory_space<vmem_shared>> -> memref<10240x128xf32, #tpu.memory_space<vmem_shared>>
          tpu.wait_indirect_dma semaphore(%run_scoped3A : memref<!tpu.dma_semaphore, #tpu.memory_space<semaphore_mem>>) src(%arg11 : memref<128x128xf32, #tpu.memory_space<vmem>>) dst(%dma_wait3A_178 : memref<10240x128xf32, #tpu.memory_space<vmem_shared>>)
          tpu.yield
        }) : () -> ()
        %add3A_158 = arith.constant 1 : i32
        %add3A_159 = arith.addi %mul3A_132, %add3A_158 : i32
        %add3A_160 = arith.constant 2 : i32
        %add3A_161 = arith.addi %add3A_159, %add3A_160 : i32
        %lt3A_162 = arith.constant 40 : i32
        %lt3A_163 = arith.cmpi slt, %add3A_161, %lt3A_162 : i32
        %convert_element_type3A_164 = arith.extui %lt3A_163 : i1 to i32
        %cond3A_165 = arith.constant 0 : i32
        %cond3A_166 = arith.cmpi ne, %convert_element_type3A_164, %cond3A_165 : i32
        scf.if %cond3A_166 {
          %add3A_167 = arith.constant 1 : i32
          %add3A_168 = arith.addi %mul3A_132, %add3A_167 : i32
          %add3A_169 = arith.constant 2 : i32
          %add3A_170 = arith.addi %add3A_168, %add3A_169 : i32
          %dma_start3A_171 = arith.constant 0 : i32
          %dma_start3A_172 = tpu.memref_slice %arg8[%add3A_170, %dma_start3A_171] : memref<40x128xi32, #tpu.memory_space<vmem>> -> memref<1x128xi32, #tpu.memory_space<vmem>>
          %dma_start3A_173 = tpu.memref_squeeze %dma_start3A_172 : memref<1x128xi32, #tpu.memory_space<vmem>> -> memref<128xi32, #tpu.memory_space<vmem>>
          %dma_start3A_174 = arith.constant 0 : i32
          %dma_start3A_175 = arith.constant 0 : i32
          %dma_start3A_176 = tpu.memref_slice %arg2[%dma_start3A_174, %dma_start3A_175] : memref<10240x128xf32, #tpu.memory_space<hbm>> -> memref<10240x128xf32, #tpu.memory_space<hbm>>
          tpu.enqueue_indirect_dma source(%dma_start3A_176 : memref<10240x128xf32, #tpu.memory_space<hbm>>) target(%arg11 : memref<128x128xf32, #tpu.memory_space<vmem>>) offsets(%dma_start3A_173 : memref<128xi32, #tpu.memory_space<vmem>>) semaphore(%arg14 : memref<!tpu.dma_semaphore, #tpu.memory_space<semaphore_mem>>)
        } else {
        }
      }
      %scan3A_129 = arith.constant 20 : i32
    } else {
    }
    %eq3A_17 = arith.constant 1 : i32
    %eq3A_18 = arith.cmpi eq, %arg0, %eq3A_17 : i32
    %convert_element_type3A_19 = arith.extui %eq3A_18 : i1 to i32
    %cond3A_20 = arith.constant 0 : i32
    %cond3A_21 = arith.cmpi ne, %convert_element_type3A_19, %cond3A_20 : i32
    scf.if %cond3A_21 {
      %mul3A_33 = arith.constant 160 : i32
      %mul3A_34 = arith.muli %arg1, %mul3A_33 : i32
      %add3A_35 = arith.constant 0 : i32
      %add3A_36 = arith.addi %mul3A_34, %add3A_35 : i32
      "tpu.region"() ({
        %run_scoped3A = tpu.sem_alloc : memref<!tpu.dma_semaphore, #tpu.memory_space<semaphore_mem>>
        %dma_start3A_130 = arith.constant 0 : i32
        %dma_start3A_131 = tpu.memref_slice %arg4[%add3A_36, %dma_start3A_130] : memref<2560x128xi32, #tpu.memory_space<hbm>> -> memref<40x128xi32, #tpu.memory_space<hbm>>
        %dma_start3A_132 = arith.constant 0 : i32
        %dma_start3A_133 = tpu.memref_slice %arg4[%add3A_36, %dma_start3A_132] : memref<2560x128xi32, #tpu.memory_space<hbm>> -> memref<40x128xi32, #tpu.memory_space<hbm>>
        tpu.enqueue_dma source(%dma_start3A_133 : memref<40x128xi32, #tpu.memory_space<hbm>>) target(%arg8 : memref<40x128xi32, #tpu.memory_space<vmem>>) target_semaphore(%run_scoped3A : memref<!tpu.dma_semaphore, #tpu.memory_space<semaphore_mem>>)
        %dma_wait3A = arith.constant 0 : i32
        %dma_wait3A_134 = tpu.memref_slice %arg4[%add3A_36, %dma_wait3A] : memref<2560x128xi32, #tpu.memory_space<hbm>> -> memref<40x128xi32, #tpu.memory_space<hbm>>
        %dma_wait3A_135 = arith.constant 0 : i32
        %dma_wait3A_136 = tpu.memref_slice %arg4[%add3A_36, %dma_wait3A_135] : memref<2560x128xi32, #tpu.memory_space<hbm>> -> memref<40x128xi32, #tpu.memory_space<hbm>>
        tpu.wait_dma2 semaphore(%run_scoped3A : memref<!tpu.dma_semaphore, #tpu.memory_space<semaphore_mem>>) src(%dma_wait3A_136 : memref<40x128xi32, #tpu.memory_space<hbm>>) dst(%arg8 : memref<40x128xi32, #tpu.memory_space<vmem>>)
        tpu.yield
      }) : () -> ()
      %add3A_37 = arith.constant 0 : i32
      %add3A_38 = arith.addi %mul3A_34, %add3A_37 : i32
      "tpu.region"() ({
        %run_scoped3A = tpu.sem_alloc : memref<!tpu.dma_semaphore, #tpu.memory_space<semaphore_mem>>
        %dma_start3A_130 = arith.constant 0 : i32
        %dma_start3A_131 = tpu.memref_slice %arg5[%add3A_38, %dma_start3A_130] : memref<2560x128xi32, #tpu.memory_space<hbm>> -> memref<40x128xi32, #tpu.memory_space<hbm>>
        %dma_start3A_132 = arith.constant 0 : i32
        %dma_start3A_133 = tpu.memref_slice %arg5[%add3A_38, %dma_start3A_132] : memref<2560x128xi32, #tpu.memory_space<hbm>> -> memref<40x128xi32, #tpu.memory_space<hbm>>
        tpu.enqueue_dma source(%dma_start3A_133 : memref<40x128xi32, #tpu.memory_space<hbm>>) target(%arg9 : memref<40x128xi32, #tpu.memory_space<vmem>>) target_semaphore(%run_scoped3A : memref<!tpu.dma_semaphore, #tpu.memory_space<semaphore_mem>>)
        %dma_wait3A = arith.constant 0 : i32
        %dma_wait3A_134 = tpu.memref_slice %arg5[%add3A_38, %dma_wait3A] : memref<2560x128xi32, #tpu.memory_space<hbm>> -> memref<40x128xi32, #tpu.memory_space<hbm>>
        %dma_wait3A_135 = arith.constant 0 : i32
        %dma_wait3A_136 = tpu.memref_slice %arg5[%add3A_38, %dma_wait3A_135] : memref<2560x128xi32, #tpu.memory_space<hbm>> -> memref<40x128xi32, #tpu.memory_space<hbm>>
        tpu.wait_dma2 semaphore(%run_scoped3A : memref<!tpu.dma_semaphore, #tpu.memory_space<semaphore_mem>>) src(%dma_wait3A_136 : memref<40x128xi32, #tpu.memory_space<hbm>>) dst(%arg9 : memref<40x128xi32, #tpu.memory_space<vmem>>)
        tpu.yield
      }) : () -> ()
      %dma_start3A = arith.constant 0 : i32
      %dma_start3A_39 = arith.constant 0 : i32
      %dma_start3A_40 = tpu.memref_slice %arg8[%dma_start3A, %dma_start3A_39] : memref<40x128xi32, #tpu.memory_space<vmem>> -> memref<1x128xi32, #tpu.memory_space<vmem>>
      %dma_start3A_41 = tpu.memref_squeeze %dma_start3A_40 : memref<1x128xi32, #tpu.memory_space<vmem>> -> memref<128xi32, #tpu.memory_space<vmem>>
      %dma_start3A_42 = arith.constant 0 : i32
      %dma_start3A_43 = arith.constant 0 : i32
      %dma_start3A_44 = tpu.memref_slice %arg3[%dma_start3A_42, %dma_start3A_43] : memref<10240x128xf32, #tpu.memory_space<hbm>> -> memref<10240x128xf32, #tpu.memory_space<hbm>>
      tpu.enqueue_indirect_dma source(%dma_start3A_44 : memref<10240x128xf32, #tpu.memory_space<hbm>>) target(%arg10 : memref<128x128xf32, #tpu.memory_space<vmem>>) offsets(%dma_start3A_41 : memref<128xi32, #tpu.memory_space<vmem>>) semaphore(%arg13 : memref<!tpu.dma_semaphore, #tpu.memory_space<semaphore_mem>>)
      %dma_start3A_45 = arith.constant 1 : i32
      %dma_start3A_46 = arith.constant 0 : i32
      %dma_start3A_47 = tpu.memref_slice %arg8[%dma_start3A_45, %dma_start3A_46] : memref<40x128xi32, #tpu.memory_space<vmem>> -> memref<1x128xi32, #tpu.memory_space<vmem>>
      %dma_start3A_48 = tpu.memref_squeeze %dma_start3A_47 : memref<1x128xi32, #tpu.memory_space<vmem>> -> memref<128xi32, #tpu.memory_space<vmem>>
      %dma_start3A_49 = arith.constant 0 : i32
      %dma_start3A_50 = arith.constant 0 : i32
      %dma_start3A_51 = tpu.memref_slice %arg3[%dma_start3A_49, %dma_start3A_50] : memref<10240x128xf32, #tpu.memory_space<hbm>> -> memref<10240x128xf32, #tpu.memory_space<hbm>>
      tpu.enqueue_indirect_dma source(%dma_start3A_51 : memref<10240x128xf32, #tpu.memory_space<hbm>>) target(%arg11 : memref<128x128xf32, #tpu.memory_space<vmem>>) offsets(%dma_start3A_48 : memref<128xi32, #tpu.memory_space<vmem>>) semaphore(%arg14 : memref<!tpu.dma_semaphore, #tpu.memory_space<semaphore_mem>>)
      %scan3A_52 = arith.constant 0 : i32
      %scan3A_53 = arith.constant 0 : i32
      %scan3A_54 = arith.constant 20 : i32
      %scan3A_55 = arith.addi %scan3A_53, %scan3A_54 : i32
      %scan3A_56 = arith.constant 1 : i32
      scf.for %scan3A_130 = %scan3A_53 to %scan3A_55 step %scan3A_56  : i32 {
        %mul3A_131 = arith.constant 2 : i32
        %mul3A_132 = arith.muli %mul3A_131, %scan3A_130 : i32
        %dma_wait3A = arith.constant 0 : i32
        %dma_wait3A_133 = arith.constant 0 : i32
        %dma_wait3A_134 = tpu.memref_slice %arg8[%dma_wait3A, %dma_wait3A_133] : memref<40x128xi32, #tpu.memory_space<vmem>> -> memref<1x128xi32, #tpu.memory_space<vmem>>
        %dma_wait3A_135 = tpu.memref_squeeze %dma_wait3A_134 : memref<1x128xi32, #tpu.memory_space<vmem>> -> memref<128xi32, #tpu.memory_space<vmem>>
        %dma_wait3A_136 = arith.constant 0 : i32
        %dma_wait3A_137 = arith.constant 0 : i32
        %dma_wait3A_138 = tpu.memref_slice %arg3[%dma_wait3A_136, %dma_wait3A_137] : memref<10240x128xf32, #tpu.memory_space<hbm>> -> memref<10240x128xf32, #tpu.memory_space<hbm>>
        tpu.wait_indirect_dma semaphore(%arg13 : memref<!tpu.dma_semaphore, #tpu.memory_space<semaphore_mem>>) src(%dma_wait3A_138 : memref<10240x128xf32, #tpu.memory_space<hbm>>) dst(%arg10 : memref<128x128xf32, #tpu.memory_space<vmem>>)
        %add3A_139 = arith.constant 0 : i32
        %add3A_140 = arith.addi %mul3A_132, %add3A_139 : i32
        "tpu.region"() ({
          %run_scoped3A = tpu.sem_alloc : memref<!tpu.dma_semaphore, #tpu.memory_space<semaphore_mem>>
          %dma_start3A_167 = arith.constant 0 : i32
          %dma_start3A_168 = tpu.memref_slice %arg9[%add3A_140, %dma_start3A_167] : memref<40x128xi32, #tpu.memory_space<vmem>> -> memref<1x128xi32, #tpu.memory_space<vmem>>
          %dma_start3A_169 = tpu.memref_squeeze %dma_start3A_168 : memref<1x128xi32, #tpu.memory_space<vmem>> -> memref<128xi32, #tpu.memory_space<vmem>>
          %dma_start3A_170 = arith.constant 0 : i32
          %dma_start3A_171 = arith.constant 0 : i32
          %dma_start3A_172 = tpu.memref_slice %arg12[%dma_start3A_170, %dma_start3A_171] : memref<10240x128xf32, #tpu.memory_space<vmem_shared>> -> memref<10240x128xf32, #tpu.memory_space<vmem_shared>>
          tpu.enqueue_indirect_dma source(%arg10 : memref<128x128xf32, #tpu.memory_space<vmem>>) target(%dma_start3A_172 : memref<10240x128xf32, #tpu.memory_space<vmem_shared>>) offsets(%dma_start3A_169 : memref<128xi32, #tpu.memory_space<vmem>>) semaphore(%run_scoped3A : memref<!tpu.dma_semaphore, #tpu.memory_space<semaphore_mem>>) {add = true}
          %dma_wait3A_173 = arith.constant 0 : i32
          %dma_wait3A_174 = tpu.memref_slice %arg9[%add3A_140, %dma_wait3A_173] : memref<40x128xi32, #tpu.memory_space<vmem>> -> memref<1x128xi32, #tpu.memory_space<vmem>>
          %dma_wait3A_175 = tpu.memref_squeeze %dma_wait3A_174 : memref<1x128xi32, #tpu.memory_space<vmem>> -> memref<128xi32, #tpu.memory_space<vmem>>
          %dma_wait3A_176 = arith.constant 0 : i32
          %dma_wait3A_177 = arith.constant 0 : i32
          %dma_wait3A_178 = tpu.memref_slice %arg12[%dma_wait3A_176, %dma_wait3A_177] : memref<10240x128xf32, #tpu.memory_space<vmem_shared>> -> memref<10240x128xf32, #tpu.memory_space<vmem_shared>>
          tpu.wait_indirect_dma semaphore(%run_scoped3A : memref<!tpu.dma_semaphore, #tpu.memory_space<semaphore_mem>>) src(%arg10 : memref<128x128xf32, #tpu.memory_space<vmem>>) dst(%dma_wait3A_178 : memref<10240x128xf32, #tpu.memory_space<vmem_shared>>)
          tpu.yield
        }) : () -> ()
        %add3A_141 = arith.constant 0 : i32
        %add3A_142 = arith.addi %mul3A_132, %add3A_141 : i32
        %add3A_143 = arith.constant 2 : i32
        %add3A_144 = arith.addi %add3A_142, %add3A_143 : i32
        %lt3A = arith.constant 40 : i32
        %lt3A_145 = arith.cmpi slt, %add3A_144, %lt3A : i32
        %convert_element_type3A_146 = arith.extui %lt3A_145 : i1 to i32
        %cond3A_147 = arith.constant 0 : i32
        %cond3A_148 = arith.cmpi ne, %convert_element_type3A_146, %cond3A_147 : i32
        scf.if %cond3A_148 {
          %add3A_167 = arith.constant 0 : i32
          %add3A_168 = arith.addi %mul3A_132, %add3A_167 : i32
          %add3A_169 = arith.constant 2 : i32
          %add3A_170 = arith.addi %add3A_168, %add3A_169 : i32
          %dma_start3A_171 = arith.constant 0 : i32
          %dma_start3A_172 = tpu.memref_slice %arg8[%add3A_170, %dma_start3A_171] : memref<40x128xi32, #tpu.memory_space<vmem>> -> memref<1x128xi32, #tpu.memory_space<vmem>>
          %dma_start3A_173 = tpu.memref_squeeze %dma_start3A_172 : memref<1x128xi32, #tpu.memory_space<vmem>> -> memref<128xi32, #tpu.memory_space<vmem>>
          %dma_start3A_174 = arith.constant 0 : i32
          %dma_start3A_175 = arith.constant 0 : i32
          %dma_start3A_176 = tpu.memref_slice %arg3[%dma_start3A_174, %dma_start3A_175] : memref<10240x128xf32, #tpu.memory_space<hbm>> -> memref<10240x128xf32, #tpu.memory_space<hbm>>
          tpu.enqueue_indirect_dma source(%dma_start3A_176 : memref<10240x128xf32, #tpu.memory_space<hbm>>) target(%arg10 : memref<128x128xf32, #tpu.memory_space<vmem>>) offsets(%dma_start3A_173 : memref<128xi32, #tpu.memory_space<vmem>>) semaphore(%arg13 : memref<!tpu.dma_semaphore, #tpu.memory_space<semaphore_mem>>)
        } else {
        }
        %dma_wait3A_149 = arith.constant 0 : i32
        %dma_wait3A_150 = arith.constant 0 : i32
        %dma_wait3A_151 = tpu.memref_slice %arg8[%dma_wait3A_149, %dma_wait3A_150] : memref<40x128xi32, #tpu.memory_space<vmem>> -> memref<1x128xi32, #tpu.memory_space<vmem>>
        %dma_wait3A_152 = tpu.memref_squeeze %dma_wait3A_151 : memref<1x128xi32, #tpu.memory_space<vmem>> -> memref<128xi32, #tpu.memory_space<vmem>>
        %dma_wait3A_153 = arith.constant 0 : i32
        %dma_wait3A_154 = arith.constant 0 : i32
        %dma_wait3A_155 = tpu.memref_slice %arg3[%dma_wait3A_153, %dma_wait3A_154] : memref<10240x128xf32, #tpu.memory_space<hbm>> -> memref<10240x128xf32, #tpu.memory_space<hbm>>
        tpu.wait_indirect_dma semaphore(%arg14 : memref<!tpu.dma_semaphore, #tpu.memory_space<semaphore_mem>>) src(%dma_wait3A_155 : memref<10240x128xf32, #tpu.memory_space<hbm>>) dst(%arg11 : memref<128x128xf32, #tpu.memory_space<vmem>>)
        %add3A_156 = arith.constant 1 : i32
        %add3A_157 = arith.addi %mul3A_132, %add3A_156 : i32
        "tpu.region"() ({
          %run_scoped3A = tpu.sem_alloc : memref<!tpu.dma_semaphore, #tpu.memory_space<semaphore_mem>>
          %dma_start3A_167 = arith.constant 0 : i32
          %dma_start3A_168 = tpu.memref_slice %arg9[%add3A_157, %dma_start3A_167] : memref<40x128xi32, #tpu.memory_space<vmem>> -> memref<1x128xi32, #tpu.memory_space<vmem>>
          %dma_start3A_169 = tpu.memref_squeeze %dma_start3A_168 : memref<1x128xi32, #tpu.memory_space<vmem>> -> memref<128xi32, #tpu.memory_space<vmem>>
          %dma_start3A_170 = arith.constant 0 : i32
          %dma_start3A_171 = arith.constant 0 : i32
          %dma_start3A_172 = tpu.memref_slice %arg12[%dma_start3A_170, %dma_start3A_171] : memref<10240x128xf32, #tpu.memory_space<vmem_shared>> -> memref<10240x128xf32, #tpu.memory_space<vmem_shared>>
          tpu.enqueue_indirect_dma source(%arg11 : memref<128x128xf32, #tpu.memory_space<vmem>>) target(%dma_start3A_172 : memref<10240x128xf32, #tpu.memory_space<vmem_shared>>) offsets(%dma_start3A_169 : memref<128xi32, #tpu.memory_space<vmem>>) semaphore(%run_scoped3A : memref<!tpu.dma_semaphore, #tpu.memory_space<semaphore_mem>>) {add = true}
          %dma_wait3A_173 = arith.constant 0 : i32
          %dma_wait3A_174 = tpu.memref_slice %arg9[%add3A_157, %dma_wait3A_173] : memref<40x128xi32, #tpu.memory_space<vmem>> -> memref<1x128xi32, #tpu.memory_space<vmem>>
          %dma_wait3A_175 = tpu.memref_squeeze %dma_wait3A_174 : memref<1x128xi32, #tpu.memory_space<vmem>> -> memref<128xi32, #tpu.memory_space<vmem>>
          %dma_wait3A_176 = arith.constant 0 : i32
          %dma_wait3A_177 = arith.constant 0 : i32
          %dma_wait3A_178 = tpu.memref_slice %arg12[%dma_wait3A_176, %dma_wait3A_177] : memref<10240x128xf32, #tpu.memory_space<vmem_shared>> -> memref<10240x128xf32, #tpu.memory_space<vmem_shared>>
          tpu.wait_indirect_dma semaphore(%run_scoped3A : memref<!tpu.dma_semaphore, #tpu.memory_space<semaphore_mem>>) src(%arg11 : memref<128x128xf32, #tpu.memory_space<vmem>>) dst(%dma_wait3A_178 : memref<10240x128xf32, #tpu.memory_space<vmem_shared>>)
          tpu.yield
        }) : () -> ()
        %add3A_158 = arith.constant 1 : i32
        %add3A_159 = arith.addi %mul3A_132, %add3A_158 : i32
        %add3A_160 = arith.constant 2 : i32
        %add3A_161 = arith.addi %add3A_159, %add3A_160 : i32
        %lt3A_162 = arith.constant 40 : i32
        %lt3A_163 = arith.cmpi slt, %add3A_161, %lt3A_162 : i32
        %convert_element_type3A_164 = arith.extui %lt3A_163 : i1 to i32
        %cond3A_165 = arith.constant 0 : i32
        %cond3A_166 = arith.cmpi ne, %convert_element_type3A_164, %cond3A_165 : i32
        scf.if %cond3A_166 {
          %add3A_167 = arith.constant 1 : i32
          %add3A_168 = arith.addi %mul3A_132, %add3A_167 : i32
          %add3A_169 = arith.constant 2 : i32
          %add3A_170 = arith.addi %add3A_168, %add3A_169 : i32
          %dma_start3A_171 = arith.constant 0 : i32
          %dma_start3A_172 = tpu.memref_slice %arg8[%add3A_170, %dma_start3A_171] : memref<40x128xi32, #tpu.memory_space<vmem>> -> memref<1x128xi32, #tpu.memory_space<vmem>>
          %dma_start3A_173 = tpu.memref_squeeze %dma_start3A_172 : memref<1x128xi32, #tpu.memory_space<vmem>> -> memref<128xi32, #tpu.memory_space<vmem>>
          %dma_start3A_174 = arith.constant 0 : i32
          %dma_start3A_175 = arith.constant 0 : i32
          %dma_start3A_176 = tpu.memref_slice %arg3[%dma_start3A_174, %dma_start3A_175] : memref<10240x128xf32, #tpu.memory_space<hbm>> -> memref<10240x128xf32, #tpu.memory_space<hbm>>
          tpu.enqueue_indirect_dma source(%dma_start3A_176 : memref<10240x128xf32, #tpu.memory_space<hbm>>) target(%arg11 : memref<128x128xf32, #tpu.memory_space<vmem>>) offsets(%dma_start3A_173 : memref<128xi32, #tpu.memory_space<vmem>>) semaphore(%arg14 : memref<!tpu.dma_semaphore, #tpu.memory_space<semaphore_mem>>)
        } else {
        }
      }
      %scan3A_57 = arith.constant 20 : i32
      %add3A_58 = arith.constant 40 : i32
      %add3A_59 = arith.addi %mul3A_34, %add3A_58 : i32
      "tpu.region"() ({
        %run_scoped3A = tpu.sem_alloc : memref<!tpu.dma_semaphore, #tpu.memory_space<semaphore_mem>>
        %dma_start3A_130 = arith.constant 0 : i32
        %dma_start3A_131 = tpu.memref_slice %arg4[%add3A_59, %dma_start3A_130] : memref<2560x128xi32, #tpu.memory_space<hbm>> -> memref<40x128xi32, #tpu.memory_space<hbm>>
        %dma_start3A_132 = arith.constant 0 : i32
        %dma_start3A_133 = tpu.memref_slice %arg4[%add3A_59, %dma_start3A_132] : memref<2560x128xi32, #tpu.memory_space<hbm>> -> memref<40x128xi32, #tpu.memory_space<hbm>>
        tpu.enqueue_dma source(%dma_start3A_133 : memref<40x128xi32, #tpu.memory_space<hbm>>) target(%arg8 : memref<40x128xi32, #tpu.memory_space<vmem>>) target_semaphore(%run_scoped3A : memref<!tpu.dma_semaphore, #tpu.memory_space<semaphore_mem>>)
        %dma_wait3A = arith.constant 0 : i32
        %dma_wait3A_134 = tpu.memref_slice %arg4[%add3A_59, %dma_wait3A] : memref<2560x128xi32, #tpu.memory_space<hbm>> -> memref<40x128xi32, #tpu.memory_space<hbm>>
        %dma_wait3A_135 = arith.constant 0 : i32
        %dma_wait3A_136 = tpu.memref_slice %arg4[%add3A_59, %dma_wait3A_135] : memref<2560x128xi32, #tpu.memory_space<hbm>> -> memref<40x128xi32, #tpu.memory_space<hbm>>
        tpu.wait_dma2 semaphore(%run_scoped3A : memref<!tpu.dma_semaphore, #tpu.memory_space<semaphore_mem>>) src(%dma_wait3A_136 : memref<40x128xi32, #tpu.memory_space<hbm>>) dst(%arg8 : memref<40x128xi32, #tpu.memory_space<vmem>>)
        tpu.yield
      }) : () -> ()
      %add3A_60 = arith.constant 40 : i32
      %add3A_61 = arith.addi %mul3A_34, %add3A_60 : i32
      "tpu.region"() ({
        %run_scoped3A = tpu.sem_alloc : memref<!tpu.dma_semaphore, #tpu.memory_space<semaphore_mem>>
        %dma_start3A_130 = arith.constant 0 : i32
        %dma_start3A_131 = tpu.memref_slice %arg5[%add3A_61, %dma_start3A_130] : memref<2560x128xi32, #tpu.memory_space<hbm>> -> memref<40x128xi32, #tpu.memory_space<hbm>>
        %dma_start3A_132 = arith.constant 0 : i32
        %dma_start3A_133 = tpu.memref_slice %arg5[%add3A_61, %dma_start3A_132] : memref<2560x128xi32, #tpu.memory_space<hbm>> -> memref<40x128xi32, #tpu.memory_space<hbm>>
        tpu.enqueue_dma source(%dma_start3A_133 : memref<40x128xi32, #tpu.memory_space<hbm>>) target(%arg9 : memref<40x128xi32, #tpu.memory_space<vmem>>) target_semaphore(%run_scoped3A : memref<!tpu.dma_semaphore, #tpu.memory_space<semaphore_mem>>)
        %dma_wait3A = arith.constant 0 : i32
        %dma_wait3A_134 = tpu.memref_slice %arg5[%add3A_61, %dma_wait3A] : memref<2560x128xi32, #tpu.memory_space<hbm>> -> memref<40x128xi32, #tpu.memory_space<hbm>>
        %dma_wait3A_135 = arith.constant 0 : i32
        %dma_wait3A_136 = tpu.memref_slice %arg5[%add3A_61, %dma_wait3A_135] : memref<2560x128xi32, #tpu.memory_space<hbm>> -> memref<40x128xi32, #tpu.memory_space<hbm>>
        tpu.wait_dma2 semaphore(%run_scoped3A : memref<!tpu.dma_semaphore, #tpu.memory_space<semaphore_mem>>) src(%dma_wait3A_136 : memref<40x128xi32, #tpu.memory_space<hbm>>) dst(%arg9 : memref<40x128xi32, #tpu.memory_space<vmem>>)
        tpu.yield
      }) : () -> ()
      %dma_start3A_62 = arith.constant 0 : i32
      %dma_start3A_63 = arith.constant 0 : i32
      %dma_start3A_64 = tpu.memref_slice %arg8[%dma_start3A_62, %dma_start3A_63] : memref<40x128xi32, #tpu.memory_space<vmem>> -> memref<1x128xi32, #tpu.memory_space<vmem>>
      %dma_start3A_65 = tpu.memref_squeeze %dma_start3A_64 : memref<1x128xi32, #tpu.memory_space<vmem>> -> memref<128xi32, #tpu.memory_space<vmem>>
      %dma_start3A_66 = arith.constant 0 : i32
      %dma_start3A_67 = arith.constant 0 : i32
      %dma_start3A_68 = tpu.memref_slice %arg3[%dma_start3A_66, %dma_start3A_67] : memref<10240x128xf32, #tpu.memory_space<hbm>> -> memref<10240x128xf32, #tpu.memory_space<hbm>>
      tpu.enqueue_indirect_dma source(%dma_start3A_68 : memref<10240x128xf32, #tpu.memory_space<hbm>>) target(%arg10 : memref<128x128xf32, #tpu.memory_space<vmem>>) offsets(%dma_start3A_65 : memref<128xi32, #tpu.memory_space<vmem>>) semaphore(%arg13 : memref<!tpu.dma_semaphore, #tpu.memory_space<semaphore_mem>>)
      %dma_start3A_69 = arith.constant 1 : i32
      %dma_start3A_70 = arith.constant 0 : i32
      %dma_start3A_71 = tpu.memref_slice %arg8[%dma_start3A_69, %dma_start3A_70] : memref<40x128xi32, #tpu.memory_space<vmem>> -> memref<1x128xi32, #tpu.memory_space<vmem>>
      %dma_start3A_72 = tpu.memref_squeeze %dma_start3A_71 : memref<1x128xi32, #tpu.memory_space<vmem>> -> memref<128xi32, #tpu.memory_space<vmem>>
      %dma_start3A_73 = arith.constant 0 : i32
      %dma_start3A_74 = arith.constant 0 : i32
      %dma_start3A_75 = tpu.memref_slice %arg3[%dma_start3A_73, %dma_start3A_74] : memref<10240x128xf32, #tpu.memory_space<hbm>> -> memref<10240x128xf32, #tpu.memory_space<hbm>>
      tpu.enqueue_indirect_dma source(%dma_start3A_75 : memref<10240x128xf32, #tpu.memory_space<hbm>>) target(%arg11 : memref<128x128xf32, #tpu.memory_space<vmem>>) offsets(%dma_start3A_72 : memref<128xi32, #tpu.memory_space<vmem>>) semaphore(%arg14 : memref<!tpu.dma_semaphore, #tpu.memory_space<semaphore_mem>>)
      %scan3A_76 = arith.constant 0 : i32
      %scan3A_77 = arith.constant 0 : i32
      %scan3A_78 = arith.constant 20 : i32
      %scan3A_79 = arith.addi %scan3A_77, %scan3A_78 : i32
      %scan3A_80 = arith.constant 1 : i32
      scf.for %scan3A_130 = %scan3A_77 to %scan3A_79 step %scan3A_80  : i32 {
        %mul3A_131 = arith.constant 2 : i32
        %mul3A_132 = arith.muli %mul3A_131, %scan3A_130 : i32
        %dma_wait3A = arith.constant 0 : i32
        %dma_wait3A_133 = arith.constant 0 : i32
        %dma_wait3A_134 = tpu.memref_slice %arg8[%dma_wait3A, %dma_wait3A_133] : memref<40x128xi32, #tpu.memory_space<vmem>> -> memref<1x128xi32, #tpu.memory_space<vmem>>
        %dma_wait3A_135 = tpu.memref_squeeze %dma_wait3A_134 : memref<1x128xi32, #tpu.memory_space<vmem>> -> memref<128xi32, #tpu.memory_space<vmem>>
        %dma_wait3A_136 = arith.constant 0 : i32
        %dma_wait3A_137 = arith.constant 0 : i32
        %dma_wait3A_138 = tpu.memref_slice %arg3[%dma_wait3A_136, %dma_wait3A_137] : memref<10240x128xf32, #tpu.memory_space<hbm>> -> memref<10240x128xf32, #tpu.memory_space<hbm>>
        tpu.wait_indirect_dma semaphore(%arg13 : memref<!tpu.dma_semaphore, #tpu.memory_space<semaphore_mem>>) src(%dma_wait3A_138 : memref<10240x128xf32, #tpu.memory_space<hbm>>) dst(%arg10 : memref<128x128xf32, #tpu.memory_space<vmem>>)
        %add3A_139 = arith.constant 0 : i32
        %add3A_140 = arith.addi %mul3A_132, %add3A_139 : i32
        "tpu.region"() ({
          %run_scoped3A = tpu.sem_alloc : memref<!tpu.dma_semaphore, #tpu.memory_space<semaphore_mem>>
          %dma_start3A_167 = arith.constant 0 : i32
          %dma_start3A_168 = tpu.memref_slice %arg9[%add3A_140, %dma_start3A_167] : memref<40x128xi32, #tpu.memory_space<vmem>> -> memref<1x128xi32, #tpu.memory_space<vmem>>
          %dma_start3A_169 = tpu.memref_squeeze %dma_start3A_168 : memref<1x128xi32, #tpu.memory_space<vmem>> -> memref<128xi32, #tpu.memory_space<vmem>>
          %dma_start3A_170 = arith.constant 0 : i32
          %dma_start3A_171 = arith.constant 0 : i32
          %dma_start3A_172 = tpu.memref_slice %arg12[%dma_start3A_170, %dma_start3A_171] : memref<10240x128xf32, #tpu.memory_space<vmem_shared>> -> memref<10240x128xf32, #tpu.memory_space<vmem_shared>>
          tpu.enqueue_indirect_dma source(%arg10 : memref<128x128xf32, #tpu.memory_space<vmem>>) target(%dma_start3A_172 : memref<10240x128xf32, #tpu.memory_space<vmem_shared>>) offsets(%dma_start3A_169 : memref<128xi32, #tpu.memory_space<vmem>>) semaphore(%run_scoped3A : memref<!tpu.dma_semaphore, #tpu.memory_space<semaphore_mem>>) {add = true}
          %dma_wait3A_173 = arith.constant 0 : i32
          %dma_wait3A_174 = tpu.memref_slice %arg9[%add3A_140, %dma_wait3A_173] : memref<40x128xi32, #tpu.memory_space<vmem>> -> memref<1x128xi32, #tpu.memory_space<vmem>>
          %dma_wait3A_175 = tpu.memref_squeeze %dma_wait3A_174 : memref<1x128xi32, #tpu.memory_space<vmem>> -> memref<128xi32, #tpu.memory_space<vmem>>
          %dma_wait3A_176 = arith.constant 0 : i32
          %dma_wait3A_177 = arith.constant 0 : i32
          %dma_wait3A_178 = tpu.memref_slice %arg12[%dma_wait3A_176, %dma_wait3A_177] : memref<10240x128xf32, #tpu.memory_space<vmem_shared>> -> memref<10240x128xf32, #tpu.memory_space<vmem_shared>>
          tpu.wait_indirect_dma semaphore(%run_scoped3A : memref<!tpu.dma_semaphore, #tpu.memory_space<semaphore_mem>>) src(%arg10 : memref<128x128xf32, #tpu.memory_space<vmem>>) dst(%dma_wait3A_178 : memref<10240x128xf32, #tpu.memory_space<vmem_shared>>)
          tpu.yield
        }) : () -> ()
        %add3A_141 = arith.constant 0 : i32
        %add3A_142 = arith.addi %mul3A_132, %add3A_141 : i32
        %add3A_143 = arith.constant 2 : i32
        %add3A_144 = arith.addi %add3A_142, %add3A_143 : i32
        %lt3A = arith.constant 40 : i32
        %lt3A_145 = arith.cmpi slt, %add3A_144, %lt3A : i32
        %convert_element_type3A_146 = arith.extui %lt3A_145 : i1 to i32
        %cond3A_147 = arith.constant 0 : i32
        %cond3A_148 = arith.cmpi ne, %convert_element_type3A_146, %cond3A_147 : i32
        scf.if %cond3A_148 {
          %add3A_167 = arith.constant 0 : i32
          %add3A_168 = arith.addi %mul3A_132, %add3A_167 : i32
          %add3A_169 = arith.constant 2 : i32
          %add3A_170 = arith.addi %add3A_168, %add3A_169 : i32
          %dma_start3A_171 = arith.constant 0 : i32
          %dma_start3A_172 = tpu.memref_slice %arg8[%add3A_170, %dma_start3A_171] : memref<40x128xi32, #tpu.memory_space<vmem>> -> memref<1x128xi32, #tpu.memory_space<vmem>>
          %dma_start3A_173 = tpu.memref_squeeze %dma_start3A_172 : memref<1x128xi32, #tpu.memory_space<vmem>> -> memref<128xi32, #tpu.memory_space<vmem>>
          %dma_start3A_174 = arith.constant 0 : i32
          %dma_start3A_175 = arith.constant 0 : i32
          %dma_start3A_176 = tpu.memref_slice %arg3[%dma_start3A_174, %dma_start3A_175] : memref<10240x128xf32, #tpu.memory_space<hbm>> -> memref<10240x128xf32, #tpu.memory_space<hbm>>
          tpu.enqueue_indirect_dma source(%dma_start3A_176 : memref<10240x128xf32, #tpu.memory_space<hbm>>) target(%arg10 : memref<128x128xf32, #tpu.memory_space<vmem>>) offsets(%dma_start3A_173 : memref<128xi32, #tpu.memory_space<vmem>>) semaphore(%arg13 : memref<!tpu.dma_semaphore, #tpu.memory_space<semaphore_mem>>)
        } else {
        }
        %dma_wait3A_149 = arith.constant 0 : i32
        %dma_wait3A_150 = arith.constant 0 : i32
        %dma_wait3A_151 = tpu.memref_slice %arg8[%dma_wait3A_149, %dma_wait3A_150] : memref<40x128xi32, #tpu.memory_space<vmem>> -> memref<1x128xi32, #tpu.memory_space<vmem>>
        %dma_wait3A_152 = tpu.memref_squeeze %dma_wait3A_151 : memref<1x128xi32, #tpu.memory_space<vmem>> -> memref<128xi32, #tpu.memory_space<vmem>>
        %dma_wait3A_153 = arith.constant 0 : i32
        %dma_wait3A_154 = arith.constant 0 : i32
        %dma_wait3A_155 = tpu.memref_slice %arg3[%dma_wait3A_153, %dma_wait3A_154] : memref<10240x128xf32, #tpu.memory_space<hbm>> -> memref<10240x128xf32, #tpu.memory_space<hbm>>
        tpu.wait_indirect_dma semaphore(%arg14 : memref<!tpu.dma_semaphore, #tpu.memory_space<semaphore_mem>>) src(%dma_wait3A_155 : memref<10240x128xf32, #tpu.memory_space<hbm>>) dst(%arg11 : memref<128x128xf32, #tpu.memory_space<vmem>>)
        %add3A_156 = arith.constant 1 : i32
        %add3A_157 = arith.addi %mul3A_132, %add3A_156 : i32
        "tpu.region"() ({
          %run_scoped3A = tpu.sem_alloc : memref<!tpu.dma_semaphore, #tpu.memory_space<semaphore_mem>>
          %dma_start3A_167 = arith.constant 0 : i32
          %dma_start3A_168 = tpu.memref_slice %arg9[%add3A_157, %dma_start3A_167] : memref<40x128xi32, #tpu.memory_space<vmem>> -> memref<1x128xi32, #tpu.memory_space<vmem>>
          %dma_start3A_169 = tpu.memref_squeeze %dma_start3A_168 : memref<1x128xi32, #tpu.memory_space<vmem>> -> memref<128xi32, #tpu.memory_space<vmem>>
          %dma_start3A_170 = arith.constant 0 : i32
          %dma_start3A_171 = arith.constant 0 : i32
          %dma_start3A_172 = tpu.memref_slice %arg12[%dma_start3A_170, %dma_start3A_171] : memref<10240x128xf32, #tpu.memory_space<vmem_shared>> -> memref<10240x128xf32, #tpu.memory_space<vmem_shared>>
          tpu.enqueue_indirect_dma source(%arg11 : memref<128x128xf32, #tpu.memory_space<vmem>>) target(%dma_start3A_172 : memref<10240x128xf32, #tpu.memory_space<vmem_shared>>) offsets(%dma_start3A_169 : memref<128xi32, #tpu.memory_space<vmem>>) semaphore(%run_scoped3A : memref<!tpu.dma_semaphore, #tpu.memory_space<semaphore_mem>>) {add = true}
          %dma_wait3A_173 = arith.constant 0 : i32
          %dma_wait3A_174 = tpu.memref_slice %arg9[%add3A_157, %dma_wait3A_173] : memref<40x128xi32, #tpu.memory_space<vmem>> -> memref<1x128xi32, #tpu.memory_space<vmem>>
          %dma_wait3A_175 = tpu.memref_squeeze %dma_wait3A_174 : memref<1x128xi32, #tpu.memory_space<vmem>> -> memref<128xi32, #tpu.memory_space<vmem>>
          %dma_wait3A_176 = arith.constant 0 : i32
          %dma_wait3A_177 = arith.constant 0 : i32
          %dma_wait3A_178 = tpu.memref_slice %arg12[%dma_wait3A_176, %dma_wait3A_177] : memref<10240x128xf32, #tpu.memory_space<vmem_shared>> -> memref<10240x128xf32, #tpu.memory_space<vmem_shared>>
          tpu.wait_indirect_dma semaphore(%run_scoped3A : memref<!tpu.dma_semaphore, #tpu.memory_space<semaphore_mem>>) src(%arg11 : memref<128x128xf32, #tpu.memory_space<vmem>>) dst(%dma_wait3A_178 : memref<10240x128xf32, #tpu.memory_space<vmem_shared>>)
          tpu.yield
        }) : () -> ()
        %add3A_158 = arith.constant 1 : i32
        %add3A_159 = arith.addi %mul3A_132, %add3A_158 : i32
        %add3A_160 = arith.constant 2 : i32
        %add3A_161 = arith.addi %add3A_159, %add3A_160 : i32
        %lt3A_162 = arith.constant 40 : i32
        %lt3A_163 = arith.cmpi slt, %add3A_161, %lt3A_162 : i32
        %convert_element_type3A_164 = arith.extui %lt3A_163 : i1 to i32
        %cond3A_165 = arith.constant 0 : i32
        %cond3A_166 = arith.cmpi ne, %convert_element_type3A_164, %cond3A_165 : i32
        scf.if %cond3A_166 {
          %add3A_167 = arith.constant 1 : i32
          %add3A_168 = arith.addi %mul3A_132, %add3A_167 : i32
          %add3A_169 = arith.constant 2 : i32
          %add3A_170 = arith.addi %add3A_168, %add3A_169 : i32
          %dma_start3A_171 = arith.constant 0 : i32
          %dma_start3A_172 = tpu.memref_slice %arg8[%add3A_170, %dma_start3A_171] : memref<40x128xi32, #tpu.memory_space<vmem>> -> memref<1x128xi32, #tpu.memory_space<vmem>>
          %dma_start3A_173 = tpu.memref_squeeze %dma_start3A_172 : memref<1x128xi32, #tpu.memory_space<vmem>> -> memref<128xi32, #tpu.memory_space<vmem>>
          %dma_start3A_174 = arith.constant 0 : i32
          %dma_start3A_175 = arith.constant 0 : i32
          %dma_start3A_176 = tpu.memref_slice %arg3[%dma_start3A_174, %dma_start3A_175] : memref<10240x128xf32, #tpu.memory_space<hbm>> -> memref<10240x128xf32, #tpu.memory_space<hbm>>
          tpu.enqueue_indirect_dma source(%dma_start3A_176 : memref<10240x128xf32, #tpu.memory_space<hbm>>) target(%arg11 : memref<128x128xf32, #tpu.memory_space<vmem>>) offsets(%dma_start3A_173 : memref<128xi32, #tpu.memory_space<vmem>>) semaphore(%arg14 : memref<!tpu.dma_semaphore, #tpu.memory_space<semaphore_mem>>)
        } else {
        }
      }
      %scan3A_81 = arith.constant 20 : i32
      %add3A_82 = arith.constant 80 : i32
      %add3A_83 = arith.addi %mul3A_34, %add3A_82 : i32
      "tpu.region"() ({
        %run_scoped3A = tpu.sem_alloc : memref<!tpu.dma_semaphore, #tpu.memory_space<semaphore_mem>>
        %dma_start3A_130 = arith.constant 0 : i32
        %dma_start3A_131 = tpu.memref_slice %arg4[%add3A_83, %dma_start3A_130] : memref<2560x128xi32, #tpu.memory_space<hbm>> -> memref<40x128xi32, #tpu.memory_space<hbm>>
        %dma_start3A_132 = arith.constant 0 : i32
        %dma_start3A_133 = tpu.memref_slice %arg4[%add3A_83, %dma_start3A_132] : memref<2560x128xi32, #tpu.memory_space<hbm>> -> memref<40x128xi32, #tpu.memory_space<hbm>>
        tpu.enqueue_dma source(%dma_start3A_133 : memref<40x128xi32, #tpu.memory_space<hbm>>) target(%arg8 : memref<40x128xi32, #tpu.memory_space<vmem>>) target_semaphore(%run_scoped3A : memref<!tpu.dma_semaphore, #tpu.memory_space<semaphore_mem>>)
        %dma_wait3A = arith.constant 0 : i32
        %dma_wait3A_134 = tpu.memref_slice %arg4[%add3A_83, %dma_wait3A] : memref<2560x128xi32, #tpu.memory_space<hbm>> -> memref<40x128xi32, #tpu.memory_space<hbm>>
        %dma_wait3A_135 = arith.constant 0 : i32
        %dma_wait3A_136 = tpu.memref_slice %arg4[%add3A_83, %dma_wait3A_135] : memref<2560x128xi32, #tpu.memory_space<hbm>> -> memref<40x128xi32, #tpu.memory_space<hbm>>
        tpu.wait_dma2 semaphore(%run_scoped3A : memref<!tpu.dma_semaphore, #tpu.memory_space<semaphore_mem>>) src(%dma_wait3A_136 : memref<40x128xi32, #tpu.memory_space<hbm>>) dst(%arg8 : memref<40x128xi32, #tpu.memory_space<vmem>>)
        tpu.yield
      }) : () -> ()
      %add3A_84 = arith.constant 80 : i32
      %add3A_85 = arith.addi %mul3A_34, %add3A_84 : i32
      "tpu.region"() ({
        %run_scoped3A = tpu.sem_alloc : memref<!tpu.dma_semaphore, #tpu.memory_space<semaphore_mem>>
        %dma_start3A_130 = arith.constant 0 : i32
        %dma_start3A_131 = tpu.memref_slice %arg5[%add3A_85, %dma_start3A_130] : memref<2560x128xi32, #tpu.memory_space<hbm>> -> memref<40x128xi32, #tpu.memory_space<hbm>>
        %dma_start3A_132 = arith.constant 0 : i32
        %dma_start3A_133 = tpu.memref_slice %arg5[%add3A_85, %dma_start3A_132] : memref<2560x128xi32, #tpu.memory_space<hbm>> -> memref<40x128xi32, #tpu.memory_space<hbm>>
        tpu.enqueue_dma source(%dma_start3A_133 : memref<40x128xi32, #tpu.memory_space<hbm>>) target(%arg9 : memref<40x128xi32, #tpu.memory_space<vmem>>) target_semaphore(%run_scoped3A : memref<!tpu.dma_semaphore, #tpu.memory_space<semaphore_mem>>)
        %dma_wait3A = arith.constant 0 : i32
        %dma_wait3A_134 = tpu.memref_slice %arg5[%add3A_85, %dma_wait3A] : memref<2560x128xi32, #tpu.memory_space<hbm>> -> memref<40x128xi32, #tpu.memory_space<hbm>>
        %dma_wait3A_135 = arith.constant 0 : i32
        %dma_wait3A_136 = tpu.memref_slice %arg5[%add3A_85, %dma_wait3A_135] : memref<2560x128xi32, #tpu.memory_space<hbm>> -> memref<40x128xi32, #tpu.memory_space<hbm>>
        tpu.wait_dma2 semaphore(%run_scoped3A : memref<!tpu.dma_semaphore, #tpu.memory_space<semaphore_mem>>) src(%dma_wait3A_136 : memref<40x128xi32, #tpu.memory_space<hbm>>) dst(%arg9 : memref<40x128xi32, #tpu.memory_space<vmem>>)
        tpu.yield
      }) : () -> ()
      %dma_start3A_86 = arith.constant 0 : i32
      %dma_start3A_87 = arith.constant 0 : i32
      %dma_start3A_88 = tpu.memref_slice %arg8[%dma_start3A_86, %dma_start3A_87] : memref<40x128xi32, #tpu.memory_space<vmem>> -> memref<1x128xi32, #tpu.memory_space<vmem>>
      %dma_start3A_89 = tpu.memref_squeeze %dma_start3A_88 : memref<1x128xi32, #tpu.memory_space<vmem>> -> memref<128xi32, #tpu.memory_space<vmem>>
      %dma_start3A_90 = arith.constant 0 : i32
      %dma_start3A_91 = arith.constant 0 : i32
      %dma_start3A_92 = tpu.memref_slice %arg3[%dma_start3A_90, %dma_start3A_91] : memref<10240x128xf32, #tpu.memory_space<hbm>> -> memref<10240x128xf32, #tpu.memory_space<hbm>>
      tpu.enqueue_indirect_dma source(%dma_start3A_92 : memref<10240x128xf32, #tpu.memory_space<hbm>>) target(%arg10 : memref<128x128xf32, #tpu.memory_space<vmem>>) offsets(%dma_start3A_89 : memref<128xi32, #tpu.memory_space<vmem>>) semaphore(%arg13 : memref<!tpu.dma_semaphore, #tpu.memory_space<semaphore_mem>>)
      %dma_start3A_93 = arith.constant 1 : i32
      %dma_start3A_94 = arith.constant 0 : i32
      %dma_start3A_95 = tpu.memref_slice %arg8[%dma_start3A_93, %dma_start3A_94] : memref<40x128xi32, #tpu.memory_space<vmem>> -> memref<1x128xi32, #tpu.memory_space<vmem>>
      %dma_start3A_96 = tpu.memref_squeeze %dma_start3A_95 : memref<1x128xi32, #tpu.memory_space<vmem>> -> memref<128xi32, #tpu.memory_space<vmem>>
      %dma_start3A_97 = arith.constant 0 : i32
      %dma_start3A_98 = arith.constant 0 : i32
      %dma_start3A_99 = tpu.memref_slice %arg3[%dma_start3A_97, %dma_start3A_98] : memref<10240x128xf32, #tpu.memory_space<hbm>> -> memref<10240x128xf32, #tpu.memory_space<hbm>>
      tpu.enqueue_indirect_dma source(%dma_start3A_99 : memref<10240x128xf32, #tpu.memory_space<hbm>>) target(%arg11 : memref<128x128xf32, #tpu.memory_space<vmem>>) offsets(%dma_start3A_96 : memref<128xi32, #tpu.memory_space<vmem>>) semaphore(%arg14 : memref<!tpu.dma_semaphore, #tpu.memory_space<semaphore_mem>>)
      %scan3A_100 = arith.constant 0 : i32
      %scan3A_101 = arith.constant 0 : i32
      %scan3A_102 = arith.constant 20 : i32
      %scan3A_103 = arith.addi %scan3A_101, %scan3A_102 : i32
      %scan3A_104 = arith.constant 1 : i32
      scf.for %scan3A_130 = %scan3A_101 to %scan3A_103 step %scan3A_104  : i32 {
        %mul3A_131 = arith.constant 2 : i32
        %mul3A_132 = arith.muli %mul3A_131, %scan3A_130 : i32
        %dma_wait3A = arith.constant 0 : i32
        %dma_wait3A_133 = arith.constant 0 : i32
        %dma_wait3A_134 = tpu.memref_slice %arg8[%dma_wait3A, %dma_wait3A_133] : memref<40x128xi32, #tpu.memory_space<vmem>> -> memref<1x128xi32, #tpu.memory_space<vmem>>
        %dma_wait3A_135 = tpu.memref_squeeze %dma_wait3A_134 : memref<1x128xi32, #tpu.memory_space<vmem>> -> memref<128xi32, #tpu.memory_space<vmem>>
        %dma_wait3A_136 = arith.constant 0 : i32
        %dma_wait3A_137 = arith.constant 0 : i32
        %dma_wait3A_138 = tpu.memref_slice %arg3[%dma_wait3A_136, %dma_wait3A_137] : memref<10240x128xf32, #tpu.memory_space<hbm>> -> memref<10240x128xf32, #tpu.memory_space<hbm>>
        tpu.wait_indirect_dma semaphore(%arg13 : memref<!tpu.dma_semaphore, #tpu.memory_space<semaphore_mem>>) src(%dma_wait3A_138 : memref<10240x128xf32, #tpu.memory_space<hbm>>) dst(%arg10 : memref<128x128xf32, #tpu.memory_space<vmem>>)
        %add3A_139 = arith.constant 0 : i32
        %add3A_140 = arith.addi %mul3A_132, %add3A_139 : i32
        "tpu.region"() ({
          %run_scoped3A = tpu.sem_alloc : memref<!tpu.dma_semaphore, #tpu.memory_space<semaphore_mem>>
          %dma_start3A_167 = arith.constant 0 : i32
          %dma_start3A_168 = tpu.memref_slice %arg9[%add3A_140, %dma_start3A_167] : memref<40x128xi32, #tpu.memory_space<vmem>> -> memref<1x128xi32, #tpu.memory_space<vmem>>
          %dma_start3A_169 = tpu.memref_squeeze %dma_start3A_168 : memref<1x128xi32, #tpu.memory_space<vmem>> -> memref<128xi32, #tpu.memory_space<vmem>>
          %dma_start3A_170 = arith.constant 0 : i32
          %dma_start3A_171 = arith.constant 0 : i32
          %dma_start3A_172 = tpu.memref_slice %arg12[%dma_start3A_170, %dma_start3A_171] : memref<10240x128xf32, #tpu.memory_space<vmem_shared>> -> memref<10240x128xf32, #tpu.memory_space<vmem_shared>>
          tpu.enqueue_indirect_dma source(%arg10 : memref<128x128xf32, #tpu.memory_space<vmem>>) target(%dma_start3A_172 : memref<10240x128xf32, #tpu.memory_space<vmem_shared>>) offsets(%dma_start3A_169 : memref<128xi32, #tpu.memory_space<vmem>>) semaphore(%run_scoped3A : memref<!tpu.dma_semaphore, #tpu.memory_space<semaphore_mem>>) {add = true}
          %dma_wait3A_173 = arith.constant 0 : i32
          %dma_wait3A_174 = tpu.memref_slice %arg9[%add3A_140, %dma_wait3A_173] : memref<40x128xi32, #tpu.memory_space<vmem>> -> memref<1x128xi32, #tpu.memory_space<vmem>>
          %dma_wait3A_175 = tpu.memref_squeeze %dma_wait3A_174 : memref<1x128xi32, #tpu.memory_space<vmem>> -> memref<128xi32, #tpu.memory_space<vmem>>
          %dma_wait3A_176 = arith.constant 0 : i32
          %dma_wait3A_177 = arith.constant 0 : i32
          %dma_wait3A_178 = tpu.memref_slice %arg12[%dma_wait3A_176, %dma_wait3A_177] : memref<10240x128xf32, #tpu.memory_space<vmem_shared>> -> memref<10240x128xf32, #tpu.memory_space<vmem_shared>>
          tpu.wait_indirect_dma semaphore(%run_scoped3A : memref<!tpu.dma_semaphore, #tpu.memory_space<semaphore_mem>>) src(%arg10 : memref<128x128xf32, #tpu.memory_space<vmem>>) dst(%dma_wait3A_178 : memref<10240x128xf32, #tpu.memory_space<vmem_shared>>)
          tpu.yield
        }) : () -> ()
        %add3A_141 = arith.constant 0 : i32
        %add3A_142 = arith.addi %mul3A_132, %add3A_141 : i32
        %add3A_143 = arith.constant 2 : i32
        %add3A_144 = arith.addi %add3A_142, %add3A_143 : i32
        %lt3A = arith.constant 40 : i32
        %lt3A_145 = arith.cmpi slt, %add3A_144, %lt3A : i32
        %convert_element_type3A_146 = arith.extui %lt3A_145 : i1 to i32
        %cond3A_147 = arith.constant 0 : i32
        %cond3A_148 = arith.cmpi ne, %convert_element_type3A_146, %cond3A_147 : i32
        scf.if %cond3A_148 {
          %add3A_167 = arith.constant 0 : i32
          %add3A_168 = arith.addi %mul3A_132, %add3A_167 : i32
          %add3A_169 = arith.constant 2 : i32
          %add3A_170 = arith.addi %add3A_168, %add3A_169 : i32
          %dma_start3A_171 = arith.constant 0 : i32
          %dma_start3A_172 = tpu.memref_slice %arg8[%add3A_170, %dma_start3A_171] : memref<40x128xi32, #tpu.memory_space<vmem>> -> memref<1x128xi32, #tpu.memory_space<vmem>>
          %dma_start3A_173 = tpu.memref_squeeze %dma_start3A_172 : memref<1x128xi32, #tpu.memory_space<vmem>> -> memref<128xi32, #tpu.memory_space<vmem>>
          %dma_start3A_174 = arith.constant 0 : i32
          %dma_start3A_175 = arith.constant 0 : i32
          %dma_start3A_176 = tpu.memref_slice %arg3[%dma_start3A_174, %dma_start3A_175] : memref<10240x128xf32, #tpu.memory_space<hbm>> -> memref<10240x128xf32, #tpu.memory_space<hbm>>
          tpu.enqueue_indirect_dma source(%dma_start3A_176 : memref<10240x128xf32, #tpu.memory_space<hbm>>) target(%arg10 : memref<128x128xf32, #tpu.memory_space<vmem>>) offsets(%dma_start3A_173 : memref<128xi32, #tpu.memory_space<vmem>>) semaphore(%arg13 : memref<!tpu.dma_semaphore, #tpu.memory_space<semaphore_mem>>)
        } else {
        }
        %dma_wait3A_149 = arith.constant 0 : i32
        %dma_wait3A_150 = arith.constant 0 : i32
        %dma_wait3A_151 = tpu.memref_slice %arg8[%dma_wait3A_149, %dma_wait3A_150] : memref<40x128xi32, #tpu.memory_space<vmem>> -> memref<1x128xi32, #tpu.memory_space<vmem>>
        %dma_wait3A_152 = tpu.memref_squeeze %dma_wait3A_151 : memref<1x128xi32, #tpu.memory_space<vmem>> -> memref<128xi32, #tpu.memory_space<vmem>>
        %dma_wait3A_153 = arith.constant 0 : i32
        %dma_wait3A_154 = arith.constant 0 : i32
        %dma_wait3A_155 = tpu.memref_slice %arg3[%dma_wait3A_153, %dma_wait3A_154] : memref<10240x128xf32, #tpu.memory_space<hbm>> -> memref<10240x128xf32, #tpu.memory_space<hbm>>
        tpu.wait_indirect_dma semaphore(%arg14 : memref<!tpu.dma_semaphore, #tpu.memory_space<semaphore_mem>>) src(%dma_wait3A_155 : memref<10240x128xf32, #tpu.memory_space<hbm>>) dst(%arg11 : memref<128x128xf32, #tpu.memory_space<vmem>>)
        %add3A_156 = arith.constant 1 : i32
        %add3A_157 = arith.addi %mul3A_132, %add3A_156 : i32
        "tpu.region"() ({
          %run_scoped3A = tpu.sem_alloc : memref<!tpu.dma_semaphore, #tpu.memory_space<semaphore_mem>>
          %dma_start3A_167 = arith.constant 0 : i32
          %dma_start3A_168 = tpu.memref_slice %arg9[%add3A_157, %dma_start3A_167] : memref<40x128xi32, #tpu.memory_space<vmem>> -> memref<1x128xi32, #tpu.memory_space<vmem>>
          %dma_start3A_169 = tpu.memref_squeeze %dma_start3A_168 : memref<1x128xi32, #tpu.memory_space<vmem>> -> memref<128xi32, #tpu.memory_space<vmem>>
          %dma_start3A_170 = arith.constant 0 : i32
          %dma_start3A_171 = arith.constant 0 : i32
          %dma_start3A_172 = tpu.memref_slice %arg12[%dma_start3A_170, %dma_start3A_171] : memref<10240x128xf32, #tpu.memory_space<vmem_shared>> -> memref<10240x128xf32, #tpu.memory_space<vmem_shared>>
          tpu.enqueue_indirect_dma source(%arg11 : memref<128x128xf32, #tpu.memory_space<vmem>>) target(%dma_start3A_172 : memref<10240x128xf32, #tpu.memory_space<vmem_shared>>) offsets(%dma_start3A_169 : memref<128xi32, #tpu.memory_space<vmem>>) semaphore(%run_scoped3A : memref<!tpu.dma_semaphore, #tpu.memory_space<semaphore_mem>>) {add = true}
          %dma_wait3A_173 = arith.constant 0 : i32
          %dma_wait3A_174 = tpu.memref_slice %arg9[%add3A_157, %dma_wait3A_173] : memref<40x128xi32, #tpu.memory_space<vmem>> -> memref<1x128xi32, #tpu.memory_space<vmem>>
          %dma_wait3A_175 = tpu.memref_squeeze %dma_wait3A_174 : memref<1x128xi32, #tpu.memory_space<vmem>> -> memref<128xi32, #tpu.memory_space<vmem>>
          %dma_wait3A_176 = arith.constant 0 : i32
          %dma_wait3A_177 = arith.constant 0 : i32
          %dma_wait3A_178 = tpu.memref_slice %arg12[%dma_wait3A_176, %dma_wait3A_177] : memref<10240x128xf32, #tpu.memory_space<vmem_shared>> -> memref<10240x128xf32, #tpu.memory_space<vmem_shared>>
          tpu.wait_indirect_dma semaphore(%run_scoped3A : memref<!tpu.dma_semaphore, #tpu.memory_space<semaphore_mem>>) src(%arg11 : memref<128x128xf32, #tpu.memory_space<vmem>>) dst(%dma_wait3A_178 : memref<10240x128xf32, #tpu.memory_space<vmem_shared>>)
          tpu.yield
        }) : () -> ()
        %add3A_158 = arith.constant 1 : i32
        %add3A_159 = arith.addi %mul3A_132, %add3A_158 : i32
        %add3A_160 = arith.constant 2 : i32
        %add3A_161 = arith.addi %add3A_159, %add3A_160 : i32
        %lt3A_162 = arith.constant 40 : i32
        %lt3A_163 = arith.cmpi slt, %add3A_161, %lt3A_162 : i32
        %convert_element_type3A_164 = arith.extui %lt3A_163 : i1 to i32
        %cond3A_165 = arith.constant 0 : i32
        %cond3A_166 = arith.cmpi ne, %convert_element_type3A_164, %cond3A_165 : i32
        scf.if %cond3A_166 {
          %add3A_167 = arith.constant 1 : i32
          %add3A_168 = arith.addi %mul3A_132, %add3A_167 : i32
          %add3A_169 = arith.constant 2 : i32
          %add3A_170 = arith.addi %add3A_168, %add3A_169 : i32
          %dma_start3A_171 = arith.constant 0 : i32
          %dma_start3A_172 = tpu.memref_slice %arg8[%add3A_170, %dma_start3A_171] : memref<40x128xi32, #tpu.memory_space<vmem>> -> memref<1x128xi32, #tpu.memory_space<vmem>>
          %dma_start3A_173 = tpu.memref_squeeze %dma_start3A_172 : memref<1x128xi32, #tpu.memory_space<vmem>> -> memref<128xi32, #tpu.memory_space<vmem>>
          %dma_start3A_174 = arith.constant 0 : i32
          %dma_start3A_175 = arith.constant 0 : i32
          %dma_start3A_176 = tpu.memref_slice %arg3[%dma_start3A_174, %dma_start3A_175] : memref<10240x128xf32, #tpu.memory_space<hbm>> -> memref<10240x128xf32, #tpu.memory_space<hbm>>
          tpu.enqueue_indirect_dma source(%dma_start3A_176 : memref<10240x128xf32, #tpu.memory_space<hbm>>) target(%arg11 : memref<128x128xf32, #tpu.memory_space<vmem>>) offsets(%dma_start3A_173 : memref<128xi32, #tpu.memory_space<vmem>>) semaphore(%arg14 : memref<!tpu.dma_semaphore, #tpu.memory_space<semaphore_mem>>)
        } else {
        }
      }
      %scan3A_105 = arith.constant 20 : i32
      %add3A_106 = arith.constant 120 : i32
      %add3A_107 = arith.addi %mul3A_34, %add3A_106 : i32
      "tpu.region"() ({
        %run_scoped3A = tpu.sem_alloc : memref<!tpu.dma_semaphore, #tpu.memory_space<semaphore_mem>>
        %dma_start3A_130 = arith.constant 0 : i32
        %dma_start3A_131 = tpu.memref_slice %arg4[%add3A_107, %dma_start3A_130] : memref<2560x128xi32, #tpu.memory_space<hbm>> -> memref<40x128xi32, #tpu.memory_space<hbm>>
        %dma_start3A_132 = arith.constant 0 : i32
        %dma_start3A_133 = tpu.memref_slice %arg4[%add3A_107, %dma_start3A_132] : memref<2560x128xi32, #tpu.memory_space<hbm>> -> memref<40x128xi32, #tpu.memory_space<hbm>>
        tpu.enqueue_dma source(%dma_start3A_133 : memref<40x128xi32, #tpu.memory_space<hbm>>) target(%arg8 : memref<40x128xi32, #tpu.memory_space<vmem>>) target_semaphore(%run_scoped3A : memref<!tpu.dma_semaphore, #tpu.memory_space<semaphore_mem>>)
        %dma_wait3A = arith.constant 0 : i32
        %dma_wait3A_134 = tpu.memref_slice %arg4[%add3A_107, %dma_wait3A] : memref<2560x128xi32, #tpu.memory_space<hbm>> -> memref<40x128xi32, #tpu.memory_space<hbm>>
        %dma_wait3A_135 = arith.constant 0 : i32
        %dma_wait3A_136 = tpu.memref_slice %arg4[%add3A_107, %dma_wait3A_135] : memref<2560x128xi32, #tpu.memory_space<hbm>> -> memref<40x128xi32, #tpu.memory_space<hbm>>
        tpu.wait_dma2 semaphore(%run_scoped3A : memref<!tpu.dma_semaphore, #tpu.memory_space<semaphore_mem>>) src(%dma_wait3A_136 : memref<40x128xi32, #tpu.memory_space<hbm>>) dst(%arg8 : memref<40x128xi32, #tpu.memory_space<vmem>>)
        tpu.yield
      }) : () -> ()
      %add3A_108 = arith.constant 120 : i32
      %add3A_109 = arith.addi %mul3A_34, %add3A_108 : i32
      "tpu.region"() ({
        %run_scoped3A = tpu.sem_alloc : memref<!tpu.dma_semaphore, #tpu.memory_space<semaphore_mem>>
        %dma_start3A_130 = arith.constant 0 : i32
        %dma_start3A_131 = tpu.memref_slice %arg5[%add3A_109, %dma_start3A_130] : memref<2560x128xi32, #tpu.memory_space<hbm>> -> memref<40x128xi32, #tpu.memory_space<hbm>>
        %dma_start3A_132 = arith.constant 0 : i32
        %dma_start3A_133 = tpu.memref_slice %arg5[%add3A_109, %dma_start3A_132] : memref<2560x128xi32, #tpu.memory_space<hbm>> -> memref<40x128xi32, #tpu.memory_space<hbm>>
        tpu.enqueue_dma source(%dma_start3A_133 : memref<40x128xi32, #tpu.memory_space<hbm>>) target(%arg9 : memref<40x128xi32, #tpu.memory_space<vmem>>) target_semaphore(%run_scoped3A : memref<!tpu.dma_semaphore, #tpu.memory_space<semaphore_mem>>)
        %dma_wait3A = arith.constant 0 : i32
        %dma_wait3A_134 = tpu.memref_slice %arg5[%add3A_109, %dma_wait3A] : memref<2560x128xi32, #tpu.memory_space<hbm>> -> memref<40x128xi32, #tpu.memory_space<hbm>>
        %dma_wait3A_135 = arith.constant 0 : i32
        %dma_wait3A_136 = tpu.memref_slice %arg5[%add3A_109, %dma_wait3A_135] : memref<2560x128xi32, #tpu.memory_space<hbm>> -> memref<40x128xi32, #tpu.memory_space<hbm>>
        tpu.wait_dma2 semaphore(%run_scoped3A : memref<!tpu.dma_semaphore, #tpu.memory_space<semaphore_mem>>) src(%dma_wait3A_136 : memref<40x128xi32, #tpu.memory_space<hbm>>) dst(%arg9 : memref<40x128xi32, #tpu.memory_space<vmem>>)
        tpu.yield
      }) : () -> ()
      %dma_start3A_110 = arith.constant 0 : i32
      %dma_start3A_111 = arith.constant 0 : i32
      %dma_start3A_112 = tpu.memref_slice %arg8[%dma_start3A_110, %dma_start3A_111] : memref<40x128xi32, #tpu.memory_space<vmem>> -> memref<1x128xi32, #tpu.memory_space<vmem>>
      %dma_start3A_113 = tpu.memref_squeeze %dma_start3A_112 : memref<1x128xi32, #tpu.memory_space<vmem>> -> memref<128xi32, #tpu.memory_space<vmem>>
      %dma_start3A_114 = arith.constant 0 : i32
      %dma_start3A_115 = arith.constant 0 : i32
      %dma_start3A_116 = tpu.memref_slice %arg3[%dma_start3A_114, %dma_start3A_115] : memref<10240x128xf32, #tpu.memory_space<hbm>> -> memref<10240x128xf32, #tpu.memory_space<hbm>>
      tpu.enqueue_indirect_dma source(%dma_start3A_116 : memref<10240x128xf32, #tpu.memory_space<hbm>>) target(%arg10 : memref<128x128xf32, #tpu.memory_space<vmem>>) offsets(%dma_start3A_113 : memref<128xi32, #tpu.memory_space<vmem>>) semaphore(%arg13 : memref<!tpu.dma_semaphore, #tpu.memory_space<semaphore_mem>>)
      %dma_start3A_117 = arith.constant 1 : i32
      %dma_start3A_118 = arith.constant 0 : i32
      %dma_start3A_119 = tpu.memref_slice %arg8[%dma_start3A_117, %dma_start3A_118] : memref<40x128xi32, #tpu.memory_space<vmem>> -> memref<1x128xi32, #tpu.memory_space<vmem>>
      %dma_start3A_120 = tpu.memref_squeeze %dma_start3A_119 : memref<1x128xi32, #tpu.memory_space<vmem>> -> memref<128xi32, #tpu.memory_space<vmem>>
      %dma_start3A_121 = arith.constant 0 : i32
      %dma_start3A_122 = arith.constant 0 : i32
      %dma_start3A_123 = tpu.memref_slice %arg3[%dma_start3A_121, %dma_start3A_122] : memref<10240x128xf32, #tpu.memory_space<hbm>> -> memref<10240x128xf32, #tpu.memory_space<hbm>>
      tpu.enqueue_indirect_dma source(%dma_start3A_123 : memref<10240x128xf32, #tpu.memory_space<hbm>>) target(%arg11 : memref<128x128xf32, #tpu.memory_space<vmem>>) offsets(%dma_start3A_120 : memref<128xi32, #tpu.memory_space<vmem>>) semaphore(%arg14 : memref<!tpu.dma_semaphore, #tpu.memory_space<semaphore_mem>>)
      %scan3A_124 = arith.constant 0 : i32
      %scan3A_125 = arith.constant 0 : i32
      %scan3A_126 = arith.constant 20 : i32
      %scan3A_127 = arith.addi %scan3A_125, %scan3A_126 : i32
      %scan3A_128 = arith.constant 1 : i32
      scf.for %scan3A_130 = %scan3A_125 to %scan3A_127 step %scan3A_128  : i32 {
        %mul3A_131 = arith.constant 2 : i32
        %mul3A_132 = arith.muli %mul3A_131, %scan3A_130 : i32
        %dma_wait3A = arith.constant 0 : i32
        %dma_wait3A_133 = arith.constant 0 : i32
        %dma_wait3A_134 = tpu.memref_slice %arg8[%dma_wait3A, %dma_wait3A_133] : memref<40x128xi32, #tpu.memory_space<vmem>> -> memref<1x128xi32, #tpu.memory_space<vmem>>
        %dma_wait3A_135 = tpu.memref_squeeze %dma_wait3A_134 : memref<1x128xi32, #tpu.memory_space<vmem>> -> memref<128xi32, #tpu.memory_space<vmem>>
        %dma_wait3A_136 = arith.constant 0 : i32
        %dma_wait3A_137 = arith.constant 0 : i32
        %dma_wait3A_138 = tpu.memref_slice %arg3[%dma_wait3A_136, %dma_wait3A_137] : memref<10240x128xf32, #tpu.memory_space<hbm>> -> memref<10240x128xf32, #tpu.memory_space<hbm>>
        tpu.wait_indirect_dma semaphore(%arg13 : memref<!tpu.dma_semaphore, #tpu.memory_space<semaphore_mem>>) src(%dma_wait3A_138 : memref<10240x128xf32, #tpu.memory_space<hbm>>) dst(%arg10 : memref<128x128xf32, #tpu.memory_space<vmem>>)
        %add3A_139 = arith.constant 0 : i32
        %add3A_140 = arith.addi %mul3A_132, %add3A_139 : i32
        "tpu.region"() ({
          %run_scoped3A = tpu.sem_alloc : memref<!tpu.dma_semaphore, #tpu.memory_space<semaphore_mem>>
          %dma_start3A_167 = arith.constant 0 : i32
          %dma_start3A_168 = tpu.memref_slice %arg9[%add3A_140, %dma_start3A_167] : memref<40x128xi32, #tpu.memory_space<vmem>> -> memref<1x128xi32, #tpu.memory_space<vmem>>
          %dma_start3A_169 = tpu.memref_squeeze %dma_start3A_168 : memref<1x128xi32, #tpu.memory_space<vmem>> -> memref<128xi32, #tpu.memory_space<vmem>>
          %dma_start3A_170 = arith.constant 0 : i32
          %dma_start3A_171 = arith.constant 0 : i32
          %dma_start3A_172 = tpu.memref_slice %arg12[%dma_start3A_170, %dma_start3A_171] : memref<10240x128xf32, #tpu.memory_space<vmem_shared>> -> memref<10240x128xf32, #tpu.memory_space<vmem_shared>>
          tpu.enqueue_indirect_dma source(%arg10 : memref<128x128xf32, #tpu.memory_space<vmem>>) target(%dma_start3A_172 : memref<10240x128xf32, #tpu.memory_space<vmem_shared>>) offsets(%dma_start3A_169 : memref<128xi32, #tpu.memory_space<vmem>>) semaphore(%run_scoped3A : memref<!tpu.dma_semaphore, #tpu.memory_space<semaphore_mem>>) {add = true}
          %dma_wait3A_173 = arith.constant 0 : i32
          %dma_wait3A_174 = tpu.memref_slice %arg9[%add3A_140, %dma_wait3A_173] : memref<40x128xi32, #tpu.memory_space<vmem>> -> memref<1x128xi32, #tpu.memory_space<vmem>>
          %dma_wait3A_175 = tpu.memref_squeeze %dma_wait3A_174 : memref<1x128xi32, #tpu.memory_space<vmem>> -> memref<128xi32, #tpu.memory_space<vmem>>
          %dma_wait3A_176 = arith.constant 0 : i32
          %dma_wait3A_177 = arith.constant 0 : i32
          %dma_wait3A_178 = tpu.memref_slice %arg12[%dma_wait3A_176, %dma_wait3A_177] : memref<10240x128xf32, #tpu.memory_space<vmem_shared>> -> memref<10240x128xf32, #tpu.memory_space<vmem_shared>>
          tpu.wait_indirect_dma semaphore(%run_scoped3A : memref<!tpu.dma_semaphore, #tpu.memory_space<semaphore_mem>>) src(%arg10 : memref<128x128xf32, #tpu.memory_space<vmem>>) dst(%dma_wait3A_178 : memref<10240x128xf32, #tpu.memory_space<vmem_shared>>)
          tpu.yield
        }) : () -> ()
        %add3A_141 = arith.constant 0 : i32
        %add3A_142 = arith.addi %mul3A_132, %add3A_141 : i32
        %add3A_143 = arith.constant 2 : i32
        %add3A_144 = arith.addi %add3A_142, %add3A_143 : i32
        %lt3A = arith.constant 40 : i32
        %lt3A_145 = arith.cmpi slt, %add3A_144, %lt3A : i32
        %convert_element_type3A_146 = arith.extui %lt3A_145 : i1 to i32
        %cond3A_147 = arith.constant 0 : i32
        %cond3A_148 = arith.cmpi ne, %convert_element_type3A_146, %cond3A_147 : i32
        scf.if %cond3A_148 {
          %add3A_167 = arith.constant 0 : i32
          %add3A_168 = arith.addi %mul3A_132, %add3A_167 : i32
          %add3A_169 = arith.constant 2 : i32
          %add3A_170 = arith.addi %add3A_168, %add3A_169 : i32
          %dma_start3A_171 = arith.constant 0 : i32
          %dma_start3A_172 = tpu.memref_slice %arg8[%add3A_170, %dma_start3A_171] : memref<40x128xi32, #tpu.memory_space<vmem>> -> memref<1x128xi32, #tpu.memory_space<vmem>>
          %dma_start3A_173 = tpu.memref_squeeze %dma_start3A_172 : memref<1x128xi32, #tpu.memory_space<vmem>> -> memref<128xi32, #tpu.memory_space<vmem>>
          %dma_start3A_174 = arith.constant 0 : i32
          %dma_start3A_175 = arith.constant 0 : i32
          %dma_start3A_176 = tpu.memref_slice %arg3[%dma_start3A_174, %dma_start3A_175] : memref<10240x128xf32, #tpu.memory_space<hbm>> -> memref<10240x128xf32, #tpu.memory_space<hbm>>
          tpu.enqueue_indirect_dma source(%dma_start3A_176 : memref<10240x128xf32, #tpu.memory_space<hbm>>) target(%arg10 : memref<128x128xf32, #tpu.memory_space<vmem>>) offsets(%dma_start3A_173 : memref<128xi32, #tpu.memory_space<vmem>>) semaphore(%arg13 : memref<!tpu.dma_semaphore, #tpu.memory_space<semaphore_mem>>)
        } else {
        }
        %dma_wait3A_149 = arith.constant 0 : i32
        %dma_wait3A_150 = arith.constant 0 : i32
        %dma_wait3A_151 = tpu.memref_slice %arg8[%dma_wait3A_149, %dma_wait3A_150] : memref<40x128xi32, #tpu.memory_space<vmem>> -> memref<1x128xi32, #tpu.memory_space<vmem>>
        %dma_wait3A_152 = tpu.memref_squeeze %dma_wait3A_151 : memref<1x128xi32, #tpu.memory_space<vmem>> -> memref<128xi32, #tpu.memory_space<vmem>>
        %dma_wait3A_153 = arith.constant 0 : i32
        %dma_wait3A_154 = arith.constant 0 : i32
        %dma_wait3A_155 = tpu.memref_slice %arg3[%dma_wait3A_153, %dma_wait3A_154] : memref<10240x128xf32, #tpu.memory_space<hbm>> -> memref<10240x128xf32, #tpu.memory_space<hbm>>
        tpu.wait_indirect_dma semaphore(%arg14 : memref<!tpu.dma_semaphore, #tpu.memory_space<semaphore_mem>>) src(%dma_wait3A_155 : memref<10240x128xf32, #tpu.memory_space<hbm>>) dst(%arg11 : memref<128x128xf32, #tpu.memory_space<vmem>>)
        %add3A_156 = arith.constant 1 : i32
        %add3A_157 = arith.addi %mul3A_132, %add3A_156 : i32
        "tpu.region"() ({
          %run_scoped3A = tpu.sem_alloc : memref<!tpu.dma_semaphore, #tpu.memory_space<semaphore_mem>>
          %dma_start3A_167 = arith.constant 0 : i32
          %dma_start3A_168 = tpu.memref_slice %arg9[%add3A_157, %dma_start3A_167] : memref<40x128xi32, #tpu.memory_space<vmem>> -> memref<1x128xi32, #tpu.memory_space<vmem>>
          %dma_start3A_169 = tpu.memref_squeeze %dma_start3A_168 : memref<1x128xi32, #tpu.memory_space<vmem>> -> memref<128xi32, #tpu.memory_space<vmem>>
          %dma_start3A_170 = arith.constant 0 : i32
          %dma_start3A_171 = arith.constant 0 : i32
          %dma_start3A_172 = tpu.memref_slice %arg12[%dma_start3A_170, %dma_start3A_171] : memref<10240x128xf32, #tpu.memory_space<vmem_shared>> -> memref<10240x128xf32, #tpu.memory_space<vmem_shared>>
          tpu.enqueue_indirect_dma source(%arg11 : memref<128x128xf32, #tpu.memory_space<vmem>>) target(%dma_start3A_172 : memref<10240x128xf32, #tpu.memory_space<vmem_shared>>) offsets(%dma_start3A_169 : memref<128xi32, #tpu.memory_space<vmem>>) semaphore(%run_scoped3A : memref<!tpu.dma_semaphore, #tpu.memory_space<semaphore_mem>>) {add = true}
          %dma_wait3A_173 = arith.constant 0 : i32
          %dma_wait3A_174 = tpu.memref_slice %arg9[%add3A_157, %dma_wait3A_173] : memref<40x128xi32, #tpu.memory_space<vmem>> -> memref<1x128xi32, #tpu.memory_space<vmem>>
          %dma_wait3A_175 = tpu.memref_squeeze %dma_wait3A_174 : memref<1x128xi32, #tpu.memory_space<vmem>> -> memref<128xi32, #tpu.memory_space<vmem>>
          %dma_wait3A_176 = arith.constant 0 : i32
          %dma_wait3A_177 = arith.constant 0 : i32
          %dma_wait3A_178 = tpu.memref_slice %arg12[%dma_wait3A_176, %dma_wait3A_177] : memref<10240x128xf32, #tpu.memory_space<vmem_shared>> -> memref<10240x128xf32, #tpu.memory_space<vmem_shared>>
          tpu.wait_indirect_dma semaphore(%run_scoped3A : memref<!tpu.dma_semaphore, #tpu.memory_space<semaphore_mem>>) src(%arg11 : memref<128x128xf32, #tpu.memory_space<vmem>>) dst(%dma_wait3A_178 : memref<10240x128xf32, #tpu.memory_space<vmem_shared>>)
          tpu.yield
        }) : () -> ()
        %add3A_158 = arith.constant 1 : i32
        %add3A_159 = arith.addi %mul3A_132, %add3A_158 : i32
        %add3A_160 = arith.constant 2 : i32
        %add3A_161 = arith.addi %add3A_159, %add3A_160 : i32
        %lt3A_162 = arith.constant 40 : i32
        %lt3A_163 = arith.cmpi slt, %add3A_161, %lt3A_162 : i32
        %convert_element_type3A_164 = arith.extui %lt3A_163 : i1 to i32
        %cond3A_165 = arith.constant 0 : i32
        %cond3A_166 = arith.cmpi ne, %convert_element_type3A_164, %cond3A_165 : i32
        scf.if %cond3A_166 {
          %add3A_167 = arith.constant 1 : i32
          %add3A_168 = arith.addi %mul3A_132, %add3A_167 : i32
          %add3A_169 = arith.constant 2 : i32
          %add3A_170 = arith.addi %add3A_168, %add3A_169 : i32
          %dma_start3A_171 = arith.constant 0 : i32
          %dma_start3A_172 = tpu.memref_slice %arg8[%add3A_170, %dma_start3A_171] : memref<40x128xi32, #tpu.memory_space<vmem>> -> memref<1x128xi32, #tpu.memory_space<vmem>>
          %dma_start3A_173 = tpu.memref_squeeze %dma_start3A_172 : memref<1x128xi32, #tpu.memory_space<vmem>> -> memref<128xi32, #tpu.memory_space<vmem>>
          %dma_start3A_174 = arith.constant 0 : i32
          %dma_start3A_175 = arith.constant 0 : i32
          %dma_start3A_176 = tpu.memref_slice %arg3[%dma_start3A_174, %dma_start3A_175] : memref<10240x128xf32, #tpu.memory_space<hbm>> -> memref<10240x128xf32, #tpu.memory_space<hbm>>
          tpu.enqueue_indirect_dma source(%dma_start3A_176 : memref<10240x128xf32, #tpu.memory_space<hbm>>) target(%arg11 : memref<128x128xf32, #tpu.memory_space<vmem>>) offsets(%dma_start3A_173 : memref<128xi32, #tpu.memory_space<vmem>>) semaphore(%arg14 : memref<!tpu.dma_semaphore, #tpu.memory_space<semaphore_mem>>)
        } else {
        }
      }
      %scan3A_129 = arith.constant 20 : i32
    } else {
    }
    %barrier3A_22 = arith.constant 0 : index
    tpu.barrier barrier_id(%barrier3A_22)
    %eq3A_23 = arith.constant 0 : i32
    %eq3A_24 = arith.cmpi eq, %arg0, %eq3A_23 : i32
    %convert_element_type3A_25 = arith.extui %eq3A_24 : i1 to i32
    %cond3A_26 = arith.constant 0 : i32
    %cond3A_27 = arith.cmpi ne, %convert_element_type3A_25, %cond3A_26 : i32
    scf.if %cond3A_27 {
      "tpu.region"() ({
        %run_scoped3A = tpu.sem_alloc : memref<!tpu.dma_semaphore, #tpu.memory_space<semaphore_mem>>
        %dma_start3A = arith.constant 0 : i32
        %dma_start3A_33 = tpu.memref_slice %arg6[%mul3A_5, %dma_start3A] : memref<10240x128xf32, #tpu.memory_space<hbm>> -> memref<640x128xf32, #tpu.memory_space<hbm>>
        %dma_start3A_34 = arith.constant 0 : i32
        %dma_start3A_35 = tpu.memref_slice %arg12[%mul3A_5, %dma_start3A_34] : memref<10240x128xf32, #tpu.memory_space<vmem_shared>> -> memref<640x128xf32, #tpu.memory_space<vmem_shared>>
        tpu.enqueue_dma source(%dma_start3A_35 : memref<640x128xf32, #tpu.memory_space<vmem_shared>>) target(%dma_start3A_33 : memref<640x128xf32, #tpu.memory_space<hbm>>) target_semaphore(%run_scoped3A : memref<!tpu.dma_semaphore, #tpu.memory_space<semaphore_mem>>)
        %dma_wait3A = arith.constant 0 : i32
        %dma_wait3A_36 = tpu.memref_slice %arg6[%mul3A_5, %dma_wait3A] : memref<10240x128xf32, #tpu.memory_space<hbm>> -> memref<640x128xf32, #tpu.memory_space<hbm>>
        %dma_wait3A_37 = arith.constant 0 : i32
        %dma_wait3A_38 = tpu.memref_slice %arg12[%mul3A_5, %dma_wait3A_37] : memref<10240x128xf32, #tpu.memory_space<vmem_shared>> -> memref<640x128xf32, #tpu.memory_space<vmem_shared>>
        tpu.wait_dma2 semaphore(%run_scoped3A : memref<!tpu.dma_semaphore, #tpu.memory_space<semaphore_mem>>) src(%dma_wait3A_38 : memref<640x128xf32, #tpu.memory_space<vmem_shared>>) dst(%dma_wait3A_36 : memref<640x128xf32, #tpu.memory_space<hbm>>)
        tpu.yield
      }) : () -> ()
    } else {
    }
    %eq3A_28 = arith.constant 1 : i32
    %eq3A_29 = arith.cmpi eq, %arg0, %eq3A_28 : i32
    %convert_element_type3A_30 = arith.extui %eq3A_29 : i1 to i32
    %cond3A_31 = arith.constant 0 : i32
    %cond3A_32 = arith.cmpi ne, %convert_element_type3A_30, %cond3A_31 : i32
    scf.if %cond3A_32 {
      "tpu.region"() ({
        %run_scoped3A = tpu.sem_alloc : memref<!tpu.dma_semaphore, #tpu.memory_space<semaphore_mem>>
        %dma_start3A = arith.constant 0 : i32
        %dma_start3A_33 = tpu.memref_slice %arg7[%mul3A_5, %dma_start3A] : memref<10240x128xf32, #tpu.memory_space<hbm>> -> memref<640x128xf32, #tpu.memory_space<hbm>>
        %dma_start3A_34 = arith.constant 0 : i32
        %dma_start3A_35 = tpu.memref_slice %arg12[%mul3A_5, %dma_start3A_34] : memref<10240x128xf32, #tpu.memory_space<vmem_shared>> -> memref<640x128xf32, #tpu.memory_space<vmem_shared>>
        tpu.enqueue_dma source(%dma_start3A_35 : memref<640x128xf32, #tpu.memory_space<vmem_shared>>) target(%dma_start3A_33 : memref<640x128xf32, #tpu.memory_space<hbm>>) target_semaphore(%run_scoped3A : memref<!tpu.dma_semaphore, #tpu.memory_space<semaphore_mem>>)
        %dma_wait3A = arith.constant 0 : i32
        %dma_wait3A_36 = tpu.memref_slice %arg7[%mul3A_5, %dma_wait3A] : memref<10240x128xf32, #tpu.memory_space<hbm>> -> memref<640x128xf32, #tpu.memory_space<hbm>>
        %dma_wait3A_37 = arith.constant 0 : i32
        %dma_wait3A_38 = tpu.memref_slice %arg12[%mul3A_5, %dma_wait3A_37] : memref<10240x128xf32, #tpu.memory_space<vmem_shared>> -> memref<640x128xf32, #tpu.memory_space<vmem_shared>>
        tpu.wait_dma2 semaphore(%run_scoped3A : memref<!tpu.dma_semaphore, #tpu.memory_space<semaphore_mem>>) src(%dma_wait3A_38 : memref<640x128xf32, #tpu.memory_space<vmem_shared>>) dst(%dma_wait3A_36 : memref<640x128xf32, #tpu.memory_space<hbm>>)
        tpu.yield
      }) : () -> ()
    } else {
    }
    return
  }
}

module attributes {stable_mosaic.version = 14 : i64} {
  func.func @_tc_scale_body(%arg0: memref<10240x128xf32, #tpu.memory_space<vmem>>, %arg1: memref<10240x128xf32, #tpu.memory_space<vmem>>, %arg2: memref<10240x128xf32, #tpu.memory_space<vmem>>, %arg3: memref<10240x1xf32, #tpu.memory_space<vmem>>, %arg4: memref<10240x128xf32, #tpu.memory_space<vmem>>) attributes {dimension_semantics = [], scalar_prefetch = 0 : i64, scratch_operands = 0 : i64, tpu.core_type = #tpu.core_type<tc>} {
    %get3A = arith.constant 0 : index
    %get3A_0 = arith.constant 0 : index
    %get3A_1 = vector.load %arg0[%get3A, %get3A_0] : memref<10240x128xf32, #tpu.memory_space<vmem>>, vector<10240x1xf32>
    %get3A_2 = arith.constant 0 : index
    %get3A_3 = arith.constant 0 : index
    %get3A_4 = vector.load %arg1[%get3A_2, %get3A_3] : memref<10240x128xf32, #tpu.memory_space<vmem>>, vector<10240x1xf32>
    %add3A = arith.addf %get3A_1, %get3A_4 : vector<10240x1xf32>
    %add3A_5 = arith.constant 1.000000e+00 : f32
    %add3A_6 = vector.broadcast %add3A_5 : f32 to vector<10240x1xf32>
    %add3A_7 = arith.addf %add3A, %add3A_6 : vector<10240x1xf32>
    %rsqrt3A = math.rsqrt %add3A_7 : vector<10240x1xf32>
    %swap3A = arith.constant 0 : index
    %swap3A_8 = arith.constant 0 : index
    %swap3A_9 = vector.load %arg3[%swap3A, %swap3A_8] : memref<10240x1xf32, #tpu.memory_space<vmem>>, vector<10240x1xf32>
    tpu.vector_store %arg3[%swap3A, %swap3A_8], %rsqrt3A {strides = array<i32>} : memref<10240x1xf32, #tpu.memory_space<vmem>>, vector<10240x1xf32>,
    %get3A_10 = arith.constant 0 : index
    %get3A_11 = arith.constant 0 : index
    %get3A_12 = vector.load %arg2[%get3A_10, %get3A_11] : memref<10240x128xf32, #tpu.memory_space<vmem>>, vector<10240x128xf32>
    %mul3A = vector.broadcast %rsqrt3A : vector<10240x1xf32> to vector<10240x128xf32>
    %mul3A_13 = arith.mulf %get3A_12, %mul3A : vector<10240x128xf32>
    %swap3A_14 = arith.constant 0 : index
    %swap3A_15 = arith.constant 0 : index
    %swap3A_16 = vector.load %arg4[%swap3A_14, %swap3A_15] : memref<10240x128xf32, #tpu.memory_space<vmem>>, vector<10240x128xf32>
    tpu.vector_store %arg4[%swap3A_14, %swap3A_15], %mul3A_13 {strides = array<i32>} : memref<10240x128xf32, #tpu.memory_space<vmem>>, vector<10240x128xf32>,
    return
  }
}

module attributes {stable_mosaic.version = 14 : i64} {
  func.func @_tc_mm1_body(%arg0: i32, %arg1: memref<2048x128xf32, #tpu.memory_space<vmem>>, %arg2: memref<2048x128xf32, #tpu.memory_space<vmem>>, %arg3: memref<2048x128xf32, #tpu.memory_space<vmem>>, %arg4: memref<2048x1xf32, #tpu.memory_space<vmem>>, %arg5: memref<128x512xf32, #tpu.memory_space<vmem>>, %arg6: memref<1x512xf32, #tpu.memory_space<vmem>>, %arg7: memref<512x256xf32, #tpu.memory_space<vmem>>, %arg8: memref<2048x128xf32, #tpu.memory_space<vmem>>, %arg9: memref<2048x128xf32, #tpu.memory_space<vmem>>) attributes {dimension_semantics = [#tpu.dimension_semantics<arbitrary>], iteration_bounds = array<i64: 5>, scalar_prefetch = 0 : i64, scratch_operands = 0 : i64, tpu.core_type = #tpu.core_type<tc>, window_params = [{transform_indices = @transform_0, window_bounds = array<i64: 2048, 128>}, {transform_indices = @transform_1, window_bounds = array<i64: 2048, 128>}, {transform_indices = @transform_2, window_bounds = array<i64: 2048, 128>}, {transform_indices = @transform_3, window_bounds = array<i64: 2048, 1>}, {pipeline_mode = #tpu.pipeline_mode<synchronous>, transform_indices = @transform_4, window_bounds = array<i64: 128, 512>}, {pipeline_mode = #tpu.pipeline_mode<synchronous>, transform_indices = @transform_5, window_bounds = array<i64: 1, 512>}, {pipeline_mode = #tpu.pipeline_mode<synchronous>, transform_indices = @transform_6, window_bounds = array<i64: 512, 256>}, {transform_indices = @transform_7, window_bounds = array<i64: 2048, 128>}, {transform_indices = @transform_8, window_bounds = array<i64: 2048, 128>}]} {
    %get3A = arith.constant 0 : index
    %get3A_0 = arith.constant 0 : index
    %get3A_1 = vector.load %arg1[%get3A, %get3A_0] : memref<2048x128xf32, #tpu.memory_space<vmem>>, vector<2048x128xf32>
    %get3A_2 = arith.constant 0 : index
    %get3A_3 = arith.constant 0 : index
    %get3A_4 = vector.load %arg2[%get3A_2, %get3A_3] : memref<2048x128xf32, #tpu.memory_space<vmem>>, vector<2048x128xf32>
    %add3A = arith.addf %get3A_1, %get3A_4 : vector<2048x128xf32>
    %get3A_5 = arith.constant 0 : index
    %get3A_6 = arith.constant 0 : index
    %get3A_7 = vector.load %arg3[%get3A_5, %get3A_6] : memref<2048x128xf32, #tpu.memory_space<vmem>>, vector<2048x128xf32>
    %add3A_8 = arith.addf %add3A, %get3A_7 : vector<2048x128xf32>
    %get3A_9 = arith.constant 0 : index
    %get3A_10 = arith.constant 0 : index
    %get3A_11 = vector.load %arg4[%get3A_9, %get3A_10] : memref<2048x1xf32, #tpu.memory_space<vmem>>, vector<2048x1xf32>
    %mul3A = vector.broadcast %get3A_11 : vector<2048x1xf32> to vector<2048x128xf32>
    %mul3A_12 = arith.mulf %add3A_8, %mul3A : vector<2048x128xf32>
    %get3A_13 = arith.constant 0 : index
    %get3A_14 = arith.constant 0 : index
    %get3A_15 = vector.load %arg5[%get3A_13, %get3A_14] : memref<128x512xf32, #tpu.memory_space<vmem>>, vector<128x512xf32>
    %dot_general3A = arith.constant dense<0.000000e+00> : vector<2048x512xf32>
    %dot_general3A_16 = tpu.matmul %mul3A_12, %get3A_15, %dot_general3A {dimension_numbers = #tpu.dot_dimension_numbers<[1], [0], [0], [1], [0, 0, 1, 1], [], []>, transpose_lhs_hint = false} : vector<2048x128xf32>, vector<128x512xf32>, vector<2048x512xf32> -> vector<2048x512xf32>
    %get3A_17 = arith.constant 0 : index
    %get3A_18 = arith.constant 0 : index
    %get3A_19 = vector.load %arg6[%get3A_17, %get3A_18] : memref<1x512xf32, #tpu.memory_space<vmem>>, vector<1x512xf32>
    %add3A_20 = vector.broadcast %get3A_19 : vector<1x512xf32> to vector<2048x512xf32>
    %add3A_21 = arith.addf %dot_general3A_16, %add3A_20 : vector<2048x512xf32>
    %max3A = arith.constant 0.000000e+00 : f32
    %max3A_22 = vector.broadcast %max3A : f32 to vector<2048x512xf32>
    %max3A_23 = arith.maximumf %add3A_21, %max3A_22 : vector<2048x512xf32>
    %get3A_24 = arith.constant 0 : index
    %get3A_25 = arith.constant 0 : index
    %get3A_26 = vector.load %arg7[%get3A_24, %get3A_25] : memref<512x256xf32, #tpu.memory_space<vmem>>, vector<512x256xf32>
    %dot_general3A_27 = arith.constant dense<0.000000e+00> : vector<2048x256xf32>
    %dot_general3A_28 = tpu.matmul %max3A_23, %get3A_26, %dot_general3A_27 {dimension_numbers = #tpu.dot_dimension_numbers<[1], [0], [0], [1], [0, 0, 1, 1], [], []>, transpose_lhs_hint = false} : vector<2048x512xf32>, vector<512x256xf32>, vector<2048x256xf32> -> vector<2048x256xf32>
    %get3A_29 = arith.constant 0 : index
    %get3A_30 = arith.constant 0 : index
    %get3A_31 = vector.load %arg4[%get3A_29, %get3A_30] : memref<2048x1xf32, #tpu.memory_space<vmem>>, vector<2048x1xf32>
    %mul3A_32 = vector.broadcast %get3A_31 : vector<2048x1xf32> to vector<2048x256xf32>
    %mul3A_33 = arith.mulf %dot_general3A_28, %mul3A_32 : vector<2048x256xf32>
    %slice3A = vector.extract_strided_slice %mul3A_33 {offsets = [0, 0], sizes = [2048, 128], strides = [1, 1]} : vector<2048x256xf32> to vector<2048x128xf32>
    %swap3A = arith.constant 0 : index
    %swap3A_34 = arith.constant 0 : index
    %swap3A_35 = vector.load %arg8[%swap3A, %swap3A_34] : memref<2048x128xf32, #tpu.memory_space<vmem>>, vector<2048x128xf32>
    tpu.vector_store %arg8[%swap3A, %swap3A_34], %slice3A {strides = array<i32>} : memref<2048x128xf32, #tpu.memory_space<vmem>>, vector<2048x128xf32>,
    %slice3A_36 = vector.extract_strided_slice %mul3A_33 {offsets = [0, 128], sizes = [2048, 128], strides = [1, 1]} : vector<2048x256xf32> to vector<2048x128xf32>
    %swap3A_37 = arith.constant 0 : index
    %swap3A_38 = arith.constant 0 : index
    %swap3A_39 = vector.load %arg9[%swap3A_37, %swap3A_38] : memref<2048x128xf32, #tpu.memory_space<vmem>>, vector<2048x128xf32>
    tpu.vector_store %arg9[%swap3A_37, %swap3A_38], %slice3A_36 {strides = array<i32>} : memref<2048x128xf32, #tpu.memory_space<vmem>>, vector<2048x128xf32>,
    return
  }
  func.func @transform_0(%arg0: i32) -> (i32, i32) {
    %c0_i32 = arith.constant 0 : i32
    %c0_i32_0 = arith.constant 0 : i32
    return %arg0, %c0_i32 : i32, i32
  }
  func.func @transform_1(%arg0: i32) -> (i32, i32) {
    %c0_i32 = arith.constant 0 : i32
    %c0_i32_0 = arith.constant 0 : i32
    return %arg0, %c0_i32 : i32, i32
  }
  func.func @transform_2(%arg0: i32) -> (i32, i32) {
    %c0_i32 = arith.constant 0 : i32
    %c0_i32_0 = arith.constant 0 : i32
    return %arg0, %c0_i32 : i32, i32
  }
  func.func @transform_3(%arg0: i32) -> (i32, i32) {
    %c0_i32 = arith.constant 0 : i32
    %c0_i32_0 = arith.constant 0 : i32
    return %arg0, %c0_i32 : i32, i32
  }
  func.func @transform_4(%arg0: i32) -> (i32, i32) {
    %c0_i32 = arith.constant 0 : i32
    %c0_i32_0 = arith.constant 0 : i32
    %c0_i32_1 = arith.constant 0 : i32
    return %c0_i32, %c0_i32_0 : i32, i32
  }
  func.func @transform_5(%arg0: i32) -> (i32, i32) {
    %c0_i32 = arith.constant 0 : i32
    %c0_i32_0 = arith.constant 0 : i32
    %c0_i32_1 = arith.constant 0 : i32
    return %c0_i32, %c0_i32_0 : i32, i32
  }
  func.func @transform_6(%arg0: i32) -> (i32, i32) {
    %c0_i32 = arith.constant 0 : i32
    %c0_i32_0 = arith.constant 0 : i32
    %c0_i32_1 = arith.constant 0 : i32
    return %c0_i32, %c0_i32_0 : i32, i32
  }
  func.func @transform_7(%arg0: i32) -> (i32, i32) {
    %c0_i32 = arith.constant 0 : i32
    %c0_i32_0 = arith.constant 0 : i32
    return %arg0, %c0_i32 : i32, i32
  }
  func.func @transform_8(%arg0: i32) -> (i32, i32) {
    %c0_i32 = arith.constant 0 : i32
    %c0_i32_0 = arith.constant 0 : i32
    return %arg0, %c0_i32 : i32, i32
  }
}

module attributes {stable_mosaic.version = 14 : i64} {
  func.func @_tc_mm3_body(%arg0: i32, %arg1: memref<2048x128xf32, #tpu.memory_space<vmem>>, %arg2: memref<2048x128xf32, #tpu.memory_space<vmem>>, %arg3: memref<2048x128xf32, #tpu.memory_space<vmem>>, %arg4: memref<2048x128xf32, #tpu.memory_space<vmem>>, %arg5: memref<2048x1xf32, #tpu.memory_space<vmem>>, %arg6: memref<1x256xf32, #tpu.memory_space<vmem>>, %arg7: memref<256x64xf32, #tpu.memory_space<vmem>>, %arg8: memref<2048x128xf32, #tpu.memory_space<vmem>>) attributes {dimension_semantics = [#tpu.dimension_semantics<arbitrary>], iteration_bounds = array<i64: 5>, scalar_prefetch = 0 : i64, scratch_operands = 0 : i64, tpu.core_type = #tpu.core_type<tc>, window_params = [{transform_indices = @transform_0, window_bounds = array<i64: 2048, 128>}, {transform_indices = @transform_1, window_bounds = array<i64: 2048, 128>}, {transform_indices = @transform_2, window_bounds = array<i64: 2048, 128>}, {transform_indices = @transform_3, window_bounds = array<i64: 2048, 128>}, {transform_indices = @transform_4, window_bounds = array<i64: 2048, 1>}, {pipeline_mode = #tpu.pipeline_mode<synchronous>, transform_indices = @transform_5, window_bounds = array<i64: 1, 256>}, {pipeline_mode = #tpu.pipeline_mode<synchronous>, transform_indices = @transform_6, window_bounds = array<i64: 256, 64>}, {transform_indices = @transform_7, window_bounds = array<i64: 2048, 128>}]} {
    %get3A = arith.constant 0 : index
    %get3A_0 = arith.constant 0 : index
    %get3A_1 = vector.load %arg1[%get3A, %get3A_0] : memref<2048x128xf32, #tpu.memory_space<vmem>>, vector<2048x128xf32>
    %get3A_2 = arith.constant 0 : index
    %get3A_3 = arith.constant 0 : index
    %get3A_4 = vector.load %arg3[%get3A_2, %get3A_3] : memref<2048x128xf32, #tpu.memory_space<vmem>>, vector<2048x128xf32>
    %add3A = arith.addf %get3A_1, %get3A_4 : vector<2048x128xf32>
    %get3A_5 = arith.constant 0 : index
    %get3A_6 = arith.constant 0 : index
    %get3A_7 = vector.load %arg2[%get3A_5, %get3A_6] : memref<2048x128xf32, #tpu.memory_space<vmem>>, vector<2048x128xf32>
    %get3A_8 = arith.constant 0 : index
    %get3A_9 = arith.constant 0 : index
    %get3A_10 = vector.load %arg4[%get3A_8, %get3A_9] : memref<2048x128xf32, #tpu.memory_space<vmem>>, vector<2048x128xf32>
    %add3A_11 = arith.addf %get3A_7, %get3A_10 : vector<2048x128xf32>
    %concatenate3A = tpu.concatenate %add3A, %add3A_11 in 1 : vector<2048x128xf32>, vector<2048x128xf32> -> vector<2048x256xf32>
    %get3A_12 = arith.constant 0 : index
    %get3A_13 = arith.constant 0 : index
    %get3A_14 = vector.load %arg5[%get3A_12, %get3A_13] : memref<2048x1xf32, #tpu.memory_space<vmem>>, vector<2048x1xf32>
    %mul3A = vector.broadcast %get3A_14 : vector<2048x1xf32> to vector<2048x256xf32>
    %mul3A_15 = arith.mulf %concatenate3A, %mul3A : vector<2048x256xf32>
    %get3A_16 = arith.constant 0 : index
    %get3A_17 = arith.constant 0 : index
    %get3A_18 = vector.load %arg6[%get3A_16, %get3A_17] : memref<1x256xf32, #tpu.memory_space<vmem>>, vector<1x256xf32>
    %add3A_19 = vector.broadcast %get3A_18 : vector<1x256xf32> to vector<2048x256xf32>
    %add3A_20 = arith.addf %mul3A_15, %add3A_19 : vector<2048x256xf32>
    %max3A = arith.constant 0.000000e+00 : f32
    %max3A_21 = vector.broadcast %max3A : f32 to vector<2048x256xf32>
    %max3A_22 = arith.maximumf %add3A_20, %max3A_21 : vector<2048x256xf32>
    %get3A_23 = arith.constant 0 : index
    %get3A_24 = arith.constant 0 : index
    %get3A_25 = vector.load %arg7[%get3A_23, %get3A_24] : memref<256x64xf32, #tpu.memory_space<vmem>>, vector<256x64xf32>
    %dot_general3A = arith.constant dense<0.000000e+00> : vector<2048x64xf32>
    %dot_general3A_26 = tpu.matmul %max3A_22, %get3A_25, %dot_general3A {dimension_numbers = #tpu.dot_dimension_numbers<[1], [0], [0], [1], [0, 0, 1, 1], [], []>, transpose_lhs_hint = false} : vector<2048x256xf32>, vector<256x64xf32>, vector<2048x64xf32> -> vector<2048x64xf32>
    %get3A_27 = arith.constant 0 : index
    %get3A_28 = arith.constant 0 : index
    %get3A_29 = vector.load %arg5[%get3A_27, %get3A_28] : memref<2048x1xf32, #tpu.memory_space<vmem>>, vector<2048x1xf32>
    %mul3A_30 = vector.broadcast %get3A_29 : vector<2048x1xf32> to vector<2048x64xf32>
    %mul3A_31 = arith.mulf %dot_general3A_26, %mul3A_30 : vector<2048x64xf32>
    %broadcast_in_dim3A = arith.constant 0.000000e+00 : f32
    %broadcast_in_dim3A_32 = vector.broadcast %broadcast_in_dim3A : f32 to vector<2048x64xf32>
    %concatenate3A_33 = tpu.concatenate %mul3A_31, %broadcast_in_dim3A_32 in 1 : vector<2048x64xf32>, vector<2048x64xf32> -> vector<2048x128xf32>
    %swap3A = arith.constant 0 : index
    %swap3A_34 = arith.constant 0 : index
    %swap3A_35 = vector.load %arg8[%swap3A, %swap3A_34] : memref<2048x128xf32, #tpu.memory_space<vmem>>, vector<2048x128xf32>
    tpu.vector_store %arg8[%swap3A, %swap3A_34], %concatenate3A_33 {strides = array<i32>} : memref<2048x128xf32, #tpu.memory_space<vmem>>, vector<2048x128xf32>,
    return
  }
  func.func @transform_0(%arg0: i32) -> (i32, i32) {
    %c0_i32 = arith.constant 0 : i32
    %c0_i32_0 = arith.constant 0 : i32
    return %arg0, %c0_i32 : i32, i32
  }
  func.func @transform_1(%arg0: i32) -> (i32, i32) {
    %c0_i32 = arith.constant 0 : i32
    %c0_i32_0 = arith.constant 0 : i32
    return %arg0, %c0_i32 : i32, i32
  }
  func.func @transform_2(%arg0: i32) -> (i32, i32) {
    %c0_i32 = arith.constant 0 : i32
    %c0_i32_0 = arith.constant 0 : i32
    return %arg0, %c0_i32 : i32, i32
  }
  func.func @transform_3(%arg0: i32) -> (i32, i32) {
    %c0_i32 = arith.constant 0 : i32
    %c0_i32_0 = arith.constant 0 : i32
    return %arg0, %c0_i32 : i32, i32
  }
  func.func @transform_4(%arg0: i32) -> (i32, i32) {
    %c0_i32 = arith.constant 0 : i32
    %c0_i32_0 = arith.constant 0 : i32
    return %arg0, %c0_i32 : i32, i32
  }
  func.func @transform_5(%arg0: i32) -> (i32, i32) {
    %c0_i32 = arith.constant 0 : i32
    %c0_i32_0 = arith.constant 0 : i32
    %c0_i32_1 = arith.constant 0 : i32
    return %c0_i32, %c0_i32_0 : i32, i32
  }
  func.func @transform_6(%arg0: i32) -> (i32, i32) {
    %c0_i32 = arith.constant 0 : i32
    %c0_i32_0 = arith.constant 0 : i32
    %c0_i32_1 = arith.constant 0 : i32
    return %c0_i32, %c0_i32_0 : i32, i32
  }
  func.func @transform_7(%arg0: i32) -> (i32, i32) {
    %c0_i32 = arith.constant 0 : i32
    %c0_i32_0 = arith.constant 0 : i32
    return %arg0, %c0_i32 : i32, i32
  }
}

module attributes {stable_mosaic.version = 14 : i64} {
  func.func @_tc_head_body(%arg0: memref<10240x128xf32, #tpu.memory_space<vmem>>, %arg1: memref<10240x128xf32, #tpu.memory_space<vmem>>, %arg2: memref<10240x128xf32, #tpu.memory_space<vmem>>, %arg3: memref<10240x1xf32, #tpu.memory_space<vmem>>, %arg4: memref<1x64xf32, #tpu.memory_space<vmem>>, %arg5: memref<1x10240xi32, #tpu.memory_space<vmem>>, %arg6: memref<64x10xf32, #tpu.memory_space<vmem>>, %arg7: memref<10xf32, #tpu.memory_space<vmem>>, %arg8: memref<64x10xf32, #tpu.memory_space<vmem>>) attributes {dimension_semantics = [], scalar_prefetch = 0 : i64, scratch_operands = 0 : i64, tpu.core_type = #tpu.core_type<tc>} {
    %get3A = arith.constant 0 : index
    %get3A_0 = arith.constant 0 : index
    %get3A_1 = vector.load %arg0[%get3A, %get3A_0] : memref<10240x128xf32, #tpu.memory_space<vmem>>, vector<10240x128xf32>
    %get3A_2 = arith.constant 0 : index
    %get3A_3 = arith.constant 0 : index
    %get3A_4 = vector.load %arg1[%get3A_2, %get3A_3] : memref<10240x128xf32, #tpu.memory_space<vmem>>, vector<10240x128xf32>
    %add3A = arith.addf %get3A_1, %get3A_4 : vector<10240x128xf32>
    %get3A_5 = arith.constant 0 : index
    %get3A_6 = arith.constant 0 : index
    %get3A_7 = vector.load %arg2[%get3A_5, %get3A_6] : memref<10240x128xf32, #tpu.memory_space<vmem>>, vector<10240x128xf32>
    %add3A_8 = arith.addf %add3A, %get3A_7 : vector<10240x128xf32>
    %get3A_9 = arith.constant 0 : index
    %get3A_10 = arith.constant 0 : index
    %get3A_11 = vector.load %arg3[%get3A_9, %get3A_10] : memref<10240x1xf32, #tpu.memory_space<vmem>>, vector<10240x1xf32>
    %mul3A = vector.broadcast %get3A_11 : vector<10240x1xf32> to vector<10240x128xf32>
    %mul3A_12 = arith.mulf %add3A_8, %mul3A : vector<10240x128xf32>
    %slice3A = vector.extract_strided_slice %mul3A_12 {offsets = [0, 0], sizes = [10240, 64], strides = [1, 1]} : vector<10240x128xf32> to vector<10240x64xf32>
    %get3A_13 = arith.constant 0 : index
    %get3A_14 = arith.constant 0 : index
    %get3A_15 = vector.load %arg4[%get3A_13, %get3A_14] : memref<1x64xf32, #tpu.memory_space<vmem>>, vector<1x64xf32>
    %add3A_16 = vector.broadcast %get3A_15 : vector<1x64xf32> to vector<10240x64xf32>
    %add3A_17 = arith.addf %slice3A, %add3A_16 : vector<10240x64xf32>
    %iota3A = tpu.iota {dimensions = array<i32: 0>} : vector<64x10240xi32>
    %get3A_18 = arith.constant 0 : index
    %get3A_19 = arith.constant 0 : index
    %get3A_20 = vector.load %arg5[%get3A_18, %get3A_19] : memref<1x10240xi32, #tpu.memory_space<vmem>>, vector<1x10240xi32>
    %eq3A = vector.broadcast %get3A_20 : vector<1x10240xi32> to vector<64x10240xi32>
    %eq3A_21 = arith.cmpi eq, %eq3A, %iota3A : vector<64x10240xi32>
    %convert_element_type3A = arith.extui %eq3A_21 : vector<64x10240xi1> to vector<64x10240xi32>
    %convert_element_type3A_22 = arith.sitofp %convert_element_type3A : vector<64x10240xi32> to vector<64x10240xf32>
    %dot_general3A = arith.constant dense<0.000000e+00> : vector<64x64xf32>
    %dot_general3A_23 = tpu.matmul %convert_element_type3A_22, %add3A_17, %dot_general3A {dimension_numbers = #tpu.dot_dimension_numbers<[1], [0], [0], [1], [0, 0, 1, 1], [], []>, transpose_lhs_hint = false} : vector<64x10240xf32>, vector<10240x64xf32>, vector<64x64xf32> -> vector<64x64xf32>
    %broadcast_in_dim3A = arith.constant 1.000000e+00 : f32
    %broadcast_in_dim3A_24 = vector.broadcast %broadcast_in_dim3A : f32 to vector<10240x1xf32>
    %dot_general3A_25 = arith.constant dense<0.000000e+00> : vector<64x1xf32>
    %dot_general3A_26 = tpu.matmul %convert_element_type3A_22, %broadcast_in_dim3A_24, %dot_general3A_25 {dimension_numbers = #tpu.dot_dimension_numbers<[1], [0], [0], [1], [0, 0, 1, 1], [], []>, transpose_lhs_hint = false} : vector<64x10240xf32>, vector<10240x1xf32>, vector<64x1xf32> -> vector<64x1xf32>
    %max3A = arith.constant 1.000000e+00 : f32
    %max3A_27 = vector.broadcast %max3A : f32 to vector<64x1xf32>
    %max3A_28 = arith.maximumf %dot_general3A_26, %max3A_27 : vector<64x1xf32>
    %div3A = vector.broadcast %max3A_28 : vector<64x1xf32> to vector<64x64xf32>
    %div3A_29 = arith.divf %dot_general3A_23, %div3A : vector<64x64xf32>
    %get3A_30 = arith.constant 0 : index
    %get3A_31 = arith.constant 0 : index
    %get3A_32 = vector.load %arg6[%get3A_30, %get3A_31] : memref<64x10xf32, #tpu.memory_space<vmem>>, vector<64x10xf32>
    %dot_general3A_33 = arith.constant dense<0.000000e+00> : vector<64x10xf32>
    %dot_general3A_34 = tpu.matmul %div3A_29, %get3A_32, %dot_general3A_33 {dimension_numbers = #tpu.dot_dimension_numbers<[1], [0], [0], [1], [0, 0, 1, 1], [], []>, transpose_lhs_hint = false} : vector<64x64xf32>, vector<64x10xf32>, vector<64x10xf32> -> vector<64x10xf32>
    %get3A_35 = arith.constant 0 : index
    %get3A_36 = vector.load %arg7[%get3A_35] : memref<10xf32, #tpu.memory_space<vmem>>, vector<10xf32>
    %broadcast_in_dim3A_37 = vector.shape_cast %get3A_36 : vector<10xf32> to vector<1x10xf32>
    %add3A_38 = vector.broadcast %broadcast_in_dim3A_37 : vector<1x10xf32> to vector<64x10xf32>
    %add3A_39 = arith.addf %dot_general3A_34, %add3A_38 : vector<64x10xf32>
    %swap3A = arith.constant 0 : index
    %swap3A_40 = arith.constant 0 : index
    %swap3A_41 = vector.load %arg8[%swap3A, %swap3A_40] : memref<64x10xf32, #tpu.memory_space<vmem>>, vector<64x10xf32>
    tpu.vector_store %arg8[%swap3A, %swap3A_40], %add3A_39 {strides = array<i32>} : memref<64x10xf32, #tpu.memory_space<vmem>>, vector<64x10xf32>,
    return
  }
}

</mosaic_0001>

<sc_bundles>
// kernel: kernel.10.cloned.1.call-start
scs
__scs_entry_jumppad:
0x0: {  	(pc) =	sbr.rel $0x88, $3  }
0x1: {  	(tag) =	ssettag $0x0;
	lr =	simm.s32 $0x1  }
0x2: {  	[smem:$0x3F96] =	sst lr;
	_ =	strace $0xD0000000  }
0x3: {  	_ = 	snop  }
0x4: {  	_ = 	snop  }
0x5: {  	_ = 	snop  }
0x6: {  	_ = 	snop  }
0x7: {  	_ = 	snop  }
__scs_overlays_trampoline_lowered:
0x8: {  	[smem:$0x3FA5] =	sst s0  }
0x9: {  	[smem:$0x3FA6] =	sst s1  }
0xa: {  	[smem:$0x3FA7] =	sst s2  }
0xb: {  	[smem:$0x3FA8] =	sst s3  }
0xc: {  	[smem:$0x3FA9] =	sst s4  }
0xd: {  	[smem:$0x3FAA] =	sst s5  }
0xe: {  	[smem:$0x3FAB] =	sst s6  }
0xf: {  	[smem:$0x3FAC] =	sst s7  }
0x10: {  	[smem:$0x3FAD] =	sst s8  }
0x11: {  	[smem:$0x3FAE] =	sst s9;
	s0 =	simm.s32 @!p0 $0x0  }
0x12: {  	s1 =	sld [smem:$0x3F94];
	s0 =	simm.s32 @p0 $0x1  }
0x13: {  	[smem:$0x3FAF] =	sst s0;
	s0 =	simm.s32 @!p1 $0x0  }
0x14: {  	s2 =	sld [smem:$0x3F93];
	s0 =	simm.s32 @p1 $0x1  }
0x15: {  	[smem:$0x3FB0] =	sst s0;
	s0 =	simm.s32 @!p2 $0x0  }
0x16: {  	s3 =	sld [smem:$0x3FDB];
	s0 =	simm.s32 @p2 $0x1  }
0x17: {  	s4 =	simm.s32 $0x1BF5;
	[smem:$0x3FB2] =	sst s0  }
0x18: {  	s0 =	sld [smem:$0x3F95];
	_ =	swait.ge [sflag:s4], $0x0  }
0x19: {  	s7 =	sld [smem:$0x3F96]  }
0x1a: {  	s8 =	sadd.s32 $0xFFFFE003, lr  }
0x1b: {  	s9 =	sadd.s32 $0xFFFFFEF7, lr;
	s5 =	simm.s32 $0xFFFFFFFF;
	p2 =	slt.u32 s8, $0xFFFFF086  }
0x1c: {  	p1 =	slt.u32 s9, $0xF7A;
	s5 =	simm.s32 @!p2 $0x0  }
0x1d: {  	s5 =	simm.s32 @p1 $0x1;
	p0 =	seq.s32 s7, s2  }
0x1e: {  	s7 =	smul.u32 @!p0 $0xF7A, s2;
	p2 =	seq.s32 @!p0 s5, $0x0  }
0x1f: {  	s9 =	smul.u32 $0xF7A, s1;
	s8 =	simm.s32 @!p0 $0x1BF5;
	p2 =	por !p2, p0  }
0x20: {  	[sflag:s8] =	ssyncset.s32 @!p0 $0xFFFFF086;
	s6 =	sadd.s32 @!p0 s3, s7;
	s7 =	simm.s32 @!p0 $0x108  }
0x21: {  	s3 =	sadd.s32 s3, s9;
	s6 =	sadd.s32 @!p0 $0x88, s6;
	s7 =	simm.s32 @p2 $0x1082  }
0x22: {  	[simem:s7], [sflag:s8] =	dma.local @!p0 [hbm:s6], $0xF7A  }
0x23: {  	s9 =	sor.u32 $0xD0000000, s2;
	s6 =	simm.s32 $0x108;
	_ =	swait.ge @!p0 [sflag:s8], $0x0  }
0x24: {  	s3 =	sadd.s32 $0x88, s3;
	s6 =	simm.s32 @!p1 $0x1082;
	[sflag:s4] =	ssyncset.s32 $0xFFFFF086  }
0x25: {  	[simem:s6], [sflag:s4] =	dma.local [hbm:s3], $0xF7A  }
0x26: {  	[smem:$0x3F96] =	sst s1;
	(tag) =	ssettag s2;
	_ =	strace s9  }
0x27: {  	s1 =	sld [smem:$0x3FA6]  }
0x28: {  	s2 =	sld [smem:$0x3FA7]  }
0x29: {  	s4 =	sld [smem:$0x3FA9]  }
0x2a: {  	p0 =	seq.s32 s5, $0x0;
	s5 =	sld [smem:$0x3FAA]  }
0x2b: {  	s6 =	sld [smem:$0x3FAB]  }
0x2c: {  	s7 =	sld [smem:$0x3FAC]  }
0x2d: {  	s3 =	simm.s32 $0x108;
	s8 =	sld [smem:$0x3FAD]  }
0x2e: {  	s3 =	simm.s32 @!p0 $0x1082;
	s9 =	sld [smem:$0x3FAE]  }
0x2f: {  	lr =	sadd.s32 s0, s3;
	s0 =	sld [smem:$0x3FA5]  }
0x30: {  	s3 =	sld [smem:$0x3FA8]  }
0x31: {  	[smem:$0x3FB1] =	sst s10  }
0x32: {  	s10 =	sld [smem:$0x3FAF];
	_ =	sdelay $0x3  }
0x33: {  	p0 =	seq.s32 s10, $0x1;
	s10 =	sld [smem:$0x3FB1];
	_ =	sdelay $0x3  }
0x34: {  	[smem:$0x3FB1] =	sst s10  }
0x35: {  	s10 =	sld [smem:$0x3FB0];
	_ =	sdelay $0x3  }
0x36: {  	p1 =	seq.s32 s10, $0x1;
	s10 =	sld [smem:$0x3FB1];
	_ =	sdelay $0x3  }
0x37: {  	[smem:$0x3FB1] =	sst s10  }
0x38: {  	s10 =	sld [smem:$0x3FB2]  }
0x39: {  	_ = 	snop;
	(pc) =	sbr.ind lr, $3  }
0x3a: {  	_ = 	snop  }
0x3b: {  	_ = 	snop  }
0x3c: {  	p2 =	seq.s32 s10, $0x1;
	s10 =	sld [smem:$0x3FB1]  }
0x3d: {  	_ =	shalt  }
0x3e: {  	_ =	shalt  }
0x3f: {  	_ =	shalt  }
0x40: {  	_ =	shalt  }
0x41: {  	_ =	shalt  }
0x42: {  	_ =	shalt  }
0x43: {  	_ =	shalt  }
0x44: {  	_ =	shalt  }
0x45: {  	_ =	shalt  }
0x46: {  	_ =	shalt  }
0x47: {  	_ =	shalt  }
0x48: {  	_ =	shalt  }
0x49: {  	_ =	shalt  }
0x4a: {  	_ =	shalt  }
0x4b: {  	_ =	shalt  }
0x4c: {  	_ =	shalt  }
0x4d: {  	_ =	shalt  }
0x4e: {  	_ =	shalt  }
0x4f: {  	_ =	shalt  }
0x50: {  	_ =	shalt  }
0x51: {  	_ =	shalt  }
0x52: {  	_ =	shalt  }
0x53: {  	_ =	shalt  }
0x54: {  	_ =	shalt  }
0x55: {  	_ =	shalt  }
0x56: {  	_ =	shalt  }
0x57: {  	_ =	shalt  }
0x58: {  	_ =	shalt  }
0x59: {  	_ =	shalt  }
0x5a: {  	_ =	shalt  }
0x5b: {  	_ =	shalt  }
0x5c: {  	_ =	shalt  }
0x5d: {  	_ =	shalt  }
0x5e: {  	_ =	shalt  }
0x5f: {  	_ =	shalt  }
0x60: {  	_ =	shalt  }
0x61: {  	_ =	shalt  }
0x62: {  	_ =	shalt  }
0x63: {  	_ =	shalt  }
0x64: {  	_ =	shalt  }
0x65: {  	_ =	shalt  }
0x66: {  	_ =	shalt  }
0x67: {  	_ =	shalt  }
0x68: {  	_ =	shalt  }
0x69: {  	_ =	shalt  }
0x6a: {  	_ =	shalt  }
0x6b: {  	_ =	shalt  }
0x6c: {  	_ =	shalt  }
0x6d: {  	_ =	shalt  }
0x6e: {  	_ =	shalt  }
0x6f: {  	_ =	shalt  }
0x70: {  	_ =	shalt  }
0x71: {  	_ =	shalt  }
0x72: {  	_ =	shalt  }
0x73: {  	_ =	shalt  }
0x74: {  	_ =	shalt  }
0x75: {  	_ =	shalt  }
0x76: {  	_ =	shalt  }
0x77: {  	_ =	shalt  }
0x78: {  	_ =	shalt  }
0x79: {  	_ =	shalt  }
0x7a: {  	_ =	shalt  }
0x7b: {  	_ =	shalt  }
0x7c: {  	_ =	shalt  }
0x7d: {  	_ =	shalt  }
0x7e: {  	_ =	shalt  }
0x7f: {  	_ =	shalt  }
0x80: {  	_ =	shalt  }
0x81: {  	_ =	shalt  }
0x82: {  	_ =	shalt  }
0x83: {  	_ =	shalt  }
0x84: {  	_ =	shalt  }
0x85: {  	_ =	shalt  }
0x86: {  	_ =	shalt  }
0x87: {  	_ =	shalt  }
.Lfunc_end0:
.L_simem_size_0:
called_computation_lowered:
.L_overlay_start_0:
0x88: {  	s2 =	sld [smem:$0x3FD9]  }
0x89: {  	s3 =	sld [smem:$0x3FFE];
	_ =	sdelay $0x1  }
0x8a: {  	s1 =	srdreg.scid  }
0x8b: {  	s0 =	sand.u32 $0x1, s1  }
0x8c: {  	s16 =	sshll.u32 s0, $0xA;
	s2 =	sadd.s32 s3, s2  }
0x8d: {  	s2 =	sadd.s32 s2, s16  }
0x8e: {  	[smem:$0x3FBD] =	sst s2  }
0x8f: {  	_ = 	snop  }
0x90: {  	(tm) =	ssettm $0x1  }
0x91: {  	s17 =	sld [smem:$0x3FFB];
	_ =	sdelay $0x3  }
0x92: {  	_ =	strace s17  }
0x93: {  	s2 =	sld [smem:$0x3FFC];
	_ =	sdelay $0x3  }
0x94: {  	_ =	strace s2  }
0x95: {  	s2 =	sld [smem:$0x3FFD];
	_ =	sdelay $0x3  }
0x96: {  	_ =	strace s2  }
0x97: {  	_ =	strace $0x8FFFFFFF  }
0x98: {  	s18 =	sld [smem:$0x3FDB];
	_ =	sdelay $0x1  }
0x99: {  	s19 =	simm.s32 $_scs_section_size  }
0x9a: {  	s4 =	simm.s32 $_size__tile_overlayer_lowered;
	s5 =	simm.s32 $_tile_overlayer_lowered  }
0x9b: {  	s22 =	simm.s32 $0x1BFF;
	s21 =	sshll.u32 s5, $0x1;
	s2 =	sadd.s32 s19, s18  }
0x9c: {  	s6 =	simm.s32 $0x0;
	s20 =	sshll.u32 s4, $0x1;
	s4 =	sadd.s32 s21, s2  }
0x9d: {  	[timem:s6], [sflag:s22] =	dma.local [hbm:s4], s20  }
0x9e: {  	_ =	swait.ge [sflag:s22], s20  }
0x9f: {  	s3 =	ssub.s32 $0x0, s20;
	[sflag:s22] =	ssyncset.done $0x0  }
0xa0: {  	[sflag:s22] =	ssyncadd.s32 s3;
	_ =	sdelay $0x1  }
0xa1: {  	s23 =	simm.s32 $0x1B8B  }
0xa2: {  	_ =	swait.ge [sflag:s23], $0x1  }
0xa3: {  	[sflag:s23] =	ssyncset.done $0x0  }
0xa4: {  	s25 =	simm.s32 $0x1B8E;
	s24 =	sld [smem:$0x3FFE];
	[sflag:s23] =	ssyncadd.s32 $0xFFFFFFFF  }
0xa5: {  	s26 =	simm.s32 $execute0_lowered;
	[smem:$0x3FD2] =	sst s25  }
0xa6: {  	s4 =	sshll.u32 s26, $0x1;
	_ =	strace $0x80000046;
	[dreg:$0x1] =	wrdreg $0xFFFFFFFF  }
0xa7: {  	s28 =	simm.s32 $_size_execute0_lowered;
	s2 =	sadd.s32 s2, s4;
	[dreg:$0x0] =	wrdreg $0x0  }
0xa8: {  	s4 =	sshll.u32 s28, $0x1;
	[dreg:$0x2] =	wrdreg s2  }
0xa9: {  	[dreg:$0x3] =	wrdreg s4  }
0xaa: {  	[dreg:$0x4] =	wrdreg $0xC0  }
0xab: {  	_ =	task [dreg:s6], $0x5FFFF  }
0xac: {  	[dreg:$0x1] =	wrdreg $0xFFFFFFFF  }
0xad: {  	[dreg:$0x0] =	wrdreg $0x60  }
0xae: {  	[dreg:$0x2] =	wrdreg s24  }
0xaf: {  	[dreg:$0x3] =	wrdreg $0x68000  }
0xb0: {  	[dreg:$0x4] =	wrdreg $0x9  }
0xb1: {  	_ =	task.clear_ibuf [dreg:s6], $0x5FFFF;
	_ =	strace $0x90000046  }
0xb2: {  	s29 =	simm.s32 $0x9;
	_ =	strace $0x80000048  }
0xb3: {  	_ =	swait.ge [sflag:s29], $0x1  }
0xb4: {  	[sflag:s29] =	ssyncadd.s32 $0xFFFFFFFF  }
0xb5: {  	_ =	strace $0x90000048  }
0xb6: {  	_ =	sfence  }
0xb7: {  	s30 =	sld [smem:$0x0];
	_ =	sdelay $0x2  }
0xb8: {  	s31 =	sshll.u32 s1, $0xD;
	s1 =	sshrl.u32 s1, $0x2  }
0xb9: {  	s3 =	sand.u32 $0x4000, s31;
	s1 =	sadd.s32 s1, s30  }
0xba: {  	s0 =	sor.u32 s3, s0;
	s1 =	sshll.u32 s1, $0x11  }
0xbb: {  	s0 =	sor.u32 s1, s0  }
0xbc: {  	s0 =	sadd.s32 $0x8F2B, s0  }
0xbd: {  	[sflag:s0] =	ssyncadd.remote.s32 $0x1  }
0xbe: {  	_ =	sfence.sel $0xFFFF  }
0xbf: {  	[dreg:$0x0] =	wrdreg $0xFFFFFFFF;
	(pc) =	sbr.abs _section_cstart, $3  }
0xc0: {  	[dreg:$0x1] =	wrdreg $0xFFFFFFFF  }
0xc1: {  	_ =	task.clear_ibuf [dreg:s6], $0x2FFFF;
	_ =	strace $0x9FFFFFFF  }
0xc2: {  	(tm) =	ssettm $0x7FFFFFFF  }
0xc3: {  	_ =	shalt  }
tec
execute0_lowered:
.L_overlay_start_1:
0x0: {  	(tag) =	ssettag $0x1  }
0x1: {  	s11 =	rddreg [dreg:$0x0]  }
0x2: {  	s0 =	srdreg.scid;
	s2 =	rddreg [dreg:$0x1]  }
0x3: {  	s1 =	stileid.u32;
	s3 =	simm.s32 $0x0;
	s12 =	simm.s32 $0x55E00  }
0x4: {  	s14 =	simm.s32 $0x80;
	s15 =	simm.s32 $0x1;
	s18 =	simm.s32 $0x0  }
0x5: {  	s8 =	sand.u32 $0x1, s0;
	s0 =	rddreg [dreg:$0x2];
	s5 =	smul.u32 $0x50000, s1  }
0x6: {  	[smem:$0x7FF] =	sst s3;
	s13 =	smul.u32 $0x2800, s1;
	s16 =	sshll.u32 s1, $0x6  }
0x7: {  	s4 =	sshll.u32 s8, $0x4;
	_ =	strace $0x80000047;
	s6 =	ssub.s32 $0x2, s8  }
0x8: {  	p0 =	seq.s32 s8, $0x1;
	s4 =	sor.u32 s1, s4;
	s7 =	sshrl.u32 s6, $0x1  }
0x9: {  	s16 =	sor.u32 $0x1C02, s16;
	s4 =	smul.u32 $0x500, s4;
	s10 =	ssub.s32 s6, s7  }
0xa: {  	s5 =	sshrl.u32 s5, $0x2;
	s12 =	simm.s32 @!p0 $0x2DE00;
	s10 =	smax.u32 s10, $0x1  }
0xb: {  	s9 =	sadd.s32 s4, s11;
	s4 =	sadd.s32 s5, s2;
	s11 =	sadd.s32 s12, s11  }
0xc: {  	s12 =	simm.s32 $0x2800;
	s5 =	sadd.s32 $0x4000, s4;
	s6 =	sadd.s32 $0x8000, s4  }
0xd: {  	s7 =	sadd.s32 $0xC000, s4;
	s8 =	sadd.s32 $0x10000, s4;
	s9 =	sadd.s32 $0x23E00, s9  }
0xe: {  	v0 =	vimm.f32 $0.0e+00;
	v1 =	vimm.f32 $1.000000000e+00;
	s11 =	sadd.s32 s11, s13;
	s13 =	simm.s32 $0x2;
	s17 =	sshrl.u32 s4, $0x3  }
.LBB2_1:
0xf: {  	s19 =	simm.s32 $0x0;
	s20 =	simm.s32 $0x200  }
.LBB2_2:
0x10: {  	p0 =	sne.s32 s20, $0xFE00;
	[tilespmem:s19+$0x2870] =	vst v0  }
0x11: {  	[tilespmem:s19+$0x2800] =	vst v0  }
0x12: {  	[tilespmem:s19+$0x2810] =	vst v0  }
.Ltmp0:
0x13: {  	[tilespmem:s19+$0x2820] =	vst v0;
	(pc) =	sbr.rel @p0 .LBB2_2-.Ltmp0, $4  }
0x14: {  	[tilespmem:s19+$0x2830] =	vst v0  }
0x15: {  	[tilespmem:s19+$0x2840] =	vst v0  }
0x16: {  	[tilespmem:s19+$0x2850] =	vst v0  }
0x17: {  	[tilespmem:s19+$0x2860] =	vst v0;
	s19 =	sshra.s32 s20, $0x2;
	s20 =	sadd.s32 $0x200, s20  }
0x18: {  	[tilespmem:s19+$0x2870] =	vst v0  }
0x19: {  	[tilespmem:s19+$0x2800] =	vst v0  }
0x1a: {  	[tilespmem:s19+$0x2810] =	vst v0  }
0x1b: {  	[tilespmem:s19+$0x2820] =	vst v0  }
0x1c: {  	[tilespmem:s19+$0x2830] =	vst v0  }
0x1d: {  	[tilespmem:s19+$0x2840] =	vst v0  }
0x1e: {  	[tilespmem:s19+$0x2850] =	vst v0  }
0x1f: {  	[tilespmem:s19+$0x2860] =	vst v0  }
0x20: {  	[spmem:s4] =	stream.linear.scatter [tilespmem:s12], [sflag:$0x2], $0x4000, $0x38;
	[tilespmem:$0x1A800] =	vst v63  }
0x21: {  	_ =	swait.ge [sflag:s13], $0x4000  }
0x22: {  	[sflag:s13] =	ssyncset.done $0x0  }
0x23: {  	[sflag:s13] =	ssyncadd.s32 $0xFFFFC000  }
0x24: {  	[spmem:s5] =	stream.linear.scatter [tilespmem:s12], [sflag:$0x2], $0x4000, $0x38;
	[tilespmem:$0x1A800] =	vst v63  }
0x25: {  	_ =	swait.ge [sflag:s13], $0x4000  }
0x26: {  	[sflag:s13] =	ssyncset.done $0x0  }
0x27: {  	[sflag:s13] =	ssyncadd.s32 $0xFFFFC000  }
0x28: {  	[spmem:s6] =	stream.linear.scatter [tilespmem:s12], [sflag:$0x2], $0x4000, $0x38;
	[tilespmem:$0x1A800] =	vst v63  }
0x29: {  	_ =	swait.ge [sflag:s13], $0x4000  }
0x2a: {  	[sflag:s13] =	ssyncset.done $0x0  }
0x2b: {  	[sflag:s13] =	ssyncadd.s32 $0xFFFFC000  }
0x2c: {  	[spmem:s7] =	stream.linear.scatter [tilespmem:s12], [sflag:$0x2], $0x4000, $0x38;
	[tilespmem:$0x1A800] =	vst v63  }
0x2d: {  	_ =	swait.ge [sflag:s13], $0x4000  }
0x2e: {  	[sflag:s13] =	ssyncset.done $0x0  }
0x2f: {  	[sflag:s13] =	ssyncadd.s32 $0xFFFFC000  }
0x30: {  	[spmem:s8] =	stream.linear.scatter [tilespmem:s12], [sflag:$0x2], $0x4000, $0x38;
	[tilespmem:$0x1A800] =	vst v63  }
0x31: {  	_ =	swait.ge [sflag:s13], $0x4000  }
0x32: {  	[sflag:s13] =	ssyncset.done $0x0  }
0x33: {  	s19 =	simm.s32 $0x0;
	s20 =	simm.s32 $0x200;
	[sflag:s13] =	ssyncadd.s32 $0xFFFFC000  }
.LBB2_4:
0x34: {  	p0 =	sne.s32 s20, $0xFE00;
	[tilespmem:s19+$0x2870] =	vst v1  }
0x35: {  	[tilespmem:s19+$0x2800] =	vst v1  }
0x36: {  	[tilespmem:s19+$0x2810] =	vst v1  }
.Ltmp1:
0x37: {  	[tilespmem:s19+$0x2820] =	vst v1;
	(pc) =	sbr.rel @p0 .LBB2_4-.Ltmp1, $4  }
0x38: {  	[tilespmem:s19+$0x2830] =	vst v1  }
0x39: {  	[tilespmem:s19+$0x2840] =	vst v1  }
0x3a: {  	[tilespmem:s19+$0x2850] =	vst v1  }
0x3b: {  	[tilespmem:s19+$0x2860] =	vst v1;
	s19 =	sshra.s32 s20, $0x2;
	s20 =	sadd.s32 $0x200, s20  }
0x3c: {  	[tilespmem:s19+$0x2870] =	vst v1  }
0x3d: {  	[tilespmem:s19+$0x2800] =	vst v1  }
0x3e: {  	[tilespmem:s19+$0x2810] =	vst v1  }
0x3f: {  	[tilespmem:s19+$0x2820] =	vst v1  }
0x40: {  	[tilespmem:s19+$0x2830] =	vst v1  }
0x41: {  	[tilespmem:s19+$0x2840] =	vst v1  }
0x42: {  	[tilespmem:s19+$0x2850] =	vst v1  }
0x43: {  	[tilespmem:s19+$0x2860] =	vst v1  }
0x44: {  	[tilespmem:s3], [sflag:$0x2] =	stream.linear.gather [hbm4b:s9+s3], $0x2800, $0x38;
	[tilespmem:$0x1A800] =	vst v63  }
0x45: {  	_ =	swait.ge [sflag:s13], $0x2800  }
0x46: {  	[sflag:s13] =	ssyncset.done $0x0  }
0x47: {  	[sflag:s13] =	ssyncadd.s32 $0xFFFFD800  }
0x48: {  	[bflag:$0x0] =	sbarrier.arrive $0xFFFF  }
0x49: {  	[spmem:s2] =	stream.indirect.scatter.add.f32 [tilespmem:s12], [sflag:$0x1], $0x80, s3, s14, $0xb8;
	[tilespmem:$0x1A800] =	vst v63  }
0x4a: {  	s31 =	simm.s32 $0x80  }
0x4b: {  	[spmem:s2] =	stream.indirect.scatter.add.f32 [tilespmem:s12], [sflag:$0x1], $0x80, s31, s14, $0xb8;
	[tilespmem:$0x1A800] =	vst v63  }
0x4c: {  	_ =	swait.ge [sflag:s15], $0x4000  }
0x4d: {  	s19 =	simm.s32 $0x400;
	[sflag:s15] =	ssyncset.done $0x0  }
.LBB2_6:
0x4e: {  	s20 =	sshra.s32 s19, $0x2;
	[sflag:s15] =	ssyncadd.s32 $0xFFFFC000;
	p0 =	sne.s32 s19, $0x9E00  }
0x4f: {  	[spmem:s2] =	stream.indirect.scatter.add.f32 [tilespmem:s12], [sflag:$0x1], $0x80, s20, s14, $0xb8;
	[tilespmem:$0x1A800] =	vst v63  }
.Ltmp2:
0x50: {  	_ = 	snop;
	(pc) =	sbr.rel @p0 .LBB2_6-.Ltmp2, $4  }
0x51: {  	_ = 	snop  }
0x52: {  	s19 =	sadd.s32 $0x200, s19  }
0x53: {  	_ =	swait.ge [sflag:s15], $0x4000  }
0x54: {  	[sflag:s15] =	ssyncset.done $0x0  }
0x55: {  	[sflag:s15] =	ssyncadd.s32 $0xFFFFC000  }
0x56: {  	_ =	swait.ge [sflag:s15], $0x4000  }
0x57: {  	s18 =	sadd.s32 $0x1, s18;
	[sflag:s15] =	ssyncset.done $0x0  }
0x58: {  	p0 =	sne.s32 s18, s10;
	[sflag:s15] =	ssyncadd.s32 $0xFFFFC000  }
.Ltmp3:
0x59: {  	[bflag:$0x0] =	sbarrier.arrive $0xFFFF;
	(pc) =	sbr.rel @p0 .LBB2_1-.Ltmp3, $4  }
0x5a: {  	[hbm:s11], [sflag:s16] =	dma.local [spmem:s17], $0x2800  }
0x5b: {  	_ =	swait.ge [sflag:s13], $0x2800  }
0x5c: {  	[sflag:s13] =	ssyncset.done $0x0  }
0x5d: {  	[sflag:s13] =	ssyncadd.s32 $0xFFFFD800  }
0x5e: {  	_ =	sfence.sel $0x180000  }
0x5f: {  	[bflag:$0x0] =	sbarrier.arrive $0xFFFF  }
0x60: {  	p0 =	sne.s32 s1, $0x0;
	_ =	strace $0x90000047  }
0x61: {  	s0 =	sadd.s32 @!p0 $0x100000, s0;
	[bflag:$0x2] =	sbarrier.arrive $0xFFFF  }
0x62: {  	[sflag:s0] =	ssyncadd.tile.s32 @!p0 $0x1;
	_ =	shalt  }
.Lfunc_end2:
_tile_overlayer_lowered:
.L_overlay_start_2:
0x63: {  	(tag) =	ssettag $0x2  }
0x64: {  	s0 =	rddreg [dreg:$0x0];
	s2 =	stileid.u32  }
0x65: {  	s1 =	rddreg [dreg:$0x1];
	p0 =	sne.s32 s2, $0x0  }
0x66: {  	s3 =	rddreg [dreg:$0x2];
	[bflag:$0x3] =	sbarrier.arrive $0xFFFF;
	s2 =	simm.s32 @!p0 $0x1C02  }
0x67: {  	[timem:s3], [sflag:s2] =	dma.local @!p0 [hbm:s0], s1  }
0x68: {  	s0 =	simm.s32 @!p0 $0x2  }
0x69: {  	_ =	swait.ge @!p0 [sflag:s0], s1  }
0x6a: {  	s1 =	ssub.s32 @!p0 $0x0, s1;
	[sflag:s0] =	ssyncset.done @!p0 $0x0  }
0x6b: {  	[sflag:s0] =	ssyncadd.s32 @!p0 s1  }
0x6c: {  	[bflag:$0x3] =	sbarrier.arrive $0xFFFF  }
0x6d: {  	_ =	shalt  }

// kernel: kernel.13.cloned.1.call-start
scs
__scs_entry_jumppad:
0x0: {  	(pc) =	sbr.rel $0x88, $3  }
0x1: {  	(tag) =	ssettag $0x0;
	lr =	simm.s32 $0x1  }
0x2: {  	[smem:$0x3F96] =	sst lr;
	_ =	strace $0xD0000000  }
0x3: {  	_ = 	snop  }
0x4: {  	_ = 	snop  }
0x5: {  	_ = 	snop  }
0x6: {  	_ = 	snop  }
0x7: {  	_ = 	snop  }
__scs_overlays_trampoline_lowered:
0x8: {  	[smem:$0x3FA5] =	sst s0  }
0x9: {  	[smem:$0x3FA6] =	sst s1  }
0xa: {  	[smem:$0x3FA7] =	sst s2  }
0xb: {  	[smem:$0x3FA8] =	sst s3  }
0xc: {  	[smem:$0x3FA9] =	sst s4  }
0xd: {  	[smem:$0x3FAA] =	sst s5  }
0xe: {  	[smem:$0x3FAB] =	sst s6  }
0xf: {  	[smem:$0x3FAC] =	sst s7  }
0x10: {  	[smem:$0x3FAD] =	sst s8  }
0x11: {  	[smem:$0x3FAE] =	sst s9;
	s0 =	simm.s32 @!p0 $0x0  }
0x12: {  	s1 =	sld [smem:$0x3F94];
	s0 =	simm.s32 @p0 $0x1  }
0x13: {  	[smem:$0x3FAF] =	sst s0;
	s0 =	simm.s32 @!p1 $0x0  }
0x14: {  	s2 =	sld [smem:$0x3F93];
	s0 =	simm.s32 @p1 $0x1  }
0x15: {  	[smem:$0x3FB0] =	sst s0;
	s0 =	simm.s32 @!p2 $0x0  }
0x16: {  	s3 =	sld [smem:$0x3FDB];
	s0 =	simm.s32 @p2 $0x1  }
0x17: {  	s4 =	simm.s32 $0x1BF5;
	[smem:$0x3FB2] =	sst s0  }
0x18: {  	s0 =	sld [smem:$0x3F95];
	_ =	swait.ge [sflag:s4], $0x0  }
0x19: {  	s7 =	sld [smem:$0x3F96]  }
0x1a: {  	s8 =	sadd.s32 $0xFFFFE003, lr  }
0x1b: {  	s9 =	sadd.s32 $0xFFFFFEF7, lr;
	s5 =	simm.s32 $0xFFFFFFFF;
	p2 =	slt.u32 s8, $0xFFFFF086  }
0x1c: {  	p1 =	slt.u32 s9, $0xF7A;
	s5 =	simm.s32 @!p2 $0x0  }
0x1d: {  	s5 =	simm.s32 @p1 $0x1;
	p0 =	seq.s32 s7, s2  }
0x1e: {  	s7 =	smul.u32 @!p0 $0xF7A, s2;
	p2 =	seq.s32 @!p0 s5, $0x0  }
0x1f: {  	s9 =	smul.u32 $0xF7A, s1;
	s8 =	simm.s32 @!p0 $0x1BF5;
	p2 =	por !p2, p0  }
0x20: {  	[sflag:s8] =	ssyncset.s32 @!p0 $0xFFFFF086;
	s6 =	sadd.s32 @!p0 s3, s7;
	s7 =	simm.s32 @!p0 $0x108  }
0x21: {  	s3 =	sadd.s32 s3, s9;
	s6 =	sadd.s32 @!p0 $0x88, s6;
	s7 =	simm.s32 @p2 $0x1082  }
0x22: {  	[simem:s7], [sflag:s8] =	dma.local @!p0 [hbm:s6], $0xF7A  }
0x23: {  	s9 =	sor.u32 $0xD0000000, s2;
	s6 =	simm.s32 $0x108;
	_ =	swait.ge @!p0 [sflag:s8], $0x0  }
0x24: {  	s3 =	sadd.s32 $0x88, s3;
	s6 =	simm.s32 @!p1 $0x1082;
	[sflag:s4] =	ssyncset.s32 $0xFFFFF086  }
0x25: {  	[simem:s6], [sflag:s4] =	dma.local [hbm:s3], $0xF7A  }
0x26: {  	[smem:$0x3F96] =	sst s1;
	(tag) =	ssettag s2;
	_ =	strace s9  }
0x27: {  	s1 =	sld [smem:$0x3FA6]  }
0x28: {  	s2 =	sld [smem:$0x3FA7]  }
0x29: {  	s4 =	sld [smem:$0x3FA9]  }
0x2a: {  	p0 =	seq.s32 s5, $0x0;
	s5 =	sld [smem:$0x3FAA]  }
0x2b: {  	s6 =	sld [smem:$0x3FAB]  }
0x2c: {  	s7 =	sld [smem:$0x3FAC]  }
0x2d: {  	s3 =	simm.s32 $0x108;
	s8 =	sld [smem:$0x3FAD]  }
0x2e: {  	s3 =	simm.s32 @!p0 $0x1082;
	s9 =	sld [smem:$0x3FAE]  }
0x2f: {  	lr =	sadd.s32 s0, s3;
	s0 =	sld [smem:$0x3FA5]  }
0x30: {  	s3 =	sld [smem:$0x3FA8]  }
0x31: {  	[smem:$0x3FB1] =	sst s10  }
0x32: {  	s10 =	sld [smem:$0x3FAF];
	_ =	sdelay $0x3  }
0x33: {  	p0 =	seq.s32 s10, $0x1;
	s10 =	sld [smem:$0x3FB1];
	_ =	sdelay $0x3  }
0x34: {  	[smem:$0x3FB1] =	sst s10  }
0x35: {  	s10 =	sld [smem:$0x3FB0];
	_ =	sdelay $0x3  }
0x36: {  	p1 =	seq.s32 s10, $0x1;
	s10 =	sld [smem:$0x3FB1];
	_ =	sdelay $0x3  }
0x37: {  	[smem:$0x3FB1] =	sst s10  }
0x38: {  	s10 =	sld [smem:$0x3FB2]  }
0x39: {  	_ = 	snop;
	(pc) =	sbr.ind lr, $3  }
0x3a: {  	_ = 	snop  }
0x3b: {  	_ = 	snop  }
0x3c: {  	p2 =	seq.s32 s10, $0x1;
	s10 =	sld [smem:$0x3FB1]  }
0x3d: {  	_ =	shalt  }
0x3e: {  	_ =	shalt  }
0x3f: {  	_ =	shalt  }
0x40: {  	_ =	shalt  }
0x41: {  	_ =	shalt  }
0x42: {  	_ =	shalt  }
0x43: {  	_ =	shalt  }
0x44: {  	_ =	shalt  }
0x45: {  	_ =	shalt  }
0x46: {  	_ =	shalt  }
0x47: {  	_ =	shalt  }
0x48: {  	_ =	shalt  }
0x49: {  	_ =	shalt  }
0x4a: {  	_ =	shalt  }
0x4b: {  	_ =	shalt  }
0x4c: {  	_ =	shalt  }
0x4d: {  	_ =	shalt  }
0x4e: {  	_ =	shalt  }
0x4f: {  	_ =	shalt  }
0x50: {  	_ =	shalt  }
0x51: {  	_ =	shalt  }
0x52: {  	_ =	shalt  }
0x53: {  	_ =	shalt  }
0x54: {  	_ =	shalt  }
0x55: {  	_ =	shalt  }
0x56: {  	_ =	shalt  }
0x57: {  	_ =	shalt  }
0x58: {  	_ =	shalt  }
0x59: {  	_ =	shalt  }
0x5a: {  	_ =	shalt  }
0x5b: {  	_ =	shalt  }
0x5c: {  	_ =	shalt  }
0x5d: {  	_ =	shalt  }
0x5e: {  	_ =	shalt  }
0x5f: {  	_ =	shalt  }
0x60: {  	_ =	shalt  }
0x61: {  	_ =	shalt  }
0x62: {  	_ =	shalt  }
0x63: {  	_ =	shalt  }
0x64: {  	_ =	shalt  }
0x65: {  	_ =	shalt  }
0x66: {  	_ =	shalt  }
0x67: {  	_ =	shalt  }
0x68: {  	_ =	shalt  }
0x69: {  	_ =	shalt  }
0x6a: {  	_ =	shalt  }
0x6b: {  	_ =	shalt  }
0x6c: {  	_ =	shalt  }
0x6d: {  	_ =	shalt  }
0x6e: {  	_ =	shalt  }
0x6f: {  	_ =	shalt  }
0x70: {  	_ =	shalt  }
0x71: {  	_ =	shalt  }
0x72: {  	_ =	shalt  }
0x73: {  	_ =	shalt  }
0x74: {  	_ =	shalt  }
0x75: {  	_ =	shalt  }
0x76: {  	_ =	shalt  }
0x77: {  	_ =	shalt  }
0x78: {  	_ =	shalt  }
0x79: {  	_ =	shalt  }
0x7a: {  	_ =	shalt  }
0x7b: {  	_ =	shalt  }
0x7c: {  	_ =	shalt  }
0x7d: {  	_ =	shalt  }
0x7e: {  	_ =	shalt  }
0x7f: {  	_ =	shalt  }
0x80: {  	_ =	shalt  }
0x81: {  	_ =	shalt  }
0x82: {  	_ =	shalt  }
0x83: {  	_ =	shalt  }
0x84: {  	_ =	shalt  }
0x85: {  	_ =	shalt  }
0x86: {  	_ =	shalt  }
0x87: {  	_ =	shalt  }
.Lfunc_end0:
.L_simem_size_0:
called_computation.1_lowered:
.L_overlay_start_0:
0x88: {  	s2 =	sld [smem:$0x3FD9]  }
0x89: {  	s3 =	sld [smem:$0x3FFE];
	_ =	sdelay $0x1  }
0x8a: {  	s1 =	srdreg.scid  }
0x8b: {  	s0 =	sand.u32 $0x1, s1  }
0x8c: {  	s16 =	sshll.u32 s0, $0xA;
	s2 =	sadd.s32 s3, s2  }
0x8d: {  	s2 =	sadd.s32 s2, s16  }
0x8e: {  	[smem:$0x3FBD] =	sst s2  }
0x8f: {  	_ = 	snop  }
0x90: {  	(tm) =	ssettm $0x1  }
0x91: {  	s17 =	sld [smem:$0x3FFB];
	_ =	sdelay $0x3  }
0x92: {  	_ =	strace s17  }
0x93: {  	s2 =	sld [smem:$0x3FFC];
	_ =	sdelay $0x3  }
0x94: {  	_ =	strace s2  }
0x95: {  	s2 =	sld [smem:$0x3FFD];
	_ =	sdelay $0x3  }
0x96: {  	_ =	strace s2  }
0x97: {  	_ =	strace $0x8FFFFFFF  }
0x98: {  	s18 =	sld [smem:$0x3FDB];
	_ =	sdelay $0x1  }
0x99: {  	s19 =	simm.s32 $_scs_section_size  }
0x9a: {  	s4 =	simm.s32 $_size__tile_overlayer_lowered;
	s5 =	simm.s32 $_tile_overlayer_lowered  }
0x9b: {  	s22 =	simm.s32 $0x1BFF;
	s21 =	sshll.u32 s5, $0x1;
	s2 =	sadd.s32 s19, s18  }
0x9c: {  	s6 =	simm.s32 $0x0;
	s20 =	sshll.u32 s4, $0x1;
	s4 =	sadd.s32 s21, s2  }
0x9d: {  	[timem:s6], [sflag:s22] =	dma.local [hbm:s4], s20  }
0x9e: {  	_ =	swait.ge [sflag:s22], s20  }
0x9f: {  	s3 =	ssub.s32 $0x0, s20;
	[sflag:s22] =	ssyncset.done $0x0  }
0xa0: {  	[sflag:s22] =	ssyncadd.s32 s3;
	_ =	sdelay $0x1  }
0xa1: {  	s23 =	simm.s32 $0x1B8B  }
0xa2: {  	_ =	swait.ge [sflag:s23], $0x1  }
0xa3: {  	[sflag:s23] =	ssyncset.done $0x0  }
0xa4: {  	s25 =	simm.s32 $0x1B8E;
	s24 =	sld [smem:$0x3FFE];
	[sflag:s23] =	ssyncadd.s32 $0xFFFFFFFF  }
0xa5: {  	s26 =	simm.s32 $execute0_lowered;
	[smem:$0x3FD2] =	sst s25  }
0xa6: {  	s4 =	sshll.u32 s26, $0x1;
	_ =	strace $0x80000049;
	[dreg:$0x1] =	wrdreg $0xFFFFFFFF  }
0xa7: {  	s28 =	simm.s32 $_size_execute0_lowered;
	s2 =	sadd.s32 s2, s4;
	[dreg:$0x0] =	wrdreg $0x0  }
0xa8: {  	s4 =	sshll.u32 s28, $0x1;
	[dreg:$0x2] =	wrdreg s2  }
0xa9: {  	[dreg:$0x3] =	wrdreg s4  }
0xaa: {  	[dreg:$0x4] =	wrdreg $0xC0  }
0xab: {  	_ =	task [dreg:s6], $0x5FFFF  }
0xac: {  	[dreg:$0x1] =	wrdreg $0xFFFFFFFF  }
0xad: {  	[dreg:$0x0] =	wrdreg $0x60  }
0xae: {  	[dreg:$0x2] =	wrdreg s24  }
0xaf: {  	[dreg:$0x3] =	wrdreg $0x29000  }
0xb0: {  	[dreg:$0x4] =	wrdreg $0x9  }
0xb1: {  	_ =	task.clear_ibuf [dreg:s6], $0x5FFFF;
	_ =	strace $0x90000049  }
0xb2: {  	s29 =	simm.s32 $0x9;
	_ =	strace $0x8000004B  }
0xb3: {  	_ =	swait.ge [sflag:s29], $0x1  }
0xb4: {  	[sflag:s29] =	ssyncadd.s32 $0xFFFFFFFF  }
0xb5: {  	_ =	strace $0x9000004B  }
0xb6: {  	_ =	sfence  }
0xb7: {  	s30 =	sld [smem:$0x0];
	_ =	sdelay $0x2  }
0xb8: {  	s31 =	sshll.u32 s1, $0xD;
	s1 =	sshrl.u32 s1, $0x2  }
0xb9: {  	s3 =	sand.u32 $0x4000, s31;
	s1 =	sadd.s32 s1, s30  }
0xba: {  	s0 =	sor.u32 s3, s0;
	s1 =	sshll.u32 s1, $0x11  }
0xbb: {  	s0 =	sor.u32 s1, s0  }
0xbc: {  	s0 =	sadd.s32 $0x8F2B, s0  }
0xbd: {  	[sflag:s0] =	ssyncadd.remote.s32 $0x1  }
0xbe: {  	_ =	sfence.sel $0xFFFF  }
0xbf: {  	[dreg:$0x0] =	wrdreg $0xFFFFFFFF;
	(pc) =	sbr.abs _section_cstart, $3  }
0xc0: {  	[dreg:$0x1] =	wrdreg $0xFFFFFFFF  }
0xc1: {  	_ =	task.clear_ibuf [dreg:s6], $0x2FFFF;
	_ =	strace $0x9FFFFFFF  }
0xc2: {  	(tm) =	ssettm $0x7FFFFFFF  }
0xc3: {  	_ =	shalt  }
tec
execute0_lowered:
.L_overlay_start_1:
0x0: {  	(tag) =	ssettag $0x1  }
0x1: {  	s6 =	rddreg [dreg:$0x0]  }
0x2: {  	s0 =	srdreg.scid;
	s2 =	rddreg [dreg:$0x1]  }
0x3: {  	s1 =	rddreg [dreg:$0x2];
	s3 =	simm.s32 $0x0;
	s20 =	simm.s32 $0x2  }
0x4: {  	s21 =	simm.s32 $0x80;
	s22 =	simm.s32 $0x50;
	s19 =	sand.u32 $0x1, s0  }
0x5: {  	s23 =	simm.s32 $0x1;
	s0 =	stileid.u32;
	s4 =	smul.u32 $0x27100, s19  }
0x6: {  	s24 =	simm.s32 $0x0;
	[smem:$0x7FF] =	sst s3;
	s5 =	smul.u32 $0x2710, s0  }
0x7: {  	_ =	strace $0x8000004A;
	s7 =	smul.u32 $0x50000, s0;
	s8 =	ssub.s32 $0x2, s19  }
0x8: {  	s15 =	smul.u32 $0x2800, s0;
	p0 =	sne.s32 s19, $0x0;
	s19 =	simm.s32 $0x100  }
0x9: {  	s9 =	sshrl.u32 s8, $0x1;
	s4 =	sadd.s32 s5, s4;
	s7 =	sshrl.u32 s7, $0x2  }
0xa: {  	s16 =	ssub.s32 s8, s9;
	s5 =	sshrl.u32 s4, $0x3;
	s4 =	sadd.s32 $0x2DE00, s6  }
.Ltmp0:
0xb: {  	s7 =	sadd.s32 s7, s2;
	s16 =	smax.u32 s16, $0x1;
	(pc) =	sbr.rel .LBB2_1-.Ltmp0, $4  }
0xc: {  	s18 =	sadd.s32 s5, s6;
	s5 =	sadd.s32 $0x7DE00, s6;
	s6 =	sadd.s32 $0xA5E00, s6  }
0xd: {  	s8 =	sadd.s32 $0x2800, s7;
	s9 =	sadd.s32 $0x5000, s7;
	s10 =	sadd.s32 $0x7800, s7  }
0xe: {  	s11 =	sadd.s32 $0xA000, s7;
	s12 =	sadd.s32 $0xC800, s7;
	s13 =	sadd.s32 $0xF000, s7  }
0xf: {  	v0 =	vimm.f32 $0.0e+00;
	s14 =	sadd.s32 $0x11800, s7;
	s17 =	sadd.s32 $0x10000, s18;
	s18 =	sadd.s32 $0x6200, s18  }
.LBB2_9:
0x10: {  	s26 =	sadd.s32 s25, s18;
	[sflag:s20] =	ssyncadd.s32 $0xFFFFD800  }
0x11: {  	[tilespmem:s3], [sflag:$0x2] =	stream.linear.gather [hbm4b:s26+s3], $0x50, $0x38;
	[tilespmem:$0x16900] =	vst v63  }
0x12: {  	_ =	swait.ge [sflag:s20], $0x50  }
0x13: {  	[sflag:s20] =	ssyncset.done $0x0  }
0x14: {  	s31 =	sadd.s32 s25, s17;
	[sflag:s20] =	ssyncadd.s32 $0xFFFFFFB0  }
0x15: {  	[tilespmem:s21], [sflag:$0x2] =	stream.linear.gather [hbm4b:s31+s3], $0x50, $0x38;
	[tilespmem:$0x16900] =	vst v63  }
0x16: {  	_ =	swait.ge [sflag:s20], $0x50  }
0x17: {  	[sflag:s20] =	ssyncset.done $0x0  }
0x18: {  	[sflag:s20] =	ssyncadd.s32 $0xFFFFFFB0  }
0x19: {  	[tilespmem:s19], [sflag:$0x1] =	stream.indirect.gather [hbm4b:s4+s22], $0x80, s3, s22, $0xb8;
	[tilespmem:$0x16900] =	vst v63  }
0x1a: {  	_ =	swait.ge [sflag:s23], $0x2800  }
0x1b: {  	[sflag:s23] =	ssyncset.done $0x0  }
0x1c: {  	[sflag:s23] =	ssyncadd.s32 $0xFFFFD800  }
0x1d: {  	[spmem:s2] =	stream.indirect.scatter.add.f32 [tilespmem:s19], [sflag:$0x2], $0x80, s21, s22, $0xb8;
	[tilespmem:$0x16900] =	vst v63  }
0x1e: {  	_ =	swait.ge [sflag:s20], $0x2800  }
0x1f: {  	[sflag:s20] =	ssyncset.done $0x0  }
0x20: {  	s25 =	smov.u32 s6;
	[sflag:s20] =	ssyncadd.s32 $0xFFFFD800  }
.LBB2_10:
0x21: {  	s25 =	sadd.s32 s25, s15;
	s24 =	sadd.s32 $0x1, s24  }
0x22: {  	s26 =	sshll.u32 s0, $0x6;
	[bflag:$0x0] =	sbarrier.arrive $0xFFFF;
	p1 =	sne.s32 s24, s16  }
.Ltmp1:
0x23: {  	s28 =	sshrl.u32 s7, $0x3;
	s26 =	sor.u32 $0x1C02, s26;
	(pc) =	sbr.rel @!p1 .LBB2_11-.Ltmp1, $4  }
0x24: {  	[hbm:s25], [sflag:s26] =	dma.local [spmem:s28], $0x2800  }
0x25: {  	_ =	swait.ge [sflag:s20], $0x2800  }
0x26: {  	[sflag:s20] =	ssyncset.done $0x0  }
0x27: {  	[sflag:s20] =	ssyncadd.s32 $0xFFFFD800  }
.LBB2_1:
0x28: {  	s25 =	simm.s32 $0x0;
	s26 =	simm.s32 $0x200  }
.LBB2_2:
0x29: {  	p1 =	sne.s32 s26, $0x9E00;
	[tilespmem:s25+$0x170] =	vst v0  }
0x2a: {  	[tilespmem:s25+$0x100] =	vst v0  }
0x2b: {  	[tilespmem:s25+$0x110] =	vst v0  }
.Ltmp2:
0x2c: {  	[tilespmem:s25+$0x120] =	vst v0;
	(pc) =	sbr.rel @p1 .LBB2_2-.Ltmp2, $4  }
0x2d: {  	[tilespmem:s25+$0x130] =	vst v0  }
0x2e: {  	[tilespmem:s25+$0x140] =	vst v0  }
0x2f: {  	[tilespmem:s25+$0x150] =	vst v0  }
0x30: {  	[tilespmem:s25+$0x160] =	vst v0;
	s25 =	sshra.s32 s26, $0x2;
	s26 =	sadd.s32 $0x200, s26  }
0x31: {  	[tilespmem:s25+$0x170] =	vst v0  }
0x32: {  	[tilespmem:s25+$0x100] =	vst v0  }
0x33: {  	[tilespmem:s25+$0x110] =	vst v0  }
0x34: {  	[tilespmem:s25+$0x120] =	vst v0  }
0x35: {  	[tilespmem:s25+$0x130] =	vst v0  }
0x36: {  	[tilespmem:s25+$0x140] =	vst v0  }
0x37: {  	[tilespmem:s25+$0x150] =	vst v0  }
0x38: {  	[tilespmem:s25+$0x160] =	vst v0  }
0x39: {  	[spmem:s7] =	stream.linear.scatter [tilespmem:s19], [sflag:$0x2], $0x2800, $0x38;
	[tilespmem:$0x16900] =	vst v63  }
0x3a: {  	_ =	swait.ge [sflag:s20], $0x2800  }
0x3b: {  	[sflag:s20] =	ssyncset.done $0x0  }
0x3c: {  	[sflag:s20] =	ssyncadd.s32 $0xFFFFD800  }
0x3d: {  	[spmem:s8] =	stream.linear.scatter [tilespmem:s19], [sflag:$0x2], $0x2800, $0x38;
	[tilespmem:$0x16900] =	vst v63  }
0x3e: {  	_ =	swait.ge [sflag:s20], $0x2800  }
0x3f: {  	[sflag:s20] =	ssyncset.done $0x0  }
0x40: {  	[sflag:s20] =	ssyncadd.s32 $0xFFFFD800  }
0x41: {  	[spmem:s9] =	stream.linear.scatter [tilespmem:s19], [sflag:$0x2], $0x2800, $0x38;
	[tilespmem:$0x16900] =	vst v63  }
0x42: {  	_ =	swait.ge [sflag:s20], $0x2800  }
0x43: {  	[sflag:s20] =	ssyncset.done $0x0  }
0x44: {  	[sflag:s20] =	ssyncadd.s32 $0xFFFFD800  }
0x45: {  	[spmem:s10] =	stream.linear.scatter [tilespmem:s19], [sflag:$0x2], $0x2800, $0x38;
	[tilespmem:$0x16900] =	vst v63  }
0x46: {  	_ =	swait.ge [sflag:s20], $0x2800  }
0x47: {  	[sflag:s20] =	ssyncset.done $0x0  }
0x48: {  	[sflag:s20] =	ssyncadd.s32 $0xFFFFD800  }
0x49: {  	[spmem:s11] =	stream.linear.scatter [tilespmem:s19], [sflag:$0x2], $0x2800, $0x38;
	[tilespmem:$0x16900] =	vst v63  }
0x4a: {  	_ =	swait.ge [sflag:s20], $0x2800  }
0x4b: {  	[sflag:s20] =	ssyncset.done $0x0  }
0x4c: {  	[sflag:s20] =	ssyncadd.s32 $0xFFFFD800  }
0x4d: {  	[spmem:s12] =	stream.linear.scatter [tilespmem:s19], [sflag:$0x2], $0x2800, $0x38;
	[tilespmem:$0x16900] =	vst v63  }
0x4e: {  	_ =	swait.ge [sflag:s20], $0x2800  }
0x4f: {  	[sflag:s20] =	ssyncset.done $0x0  }
0x50: {  	[sflag:s20] =	ssyncadd.s32 $0xFFFFD800  }
0x51: {  	[spmem:s13] =	stream.linear.scatter [tilespmem:s19], [sflag:$0x2], $0x2800, $0x38;
	[tilespmem:$0x16900] =	vst v63  }
0x52: {  	_ =	swait.ge [sflag:s20], $0x2800  }
0x53: {  	[sflag:s20] =	ssyncset.done $0x0  }
0x54: {  	[sflag:s20] =	ssyncadd.s32 $0xFFFFD800  }
0x55: {  	[spmem:s14] =	stream.linear.scatter [tilespmem:s19], [sflag:$0x2], $0x2800, $0x38;
	[tilespmem:$0x16900] =	vst v63  }
.Ltmp3:
0x56: {  	_ =	swait.ge [sflag:s20], $0x2800;
	(pc) =	sbr.rel @p0 .LBB2_7-.Ltmp3, $4  }
0x57: {  	[sflag:s20] =	ssyncset.done $0x0  }
0x58: {  	[sflag:s20] =	ssyncadd.s32 $0xFFFFD800  }
0x59: {  	[bflag:$0x0] =	sbarrier.arrive $0xFFFF  }
0x5a: {  	s25 =	sadd.s32 $0x0, s18  }
0x5b: {  	[tilespmem:s3], [sflag:$0x2] =	stream.linear.gather [hbm4b:s25+s3], $0x50, $0x38;
	[tilespmem:$0x16900] =	vst v63  }
0x5c: {  	_ =	swait.ge [sflag:s20], $0x50  }
0x5d: {  	[sflag:s20] =	ssyncset.done $0x0  }
0x5e: {  	s31 =	sadd.s32 $0x0, s17;
	[sflag:s20] =	ssyncadd.s32 $0xFFFFFFB0  }
0x5f: {  	[tilespmem:s21], [sflag:$0x2] =	stream.linear.gather [hbm4b:s31+s3], $0x50, $0x38;
	[tilespmem:$0x16900] =	vst v63  }
0x60: {  	_ =	swait.ge [sflag:s20], $0x50  }
0x61: {  	[sflag:s20] =	ssyncset.done $0x0  }
0x62: {  	[sflag:s20] =	ssyncadd.s32 $0xFFFFFFB0  }
0x63: {  	[tilespmem:s19], [sflag:$0x1] =	stream.indirect.gather [hbm4b:s4+s22], $0x80, s3, s22, $0xb8;
	[tilespmem:$0x16900] =	vst v63  }
0x64: {  	_ =	swait.ge [sflag:s23], $0x2800  }
0x65: {  	[sflag:s23] =	ssyncset.done $0x0  }
0x66: {  	[sflag:s23] =	ssyncadd.s32 $0xFFFFD800  }
0x67: {  	[spmem:s2] =	stream.indirect.scatter.add.f32 [tilespmem:s19], [sflag:$0x2], $0x80, s21, s22, $0xb8;
	[tilespmem:$0x16900] =	vst v63  }
0x68: {  	_ =	swait.ge [sflag:s20], $0x2800  }
0x69: {  	s25 =	simm.s32 $0xA;
	s26 =	simm.s32 $0x14;
	[sflag:s20] =	ssyncset.done $0x0  }
.LBB2_5:
0x6a: {  	s28 =	sadd.s32 s25, s18  }
0x6b: {  	[sflag:s20] =	ssyncadd.s32 $0xFFFFD800;
	s29 =	smov.u32 s26;
	s30 =	sadd.s32 $0xA, s26  }
0x6c: {  	[tilespmem:s3], [sflag:$0x2] =	stream.linear.gather [hbm4b:s28+s3], $0x50, $0x38;
	[tilespmem:$0x16900] =	vst v63  }
0x6d: {  	p1 =	seq.s32 s26, $0x4D8;
	_ =	swait.ge [sflag:s20], $0x50  }
0x6e: {  	[sflag:s20] =	ssyncset.done $0x0  }
0x6f: {  	s26 =	sadd.s32 s25, s17;
	s25 =	smov.u32 s29;
	[sflag:s20] =	ssyncadd.s32 $0xFFFFFFB0  }
0x70: {  	[tilespmem:s21], [sflag:$0x2] =	stream.linear.gather [hbm4b:s26+s3], $0x50, $0x38;
	[tilespmem:$0x16900] =	vst v63  }
0x71: {  	_ =	swait.ge [sflag:s20], $0x50  }
0x72: {  	[sflag:s20] =	ssyncset.done $0x0  }
0x73: {  	[sflag:s20] =	ssyncadd.s32 $0xFFFFFFB0  }
0x74: {  	[tilespmem:s19], [sflag:$0x1] =	stream.indirect.gather [hbm4b:s4+s22], $0x80, s3, s22, $0xb8;
	[tilespmem:$0x16900] =	vst v63  }
0x75: {  	_ =	swait.ge [sflag:s23], $0x2800  }
.Ltmp4:
0x76: {  	[sflag:s23] =	ssyncset.done $0x0;
	(pc) =	sbr.rel @!p1 .LBB2_5-.Ltmp4, $4  }
0x77: {  	[sflag:s23] =	ssyncadd.s32 $0xFFFFD800  }
0x78: {  	[spmem:s2] =	stream.indirect.scatter.add.f32 [tilespmem:s19], [sflag:$0x2], $0x80, s21, s22, $0xb8;
	[tilespmem:$0x16900] =	vst v63  }
0x79: {  	_ =	swait.ge [sflag:s20], $0x2800  }
0x7a: {  	s26 =	smov.u32 s30;
	[sflag:s20] =	ssyncset.done $0x0  }
0x7b: {  	s26 =	sadd.s32 s25, s18;
	[sflag:s20] =	ssyncadd.s32 $0xFFFFD800  }
0x7c: {  	[tilespmem:s3], [sflag:$0x2] =	stream.linear.gather [hbm4b:s26+s3], $0x50, $0x38;
	[tilespmem:$0x16900] =	vst v63  }
0x7d: {  	_ =	swait.ge [sflag:s20], $0x50  }
0x7e: {  	[sflag:s20] =	ssyncset.done $0x0  }
0x7f: {  	s31 =	sadd.s32 s25, s17;
	[sflag:s20] =	ssyncadd.s32 $0xFFFFFFB0  }
0x80: {  	[tilespmem:s21], [sflag:$0x2] =	stream.linear.gather [hbm4b:s31+s3], $0x50, $0x38;
	[tilespmem:$0x16900] =	vst v63  }
0x81: {  	_ =	swait.ge [sflag:s20], $0x50  }
0x82: {  	[sflag:s20] =	ssyncset.done $0x0  }
0x83: {  	[sflag:s20] =	ssyncadd.s32 $0xFFFFFFB0  }
0x84: {  	[tilespmem:s19], [sflag:$0x1] =	stream.indirect.gather [hbm4b:s4+s22], $0x80, s3, s22, $0xb8;
	[tilespmem:$0x16900] =	vst v63  }
0x85: {  	_ =	swait.ge [sflag:s23], $0x2800  }
0x86: {  	[sflag:s23] =	ssyncset.done $0x0  }
.Ltmp5:
0x87: {  	[sflag:s23] =	ssyncadd.s32 $0xFFFFD800;
	(pc) =	sbr.rel .LBB2_10-.Ltmp5, $4  }
0x88: {  	[spmem:s2] =	stream.indirect.scatter.add.f32 [tilespmem:s19], [sflag:$0x2], $0x80, s21, s22, $0xb8;
	[tilespmem:$0x16900] =	vst v63  }
0x89: {  	_ =	swait.ge [sflag:s20], $0x2800  }
0x8a: {  	[sflag:s20] =	ssyncset.done $0x0  }
0x8b: {  	s25 =	smov.u32 s5;
	[sflag:s20] =	ssyncadd.s32 $0xFFFFD800  }
.LBB2_7:
0x8c: {  	[tilespmem:s3], [sflag:$0x2] =	stream.linear.gather [hbm4b:s25+s3], $0x50, $0x38;
	[tilespmem:$0x16900] =	vst v63  }
0x8d: {  	_ =	swait.ge [sflag:s20], $0x50  }
0x8e: {  	[sflag:s20] =	ssyncset.done $0x0  }
0x8f: {  	s31 =	sadd.s32 $0x0, s17;
	[sflag:s20] =	ssyncadd.s32 $0xFFFFFFB0  }
0x90: {  	[tilespmem:s21], [sflag:$0x2] =	stream.linear.gather [hbm4b:s31+s3], $0x50, $0x38;
	[tilespmem:$0x16900] =	vst v63  }
0x91: {  	_ =	swait.ge [sflag:s20], $0x50  }
0x92: {  	[sflag:s20] =	ssyncset.done $0x0  }
0x93: {  	[sflag:s20] =	ssyncadd.s32 $0xFFFFFFB0  }
0x94: {  	[tilespmem:s19], [sflag:$0x1] =	stream.indirect.gather [hbm4b:s4+s22], $0x80, s3, s22, $0xb8;
	[tilespmem:$0x16900] =	vst v63  }
0x95: {  	_ =	swait.ge [sflag:s23], $0x2800  }
0x96: {  	[sflag:s23] =	ssyncset.done $0x0  }
0x97: {  	[sflag:s23] =	ssyncadd.s32 $0xFFFFD800  }
0x98: {  	[spmem:s2] =	stream.indirect.scatter.add.f32 [tilespmem:s19], [sflag:$0x2], $0x80, s21, s22, $0xb8;
	[tilespmem:$0x16900] =	vst v63  }
0x99: {  	_ =	swait.ge [sflag:s20], $0x2800  }
0x9a: {  	s25 =	simm.s32 $0xA;
	s26 =	simm.s32 $0x14;
	[sflag:s20] =	ssyncset.done $0x0  }
.LBB2_8:
0x9b: {  	s28 =	sadd.s32 s25, s18  }
0x9c: {  	[sflag:s20] =	ssyncadd.s32 $0xFFFFD800;
	s29 =	smov.u32 s26;
	s30 =	sadd.s32 $0xA, s26  }
0x9d: {  	[tilespmem:s3], [sflag:$0x2] =	stream.linear.gather [hbm4b:s28+s3], $0x50, $0x38;
	[tilespmem:$0x16900] =	vst v63  }
0x9e: {  	p1 =	sne.s32 s26, $0x4D8;
	_ =	swait.ge [sflag:s20], $0x50  }
0x9f: {  	[sflag:s20] =	ssyncset.done $0x0  }
0xa0: {  	s26 =	sadd.s32 s25, s17;
	s25 =	smov.u32 s29;
	[sflag:s20] =	ssyncadd.s32 $0xFFFFFFB0  }
0xa1: {  	[tilespmem:s21], [sflag:$0x2] =	stream.linear.gather [hbm4b:s26+s3], $0x50, $0x38;
	[tilespmem:$0x16900] =	vst v63  }
0xa2: {  	_ =	swait.ge [sflag:s20], $0x50  }
0xa3: {  	[sflag:s20] =	ssyncset.done $0x0  }
0xa4: {  	[sflag:s20] =	ssyncadd.s32 $0xFFFFFFB0  }
0xa5: {  	[tilespmem:s19], [sflag:$0x1] =	stream.indirect.gather [hbm4b:s4+s22], $0x80, s3, s22, $0xb8;
	[tilespmem:$0x16900] =	vst v63  }
0xa6: {  	_ =	swait.ge [sflag:s23], $0x2800  }
.Ltmp6:
0xa7: {  	[sflag:s23] =	ssyncset.done $0x0;
	(pc) =	sbr.rel @p1 .LBB2_8-.Ltmp6, $4  }
0xa8: {  	[sflag:s23] =	ssyncadd.s32 $0xFFFFD800  }
0xa9: {  	[spmem:s2] =	stream.indirect.scatter.add.f32 [tilespmem:s19], [sflag:$0x2], $0x80, s21, s22, $0xb8;
	[tilespmem:$0x16900] =	vst v63  }
0xaa: {  	_ =	swait.ge [sflag:s20], $0x2800  }
0xab: {  	s26 =	smov.u32 s30;
	[sflag:s20] =	ssyncset.done $0x0  }
.Ltmp7:
0xac: {  	_ = 	snop;
	(pc) =	sbr.rel .LBB2_9-.Ltmp7, $1  }
0xad: {  	_ =	sdelay $0x3  }
.LBB2_11:
0xae: {  	_ =	sfence.sel $0x180000  }
0xaf: {  	[bflag:$0x0] =	sbarrier.arrive $0xFFFF  }
0xb0: {  	p0 =	sne.s32 s0, $0x0;
	_ =	strace $0x9000004A  }
0xb1: {  	s0 =	sadd.s32 @!p0 $0x100000, s1;
	[bflag:$0x2] =	sbarrier.arrive $0xFFFF  }
0xb2: {  	[sflag:s0] =	ssyncadd.tile.s32 @!p0 $0x1;
	_ =	shalt  }
.Lfunc_end2:
_tile_overlayer_lowered:
.L_overlay_start_2:
0xb3: {  	(tag) =	ssettag $0x2  }
0xb4: {  	s0 =	rddreg [dreg:$0x0];
	s2 =	stileid.u32  }
0xb5: {  	s1 =	rddreg [dreg:$0x1];
	p0 =	sne.s32 s2, $0x0  }
0xb6: {  	s3 =	rddreg [dreg:$0x2];
	[bflag:$0x3] =	sbarrier.arrive $0xFFFF;
	s2 =	simm.s32 @!p0 $0x1C02  }
0xb7: {  	[timem:s3], [sflag:s2] =	dma.local @!p0 [hbm:s0], s1  }
0xb8: {  	s0 =	simm.s32 @!p0 $0x2  }
0xb9: {  	_ =	swait.ge @!p0 [sflag:s0], s1  }
0xba: {  	s1 =	ssub.s32 @!p0 $0x0, s1;
	[sflag:s0] =	ssyncset.done @!p0 $0x0  }
0xbb: {  	[sflag:s0] =	ssyncadd.s32 @!p0 s1  }
0xbc: {  	[bflag:$0x3] =	sbarrier.arrive $0xFFFF  }
0xbd: {  	_ =	shalt  }

// kernel: kernel.16.cloned.1.call-start
scs
__scs_entry_jumppad:
0x0: {  	(pc) =	sbr.rel $0x88, $3  }
0x1: {  	(tag) =	ssettag $0x0;
	lr =	simm.s32 $0x1  }
0x2: {  	[smem:$0x3F96] =	sst lr;
	_ =	strace $0xD0000000  }
0x3: {  	_ = 	snop  }
0x4: {  	_ = 	snop  }
0x5: {  	_ = 	snop  }
0x6: {  	_ = 	snop  }
0x7: {  	_ = 	snop  }
__scs_overlays_trampoline_lowered:
0x8: {  	[smem:$0x3FA5] =	sst s0  }
0x9: {  	[smem:$0x3FA6] =	sst s1  }
0xa: {  	[smem:$0x3FA7] =	sst s2  }
0xb: {  	[smem:$0x3FA8] =	sst s3  }
0xc: {  	[smem:$0x3FA9] =	sst s4  }
0xd: {  	[smem:$0x3FAA] =	sst s5  }
0xe: {  	[smem:$0x3FAB] =	sst s6  }
0xf: {  	[smem:$0x3FAC] =	sst s7  }
0x10: {  	[smem:$0x3FAD] =	sst s8  }
0x11: {  	[smem:$0x3FAE] =	sst s9;
	s0 =	simm.s32 @!p0 $0x0  }
0x12: {  	s1 =	sld [smem:$0x3F94];
	s0 =	simm.s32 @p0 $0x1  }
0x13: {  	[smem:$0x3FAF] =	sst s0;
	s0 =	simm.s32 @!p1 $0x0  }
0x14: {  	s2 =	sld [smem:$0x3F93];
	s0 =	simm.s32 @p1 $0x1  }
0x15: {  	[smem:$0x3FB0] =	sst s0;
	s0 =	simm.s32 @!p2 $0x0  }
0x16: {  	s3 =	sld [smem:$0x3FDB];
	s0 =	simm.s32 @p2 $0x1  }
0x17: {  	s4 =	simm.s32 $0x1BF5;
	[smem:$0x3FB2] =	sst s0  }
0x18: {  	s0 =	sld [smem:$0x3F95];
	_ =	swait.ge [sflag:s4], $0x0  }
0x19: {  	s7 =	sld [smem:$0x3F96]  }
0x1a: {  	s8 =	sadd.s32 $0xFFFFE003, lr  }
0x1b: {  	s9 =	sadd.s32 $0xFFFFFEF7, lr;
	s5 =	simm.s32 $0xFFFFFFFF;
	p2 =	slt.u32 s8, $0xFFFFF086  }
0x1c: {  	p1 =	slt.u32 s9, $0xF7A;
	s5 =	simm.s32 @!p2 $0x0  }
0x1d: {  	s5 =	simm.s32 @p1 $0x1;
	p0 =	seq.s32 s7, s2  }
0x1e: {  	s7 =	smul.u32 @!p0 $0xF7A, s2;
	p2 =	seq.s32 @!p0 s5, $0x0  }
0x1f: {  	s9 =	smul.u32 $0xF7A, s1;
	s8 =	simm.s32 @!p0 $0x1BF5;
	p2 =	por !p2, p0  }
0x20: {  	[sflag:s8] =	ssyncset.s32 @!p0 $0xFFFFF086;
	s6 =	sadd.s32 @!p0 s3, s7;
	s7 =	simm.s32 @!p0 $0x108  }
0x21: {  	s3 =	sadd.s32 s3, s9;
	s6 =	sadd.s32 @!p0 $0x88, s6;
	s7 =	simm.s32 @p2 $0x1082  }
0x22: {  	[simem:s7], [sflag:s8] =	dma.local @!p0 [hbm:s6], $0xF7A  }
0x23: {  	s9 =	sor.u32 $0xD0000000, s2;
	s6 =	simm.s32 $0x108;
	_ =	swait.ge @!p0 [sflag:s8], $0x0  }
0x24: {  	s3 =	sadd.s32 $0x88, s3;
	s6 =	simm.s32 @!p1 $0x1082;
	[sflag:s4] =	ssyncset.s32 $0xFFFFF086  }
0x25: {  	[simem:s6], [sflag:s4] =	dma.local [hbm:s3], $0xF7A  }
0x26: {  	[smem:$0x3F96] =	sst s1;
	(tag) =	ssettag s2;
	_ =	strace s9  }
0x27: {  	s1 =	sld [smem:$0x3FA6]  }
0x28: {  	s2 =	sld [smem:$0x3FA7]  }
0x29: {  	s4 =	sld [smem:$0x3FA9]  }
0x2a: {  	p0 =	seq.s32 s5, $0x0;
	s5 =	sld [smem:$0x3FAA]  }
0x2b: {  	s6 =	sld [smem:$0x3FAB]  }
0x2c: {  	s7 =	sld [smem:$0x3FAC]  }
0x2d: {  	s3 =	simm.s32 $0x108;
	s8 =	sld [smem:$0x3FAD]  }
0x2e: {  	s3 =	simm.s32 @!p0 $0x1082;
	s9 =	sld [smem:$0x3FAE]  }
0x2f: {  	lr =	sadd.s32 s0, s3;
	s0 =	sld [smem:$0x3FA5]  }
0x30: {  	s3 =	sld [smem:$0x3FA8]  }
0x31: {  	[smem:$0x3FB1] =	sst s10  }
0x32: {  	s10 =	sld [smem:$0x3FAF];
	_ =	sdelay $0x3  }
0x33: {  	p0 =	seq.s32 s10, $0x1;
	s10 =	sld [smem:$0x3FB1];
	_ =	sdelay $0x3  }
0x34: {  	[smem:$0x3FB1] =	sst s10  }
0x35: {  	s10 =	sld [smem:$0x3FB0];
	_ =	sdelay $0x3  }
0x36: {  	p1 =	seq.s32 s10, $0x1;
	s10 =	sld [smem:$0x3FB1];
	_ =	sdelay $0x3  }
0x37: {  	[smem:$0x3FB1] =	sst s10  }
0x38: {  	s10 =	sld [smem:$0x3FB2]  }
0x39: {  	_ = 	snop;
	(pc) =	sbr.ind lr, $3  }
0x3a: {  	_ = 	snop  }
0x3b: {  	_ = 	snop  }
0x3c: {  	p2 =	seq.s32 s10, $0x1;
	s10 =	sld [smem:$0x3FB1]  }
0x3d: {  	_ =	shalt  }
0x3e: {  	_ =	shalt  }
0x3f: {  	_ =	shalt  }
0x40: {  	_ =	shalt  }
0x41: {  	_ =	shalt  }
0x42: {  	_ =	shalt  }
0x43: {  	_ =	shalt  }
0x44: {  	_ =	shalt  }
0x45: {  	_ =	shalt  }
0x46: {  	_ =	shalt  }
0x47: {  	_ =	shalt  }
0x48: {  	_ =	shalt  }
0x49: {  	_ =	shalt  }
0x4a: {  	_ =	shalt  }
0x4b: {  	_ =	shalt  }
0x4c: {  	_ =	shalt  }
0x4d: {  	_ =	shalt  }
0x4e: {  	_ =	shalt  }
0x4f: {  	_ =	shalt  }
0x50: {  	_ =	shalt  }
0x51: {  	_ =	shalt  }
0x52: {  	_ =	shalt  }
0x53: {  	_ =	shalt  }
0x54: {  	_ =	shalt  }
0x55: {  	_ =	shalt  }
0x56: {  	_ =	shalt  }
0x57: {  	_ =	shalt  }
0x58: {  	_ =	shalt  }
0x59: {  	_ =	shalt  }
0x5a: {  	_ =	shalt  }
0x5b: {  	_ =	shalt  }
0x5c: {  	_ =	shalt  }
0x5d: {  	_ =	shalt  }
0x5e: {  	_ =	shalt  }
0x5f: {  	_ =	shalt  }
0x60: {  	_ =	shalt  }
0x61: {  	_ =	shalt  }
0x62: {  	_ =	shalt  }
0x63: {  	_ =	shalt  }
0x64: {  	_ =	shalt  }
0x65: {  	_ =	shalt  }
0x66: {  	_ =	shalt  }
0x67: {  	_ =	shalt  }
0x68: {  	_ =	shalt  }
0x69: {  	_ =	shalt  }
0x6a: {  	_ =	shalt  }
0x6b: {  	_ =	shalt  }
0x6c: {  	_ =	shalt  }
0x6d: {  	_ =	shalt  }
0x6e: {  	_ =	shalt  }
0x6f: {  	_ =	shalt  }
0x70: {  	_ =	shalt  }
0x71: {  	_ =	shalt  }
0x72: {  	_ =	shalt  }
0x73: {  	_ =	shalt  }
0x74: {  	_ =	shalt  }
0x75: {  	_ =	shalt  }
0x76: {  	_ =	shalt  }
0x77: {  	_ =	shalt  }
0x78: {  	_ =	shalt  }
0x79: {  	_ =	shalt  }
0x7a: {  	_ =	shalt  }
0x7b: {  	_ =	shalt  }
0x7c: {  	_ =	shalt  }
0x7d: {  	_ =	shalt  }
0x7e: {  	_ =	shalt  }
0x7f: {  	_ =	shalt  }
0x80: {  	_ =	shalt  }
0x81: {  	_ =	shalt  }
0x82: {  	_ =	shalt  }
0x83: {  	_ =	shalt  }
0x84: {  	_ =	shalt  }
0x85: {  	_ =	shalt  }
0x86: {  	_ =	shalt  }
0x87: {  	_ =	shalt  }
.Lfunc_end0:
.L_simem_size_0:
called_computation.2_lowered:
.L_overlay_start_0:
0x88: {  	s2 =	sld [smem:$0x3FD9]  }
0x89: {  	s3 =	sld [smem:$0x3FFE];
	_ =	sdelay $0x1  }
0x8a: {  	s1 =	srdreg.scid  }
0x8b: {  	s0 =	sand.u32 $0x1, s1  }
0x8c: {  	s16 =	sshll.u32 s0, $0xA;
	s2 =	sadd.s32 s3, s2  }
0x8d: {  	s2 =	sadd.s32 s2, s16  }
0x8e: {  	[smem:$0x3FBD] =	sst s2  }
0x8f: {  	_ = 	snop  }
0x90: {  	(tm) =	ssettm $0x1  }
0x91: {  	s17 =	sld [smem:$0x3FFB];
	_ =	sdelay $0x3  }
0x92: {  	_ =	strace s17  }
0x93: {  	s2 =	sld [smem:$0x3FFC];
	_ =	sdelay $0x3  }
0x94: {  	_ =	strace s2  }
0x95: {  	s2 =	sld [smem:$0x3FFD];
	_ =	sdelay $0x3  }
0x96: {  	_ =	strace s2  }
0x97: {  	_ =	strace $0x8FFFFFFF  }
0x98: {  	s18 =	sld [smem:$0x3FDB];
	_ =	sdelay $0x1  }
0x99: {  	s19 =	simm.s32 $_scs_section_size  }
0x9a: {  	s4 =	simm.s32 $_size__tile_overlayer_lowered;
	s5 =	simm.s32 $_tile_overlayer_lowered  }
0x9b: {  	s22 =	simm.s32 $0x1BFF;
	s21 =	sshll.u32 s5, $0x1;
	s2 =	sadd.s32 s19, s18  }
0x9c: {  	s6 =	simm.s32 $0x0;
	s20 =	sshll.u32 s4, $0x1;
	s4 =	sadd.s32 s21, s2  }
0x9d: {  	[timem:s6], [sflag:s22] =	dma.local [hbm:s4], s20  }
0x9e: {  	_ =	swait.ge [sflag:s22], s20  }
0x9f: {  	s3 =	ssub.s32 $0x0, s20;
	[sflag:s22] =	ssyncset.done $0x0  }
0xa0: {  	[sflag:s22] =	ssyncadd.s32 s3;
	_ =	sdelay $0x1  }
0xa1: {  	s23 =	simm.s32 $0x1B8B  }
0xa2: {  	_ =	swait.ge [sflag:s23], $0x1  }
0xa3: {  	[sflag:s23] =	ssyncset.done $0x0  }
0xa4: {  	s25 =	simm.s32 $0x1B8E;
	s24 =	sld [smem:$0x3FFE];
	[sflag:s23] =	ssyncadd.s32 $0xFFFFFFFF  }
0xa5: {  	s26 =	simm.s32 $execute0_lowered;
	[smem:$0x3FD2] =	sst s25  }
0xa6: {  	s4 =	sshll.u32 s26, $0x1;
	_ =	strace $0x8000004C;
	[dreg:$0x1] =	wrdreg $0xFFFFFFFF  }
0xa7: {  	s28 =	simm.s32 $_size_execute0_lowered;
	s2 =	sadd.s32 s2, s4;
	[dreg:$0x0] =	wrdreg $0x0  }
0xa8: {  	s4 =	sshll.u32 s28, $0x1;
	[dreg:$0x2] =	wrdreg s2  }
0xa9: {  	[dreg:$0x3] =	wrdreg s4  }
0xaa: {  	[dreg:$0x4] =	wrdreg $0xC0  }
0xab: {  	_ =	task [dreg:s6], $0x5FFFF  }
0xac: {  	[dreg:$0x1] =	wrdreg $0xFFFFFFFF  }
0xad: {  	[dreg:$0x0] =	wrdreg $0x60  }
0xae: {  	[dreg:$0x2] =	wrdreg s24  }
0xaf: {  	[dreg:$0x3] =	wrdreg $0xA8000  }
0xb0: {  	[dreg:$0x4] =	wrdreg $0x9  }
0xb1: {  	_ =	task.clear_ibuf [dreg:s6], $0x5FFFF;
	_ =	strace $0x9000004C  }
0xb2: {  	s29 =	simm.s32 $0x9;
	_ =	strace $0x8000004E  }
0xb3: {  	_ =	swait.ge [sflag:s29], $0x1  }
0xb4: {  	[sflag:s29] =	ssyncadd.s32 $0xFFFFFFFF  }
0xb5: {  	_ =	strace $0x9000004E  }
0xb6: {  	_ =	sfence  }
0xb7: {  	s30 =	sld [smem:$0x0];
	_ =	sdelay $0x2  }
0xb8: {  	s31 =	sshll.u32 s1, $0xD;
	s1 =	sshrl.u32 s1, $0x2  }
0xb9: {  	s3 =	sand.u32 $0x4000, s31;
	s1 =	sadd.s32 s1, s30  }
0xba: {  	s0 =	sor.u32 s3, s0;
	s1 =	sshll.u32 s1, $0x11  }
0xbb: {  	s0 =	sor.u32 s1, s0  }
0xbc: {  	s0 =	sadd.s32 $0x8F2B, s0  }
0xbd: {  	[sflag:s0] =	ssyncadd.remote.s32 $0x1  }
0xbe: {  	_ =	sfence.sel $0xFFFF  }
0xbf: {  	[dreg:$0x0] =	wrdreg $0xFFFFFFFF;
	(pc) =	sbr.abs _section_cstart, $3  }
0xc0: {  	[dreg:$0x1] =	wrdreg $0xFFFFFFFF  }
0xc1: {  	_ =	task.clear_ibuf [dreg:s6], $0x2FFFF;
	_ =	strace $0x9FFFFFFF  }
0xc2: {  	(tm) =	ssettm $0x7FFFFFFF  }
0xc3: {  	_ =	shalt  }
tec
execute0_lowered:
.L_overlay_start_1:
0x0: {  	(tag) =	ssettag $0x1  }
0x1: {  	s0 =	rddreg [dreg:$0x0]  }
0x2: {  	s1 =	rddreg [dreg:$0x1];
	s2 =	simm.s32 $0x0  }
0x3: {  	s3 =	srdreg.scid;
	s23 =	stileid.u32;
	s28 =	simm.s32 $0x6800  }
0x4: {  	s29 =	simm.s32 $0x1;
	s30 =	simm.s32 $0x2;
	s31 =	simm.s32 $0x2700  }
0x5: {  	[smem:$0x7FF] =	sst s2;
	s4 =	sadd.s32 $0x2DE00, s0;
	s7 =	smul.u32 $0x50000, s23  }
0x6: {  	s5 =	sadd.s32 $0x7DE00, s0;
	s6 =	sadd.s32 $0x19E00, s0;
	s26 =	smul.u32 $0x5000, s23  }
0x7: {  	s3 =	sand.u32 $0x1, s3;
	s20 =	sadd.s32 $0x23E00, s0;
	s14 =	smul.u32 $0xA00, s23  }
0x8: {  	s8 =	sadd.s32 $0xA5E00, s0;
	s0 =	sadd.s32 $0xCDE00, s0;
	s21 =	smul.u32 $0x2800, s23  }
0x9: {  	s23 =	simm.s32 $0x2800;
	_ =	strace $0x8000004D;
	[dreg:$0x3] =	wrdreg s8  }
0xa: {  	s24 =	ssub.s32 $0x2, s3;
	[dreg:$0x4] =	wrdreg s0;
	p0 =	sne.s32 s3, $0x0  }
0xb: {  	s25 =	sshrl.u32 s24, $0x1;
	s7 =	sshrl.u32 s7, $0x2;
	s13 =	sadd.s32 s6, s14  }
0xc: {  	s14 =	sadd.s32 s20, s14;
	s0 =	ssub.s32 s24, s25;
	s8 =	sadd.s32 s7, s1  }
0xd: {  	s7 =	sshrl.u32 s26, $0x3;
	s24 =	simm.s32 $0x3;
	s25 =	simm.s32 $0x1400  }
0xe: {  	s26 =	simm.s32 $0x80;
	s9 =	sadd.s32 $0x4000, s8;
	s10 =	sadd.s32 $0x8000, s8  }
.Ltmp0:
0xf: {  	s11 =	sadd.s32 $0xC000, s8;
	s12 =	sadd.s32 $0x10000, s8;
	(pc) =	sbr.rel .LBB2_1-.Ltmp0, $4  }
0x10: {  	s16 =	sadd.s32 $0x280, s7;
	s18 =	sadd.s32 $0x500, s7;
	s7 =	sadd.s32 $0x780, s7  }
0x11: {  	s22 =	smax.u32 s0, $0x1;
	s0 =	simm.s32 $0x2780;
	s15 =	sadd.s32 s6, s16  }
0x12: {  	s16 =	sadd.s32 s20, s16;
	s17 =	sadd.s32 s6, s18;
	s18 =	sadd.s32 s20, s18  }
0x13: {  	v0 =	vimm.f32 $0.0e+00;
	s19 =	sadd.s32 s6, s7;
	s20 =	sadd.s32 s20, s7;
	s6 =	simm.s32 $0x0  }
.LBB2_21:
0x14: {  	[tilespmem:s28], [sflag:$0x2] =	stream.indirect.gather [hbm4b:s5+s26], $0x80, s3, s26, $0xb8;
	[tilespmem:$0x1E800] =	vst v63  }
0x15: {  	s3 =	rddreg [dreg:$0x4]  }
.LBB2_22:
0x16: {  	_ =	swait.ge [sflag:s29], $0x4000  }
0x17: {  	[sflag:s29] =	ssyncset.done $0x0  }
0x18: {  	[sflag:s29] =	ssyncadd.s32 $0xFFFFC000  }
0x19: {  	[spmem:s1] =	stream.indirect.scatter.add.f32 [tilespmem:s23], [sflag:$0x3], $0x80, s31, s26, $0xb8;
	[tilespmem:$0x1E800] =	vst v63  }
0x1a: {  	_ =	swait.ge [sflag:s24], $0x4000  }
0x1b: {  	[sflag:s24] =	ssyncset.done $0x0  }
0x1c: {  	[sflag:s24] =	ssyncadd.s32 $0xFFFFC000  }
0x1d: {  	_ =	swait.ge [sflag:s30], $0x4000  }
0x1e: {  	[sflag:s30] =	ssyncset.done $0x0  }
0x1f: {  	[sflag:s30] =	ssyncadd.s32 $0xFFFFC000  }
0x20: {  	[spmem:s1] =	stream.indirect.scatter.add.f32 [tilespmem:s28], [sflag:$0x3], $0x80, s0, s26, $0xb8;
	[tilespmem:$0x1E800] =	vst v63  }
0x21: {  	s2 =	sadd.s32 s3, s21;
	s7 =	stileid.u32;
	_ =	swait.ge [sflag:s24], $0x4000  }
0x22: {  	s6 =	sadd.s32 $0x1, s6;
	s3 =	sshll.u32 s7, $0x6;
	[sflag:s24] =	ssyncset.done $0x0  }
0x23: {  	s7 =	sshrl.u32 s8, $0x3;
	p1 =	sne.s32 s6, s22;
	[sflag:s24] =	ssyncadd.s32 $0xFFFFC000  }
.Ltmp1:
0x24: {  	s3 =	sor.u32 $0x1C03, s3;
	[bflag:$0x0] =	sbarrier.arrive $0xFFFF;
	(pc) =	sbr.rel @!p1 .LBB2_23-.Ltmp1, $4  }
0x25: {  	[hbm:s2], [sflag:s3] =	dma.local [spmem:s7], $0x2800  }
0x26: {  	_ =	swait.ge [sflag:s24], $0x2800  }
0x27: {  	[sflag:s24] =	ssyncset.done $0x0  }
0x28: {  	[sflag:s24] =	ssyncadd.s32 $0xFFFFD800  }
.LBB2_1:
0x29: {  	s7 =	simm.s32 $0x0;
	s3 =	simm.s32 $0x200  }
.LBB2_2:
0x2a: {  	p1 =	sne.s32 s3, $0xFE00;
	[tilespmem:s7+$0x2870] =	vst v0  }
0x2b: {  	[tilespmem:s7+$0x2800] =	vst v0  }
0x2c: {  	[tilespmem:s7+$0x2810] =	vst v0  }
.Ltmp2:
0x2d: {  	[tilespmem:s7+$0x2820] =	vst v0;
	(pc) =	sbr.rel @p1 .LBB2_2-.Ltmp2, $4  }
0x2e: {  	[tilespmem:s7+$0x2830] =	vst v0  }
0x2f: {  	[tilespmem:s7+$0x2840] =	vst v0  }
0x30: {  	[tilespmem:s7+$0x2850] =	vst v0  }
0x31: {  	[tilespmem:s7+$0x2860] =	vst v0;
	s7 =	sshra.s32 s3, $0x2;
	s3 =	sadd.s32 $0x200, s3  }
0x32: {  	[tilespmem:s7+$0x2870] =	vst v0  }
0x33: {  	[tilespmem:s7+$0x2800] =	vst v0  }
0x34: {  	[tilespmem:s7+$0x2810] =	vst v0  }
0x35: {  	[tilespmem:s7+$0x2820] =	vst v0  }
0x36: {  	[tilespmem:s7+$0x2830] =	vst v0  }
0x37: {  	[tilespmem:s7+$0x2840] =	vst v0  }
0x38: {  	[tilespmem:s7+$0x2850] =	vst v0  }
0x39: {  	[tilespmem:s7+$0x2860] =	vst v0  }
0x3a: {  	[spmem:s8] =	stream.linear.scatter [tilespmem:s23], [sflag:$0x3], $0x4000, $0x38;
	[tilespmem:$0x1E800] =	vst v63  }
0x3b: {  	_ =	swait.ge [sflag:s24], $0x4000  }
0x3c: {  	[sflag:s24] =	ssyncset.done $0x0  }
0x3d: {  	[sflag:s24] =	ssyncadd.s32 $0xFFFFC000  }
0x3e: {  	[spmem:s9] =	stream.linear.scatter [tilespmem:s23], [sflag:$0x3], $0x4000, $0x38;
	[tilespmem:$0x1E800] =	vst v63  }
0x3f: {  	_ =	swait.ge [sflag:s24], $0x4000  }
0x40: {  	[sflag:s24] =	ssyncset.done $0x0  }
0x41: {  	[sflag:s24] =	ssyncadd.s32 $0xFFFFC000  }
0x42: {  	[spmem:s10] =	stream.linear.scatter [tilespmem:s23], [sflag:$0x3], $0x4000, $0x38;
	[tilespmem:$0x1E800] =	vst v63  }
0x43: {  	_ =	swait.ge [sflag:s24], $0x4000  }
0x44: {  	[sflag:s24] =	ssyncset.done $0x0  }
0x45: {  	[sflag:s24] =	ssyncadd.s32 $0xFFFFC000  }
0x46: {  	[spmem:s11] =	stream.linear.scatter [tilespmem:s23], [sflag:$0x3], $0x4000, $0x38;
	[tilespmem:$0x1E800] =	vst v63  }
0x47: {  	_ =	swait.ge [sflag:s24], $0x4000  }
0x48: {  	[sflag:s24] =	ssyncset.done $0x0  }
0x49: {  	[sflag:s24] =	ssyncadd.s32 $0xFFFFC000  }
0x4a: {  	[spmem:s12] =	stream.linear.scatter [tilespmem:s23], [sflag:$0x3], $0x4000, $0x38;
	[tilespmem:$0x1E800] =	vst v63  }
0x4b: {  	_ =	swait.ge [sflag:s24], $0x4000  }
0x4c: {  	[sflag:s24] =	ssyncset.done $0x0  }
0x4d: {  	[sflag:s24] =	ssyncadd.s32 $0xFFFFC000  }
0x4e: {  	s2 =	simm.s32 $0x0;
	[bflag:$0x0] =	sbarrier.arrive $0xFFFF  }
0x4f: {  	[tilespmem:s2], [sflag:$0x3] =	stream.linear.gather [hbm4b:s13+s2], $0x1400, $0x38;
	[tilespmem:$0x1E800] =	vst v63  }
0x50: {  	_ =	swait.ge [sflag:s24], $0x1400  }
0x51: {  	[sflag:s24] =	ssyncset.done $0x0  }
.Ltmp3:
0x52: {  	[sflag:s24] =	ssyncadd.s32 $0xFFFFEC00;
	(pc) =	sbr.rel @p0 .LBB2_13-.Ltmp3, $4  }
0x53: {  	[tilespmem:s25], [sflag:$0x3] =	stream.linear.gather [hbm4b:s14+s2], $0x1400, $0x38;
	[tilespmem:$0x1E800] =	vst v63  }
0x54: {  	_ =	swait.ge [sflag:s24], $0x1400  }
0x55: {  	[sflag:s24] =	ssyncset.done $0x0  }
0x56: {  	[sflag:s24] =	ssyncadd.s32 $0xFFFFEC00  }
0x57: {  	s3 =	simm.s32 $0x0  }
0x58: {  	[tilespmem:s23], [sflag:$0x1] =	stream.indirect.gather [hbm4b:s4+s26], $0x80, s3, s26, $0xb8;
	[tilespmem:$0x1E800] =	vst v63  }
0x59: {  	_ = 	snop  }
0x5a: {  	[tilespmem:s28], [sflag:$0x2] =	stream.indirect.gather [hbm4b:s4+s26], $0x80, s26, s26, $0xb8;
	[tilespmem:$0x1E800] =	vst v63  }
0x5b: {  	_ =	swait.ge [sflag:s29], $0x4000  }
0x5c: {  	[sflag:s29] =	ssyncset.done $0x0  }
0x5d: {  	s7 =	simm.s32 $0x1400;
	[sflag:s29] =	ssyncadd.s32 $0xFFFFC000  }
0x5e: {  	[spmem:s1] =	stream.indirect.scatter.add.f32 [tilespmem:s23], [sflag:$0x3], $0x80, s7, s26, $0xb8;
	[tilespmem:$0x1E800] =	vst v63  }
0x5f: {  	_ =	swait.ge [sflag:s24], $0x4000  }
0x60: {  	[sflag:s24] =	ssyncset.done $0x0  }
0x61: {  	s2 =	simm.s32 $0x100;
	[sflag:s24] =	ssyncadd.s32 $0xFFFFC000  }
0x62: {  	[tilespmem:s23], [sflag:$0x1] =	stream.indirect.gather [hbm4b:s4+s26], $0x80, s2, s26, $0xb8;
	[tilespmem:$0x1E800] =	vst v63  }
0x63: {  	_ =	swait.ge [sflag:s30], $0x4000  }
0x64: {  	[sflag:s30] =	ssyncset.done $0x0  }
0x65: {  	s7 =	simm.s32 $0x1480;
	[sflag:s30] =	ssyncadd.s32 $0xFFFFC000  }
0x66: {  	[spmem:s1] =	stream.indirect.scatter.add.f32 [tilespmem:s28], [sflag:$0x3], $0x80, s7, s26, $0xb8;
	[tilespmem:$0x1E800] =	vst v63  }
0x67: {  	_ =	swait.ge [sflag:s24], $0x4000  }
0x68: {  	[sflag:s24] =	ssyncset.done $0x0  }
0x69: {  	s3 =	simm.s32 $0x180;
	s7 =	simm.s32 $0x400;
	[sflag:s24] =	ssyncadd.s32 $0xFFFFC000  }
.LBB2_5:
0x6a: {  	[tilespmem:s28], [sflag:$0x2] =	stream.indirect.gather [hbm4b:s4+s26], $0x80, s3, s26, $0xb8;
	[tilespmem:$0x1E800] =	vst v63  }
0x6b: {  	s3 =	smov.u32 s7  }
0x6c: {  	p1 =	sne.s32 s7, $0x4800;
	s7 =	sadd.s32 $0x400, s7;
	_ =	swait.ge [sflag:s29], $0x4000  }
0x6d: {  	s3 =	sshra.s32 s3, $0x2;
	[sflag:s29] =	ssyncset.done $0x0  }
0x6e: {  	s2 =	sadd.s32 $0x1400, s3;
	[sflag:s29] =	ssyncadd.s32 $0xFFFFC000  }
0x6f: {  	[spmem:s1] =	stream.indirect.scatter.add.f32 [tilespmem:s23], [sflag:$0x3], $0x80, s2, s26, $0xb8;
	[tilespmem:$0x1E800] =	vst v63  }
0x70: {  	_ =	swait.ge [sflag:s24], $0x4000  }
0x71: {  	[sflag:s24] =	ssyncset.done $0x0  }
0x72: {  	s2 =	sadd.s32 $0x100, s3;
	[sflag:s24] =	ssyncadd.s32 $0xFFFFC000  }
0x73: {  	[tilespmem:s23], [sflag:$0x1] =	stream.indirect.gather [hbm4b:s4+s26], $0x80, s2, s26, $0xb8;
	[tilespmem:$0x1E800] =	vst v63  }
0x74: {  	_ =	swait.ge [sflag:s30], $0x4000  }
0x75: {  	[sflag:s30] =	ssyncset.done $0x0  }
.Ltmp4:
0x76: {  	s2 =	sadd.s32 $0x1480, s3;
	[sflag:s30] =	ssyncadd.s32 $0xFFFFC000;
	(pc) =	sbr.rel @p1 .LBB2_5-.Ltmp4, $4  }
0x77: {  	[spmem:s1] =	stream.indirect.scatter.add.f32 [tilespmem:s28], [sflag:$0x3], $0x80, s2, s26, $0xb8;
	[tilespmem:$0x1E800] =	vst v63  }
0x78: {  	_ =	swait.ge [sflag:s24], $0x4000  }
0x79: {  	[sflag:s24] =	ssyncset.done $0x0  }
0x7a: {  	s3 =	sadd.s32 $0x180, s3;
	[sflag:s24] =	ssyncadd.s32 $0xFFFFC000  }
0x7b: {  	[tilespmem:s28], [sflag:$0x2] =	stream.indirect.gather [hbm4b:s4+s26], $0x80, s3, s26, $0xb8;
	[tilespmem:$0x1E800] =	vst v63  }
0x7c: {  	_ =	swait.ge [sflag:s29], $0x4000  }
0x7d: {  	[sflag:s29] =	ssyncset.done $0x0  }
0x7e: {  	[sflag:s29] =	ssyncadd.s32 $0xFFFFC000  }
0x7f: {  	[spmem:s1] =	stream.indirect.scatter.add.f32 [tilespmem:s23], [sflag:$0x3], $0x80, s31, s26, $0xb8;
	[tilespmem:$0x1E800] =	vst v63  }
0x80: {  	_ =	swait.ge [sflag:s24], $0x4000  }
0x81: {  	[sflag:s24] =	ssyncset.done $0x0  }
0x82: {  	[sflag:s24] =	ssyncadd.s32 $0xFFFFC000  }
0x83: {  	_ =	swait.ge [sflag:s30], $0x4000  }
0x84: {  	[sflag:s30] =	ssyncset.done $0x0  }
0x85: {  	[sflag:s30] =	ssyncadd.s32 $0xFFFFC000  }
0x86: {  	[spmem:s1] =	stream.indirect.scatter.add.f32 [tilespmem:s28], [sflag:$0x3], $0x80, s0, s26, $0xb8;
	[tilespmem:$0x1E800] =	vst v63  }
0x87: {  	_ =	swait.ge [sflag:s24], $0x4000  }
0x88: {  	[sflag:s24] =	ssyncset.done $0x0  }
0x89: {  	s2 =	simm.s32 $0x0;
	[sflag:s24] =	ssyncadd.s32 $0xFFFFC000  }
0x8a: {  	[tilespmem:s2], [sflag:$0x3] =	stream.linear.gather [hbm4b:s15+s2], $0x1400, $0x38;
	[tilespmem:$0x1E800] =	vst v63  }
0x8b: {  	_ =	swait.ge [sflag:s24], $0x1400  }
0x8c: {  	[sflag:s24] =	ssyncset.done $0x0  }
0x8d: {  	[sflag:s24] =	ssyncadd.s32 $0xFFFFEC00  }
0x8e: {  	[tilespmem:s25], [sflag:$0x3] =	stream.linear.gather [hbm4b:s16+s2], $0x1400, $0x38;
	[tilespmem:$0x1E800] =	vst v63  }
0x8f: {  	_ =	swait.ge [sflag:s24], $0x1400  }
0x90: {  	[sflag:s24] =	ssyncset.done $0x0  }
0x91: {  	[sflag:s24] =	ssyncadd.s32 $0xFFFFEC00  }
0x92: {  	[tilespmem:s23], [sflag:$0x1] =	stream.indirect.gather [hbm4b:s4+s26], $0x80, s2, s26, $0xb8;
	[tilespmem:$0x1E800] =	vst v63  }
0x93: {  	_ = 	snop  }
0x94: {  	[tilespmem:s28], [sflag:$0x2] =	stream.indirect.gather [hbm4b:s4+s26], $0x80, s26, s26, $0xb8;
	[tilespmem:$0x1E800] =	vst v63  }
0x95: {  	_ =	swait.ge [sflag:s29], $0x4000  }
0x96: {  	[sflag:s29] =	ssyncset.done $0x0  }
0x97: {  	s7 =	simm.s32 $0x1400;
	[sflag:s29] =	ssyncadd.s32 $0xFFFFC000  }
0x98: {  	[spmem:s1] =	stream.indirect.scatter.add.f32 [tilespmem:s23], [sflag:$0x3], $0x80, s7, s26, $0xb8;
	[tilespmem:$0x1E800] =	vst v63  }
0x99: {  	_ =	swait.ge [sflag:s24], $0x4000  }
0x9a: {  	[sflag:s24] =	ssyncset.done $0x0  }
0x9b: {  	s3 =	simm.s32 $0x100;
	[sflag:s24] =	ssyncadd.s32 $0xFFFFC000  }
0x9c: {  	[tilespmem:s23], [sflag:$0x1] =	stream.indirect.gather [hbm4b:s4+s26], $0x80, s3, s26, $0xb8;
	[tilespmem:$0x1E800] =	vst v63  }
0x9d: {  	_ =	swait.ge [sflag:s30], $0x4000  }
0x9e: {  	[sflag:s30] =	ssyncset.done $0x0  }
0x9f: {  	s7 =	simm.s32 $0x1480;
	[sflag:s30] =	ssyncadd.s32 $0xFFFFC000  }
0xa0: {  	[spmem:s1] =	stream.indirect.scatter.add.f32 [tilespmem:s28], [sflag:$0x3], $0x80, s7, s26, $0xb8;
	[tilespmem:$0x1E800] =	vst v63  }
0xa1: {  	_ =	swait.ge [sflag:s24], $0x4000  }
0xa2: {  	[sflag:s24] =	ssyncset.done $0x0  }
0xa3: {  	s3 =	simm.s32 $0x180;
	s7 =	simm.s32 $0x400;
	[sflag:s24] =	ssyncadd.s32 $0xFFFFC000  }
.LBB2_7:
0xa4: {  	[tilespmem:s28], [sflag:$0x2] =	stream.indirect.gather [hbm4b:s4+s26], $0x80, s3, s26, $0xb8;
	[tilespmem:$0x1E800] =	vst v63  }
0xa5: {  	s2 =	smov.u32 s7  }
0xa6: {  	p1 =	sne.s32 s7, $0x4800;
	s7 =	sadd.s32 $0x400, s7;
	_ =	swait.ge [sflag:s29], $0x4000  }
0xa7: {  	s2 =	sshra.s32 s2, $0x2;
	[sflag:s29] =	ssyncset.done $0x0  }
0xa8: {  	s3 =	sadd.s32 $0x1400, s2;
	[sflag:s29] =	ssyncadd.s32 $0xFFFFC000  }
0xa9: {  	[spmem:s1] =	stream.indirect.scatter.add.f32 [tilespmem:s23], [sflag:$0x3], $0x80, s3, s26, $0xb8;
	[tilespmem:$0x1E800] =	vst v63  }
0xaa: {  	_ =	swait.ge [sflag:s24], $0x4000  }
0xab: {  	[sflag:s24] =	ssyncset.done $0x0  }
0xac: {  	s3 =	sadd.s32 $0x100, s2;
	[sflag:s24] =	ssyncadd.s32 $0xFFFFC000  }
0xad: {  	[tilespmem:s23], [sflag:$0x1] =	stream.indirect.gather [hbm4b:s4+s26], $0x80, s3, s26, $0xb8;
	[tilespmem:$0x1E800] =	vst v63  }
0xae: {  	_ =	swait.ge [sflag:s30], $0x4000  }
0xaf: {  	[sflag:s30] =	ssyncset.done $0x0  }
.Ltmp5:
0xb0: {  	s3 =	sadd.s32 $0x1480, s2;
	[sflag:s30] =	ssyncadd.s32 $0xFFFFC000;
	(pc) =	sbr.rel @p1 .LBB2_7-.Ltmp5, $4  }
0xb1: {  	[spmem:s1] =	stream.indirect.scatter.add.f32 [tilespmem:s28], [sflag:$0x3], $0x80, s3, s26, $0xb8;
	[tilespmem:$0x1E800] =	vst v63  }
0xb2: {  	_ =	swait.ge [sflag:s24], $0x4000  }
0xb3: {  	[sflag:s24] =	ssyncset.done $0x0  }
0xb4: {  	s3 =	sadd.s32 $0x180, s2;
	[sflag:s24] =	ssyncadd.s32 $0xFFFFC000  }
0xb5: {  	[tilespmem:s28], [sflag:$0x2] =	stream.indirect.gather [hbm4b:s4+s26], $0x80, s3, s26, $0xb8;
	[tilespmem:$0x1E800] =	vst v63  }
0xb6: {  	_ =	swait.ge [sflag:s29], $0x4000  }
0xb7: {  	[sflag:s29] =	ssyncset.done $0x0  }
0xb8: {  	[sflag:s29] =	ssyncadd.s32 $0xFFFFC000  }
0xb9: {  	[spmem:s1] =	stream.indirect.scatter.add.f32 [tilespmem:s23], [sflag:$0x3], $0x80, s31, s26, $0xb8;
	[tilespmem:$0x1E800] =	vst v63  }
0xba: {  	_ =	swait.ge [sflag:s24], $0x4000  }
0xbb: {  	[sflag:s24] =	ssyncset.done $0x0  }
0xbc: {  	[sflag:s24] =	ssyncadd.s32 $0xFFFFC000  }
0xbd: {  	_ =	swait.ge [sflag:s30], $0x4000  }
0xbe: {  	[sflag:s30] =	ssyncset.done $0x0  }
0xbf: {  	[sflag:s30] =	ssyncadd.s32 $0xFFFFC000  }
0xc0: {  	[spmem:s1] =	stream.indirect.scatter.add.f32 [tilespmem:s28], [sflag:$0x3], $0x80, s0, s26, $0xb8;
	[tilespmem:$0x1E800] =	vst v63  }
0xc1: {  	_ =	swait.ge [sflag:s24], $0x4000  }
0xc2: {  	[sflag:s24] =	ssyncset.done $0x0  }
0xc3: {  	s2 =	simm.s32 $0x0;
	[sflag:s24] =	ssyncadd.s32 $0xFFFFC000  }
0xc4: {  	[tilespmem:s2], [sflag:$0x3] =	stream.linear.gather [hbm4b:s17+s2], $0x1400, $0x38;
	[tilespmem:$0x1E800] =	vst v63  }
0xc5: {  	_ =	swait.ge [sflag:s24], $0x1400  }
0xc6: {  	[sflag:s24] =	ssyncset.done $0x0  }
0xc7: {  	[sflag:s24] =	ssyncadd.s32 $0xFFFFEC00  }
0xc8: {  	[tilespmem:s25], [sflag:$0x3] =	stream.linear.gather [hbm4b:s18+s2], $0x1400, $0x38;
	[tilespmem:$0x1E800] =	vst v63  }
0xc9: {  	_ =	swait.ge [sflag:s24], $0x1400  }
0xca: {  	[sflag:s24] =	ssyncset.done $0x0  }
0xcb: {  	[sflag:s24] =	ssyncadd.s32 $0xFFFFEC00  }
0xcc: {  	[tilespmem:s23], [sflag:$0x1] =	stream.indirect.gather [hbm4b:s4+s26], $0x80, s2, s26, $0xb8;
	[tilespmem:$0x1E800] =	vst v63  }
0xcd: {  	_ = 	snop  }
0xce: {  	[tilespmem:s28], [sflag:$0x2] =	stream.indirect.gather [hbm4b:s4+s26], $0x80, s26, s26, $0xb8;
	[tilespmem:$0x1E800] =	vst v63  }
0xcf: {  	_ =	swait.ge [sflag:s29], $0x4000  }
0xd0: {  	[sflag:s29] =	ssyncset.done $0x0  }
0xd1: {  	s7 =	simm.s32 $0x1400;
	[sflag:s29] =	ssyncadd.s32 $0xFFFFC000  }
0xd2: {  	[spmem:s1] =	stream.indirect.scatter.add.f32 [tilespmem:s23], [sflag:$0x3], $0x80, s7, s26, $0xb8;
	[tilespmem:$0x1E800] =	vst v63  }
0xd3: {  	_ =	swait.ge [sflag:s24], $0x4000  }
0xd4: {  	[sflag:s24] =	ssyncset.done $0x0  }
0xd5: {  	s3 =	simm.s32 $0x100;
	[sflag:s24] =	ssyncadd.s32 $0xFFFFC000  }
0xd6: {  	[tilespmem:s23], [sflag:$0x1] =	stream.indirect.gather [hbm4b:s4+s26], $0x80, s3, s26, $0xb8;
	[tilespmem:$0x1E800] =	vst v63  }
0xd7: {  	_ =	swait.ge [sflag:s30], $0x4000  }
0xd8: {  	[sflag:s30] =	ssyncset.done $0x0  }
0xd9: {  	s7 =	simm.s32 $0x1480;
	[sflag:s30] =	ssyncadd.s32 $0xFFFFC000  }
0xda: {  	[spmem:s1] =	stream.indirect.scatter.add.f32 [tilespmem:s28], [sflag:$0x3], $0x80, s7, s26, $0xb8;
	[tilespmem:$0x1E800] =	vst v63  }
0xdb: {  	_ =	swait.ge [sflag:s24], $0x4000  }
0xdc: {  	[sflag:s24] =	ssyncset.done $0x0  }
0xdd: {  	s3 =	simm.s32 $0x180;
	s7 =	simm.s32 $0x400;
	[sflag:s24] =	ssyncadd.s32 $0xFFFFC000  }
.LBB2_9:
0xde: {  	[tilespmem:s28], [sflag:$0x2] =	stream.indirect.gather [hbm4b:s4+s26], $0x80, s3, s26, $0xb8;
	[tilespmem:$0x1E800] =	vst v63  }
0xdf: {  	s2 =	smov.u32 s7  }
0xe0: {  	p1 =	sne.s32 s7, $0x4800;
	s7 =	sadd.s32 $0x400, s7;
	_ =	swait.ge [sflag:s29], $0x4000  }
0xe1: {  	s2 =	sshra.s32 s2, $0x2;
	[sflag:s29] =	ssyncset.done $0x0  }
0xe2: {  	s3 =	sadd.s32 $0x1400, s2;
	[sflag:s29] =	ssyncadd.s32 $0xFFFFC000  }
0xe3: {  	[spmem:s1] =	stream.indirect.scatter.add.f32 [tilespmem:s23], [sflag:$0x3], $0x80, s3, s26, $0xb8;
	[tilespmem:$0x1E800] =	vst v63  }
0xe4: {  	_ =	swait.ge [sflag:s24], $0x4000  }
0xe5: {  	[sflag:s24] =	ssyncset.done $0x0  }
0xe6: {  	s3 =	sadd.s32 $0x100, s2;
	[sflag:s24] =	ssyncadd.s32 $0xFFFFC000  }
0xe7: {  	[tilespmem:s23], [sflag:$0x1] =	stream.indirect.gather [hbm4b:s4+s26], $0x80, s3, s26, $0xb8;
	[tilespmem:$0x1E800] =	vst v63  }
0xe8: {  	_ =	swait.ge [sflag:s30], $0x4000  }
0xe9: {  	[sflag:s30] =	ssyncset.done $0x0  }
.Ltmp6:
0xea: {  	s3 =	sadd.s32 $0x1480, s2;
	[sflag:s30] =	ssyncadd.s32 $0xFFFFC000;
	(pc) =	sbr.rel @p1 .LBB2_9-.Ltmp6, $4  }
0xeb: {  	[spmem:s1] =	stream.indirect.scatter.add.f32 [tilespmem:s28], [sflag:$0x3], $0x80, s3, s26, $0xb8;
	[tilespmem:$0x1E800] =	vst v63  }
0xec: {  	_ =	swait.ge [sflag:s24], $0x4000  }
0xed: {  	[sflag:s24] =	ssyncset.done $0x0  }
0xee: {  	s3 =	sadd.s32 $0x180, s2;
	[sflag:s24] =	ssyncadd.s32 $0xFFFFC000  }
0xef: {  	[tilespmem:s28], [sflag:$0x2] =	stream.indirect.gather [hbm4b:s4+s26], $0x80, s3, s26, $0xb8;
	[tilespmem:$0x1E800] =	vst v63  }
0xf0: {  	_ =	swait.ge [sflag:s29], $0x4000  }
0xf1: {  	[sflag:s29] =	ssyncset.done $0x0  }
0xf2: {  	[sflag:s29] =	ssyncadd.s32 $0xFFFFC000  }
0xf3: {  	[spmem:s1] =	stream.indirect.scatter.add.f32 [tilespmem:s23], [sflag:$0x3], $0x80, s31, s26, $0xb8;
	[tilespmem:$0x1E800] =	vst v63  }
0xf4: {  	_ =	swait.ge [sflag:s24], $0x4000  }
0xf5: {  	[sflag:s24] =	ssyncset.done $0x0  }
0xf6: {  	[sflag:s24] =	ssyncadd.s32 $0xFFFFC000  }
0xf7: {  	_ =	swait.ge [sflag:s30], $0x4000  }
0xf8: {  	[sflag:s30] =	ssyncset.done $0x0  }
0xf9: {  	[sflag:s30] =	ssyncadd.s32 $0xFFFFC000  }
0xfa: {  	[spmem:s1] =	stream.indirect.scatter.add.f32 [tilespmem:s28], [sflag:$0x3], $0x80, s0, s26, $0xb8;
	[tilespmem:$0x1E800] =	vst v63  }
0xfb: {  	_ =	swait.ge [sflag:s24], $0x4000  }
0xfc: {  	[sflag:s24] =	ssyncset.done $0x0  }
0xfd: {  	s2 =	simm.s32 $0x0;
	[sflag:s24] =	ssyncadd.s32 $0xFFFFC000  }
0xfe: {  	[tilespmem:s2], [sflag:$0x3] =	stream.linear.gather [hbm4b:s19+s2], $0x1400, $0x38;
	[tilespmem:$0x1E800] =	vst v63  }
0xff: {  	_ =	swait.ge [sflag:s24], $0x1400  }
0x100: {  	[sflag:s24] =	ssyncset.done $0x0  }
0x101: {  	[sflag:s24] =	ssyncadd.s32 $0xFFFFEC00  }
0x102: {  	[tilespmem:s25], [sflag:$0x3] =	stream.linear.gather [hbm4b:s20+s2], $0x1400, $0x38;
	[tilespmem:$0x1E800] =	vst v63  }
0x103: {  	_ =	swait.ge [sflag:s24], $0x1400  }
0x104: {  	[sflag:s24] =	ssyncset.done $0x0  }
0x105: {  	[sflag:s24] =	ssyncadd.s32 $0xFFFFEC00  }
0x106: {  	[tilespmem:s23], [sflag:$0x1] =	stream.indirect.gather [hbm4b:s4+s26], $0x80, s2, s26, $0xb8;
	[tilespmem:$0x1E800] =	vst v63  }
0x107: {  	_ = 	snop  }
0x108: {  	[tilespmem:s28], [sflag:$0x2] =	stream.indirect.gather [hbm4b:s4+s26], $0x80, s26, s26, $0xb8;
	[tilespmem:$0x1E800] =	vst v63  }
0x109: {  	_ =	swait.ge [sflag:s29], $0x4000  }
0x10a: {  	[sflag:s29] =	ssyncset.done $0x0  }
0x10b: {  	s7 =	simm.s32 $0x1400;
	[sflag:s29] =	ssyncadd.s32 $0xFFFFC000  }
0x10c: {  	[spmem:s1] =	stream.indirect.scatter.add.f32 [tilespmem:s23], [sflag:$0x3], $0x80, s7, s26, $0xb8;
	[tilespmem:$0x1E800] =	vst v63  }
0x10d: {  	_ =	swait.ge [sflag:s24], $0x4000  }
0x10e: {  	[sflag:s24] =	ssyncset.done $0x0  }
0x10f: {  	s3 =	simm.s32 $0x100;
	[sflag:s24] =	ssyncadd.s32 $0xFFFFC000  }
0x110: {  	[tilespmem:s23], [sflag:$0x1] =	stream.indirect.gather [hbm4b:s4+s26], $0x80, s3, s26, $0xb8;
	[tilespmem:$0x1E800] =	vst v63  }
0x111: {  	_ =	swait.ge [sflag:s30], $0x4000  }
0x112: {  	[sflag:s30] =	ssyncset.done $0x0  }
0x113: {  	s7 =	simm.s32 $0x1480;
	[sflag:s30] =	ssyncadd.s32 $0xFFFFC000  }
0x114: {  	[spmem:s1] =	stream.indirect.scatter.add.f32 [tilespmem:s28], [sflag:$0x3], $0x80, s7, s26, $0xb8;
	[tilespmem:$0x1E800] =	vst v63  }
0x115: {  	_ =	swait.ge [sflag:s24], $0x4000  }
0x116: {  	[sflag:s24] =	ssyncset.done $0x0  }
0x117: {  	s3 =	simm.s32 $0x180;
	s7 =	simm.s32 $0x400;
	[sflag:s24] =	ssyncadd.s32 $0xFFFFC000  }
.LBB2_11:
0x118: {  	[tilespmem:s28], [sflag:$0x2] =	stream.indirect.gather [hbm4b:s4+s26], $0x80, s3, s26, $0xb8;
	[tilespmem:$0x1E800] =	vst v63  }
0x119: {  	s2 =	smov.u32 s7  }
0x11a: {  	p1 =	seq.s32 s7, $0x4800;
	s7 =	sadd.s32 $0x400, s7;
	_ =	swait.ge [sflag:s29], $0x4000  }
0x11b: {  	s2 =	sshra.s32 s2, $0x2;
	[sflag:s29] =	ssyncset.done $0x0  }
0x11c: {  	s3 =	sadd.s32 $0x1400, s2;
	[sflag:s29] =	ssyncadd.s32 $0xFFFFC000  }
0x11d: {  	[spmem:s1] =	stream.indirect.scatter.add.f32 [tilespmem:s23], [sflag:$0x3], $0x80, s3, s26, $0xb8;
	[tilespmem:$0x1E800] =	vst v63  }
0x11e: {  	_ =	swait.ge [sflag:s24], $0x4000  }
0x11f: {  	[sflag:s24] =	ssyncset.done $0x0  }
0x120: {  	s3 =	sadd.s32 $0x100, s2;
	[sflag:s24] =	ssyncadd.s32 $0xFFFFC000  }
0x121: {  	[tilespmem:s23], [sflag:$0x1] =	stream.indirect.gather [hbm4b:s4+s26], $0x80, s3, s26, $0xb8;
	[tilespmem:$0x1E800] =	vst v63  }
0x122: {  	_ =	swait.ge [sflag:s30], $0x4000  }
0x123: {  	[sflag:s30] =	ssyncset.done $0x0  }
.Ltmp7:
0x124: {  	s3 =	sadd.s32 $0x1480, s2;
	[sflag:s30] =	ssyncadd.s32 $0xFFFFC000;
	(pc) =	sbr.rel @!p1 .LBB2_11-.Ltmp7, $4  }
0x125: {  	[spmem:s1] =	stream.indirect.scatter.add.f32 [tilespmem:s28], [sflag:$0x3], $0x80, s3, s26, $0xb8;
	[tilespmem:$0x1E800] =	vst v63  }
0x126: {  	_ =	swait.ge [sflag:s24], $0x4000  }
0x127: {  	[sflag:s24] =	ssyncset.done $0x0  }
0x128: {  	s3 =	sadd.s32 $0x180, s2;
	[sflag:s24] =	ssyncadd.s32 $0xFFFFC000  }
.Ltmp8:
0x129: {  	(pc) =	sbr.rel .LBB2_22-.Ltmp8, $3  }
0x12a: {  	_ =	sdelay $0x1  }
0x12b: {  	[tilespmem:s28], [sflag:$0x2] =	stream.indirect.gather [hbm4b:s4+s26], $0x80, s3, s26, $0xb8;
	[tilespmem:$0x1E800] =	vst v63  }
0x12c: {  	s3 =	rddreg [dreg:$0x3]  }
.LBB2_13:
0x12d: {  	s2 =	simm.s32 $0x0  }
0x12e: {  	[tilespmem:s23], [sflag:$0x1] =	stream.indirect.gather [hbm4b:s5+s26], $0x80, s2, s26, $0xb8;
	[tilespmem:$0x1E800] =	vst v63  }
0x12f: {  	_ = 	snop  }
0x130: {  	[tilespmem:s28], [sflag:$0x2] =	stream.indirect.gather [hbm4b:s5+s26], $0x80, s26, s26, $0xb8;
	[tilespmem:$0x1E800] =	vst v63  }
0x131: {  	_ =	swait.ge [sflag:s29], $0x4000  }
0x132: {  	[sflag:s29] =	ssyncset.done $0x0  }
0x133: {  	s7 =	simm.s32 $0x1400;
	[sflag:s29] =	ssyncadd.s32 $0xFFFFC000  }
0x134: {  	[spmem:s1] =	stream.indirect.scatter.add.f32 [tilespmem:s23], [sflag:$0x3], $0x80, s7, s26, $0xb8;
	[tilespmem:$0x1E800] =	vst v63  }
0x135: {  	_ =	swait.ge [sflag:s24], $0x4000  }
0x136: {  	[sflag:s24] =	ssyncset.done $0x0  }
0x137: {  	s3 =	simm.s32 $0x100;
	[sflag:s24] =	ssyncadd.s32 $0xFFFFC000  }
0x138: {  	[tilespmem:s23], [sflag:$0x1] =	stream.indirect.gather [hbm4b:s5+s26], $0x80, s3, s26, $0xb8;
	[tilespmem:$0x1E800] =	vst v63  }
0x139: {  	_ =	swait.ge [sflag:s30], $0x4000  }
0x13a: {  	[sflag:s30] =	ssyncset.done $0x0  }
0x13b: {  	s7 =	simm.s32 $0x1480;
	[sflag:s30] =	ssyncadd.s32 $0xFFFFC000  }
0x13c: {  	[spmem:s1] =	stream.indirect.scatter.add.f32 [tilespmem:s28], [sflag:$0x3], $0x80, s7, s26, $0xb8;
	[tilespmem:$0x1E800] =	vst v63  }
0x13d: {  	_ =	swait.ge [sflag:s24], $0x4000  }
0x13e: {  	[sflag:s24] =	ssyncset.done $0x0  }
0x13f: {  	s3 =	simm.s32 $0x180;
	s7 =	simm.s32 $0x400;
	[sflag:s24] =	ssyncadd.s32 $0xFFFFC000  }
.LBB2_14:
0x140: {  	[tilespmem:s28], [sflag:$0x2] =	stream.indirect.gather [hbm4b:s5+s26], $0x80, s3, s26, $0xb8;
	[tilespmem:$0x1E800] =	vst v63  }
0x141: {  	s2 =	smov.u32 s7  }
0x142: {  	p1 =	sne.s32 s7, $0x4800;
	s7 =	sadd.s32 $0x400, s7;
	_ =	swait.ge [sflag:s29], $0x4000  }
0x143: {  	s2 =	sshra.s32 s2, $0x2;
	[sflag:s29] =	ssyncset.done $0x0  }
0x144: {  	s3 =	sadd.s32 $0x1400, s2;
	[sflag:s29] =	ssyncadd.s32 $0xFFFFC000  }
0x145: {  	[spmem:s1] =	stream.indirect.scatter.add.f32 [tilespmem:s23], [sflag:$0x3], $0x80, s3, s26, $0xb8;
	[tilespmem:$0x1E800] =	vst v63  }
0x146: {  	_ =	swait.ge [sflag:s24], $0x4000  }
0x147: {  	[sflag:s24] =	ssyncset.done $0x0  }
0x148: {  	s3 =	sadd.s32 $0x100, s2;
	[sflag:s24] =	ssyncadd.s32 $0xFFFFC000  }
0x149: {  	[tilespmem:s23], [sflag:$0x1] =	stream.indirect.gather [hbm4b:s5+s26], $0x80, s3, s26, $0xb8;
	[tilespmem:$0x1E800] =	vst v63  }
0x14a: {  	_ =	swait.ge [sflag:s30], $0x4000  }
0x14b: {  	[sflag:s30] =	ssyncset.done $0x0  }
.Ltmp9:
0x14c: {  	s3 =	sadd.s32 $0x1480, s2;
	[sflag:s30] =	ssyncadd.s32 $0xFFFFC000;
	(pc) =	sbr.rel @p1 .LBB2_14-.Ltmp9, $4  }
0x14d: {  	[spmem:s1] =	stream.indirect.scatter.add.f32 [tilespmem:s28], [sflag:$0x3], $0x80, s3, s26, $0xb8;
	[tilespmem:$0x1E800] =	vst v63  }
0x14e: {  	_ =	swait.ge [sflag:s24], $0x4000  }
0x14f: {  	[sflag:s24] =	ssyncset.done $0x0  }
0x150: {  	s3 =	sadd.s32 $0x180, s2;
	[sflag:s24] =	ssyncadd.s32 $0xFFFFC000  }
0x151: {  	[tilespmem:s28], [sflag:$0x2] =	stream.indirect.gather [hbm4b:s5+s26], $0x80, s3, s26, $0xb8;
	[tilespmem:$0x1E800] =	vst v63  }
0x152: {  	_ =	swait.ge [sflag:s29], $0x4000  }
0x153: {  	[sflag:s29] =	ssyncset.done $0x0  }
0x154: {  	[sflag:s29] =	ssyncadd.s32 $0xFFFFC000  }
0x155: {  	[spmem:s1] =	stream.indirect.scatter.add.f32 [tilespmem:s23], [sflag:$0x3], $0x80, s31, s26, $0xb8;
	[tilespmem:$0x1E800] =	vst v63  }
0x156: {  	_ =	swait.ge [sflag:s24], $0x4000  }
0x157: {  	[sflag:s24] =	ssyncset.done $0x0  }
0x158: {  	[sflag:s24] =	ssyncadd.s32 $0xFFFFC000  }
0x159: {  	_ =	swait.ge [sflag:s30], $0x4000  }
0x15a: {  	[sflag:s30] =	ssyncset.done $0x0  }
0x15b: {  	[sflag:s30] =	ssyncadd.s32 $0xFFFFC000  }
0x15c: {  	[spmem:s1] =	stream.indirect.scatter.add.f32 [tilespmem:s28], [sflag:$0x3], $0x80, s0, s26, $0xb8;
	[tilespmem:$0x1E800] =	vst v63  }
0x15d: {  	_ =	swait.ge [sflag:s24], $0x4000  }
0x15e: {  	[sflag:s24] =	ssyncset.done $0x0  }
0x15f: {  	s2 =	simm.s32 $0x0;
	[sflag:s24] =	ssyncadd.s32 $0xFFFFC000  }
0x160: {  	[tilespmem:s2], [sflag:$0x3] =	stream.linear.gather [hbm4b:s15+s2], $0x1400, $0x38;
	[tilespmem:$0x1E800] =	vst v63  }
0x161: {  	_ =	swait.ge [sflag:s24], $0x1400  }
0x162: {  	[sflag:s24] =	ssyncset.done $0x0  }
0x163: {  	[sflag:s24] =	ssyncadd.s32 $0xFFFFEC00  }
0x164: {  	[tilespmem:s25], [sflag:$0x3] =	stream.linear.gather [hbm4b:s16+s2], $0x1400, $0x38;
	[tilespmem:$0x1E800] =	vst v63  }
0x165: {  	_ =	swait.ge [sflag:s24], $0x1400  }
0x166: {  	[sflag:s24] =	ssyncset.done $0x0  }
0x167: {  	[sflag:s24] =	ssyncadd.s32 $0xFFFFEC00  }
0x168: {  	[tilespmem:s23], [sflag:$0x1] =	stream.indirect.gather [hbm4b:s5+s26], $0x80, s2, s26, $0xb8;
	[tilespmem:$0x1E800] =	vst v63  }
0x169: {  	_ = 	snop  }
0x16a: {  	[tilespmem:s28], [sflag:$0x2] =	stream.indirect.gather [hbm4b:s5+s26], $0x80, s26, s26, $0xb8;
	[tilespmem:$0x1E800] =	vst v63  }
0x16b: {  	_ =	swait.ge [sflag:s29], $0x4000  }
0x16c: {  	[sflag:s29] =	ssyncset.done $0x0  }
0x16d: {  	s7 =	simm.s32 $0x1400;
	[sflag:s29] =	ssyncadd.s32 $0xFFFFC000  }
0x16e: {  	[spmem:s1] =	stream.indirect.scatter.add.f32 [tilespmem:s23], [sflag:$0x3], $0x80, s7, s26, $0xb8;
	[tilespmem:$0x1E800] =	vst v63  }
0x16f: {  	_ =	swait.ge [sflag:s24], $0x4000  }
0x170: {  	[sflag:s24] =	ssyncset.done $0x0  }
0x171: {  	s3 =	simm.s32 $0x100;
	[sflag:s24] =	ssyncadd.s32 $0xFFFFC000  }
0x172: {  	[tilespmem:s23], [sflag:$0x1] =	stream.indirect.gather [hbm4b:s5+s26], $0x80, s3, s26, $0xb8;
	[tilespmem:$0x1E800] =	vst v63  }
0x173: {  	_ =	swait.ge [sflag:s30], $0x4000  }
0x174: {  	[sflag:s30] =	ssyncset.done $0x0  }
0x175: {  	s7 =	simm.s32 $0x1480;
	[sflag:s30] =	ssyncadd.s32 $0xFFFFC000  }
0x176: {  	[spmem:s1] =	stream.indirect.scatter.add.f32 [tilespmem:s28], [sflag:$0x3], $0x80, s7, s26, $0xb8;
	[tilespmem:$0x1E800] =	vst v63  }
0x177: {  	_ =	swait.ge [sflag:s24], $0x4000  }
0x178: {  	[sflag:s24] =	ssyncset.done $0x0  }
0x179: {  	s3 =	simm.s32 $0x180;
	s7 =	simm.s32 $0x400;
	[sflag:s24] =	ssyncadd.s32 $0xFFFFC000  }
.LBB2_16:
0x17a: {  	[tilespmem:s28], [sflag:$0x2] =	stream.indirect.gather [hbm4b:s5+s26], $0x80, s3, s26, $0xb8;
	[tilespmem:$0x1E800] =	vst v63  }
0x17b: {  	s2 =	smov.u32 s7  }
0x17c: {  	p1 =	sne.s32 s7, $0x4800;
	s7 =	sadd.s32 $0x400, s7;
	_ =	swait.ge [sflag:s29], $0x4000  }
0x17d: {  	s2 =	sshra.s32 s2, $0x2;
	[sflag:s29] =	ssyncset.done $0x0  }
0x17e: {  	s3 =	sadd.s32 $0x1400, s2;
	[sflag:s29] =	ssyncadd.s32 $0xFFFFC000  }
0x17f: {  	[spmem:s1] =	stream.indirect.scatter.add.f32 [tilespmem:s23], [sflag:$0x3], $0x80, s3, s26, $0xb8;
	[tilespmem:$0x1E800] =	vst v63  }
0x180: {  	_ =	swait.ge [sflag:s24], $0x4000  }
0x181: {  	[sflag:s24] =	ssyncset.done $0x0  }
0x182: {  	s3 =	sadd.s32 $0x100, s2;
	[sflag:s24] =	ssyncadd.s32 $0xFFFFC000  }
0x183: {  	[tilespmem:s23], [sflag:$0x1] =	stream.indirect.gather [hbm4b:s5+s26], $0x80, s3, s26, $0xb8;
	[tilespmem:$0x1E800] =	vst v63  }
0x184: {  	_ =	swait.ge [sflag:s30], $0x4000  }
0x185: {  	[sflag:s30] =	ssyncset.done $0x0  }
.Ltmp10:
0x186: {  	s3 =	sadd.s32 $0x1480, s2;
	[sflag:s30] =	ssyncadd.s32 $0xFFFFC000;
	(pc) =	sbr.rel @p1 .LBB2_16-.Ltmp10, $4  }
0x187: {  	[spmem:s1] =	stream.indirect.scatter.add.f32 [tilespmem:s28], [sflag:$0x3], $0x80, s3, s26, $0xb8;
	[tilespmem:$0x1E800] =	vst v63  }
0x188: {  	_ =	swait.ge [sflag:s24], $0x4000  }
0x189: {  	[sflag:s24] =	ssyncset.done $0x0  }
0x18a: {  	s3 =	sadd.s32 $0x180, s2;
	[sflag:s24] =	ssyncadd.s32 $0xFFFFC000  }
0x18b: {  	[tilespmem:s28], [sflag:$0x2] =	stream.indirect.gather [hbm4b:s5+s26], $0x80, s3, s26, $0xb8;
	[tilespmem:$0x1E800] =	vst v63  }
0x18c: {  	_ =	swait.ge [sflag:s29], $0x4000  }
0x18d: {  	[sflag:s29] =	ssyncset.done $0x0  }
0x18e: {  	[sflag:s29] =	ssyncadd.s32 $0xFFFFC000  }
0x18f: {  	[spmem:s1] =	stream.indirect.scatter.add.f32 [tilespmem:s23], [sflag:$0x3], $0x80, s31, s26, $0xb8;
	[tilespmem:$0x1E800] =	vst v63  }
0x190: {  	_ =	swait.ge [sflag:s24], $0x4000  }
0x191: {  	[sflag:s24] =	ssyncset.done $0x0  }
0x192: {  	[sflag:s24] =	ssyncadd.s32 $0xFFFFC000  }
0x193: {  	_ =	swait.ge [sflag:s30], $0x4000  }
0x194: {  	[sflag:s30] =	ssyncset.done $0x0  }
0x195: {  	[sflag:s30] =	ssyncadd.s32 $0xFFFFC000  }
0x196: {  	[spmem:s1] =	stream.indirect.scatter.add.f32 [tilespmem:s28], [sflag:$0x3], $0x80, s0, s26, $0xb8;
	[tilespmem:$0x1E800] =	vst v63  }
0x197: {  	_ =	swait.ge [sflag:s24], $0x4000  }
0x198: {  	[sflag:s24] =	ssyncset.done $0x0  }
0x199: {  	s2 =	simm.s32 $0x0;
	[sflag:s24] =	ssyncadd.s32 $0xFFFFC000  }
0x19a: {  	[tilespmem:s2], [sflag:$0x3] =	stream.linear.gather [hbm4b:s17+s2], $0x1400, $0x38;
	[tilespmem:$0x1E800] =	vst v63  }
0x19b: {  	_ =	swait.ge [sflag:s24], $0x1400  }
0x19c: {  	[sflag:s24] =	ssyncset.done $0x0  }
0x19d: {  	[sflag:s24] =	ssyncadd.s32 $0xFFFFEC00  }
0x19e: {  	[tilespmem:s25], [sflag:$0x3] =	stream.linear.gather [hbm4b:s18+s2], $0x1400, $0x38;
	[tilespmem:$0x1E800] =	vst v63  }
0x19f: {  	_ =	swait.ge [sflag:s24], $0x1400  }
0x1a0: {  	[sflag:s24] =	ssyncset.done $0x0  }
0x1a1: {  	[sflag:s24] =	ssyncadd.s32 $0xFFFFEC00  }
0x1a2: {  	[tilespmem:s23], [sflag:$0x1] =	stream.indirect.gather [hbm4b:s5+s26], $0x80, s2, s26, $0xb8;
	[tilespmem:$0x1E800] =	vst v63  }
0x1a3: {  	_ = 	snop  }
0x1a4: {  	[tilespmem:s28], [sflag:$0x2] =	stream.indirect.gather [hbm4b:s5+s26], $0x80, s26, s26, $0xb8;
	[tilespmem:$0x1E800] =	vst v63  }
0x1a5: {  	_ =	swait.ge [sflag:s29], $0x4000  }
0x1a6: {  	[sflag:s29] =	ssyncset.done $0x0  }
0x1a7: {  	s7 =	simm.s32 $0x1400;
	[sflag:s29] =	ssyncadd.s32 $0xFFFFC000  }
0x1a8: {  	[spmem:s1] =	stream.indirect.scatter.add.f32 [tilespmem:s23], [sflag:$0x3], $0x80, s7, s26, $0xb8;
	[tilespmem:$0x1E800] =	vst v63  }
0x1a9: {  	_ =	swait.ge [sflag:s24], $0x4000  }
0x1aa: {  	[sflag:s24] =	ssyncset.done $0x0  }
0x1ab: {  	s3 =	simm.s32 $0x100;
	[sflag:s24] =	ssyncadd.s32 $0xFFFFC000  }
0x1ac: {  	[tilespmem:s23], [sflag:$0x1] =	stream.indirect.gather [hbm4b:s5+s26], $0x80, s3, s26, $0xb8;
	[tilespmem:$0x1E800] =	vst v63  }
0x1ad: {  	_ =	swait.ge [sflag:s30], $0x4000  }
0x1ae: {  	[sflag:s30] =	ssyncset.done $0x0  }
0x1af: {  	s7 =	simm.s32 $0x1480;
	[sflag:s30] =	ssyncadd.s32 $0xFFFFC000  }
0x1b0: {  	[spmem:s1] =	stream.indirect.scatter.add.f32 [tilespmem:s28], [sflag:$0x3], $0x80, s7, s26, $0xb8;
	[tilespmem:$0x1E800] =	vst v63  }
0x1b1: {  	_ =	swait.ge [sflag:s24], $0x4000  }
0x1b2: {  	[sflag:s24] =	ssyncset.done $0x0  }
0x1b3: {  	s3 =	simm.s32 $0x180;
	s7 =	simm.s32 $0x400;
	[sflag:s24] =	ssyncadd.s32 $0xFFFFC000  }
.LBB2_18:
0x1b4: {  	[tilespmem:s28], [sflag:$0x2] =	stream.indirect.gather [hbm4b:s5+s26], $0x80, s3, s26, $0xb8;
	[tilespmem:$0x1E800] =	vst v63  }
0x1b5: {  	s2 =	smov.u32 s7  }
0x1b6: {  	p1 =	sne.s32 s7, $0x4800;
	s7 =	sadd.s32 $0x400, s7;
	_ =	swait.ge [sflag:s29], $0x4000  }
0x1b7: {  	s2 =	sshra.s32 s2, $0x2;
	[sflag:s29] =	ssyncset.done $0x0  }
0x1b8: {  	s3 =	sadd.s32 $0x1400, s2;
	[sflag:s29] =	ssyncadd.s32 $0xFFFFC000  }
0x1b9: {  	[spmem:s1] =	stream.indirect.scatter.add.f32 [tilespmem:s23], [sflag:$0x3], $0x80, s3, s26, $0xb8;
	[tilespmem:$0x1E800] =	vst v63  }
0x1ba: {  	_ =	swait.ge [sflag:s24], $0x4000  }
0x1bb: {  	[sflag:s24] =	ssyncset.done $0x0  }
0x1bc: {  	s3 =	sadd.s32 $0x100, s2;
	[sflag:s24] =	ssyncadd.s32 $0xFFFFC000  }
0x1bd: {  	[tilespmem:s23], [sflag:$0x1] =	stream.indirect.gather [hbm4b:s5+s26], $0x80, s3, s26, $0xb8;
	[tilespmem:$0x1E800] =	vst v63  }
0x1be: {  	_ =	swait.ge [sflag:s30], $0x4000  }
0x1bf: {  	[sflag:s30] =	ssyncset.done $0x0  }
.Ltmp11:
0x1c0: {  	s3 =	sadd.s32 $0x1480, s2;
	[sflag:s30] =	ssyncadd.s32 $0xFFFFC000;
	(pc) =	sbr.rel @p1 .LBB2_18-.Ltmp11, $4  }
0x1c1: {  	[spmem:s1] =	stream.indirect.scatter.add.f32 [tilespmem:s28], [sflag:$0x3], $0x80, s3, s26, $0xb8;
	[tilespmem:$0x1E800] =	vst v63  }
0x1c2: {  	_ =	swait.ge [sflag:s24], $0x4000  }
0x1c3: {  	[sflag:s24] =	ssyncset.done $0x0  }
0x1c4: {  	s3 =	sadd.s32 $0x180, s2;
	[sflag:s24] =	ssyncadd.s32 $0xFFFFC000  }
0x1c5: {  	[tilespmem:s28], [sflag:$0x2] =	stream.indirect.gather [hbm4b:s5+s26], $0x80, s3, s26, $0xb8;
	[tilespmem:$0x1E800] =	vst v63  }
0x1c6: {  	_ =	swait.ge [sflag:s29], $0x4000  }
0x1c7: {  	[sflag:s29] =	ssyncset.done $0x0  }
0x1c8: {  	[sflag:s29] =	ssyncadd.s32 $0xFFFFC000  }
0x1c9: {  	[spmem:s1] =	stream.indirect.scatter.add.f32 [tilespmem:s23], [sflag:$0x3], $0x80, s31, s26, $0xb8;
	[tilespmem:$0x1E800] =	vst v63  }
0x1ca: {  	_ =	swait.ge [sflag:s24], $0x4000  }
0x1cb: {  	[sflag:s24] =	ssyncset.done $0x0  }
0x1cc: {  	[sflag:s24] =	ssyncadd.s32 $0xFFFFC000  }
0x1cd: {  	_ =	swait.ge [sflag:s30], $0x4000  }
0x1ce: {  	[sflag:s30] =	ssyncset.done $0x0  }
0x1cf: {  	[sflag:s30] =	ssyncadd.s32 $0xFFFFC000  }
0x1d0: {  	[spmem:s1] =	stream.indirect.scatter.add.f32 [tilespmem:s28], [sflag:$0x3], $0x80, s0, s26, $0xb8;
	[tilespmem:$0x1E800] =	vst v63  }
0x1d1: {  	_ =	swait.ge [sflag:s24], $0x4000  }
0x1d2: {  	[sflag:s24] =	ssyncset.done $0x0  }
0x1d3: {  	s2 =	simm.s32 $0x0;
	[sflag:s24] =	ssyncadd.s32 $0xFFFFC000  }
0x1d4: {  	[tilespmem:s2], [sflag:$0x3] =	stream.linear.gather [hbm4b:s19+s2], $0x1400, $0x38;
	[tilespmem:$0x1E800] =	vst v63  }
0x1d5: {  	_ =	swait.ge [sflag:s24], $0x1400  }
0x1d6: {  	[sflag:s24] =	ssyncset.done $0x0  }
0x1d7: {  	[sflag:s24] =	ssyncadd.s32 $0xFFFFEC00  }
0x1d8: {  	[tilespmem:s25], [sflag:$0x3] =	stream.linear.gather [hbm4b:s20+s2], $0x1400, $0x38;
	[tilespmem:$0x1E800] =	vst v63  }
0x1d9: {  	_ =	swait.ge [sflag:s24], $0x1400  }
0x1da: {  	[sflag:s24] =	ssyncset.done $0x0  }
0x1db: {  	[sflag:s24] =	ssyncadd.s32 $0xFFFFEC00  }
0x1dc: {  	[tilespmem:s23], [sflag:$0x1] =	stream.indirect.gather [hbm4b:s5+s26], $0x80, s2, s26, $0xb8;
	[tilespmem:$0x1E800] =	vst v63  }
0x1dd: {  	_ = 	snop  }
0x1de: {  	[tilespmem:s28], [sflag:$0x2] =	stream.indirect.gather [hbm4b:s5+s26], $0x80, s26, s26, $0xb8;
	[tilespmem:$0x1E800] =	vst v63  }
0x1df: {  	_ =	swait.ge [sflag:s29], $0x4000  }
0x1e0: {  	[sflag:s29] =	ssyncset.done $0x0  }
0x1e1: {  	s7 =	simm.s32 $0x1400;
	[sflag:s29] =	ssyncadd.s32 $0xFFFFC000  }
0x1e2: {  	[spmem:s1] =	stream.indirect.scatter.add.f32 [tilespmem:s23], [sflag:$0x3], $0x80, s7, s26, $0xb8;
	[tilespmem:$0x1E800] =	vst v63  }
0x1e3: {  	_ =	swait.ge [sflag:s24], $0x4000  }
0x1e4: {  	[sflag:s24] =	ssyncset.done $0x0  }
0x1e5: {  	s3 =	simm.s32 $0x100;
	[sflag:s24] =	ssyncadd.s32 $0xFFFFC000  }
0x1e6: {  	[tilespmem:s23], [sflag:$0x1] =	stream.indirect.gather [hbm4b:s5+s26], $0x80, s3, s26, $0xb8;
	[tilespmem:$0x1E800] =	vst v63  }
0x1e7: {  	_ =	swait.ge [sflag:s30], $0x4000  }
0x1e8: {  	[sflag:s30] =	ssyncset.done $0x0  }
0x1e9: {  	s7 =	simm.s32 $0x1480;
	[sflag:s30] =	ssyncadd.s32 $0xFFFFC000  }
0x1ea: {  	[spmem:s1] =	stream.indirect.scatter.add.f32 [tilespmem:s28], [sflag:$0x3], $0x80, s7, s26, $0xb8;
	[tilespmem:$0x1E800] =	vst v63  }
0x1eb: {  	_ =	swait.ge [sflag:s24], $0x4000  }
0x1ec: {  	[sflag:s24] =	ssyncset.done $0x0  }
0x1ed: {  	s3 =	simm.s32 $0x180;
	s7 =	simm.s32 $0x400;
	[sflag:s24] =	ssyncadd.s32 $0xFFFFC000  }
.LBB2_20:
0x1ee: {  	[tilespmem:s28], [sflag:$0x2] =	stream.indirect.gather [hbm4b:s5+s26], $0x80, s3, s26, $0xb8;
	[tilespmem:$0x1E800] =	vst v63  }
0x1ef: {  	s2 =	smov.u32 s7  }
0x1f0: {  	p1 =	sne.s32 s7, $0x4800;
	s7 =	sadd.s32 $0x400, s7;
	_ =	swait.ge [sflag:s29], $0x4000  }
0x1f1: {  	s2 =	sshra.s32 s2, $0x2;
	[sflag:s29] =	ssyncset.done $0x0  }
0x1f2: {  	s3 =	sadd.s32 $0x1400, s2;
	[sflag:s29] =	ssyncadd.s32 $0xFFFFC000  }
0x1f3: {  	[spmem:s1] =	stream.indirect.scatter.add.f32 [tilespmem:s23], [sflag:$0x3], $0x80, s3, s26, $0xb8;
	[tilespmem:$0x1E800] =	vst v63  }
0x1f4: {  	_ =	swait.ge [sflag:s24], $0x4000  }
0x1f5: {  	[sflag:s24] =	ssyncset.done $0x0  }
0x1f6: {  	s3 =	sadd.s32 $0x100, s2;
	[sflag:s24] =	ssyncadd.s32 $0xFFFFC000  }
0x1f7: {  	[tilespmem:s23], [sflag:$0x1] =	stream.indirect.gather [hbm4b:s5+s26], $0x80, s3, s26, $0xb8;
	[tilespmem:$0x1E800] =	vst v63  }
0x1f8: {  	_ =	swait.ge [sflag:s30], $0x4000  }
0x1f9: {  	[sflag:s30] =	ssyncset.done $0x0  }
.Ltmp12:
0x1fa: {  	s3 =	sadd.s32 $0x1480, s2;
	[sflag:s30] =	ssyncadd.s32 $0xFFFFC000;
	(pc) =	sbr.rel @p1 .LBB2_20-.Ltmp12, $4  }
0x1fb: {  	[spmem:s1] =	stream.indirect.scatter.add.f32 [tilespmem:s28], [sflag:$0x3], $0x80, s3, s26, $0xb8;
	[tilespmem:$0x1E800] =	vst v63  }
0x1fc: {  	_ =	swait.ge [sflag:s24], $0x4000  }
0x1fd: {  	[sflag:s24] =	ssyncset.done $0x0  }
0x1fe: {  	s3 =	sadd.s32 $0x180, s2;
	[sflag:s24] =	ssyncadd.s32 $0xFFFFC000  }
.Ltmp13:
0x1ff: {  	_ = 	snop;
	(pc) =	sbr.rel .LBB2_21-.Ltmp13, $1  }
0x200: {  	_ =	sdelay $0x3  }
.LBB2_23:
0x201: {  	_ =	sfence.sel $0x180000  }
0x202: {  	[bflag:$0x0] =	sbarrier.arrive $0xFFFF  }
0x203: {  	_ =	strace $0x9000004D  }
0x204: {  	s0 =	stileid.u32;
	[bflag:$0x2] =	sbarrier.arrive $0xFFFF  }
0x205: {  	p0 =	sne.s32 s0, $0x0;
	s0 =	rddreg [dreg:$0x2]  }
0x206: {  	s0 =	sadd.s32 @!p0 $0x100000, s0  }
0x207: {  	[sflag:s0] =	ssyncadd.tile.s32 @!p0 $0x1;
	_ =	shalt  }
.Lfunc_end2:
_tile_overlayer_lowered:
.L_overlay_start_2:
0x208: {  	(tag) =	ssettag $0x2  }
0x209: {  	s0 =	rddreg [dreg:$0x0];
	s2 =	stileid.u32  }
0x20a: {  	s1 =	rddreg [dreg:$0x1];
	p0 =	sne.s32 s2, $0x0  }
0x20b: {  	s3 =	rddreg [dreg:$0x2];
	[bflag:$0x3] =	sbarrier.arrive $0xFFFF;
	s2 =	simm.s32 @!p0 $0x1C03  }
0x20c: {  	[timem:s3], [sflag:s2] =	dma.local @!p0 [hbm:s0], s1  }
0x20d: {  	s0 =	simm.s32 @!p0 $0x3  }
0x20e: {  	_ =	swait.ge @!p0 [sflag:s0], s1  }
0x20f: {  	s1 =	ssub.s32 @!p0 $0x0, s1;
	[sflag:s0] =	ssyncset.done @!p0 $0x0  }
0x210: {  	[sflag:s0] =	ssyncadd.s32 @!p0 s1  }
0x211: {  	[bflag:$0x3] =	sbarrier.arrive $0xFFFF  }
0x212: {  	_ =	shalt  }

// kernel: kernel.19.cloned.1.call-start
scs
__scs_entry_jumppad:
0x0: {  	(pc) =	sbr.rel $0x88, $3  }
0x1: {  	(tag) =	ssettag $0x0;
	lr =	simm.s32 $0x1  }
0x2: {  	[smem:$0x3F96] =	sst lr;
	_ =	strace $0xD0000000  }
0x3: {  	_ = 	snop  }
0x4: {  	_ = 	snop  }
0x5: {  	_ = 	snop  }
0x6: {  	_ = 	snop  }
0x7: {  	_ = 	snop  }
__scs_overlays_trampoline_lowered:
0x8: {  	[smem:$0x3FA5] =	sst s0  }
0x9: {  	[smem:$0x3FA6] =	sst s1  }
0xa: {  	[smem:$0x3FA7] =	sst s2  }
0xb: {  	[smem:$0x3FA8] =	sst s3  }
0xc: {  	[smem:$0x3FA9] =	sst s4  }
0xd: {  	[smem:$0x3FAA] =	sst s5  }
0xe: {  	[smem:$0x3FAB] =	sst s6  }
0xf: {  	[smem:$0x3FAC] =	sst s7  }
0x10: {  	[smem:$0x3FAD] =	sst s8  }
0x11: {  	[smem:$0x3FAE] =	sst s9;
	s0 =	simm.s32 @!p0 $0x0  }
0x12: {  	s1 =	sld [smem:$0x3F94];
	s0 =	simm.s32 @p0 $0x1  }
0x13: {  	[smem:$0x3FAF] =	sst s0;
	s0 =	simm.s32 @!p1 $0x0  }
0x14: {  	s2 =	sld [smem:$0x3F93];
	s0 =	simm.s32 @p1 $0x1  }
0x15: {  	[smem:$0x3FB0] =	sst s0;
	s0 =	simm.s32 @!p2 $0x0  }
0x16: {  	s3 =	sld [smem:$0x3FDB];
	s0 =	simm.s32 @p2 $0x1  }
0x17: {  	s4 =	simm.s32 $0x1BF5;
	[smem:$0x3FB2] =	sst s0  }
0x18: {  	s0 =	sld [smem:$0x3F95];
	_ =	swait.ge [sflag:s4], $0x0  }
0x19: {  	s7 =	sld [smem:$0x3F96]  }
0x1a: {  	s8 =	sadd.s32 $0xFFFFE003, lr  }
0x1b: {  	s9 =	sadd.s32 $0xFFFFFEF7, lr;
	s5 =	simm.s32 $0xFFFFFFFF;
	p2 =	slt.u32 s8, $0xFFFFF086  }
0x1c: {  	p1 =	slt.u32 s9, $0xF7A;
	s5 =	simm.s32 @!p2 $0x0  }
0x1d: {  	s5 =	simm.s32 @p1 $0x1;
	p0 =	seq.s32 s7, s2  }
0x1e: {  	s7 =	smul.u32 @!p0 $0xF7A, s2;
	p2 =	seq.s32 @!p0 s5, $0x0  }
0x1f: {  	s9 =	smul.u32 $0xF7A, s1;
	s8 =	simm.s32 @!p0 $0x1BF5;
	p2 =	por !p2, p0  }
0x20: {  	[sflag:s8] =	ssyncset.s32 @!p0 $0xFFFFF086;
	s6 =	sadd.s32 @!p0 s3, s7;
	s7 =	simm.s32 @!p0 $0x108  }
0x21: {  	s3 =	sadd.s32 s3, s9;
	s6 =	sadd.s32 @!p0 $0x88, s6;
	s7 =	simm.s32 @p2 $0x1082  }
0x22: {  	[simem:s7], [sflag:s8] =	dma.local @!p0 [hbm:s6], $0xF7A  }
0x23: {  	s9 =	sor.u32 $0xD0000000, s2;
	s6 =	simm.s32 $0x108;
	_ =	swait.ge @!p0 [sflag:s8], $0x0  }
0x24: {  	s3 =	sadd.s32 $0x88, s3;
	s6 =	simm.s32 @!p1 $0x1082;
	[sflag:s4] =	ssyncset.s32 $0xFFFFF086  }
0x25: {  	[simem:s6], [sflag:s4] =	dma.local [hbm:s3], $0xF7A  }
0x26: {  	[smem:$0x3F96] =	sst s1;
	(tag) =	ssettag s2;
	_ =	strace s9  }
0x27: {  	s1 =	sld [smem:$0x3FA6]  }
0x28: {  	s2 =	sld [smem:$0x3FA7]  }
0x29: {  	s4 =	sld [smem:$0x3FA9]  }
0x2a: {  	p0 =	seq.s32 s5, $0x0;
	s5 =	sld [smem:$0x3FAA]  }
0x2b: {  	s6 =	sld [smem:$0x3FAB]  }
0x2c: {  	s7 =	sld [smem:$0x3FAC]  }
0x2d: {  	s3 =	simm.s32 $0x108;
	s8 =	sld [smem:$0x3FAD]  }
0x2e: {  	s3 =	simm.s32 @!p0 $0x1082;
	s9 =	sld [smem:$0x3FAE]  }
0x2f: {  	lr =	sadd.s32 s0, s3;
	s0 =	sld [smem:$0x3FA5]  }
0x30: {  	s3 =	sld [smem:$0x3FA8]  }
0x31: {  	[smem:$0x3FB1] =	sst s10  }
0x32: {  	s10 =	sld [smem:$0x3FAF];
	_ =	sdelay $0x3  }
0x33: {  	p0 =	seq.s32 s10, $0x1;
	s10 =	sld [smem:$0x3FB1];
	_ =	sdelay $0x3  }
0x34: {  	[smem:$0x3FB1] =	sst s10  }
0x35: {  	s10 =	sld [smem:$0x3FB0];
	_ =	sdelay $0x3  }
0x36: {  	p1 =	seq.s32 s10, $0x1;
	s10 =	sld [smem:$0x3FB1];
	_ =	sdelay $0x3  }
0x37: {  	[smem:$0x3FB1] =	sst s10  }
0x38: {  	s10 =	sld [smem:$0x3FB2]  }
0x39: {  	_ = 	snop;
	(pc) =	sbr.ind lr, $3  }
0x3a: {  	_ = 	snop  }
0x3b: {  	_ = 	snop  }
0x3c: {  	p2 =	seq.s32 s10, $0x1;
	s10 =	sld [smem:$0x3FB1]  }
0x3d: {  	_ =	shalt  }
0x3e: {  	_ =	shalt  }
0x3f: {  	_ =	shalt  }
0x40: {  	_ =	shalt  }
0x41: {  	_ =	shalt  }
0x42: {  	_ =	shalt  }
0x43: {  	_ =	shalt  }
0x44: {  	_ =	shalt  }
0x45: {  	_ =	shalt  }
0x46: {  	_ =	shalt  }
0x47: {  	_ =	shalt  }
0x48: {  	_ =	shalt  }
0x49: {  	_ =	shalt  }
0x4a: {  	_ =	shalt  }
0x4b: {  	_ =	shalt  }
0x4c: {  	_ =	shalt  }
0x4d: {  	_ =	shalt  }
0x4e: {  	_ =	shalt  }
0x4f: {  	_ =	shalt  }
0x50: {  	_ =	shalt  }
0x51: {  	_ =	shalt  }
0x52: {  	_ =	shalt  }
0x53: {  	_ =	shalt  }
0x54: {  	_ =	shalt  }
0x55: {  	_ =	shalt  }
0x56: {  	_ =	shalt  }
0x57: {  	_ =	shalt  }
0x58: {  	_ =	shalt  }
0x59: {  	_ =	shalt  }
0x5a: {  	_ =	shalt  }
0x5b: {  	_ =	shalt  }
0x5c: {  	_ =	shalt  }
0x5d: {  	_ =	shalt  }
0x5e: {  	_ =	shalt  }
0x5f: {  	_ =	shalt  }
0x60: {  	_ =	shalt  }
0x61: {  	_ =	shalt  }
0x62: {  	_ =	shalt  }
0x63: {  	_ =	shalt  }
0x64: {  	_ =	shalt  }
0x65: {  	_ =	shalt  }
0x66: {  	_ =	shalt  }
0x67: {  	_ =	shalt  }
0x68: {  	_ =	shalt  }
0x69: {  	_ =	shalt  }
0x6a: {  	_ =	shalt  }
0x6b: {  	_ =	shalt  }
0x6c: {  	_ =	shalt  }
0x6d: {  	_ =	shalt  }
0x6e: {  	_ =	shalt  }
0x6f: {  	_ =	shalt  }
0x70: {  	_ =	shalt  }
0x71: {  	_ =	shalt  }
0x72: {  	_ =	shalt  }
0x73: {  	_ =	shalt  }
0x74: {  	_ =	shalt  }
0x75: {  	_ =	shalt  }
0x76: {  	_ =	shalt  }
0x77: {  	_ =	shalt  }
0x78: {  	_ =	shalt  }
0x79: {  	_ =	shalt  }
0x7a: {  	_ =	shalt  }
0x7b: {  	_ =	shalt  }
0x7c: {  	_ =	shalt  }
0x7d: {  	_ =	shalt  }
0x7e: {  	_ =	shalt  }
0x7f: {  	_ =	shalt  }
0x80: {  	_ =	shalt  }
0x81: {  	_ =	shalt  }
0x82: {  	_ =	shalt  }
0x83: {  	_ =	shalt  }
0x84: {  	_ =	shalt  }
0x85: {  	_ =	shalt  }
0x86: {  	_ =	shalt  }
0x87: {  	_ =	shalt  }
.Lfunc_end0:
.L_simem_size_0:
called_computation.3_lowered:
.L_overlay_start_0:
0x88: {  	s2 =	sld [smem:$0x3FD9]  }
0x89: {  	s3 =	sld [smem:$0x3FFE];
	_ =	sdelay $0x1  }
0x8a: {  	s1 =	srdreg.scid  }
0x8b: {  	s0 =	sand.u32 $0x1, s1  }
0x8c: {  	s16 =	sshll.u32 s0, $0xA;
	s2 =	sadd.s32 s3, s2  }
0x8d: {  	s2 =	sadd.s32 s2, s16  }
0x8e: {  	[smem:$0x3FBD] =	sst s2  }
0x8f: {  	_ = 	snop  }
0x90: {  	(tm) =	ssettm $0x1  }
0x91: {  	s17 =	sld [smem:$0x3FFB];
	_ =	sdelay $0x3  }
0x92: {  	_ =	strace s17  }
0x93: {  	s2 =	sld [smem:$0x3FFC];
	_ =	sdelay $0x3  }
0x94: {  	_ =	strace s2  }
0x95: {  	s2 =	sld [smem:$0x3FFD];
	_ =	sdelay $0x3  }
0x96: {  	_ =	strace s2  }
0x97: {  	_ =	strace $0x8FFFFFFF  }
0x98: {  	s18 =	sld [smem:$0x3FDB];
	_ =	sdelay $0x1  }
0x99: {  	s19 =	simm.s32 $_scs_section_size  }
0x9a: {  	s4 =	simm.s32 $_size__tile_overlayer_lowered;
	s5 =	simm.s32 $_tile_overlayer_lowered  }
0x9b: {  	s22 =	simm.s32 $0x1BFF;
	s21 =	sshll.u32 s5, $0x1;
	s2 =	sadd.s32 s19, s18  }
0x9c: {  	s6 =	simm.s32 $0x0;
	s20 =	sshll.u32 s4, $0x1;
	s4 =	sadd.s32 s21, s2  }
0x9d: {  	[timem:s6], [sflag:s22] =	dma.local [hbm:s4], s20  }
0x9e: {  	_ =	swait.ge [sflag:s22], s20  }
0x9f: {  	s3 =	ssub.s32 $0x0, s20;
	[sflag:s22] =	ssyncset.done $0x0  }
0xa0: {  	[sflag:s22] =	ssyncadd.s32 s3;
	_ =	sdelay $0x1  }
0xa1: {  	s23 =	simm.s32 $0x1B8B  }
0xa2: {  	_ =	swait.ge [sflag:s23], $0x1  }
0xa3: {  	[sflag:s23] =	ssyncset.done $0x0  }
0xa4: {  	s25 =	simm.s32 $0x1B8E;
	s24 =	sld [smem:$0x3FFE];
	[sflag:s23] =	ssyncadd.s32 $0xFFFFFFFF  }
0xa5: {  	s26 =	simm.s32 $execute0_lowered;
	[smem:$0x3FD2] =	sst s25  }
0xa6: {  	s4 =	sshll.u32 s26, $0x1;
	_ =	strace $0x8000004F;
	[dreg:$0x1] =	wrdreg $0xFFFFFFFF  }
0xa7: {  	s28 =	simm.s32 $_size_execute0_lowered;
	s2 =	sadd.s32 s2, s4;
	[dreg:$0x0] =	wrdreg $0x0  }
0xa8: {  	s4 =	sshll.u32 s28, $0x1;
	[dreg:$0x2] =	wrdreg s2  }
0xa9: {  	[dreg:$0x3] =	wrdreg s4  }
0xaa: {  	[dreg:$0x4] =	wrdreg $0xC0  }
0xab: {  	_ =	task [dreg:s6], $0x5FFFF  }
0xac: {  	[dreg:$0x1] =	wrdreg $0xFFFFFFFF  }
0xad: {  	[dreg:$0x0] =	wrdreg $0x60  }
0xae: {  	[dreg:$0x2] =	wrdreg s24  }
0xaf: {  	[dreg:$0x3] =	wrdreg $0x29000  }
0xb0: {  	[dreg:$0x4] =	wrdreg $0x9  }
0xb1: {  	_ =	task.clear_ibuf [dreg:s6], $0x5FFFF;
	_ =	strace $0x9000004F  }
0xb2: {  	s29 =	simm.s32 $0x9;
	_ =	strace $0x80000051  }
0xb3: {  	_ =	swait.ge [sflag:s29], $0x1  }
0xb4: {  	[sflag:s29] =	ssyncadd.s32 $0xFFFFFFFF  }
0xb5: {  	_ =	strace $0x90000051  }
0xb6: {  	_ =	sfence  }
0xb7: {  	s30 =	sld [smem:$0x0];
	_ =	sdelay $0x2  }
0xb8: {  	s31 =	sshll.u32 s1, $0xD;
	s1 =	sshrl.u32 s1, $0x2  }
0xb9: {  	s3 =	sand.u32 $0x4000, s31;
	s1 =	sadd.s32 s1, s30  }
0xba: {  	s0 =	sor.u32 s3, s0;
	s1 =	sshll.u32 s1, $0x11  }
0xbb: {  	s0 =	sor.u32 s1, s0  }
0xbc: {  	s0 =	sadd.s32 $0x8F2B, s0  }
0xbd: {  	[sflag:s0] =	ssyncadd.remote.s32 $0x1  }
0xbe: {  	_ =	sfence.sel $0xFFFF  }
0xbf: {  	[dreg:$0x0] =	wrdreg $0xFFFFFFFF;
	(pc) =	sbr.abs _section_cstart, $3  }
0xc0: {  	[dreg:$0x1] =	wrdreg $0xFFFFFFFF  }
0xc1: {  	_ =	task.clear_ibuf [dreg:s6], $0x2FFFF;
	_ =	strace $0x9FFFFFFF  }
0xc2: {  	(tm) =	ssettm $0x7FFFFFFF  }
0xc3: {  	_ =	shalt  }
tec
execute0_lowered:
.L_overlay_start_1:
0x0: {  	(tag) =	ssettag $0x1  }
0x1: {  	s6 =	rddreg [dreg:$0x0]  }
0x2: {  	s0 =	srdreg.scid;
	s2 =	rddreg [dreg:$0x1]  }
0x3: {  	s1 =	rddreg [dreg:$0x2];
	s3 =	simm.s32 $0x0;
	s20 =	simm.s32 $0x2  }
0x4: {  	s21 =	simm.s32 $0x80;
	s22 =	simm.s32 $0x50;
	s19 =	sand.u32 $0x1, s0  }
0x5: {  	s23 =	simm.s32 $0x1;
	s0 =	stileid.u32;
	s4 =	smul.u32 $0x27100, s19  }
0x6: {  	s24 =	simm.s32 $0x0;
	[smem:$0x7FF] =	sst s3;
	s5 =	smul.u32 $0x2710, s0  }
0x7: {  	_ =	strace $0x80000050;
	s7 =	smul.u32 $0x50000, s0;
	s8 =	ssub.s32 $0x2, s19  }
0x8: {  	s15 =	smul.u32 $0x2800, s0;
	p0 =	sne.s32 s19, $0x0;
	s19 =	simm.s32 $0x100  }
0x9: {  	s9 =	sshrl.u32 s8, $0x1;
	s4 =	sadd.s32 s5, s4;
	s7 =	sshrl.u32 s7, $0x2  }
0xa: {  	s16 =	ssub.s32 s8, s9;
	s5 =	sshrl.u32 s4, $0x3;
	s4 =	sadd.s32 $0x19E00, s6  }
.Ltmp0:
0xb: {  	s7 =	sadd.s32 s7, s2;
	s16 =	smax.u32 s16, $0x1;
	(pc) =	sbr.rel .LBB2_1-.Ltmp0, $4  }
0xc: {  	s18 =	sadd.s32 s5, s6;
	s5 =	sadd.s32 $0x7DE00, s6;
	s6 =	sadd.s32 $0xA5E00, s6  }
0xd: {  	s8 =	sadd.s32 $0x2800, s7;
	s9 =	sadd.s32 $0x5000, s7;
	s10 =	sadd.s32 $0x7800, s7  }
0xe: {  	s11 =	sadd.s32 $0xA000, s7;
	s12 =	sadd.s32 $0xC800, s7;
	s13 =	sadd.s32 $0xF000, s7  }
0xf: {  	v0 =	vimm.f32 $0.0e+00;
	s14 =	sadd.s32 $0x11800, s7;
	s17 =	sadd.s32 $0x10000, s18;
	s18 =	sadd.s32 $0x6200, s18  }
.LBB2_9:
0x10: {  	s26 =	sadd.s32 s25, s18;
	[sflag:s20] =	ssyncadd.s32 $0xFFFFD800  }
0x11: {  	[tilespmem:s3], [sflag:$0x2] =	stream.linear.gather [hbm4b:s26+s3], $0x50, $0x38;
	[tilespmem:$0x16900] =	vst v63  }
0x12: {  	_ =	swait.ge [sflag:s20], $0x50  }
0x13: {  	[sflag:s20] =	ssyncset.done $0x0  }
0x14: {  	s31 =	sadd.s32 s25, s17;
	[sflag:s20] =	ssyncadd.s32 $0xFFFFFFB0  }
0x15: {  	[tilespmem:s21], [sflag:$0x2] =	stream.linear.gather [hbm4b:s31+s3], $0x50, $0x38;
	[tilespmem:$0x16900] =	vst v63  }
0x16: {  	_ =	swait.ge [sflag:s20], $0x50  }
0x17: {  	[sflag:s20] =	ssyncset.done $0x0  }
0x18: {  	[sflag:s20] =	ssyncadd.s32 $0xFFFFFFB0  }
0x19: {  	[tilespmem:s19], [sflag:$0x1] =	stream.indirect.gather [hbm4b:s4+s22], $0x80, s3, s22, $0xb8;
	[tilespmem:$0x16900] =	vst v63  }
0x1a: {  	_ =	swait.ge [sflag:s23], $0x2800  }
0x1b: {  	[sflag:s23] =	ssyncset.done $0x0  }
0x1c: {  	[sflag:s23] =	ssyncadd.s32 $0xFFFFD800  }
0x1d: {  	[spmem:s2] =	stream.indirect.scatter.add.f32 [tilespmem:s19], [sflag:$0x2], $0x80, s21, s22, $0xb8;
	[tilespmem:$0x16900] =	vst v63  }
0x1e: {  	_ =	swait.ge [sflag:s20], $0x2800  }
0x1f: {  	[sflag:s20] =	ssyncset.done $0x0  }
0x20: {  	s25 =	smov.u32 s6;
	[sflag:s20] =	ssyncadd.s32 $0xFFFFD800  }
.LBB2_10:
0x21: {  	s25 =	sadd.s32 s25, s15;
	s24 =	sadd.s32 $0x1, s24  }
0x22: {  	s26 =	sshll.u32 s0, $0x6;
	[bflag:$0x0] =	sbarrier.arrive $0xFFFF;
	p1 =	sne.s32 s24, s16  }
.Ltmp1:
0x23: {  	s28 =	sshrl.u32 s7, $0x3;
	s26 =	sor.u32 $0x1C02, s26;
	(pc) =	sbr.rel @!p1 .LBB2_11-.Ltmp1, $4  }
0x24: {  	[hbm:s25], [sflag:s26] =	dma.local [spmem:s28], $0x2800  }
0x25: {  	_ =	swait.ge [sflag:s20], $0x2800  }
0x26: {  	[sflag:s20] =	ssyncset.done $0x0  }
0x27: {  	[sflag:s20] =	ssyncadd.s32 $0xFFFFD800  }
.LBB2_1:
0x28: {  	s25 =	simm.s32 $0x0;
	s26 =	simm.s32 $0x200  }
.LBB2_2:
0x29: {  	p1 =	sne.s32 s26, $0x9E00;
	[tilespmem:s25+$0x170] =	vst v0  }
0x2a: {  	[tilespmem:s25+$0x100] =	vst v0  }
0x2b: {  	[tilespmem:s25+$0x110] =	vst v0  }
.Ltmp2:
0x2c: {  	[tilespmem:s25+$0x120] =	vst v0;
	(pc) =	sbr.rel @p1 .LBB2_2-.Ltmp2, $4  }
0x2d: {  	[tilespmem:s25+$0x130] =	vst v0  }
0x2e: {  	[tilespmem:s25+$0x140] =	vst v0  }
0x2f: {  	[tilespmem:s25+$0x150] =	vst v0  }
0x30: {  	[tilespmem:s25+$0x160] =	vst v0;
	s25 =	sshra.s32 s26, $0x2;
	s26 =	sadd.s32 $0x200, s26  }
0x31: {  	[tilespmem:s25+$0x170] =	vst v0  }
0x32: {  	[tilespmem:s25+$0x100] =	vst v0  }
0x33: {  	[tilespmem:s25+$0x110] =	vst v0  }
0x34: {  	[tilespmem:s25+$0x120] =	vst v0  }
0x35: {  	[tilespmem:s25+$0x130] =	vst v0  }
0x36: {  	[tilespmem:s25+$0x140] =	vst v0  }
0x37: {  	[tilespmem:s25+$0x150] =	vst v0  }
0x38: {  	[tilespmem:s25+$0x160] =	vst v0  }
0x39: {  	[spmem:s7] =	stream.linear.scatter [tilespmem:s19], [sflag:$0x2], $0x2800, $0x38;
	[tilespmem:$0x16900] =	vst v63  }
0x3a: {  	_ =	swait.ge [sflag:s20], $0x2800  }
0x3b: {  	[sflag:s20] =	ssyncset.done $0x0  }
0x3c: {  	[sflag:s20] =	ssyncadd.s32 $0xFFFFD800  }
0x3d: {  	[spmem:s8] =	stream.linear.scatter [tilespmem:s19], [sflag:$0x2], $0x2800, $0x38;
	[tilespmem:$0x16900] =	vst v63  }
0x3e: {  	_ =	swait.ge [sflag:s20], $0x2800  }
0x3f: {  	[sflag:s20] =	ssyncset.done $0x0  }
0x40: {  	[sflag:s20] =	ssyncadd.s32 $0xFFFFD800  }
0x41: {  	[spmem:s9] =	stream.linear.scatter [tilespmem:s19], [sflag:$0x2], $0x2800, $0x38;
	[tilespmem:$0x16900] =	vst v63  }
0x42: {  	_ =	swait.ge [sflag:s20], $0x2800  }
0x43: {  	[sflag:s20] =	ssyncset.done $0x0  }
0x44: {  	[sflag:s20] =	ssyncadd.s32 $0xFFFFD800  }
0x45: {  	[spmem:s10] =	stream.linear.scatter [tilespmem:s19], [sflag:$0x2], $0x2800, $0x38;
	[tilespmem:$0x16900] =	vst v63  }
0x46: {  	_ =	swait.ge [sflag:s20], $0x2800  }
0x47: {  	[sflag:s20] =	ssyncset.done $0x0  }
0x48: {  	[sflag:s20] =	ssyncadd.s32 $0xFFFFD800  }
0x49: {  	[spmem:s11] =	stream.linear.scatter [tilespmem:s19], [sflag:$0x2], $0x2800, $0x38;
	[tilespmem:$0x16900] =	vst v63  }
0x4a: {  	_ =	swait.ge [sflag:s20], $0x2800  }
0x4b: {  	[sflag:s20] =	ssyncset.done $0x0  }
0x4c: {  	[sflag:s20] =	ssyncadd.s32 $0xFFFFD800  }
0x4d: {  	[spmem:s12] =	stream.linear.scatter [tilespmem:s19], [sflag:$0x2], $0x2800, $0x38;
	[tilespmem:$0x16900] =	vst v63  }
0x4e: {  	_ =	swait.ge [sflag:s20], $0x2800  }
0x4f: {  	[sflag:s20] =	ssyncset.done $0x0  }
0x50: {  	[sflag:s20] =	ssyncadd.s32 $0xFFFFD800  }
0x51: {  	[spmem:s13] =	stream.linear.scatter [tilespmem:s19], [sflag:$0x2], $0x2800, $0x38;
	[tilespmem:$0x16900] =	vst v63  }
0x52: {  	_ =	swait.ge [sflag:s20], $0x2800  }
0x53: {  	[sflag:s20] =	ssyncset.done $0x0  }
0x54: {  	[sflag:s20] =	ssyncadd.s32 $0xFFFFD800  }
0x55: {  	[spmem:s14] =	stream.linear.scatter [tilespmem:s19], [sflag:$0x2], $0x2800, $0x38;
	[tilespmem:$0x16900] =	vst v63  }
.Ltmp3:
0x56: {  	_ =	swait.ge [sflag:s20], $0x2800;
	(pc) =	sbr.rel @p0 .LBB2_7-.Ltmp3, $4  }
0x57: {  	[sflag:s20] =	ssyncset.done $0x0  }
0x58: {  	[sflag:s20] =	ssyncadd.s32 $0xFFFFD800  }
0x59: {  	[bflag:$0x0] =	sbarrier.arrive $0xFFFF  }
0x5a: {  	s25 =	sadd.s32 $0x0, s18  }
0x5b: {  	[tilespmem:s3], [sflag:$0x2] =	stream.linear.gather [hbm4b:s25+s3], $0x50, $0x38;
	[tilespmem:$0x16900] =	vst v63  }
0x5c: {  	_ =	swait.ge [sflag:s20], $0x50  }
0x5d: {  	[sflag:s20] =	ssyncset.done $0x0  }
0x5e: {  	s31 =	sadd.s32 $0x0, s17;
	[sflag:s20] =	ssyncadd.s32 $0xFFFFFFB0  }
0x5f: {  	[tilespmem:s21], [sflag:$0x2] =	stream.linear.gather [hbm4b:s31+s3], $0x50, $0x38;
	[tilespmem:$0x16900] =	vst v63  }
0x60: {  	_ =	swait.ge [sflag:s20], $0x50  }
0x61: {  	[sflag:s20] =	ssyncset.done $0x0  }
0x62: {  	[sflag:s20] =	ssyncadd.s32 $0xFFFFFFB0  }
0x63: {  	[tilespmem:s19], [sflag:$0x1] =	stream.indirect.gather [hbm4b:s4+s22], $0x80, s3, s22, $0xb8;
	[tilespmem:$0x16900] =	vst v63  }
0x64: {  	_ =	swait.ge [sflag:s23], $0x2800  }
0x65: {  	[sflag:s23] =	ssyncset.done $0x0  }
0x66: {  	[sflag:s23] =	ssyncadd.s32 $0xFFFFD800  }
0x67: {  	[spmem:s2] =	stream.indirect.scatter.add.f32 [tilespmem:s19], [sflag:$0x2], $0x80, s21, s22, $0xb8;
	[tilespmem:$0x16900] =	vst v63  }
0x68: {  	_ =	swait.ge [sflag:s20], $0x2800  }
0x69: {  	s25 =	simm.s32 $0xA;
	s26 =	simm.s32 $0x14;
	[sflag:s20] =	ssyncset.done $0x0  }
.LBB2_5:
0x6a: {  	s28 =	sadd.s32 s25, s18  }
0x6b: {  	[sflag:s20] =	ssyncadd.s32 $0xFFFFD800;
	s29 =	smov.u32 s26;
	s30 =	sadd.s32 $0xA, s26  }
0x6c: {  	[tilespmem:s3], [sflag:$0x2] =	stream.linear.gather [hbm4b:s28+s3], $0x50, $0x38;
	[tilespmem:$0x16900] =	vst v63  }
0x6d: {  	p1 =	seq.s32 s26, $0x4D8;
	_ =	swait.ge [sflag:s20], $0x50  }
0x6e: {  	[sflag:s20] =	ssyncset.done $0x0  }
0x6f: {  	s26 =	sadd.s32 s25, s17;
	s25 =	smov.u32 s29;
	[sflag:s20] =	ssyncadd.s32 $0xFFFFFFB0  }
0x70: {  	[tilespmem:s21], [sflag:$0x2] =	stream.linear.gather [hbm4b:s26+s3], $0x50, $0x38;
	[tilespmem:$0x16900] =	vst v63  }
0x71: {  	_ =	swait.ge [sflag:s20], $0x50  }
0x72: {  	[sflag:s20] =	ssyncset.done $0x0  }
0x73: {  	[sflag:s20] =	ssyncadd.s32 $0xFFFFFFB0  }
0x74: {  	[tilespmem:s19], [sflag:$0x1] =	stream.indirect.gather [hbm4b:s4+s22], $0x80, s3, s22, $0xb8;
	[tilespmem:$0x16900] =	vst v63  }
0x75: {  	_ =	swait.ge [sflag:s23], $0x2800  }
.Ltmp4:
0x76: {  	[sflag:s23] =	ssyncset.done $0x0;
	(pc) =	sbr.rel @!p1 .LBB2_5-.Ltmp4, $4  }
0x77: {  	[sflag:s23] =	ssyncadd.s32 $0xFFFFD800  }
0x78: {  	[spmem:s2] =	stream.indirect.scatter.add.f32 [tilespmem:s19], [sflag:$0x2], $0x80, s21, s22, $0xb8;
	[tilespmem:$0x16900] =	vst v63  }
0x79: {  	_ =	swait.ge [sflag:s20], $0x2800  }
0x7a: {  	s26 =	smov.u32 s30;
	[sflag:s20] =	ssyncset.done $0x0  }
0x7b: {  	s26 =	sadd.s32 s25, s18;
	[sflag:s20] =	ssyncadd.s32 $0xFFFFD800  }
0x7c: {  	[tilespmem:s3], [sflag:$0x2] =	stream.linear.gather [hbm4b:s26+s3], $0x50, $0x38;
	[tilespmem:$0x16900] =	vst v63  }
0x7d: {  	_ =	swait.ge [sflag:s20], $0x50  }
0x7e: {  	[sflag:s20] =	ssyncset.done $0x0  }
0x7f: {  	s31 =	sadd.s32 s25, s17;
	[sflag:s20] =	ssyncadd.s32 $0xFFFFFFB0  }
0x80: {  	[tilespmem:s21], [sflag:$0x2] =	stream.linear.gather [hbm4b:s31+s3], $0x50, $0x38;
	[tilespmem:$0x16900] =	vst v63  }
0x81: {  	_ =	swait.ge [sflag:s20], $0x50  }
0x82: {  	[sflag:s20] =	ssyncset.done $0x0  }
0x83: {  	[sflag:s20] =	ssyncadd.s32 $0xFFFFFFB0  }
0x84: {  	[tilespmem:s19], [sflag:$0x1] =	stream.indirect.gather [hbm4b:s4+s22], $0x80, s3, s22, $0xb8;
	[tilespmem:$0x16900] =	vst v63  }
0x85: {  	_ =	swait.ge [sflag:s23], $0x2800  }
0x86: {  	[sflag:s23] =	ssyncset.done $0x0  }
.Ltmp5:
0x87: {  	[sflag:s23] =	ssyncadd.s32 $0xFFFFD800;
	(pc) =	sbr.rel .LBB2_10-.Ltmp5, $4  }
0x88: {  	[spmem:s2] =	stream.indirect.scatter.add.f32 [tilespmem:s19], [sflag:$0x2], $0x80, s21, s22, $0xb8;
	[tilespmem:$0x16900] =	vst v63  }
0x89: {  	_ =	swait.ge [sflag:s20], $0x2800  }
0x8a: {  	[sflag:s20] =	ssyncset.done $0x0  }
0x8b: {  	s25 =	smov.u32 s5;
	[sflag:s20] =	ssyncadd.s32 $0xFFFFD800  }
.LBB2_7:
0x8c: {  	[tilespmem:s3], [sflag:$0x2] =	stream.linear.gather [hbm4b:s25+s3], $0x50, $0x38;
	[tilespmem:$0x16900] =	vst v63  }
0x8d: {  	_ =	swait.ge [sflag:s20], $0x50  }
0x8e: {  	[sflag:s20] =	ssyncset.done $0x0  }
0x8f: {  	s31 =	sadd.s32 $0x0, s17;
	[sflag:s20] =	ssyncadd.s32 $0xFFFFFFB0  }
0x90: {  	[tilespmem:s21], [sflag:$0x2] =	stream.linear.gather [hbm4b:s31+s3], $0x50, $0x38;
	[tilespmem:$0x16900] =	vst v63  }
0x91: {  	_ =	swait.ge [sflag:s20], $0x50  }
0x92: {  	[sflag:s20] =	ssyncset.done $0x0  }
0x93: {  	[sflag:s20] =	ssyncadd.s32 $0xFFFFFFB0  }
0x94: {  	[tilespmem:s19], [sflag:$0x1] =	stream.indirect.gather [hbm4b:s4+s22], $0x80, s3, s22, $0xb8;
	[tilespmem:$0x16900] =	vst v63  }
0x95: {  	_ =	swait.ge [sflag:s23], $0x2800  }
0x96: {  	[sflag:s23] =	ssyncset.done $0x0  }
0x97: {  	[sflag:s23] =	ssyncadd.s32 $0xFFFFD800  }
0x98: {  	[spmem:s2] =	stream.indirect.scatter.add.f32 [tilespmem:s19], [sflag:$0x2], $0x80, s21, s22, $0xb8;
	[tilespmem:$0x16900] =	vst v63  }
0x99: {  	_ =	swait.ge [sflag:s20], $0x2800  }
0x9a: {  	s25 =	simm.s32 $0xA;
	s26 =	simm.s32 $0x14;
	[sflag:s20] =	ssyncset.done $0x0  }
.LBB2_8:
0x9b: {  	s28 =	sadd.s32 s25, s18  }
0x9c: {  	[sflag:s20] =	ssyncadd.s32 $0xFFFFD800;
	s29 =	smov.u32 s26;
	s30 =	sadd.s32 $0xA, s26  }
0x9d: {  	[tilespmem:s3], [sflag:$0x2] =	stream.linear.gather [hbm4b:s28+s3], $0x50, $0x38;
	[tilespmem:$0x16900] =	vst v63  }
0x9e: {  	p1 =	sne.s32 s26, $0x4D8;
	_ =	swait.ge [sflag:s20], $0x50  }
0x9f: {  	[sflag:s20] =	ssyncset.done $0x0  }
0xa0: {  	s26 =	sadd.s32 s25, s17;
	s25 =	smov.u32 s29;
	[sflag:s20] =	ssyncadd.s32 $0xFFFFFFB0  }
0xa1: {  	[tilespmem:s21], [sflag:$0x2] =	stream.linear.gather [hbm4b:s26+s3], $0x50, $0x38;
	[tilespmem:$0x16900] =	vst v63  }
0xa2: {  	_ =	swait.ge [sflag:s20], $0x50  }
0xa3: {  	[sflag:s20] =	ssyncset.done $0x0  }
0xa4: {  	[sflag:s20] =	ssyncadd.s32 $0xFFFFFFB0  }
0xa5: {  	[tilespmem:s19], [sflag:$0x1] =	stream.indirect.gather [hbm4b:s4+s22], $0x80, s3, s22, $0xb8;
	[tilespmem:$0x16900] =	vst v63  }
0xa6: {  	_ =	swait.ge [sflag:s23], $0x2800  }
.Ltmp6:
0xa7: {  	[sflag:s23] =	ssyncset.done $0x0;
	(pc) =	sbr.rel @p1 .LBB2_8-.Ltmp6, $4  }
0xa8: {  	[sflag:s23] =	ssyncadd.s32 $0xFFFFD800  }
0xa9: {  	[spmem:s2] =	stream.indirect.scatter.add.f32 [tilespmem:s19], [sflag:$0x2], $0x80, s21, s22, $0xb8;
	[tilespmem:$0x16900] =	vst v63  }
0xaa: {  	_ =	swait.ge [sflag:s20], $0x2800  }
0xab: {  	s26 =	smov.u32 s30;
	[sflag:s20] =	ssyncset.done $0x0  }
.Ltmp7:
0xac: {  	_ = 	snop;
	(pc) =	sbr.rel .LBB2_9-.Ltmp7, $1  }
0xad: {  	_ =	sdelay $0x3  }
.LBB2_11:
0xae: {  	_ =	sfence.sel $0x180000  }
0xaf: {  	[bflag:$0x0] =	sbarrier.arrive $0xFFFF  }
0xb0: {  	p0 =	sne.s32 s0, $0x0;
	_ =	strace $0x90000050  }
0xb1: {  	s0 =	sadd.s32 @!p0 $0x100000, s1;
	[bflag:$0x2] =	sbarrier.arrive $0xFFFF  }
0xb2: {  	[sflag:s0] =	ssyncadd.tile.s32 @!p0 $0x1;
	_ =	shalt  }
.Lfunc_end2:
_tile_overlayer_lowered:
.L_overlay_start_2:
0xb3: {  	(tag) =	ssettag $0x2  }
0xb4: {  	s0 =	rddreg [dreg:$0x0];
	s2 =	stileid.u32  }
0xb5: {  	s1 =	rddreg [dreg:$0x1];
	p0 =	sne.s32 s2, $0x0  }
0xb6: {  	s3 =	rddreg [dreg:$0x2];
	[bflag:$0x3] =	sbarrier.arrive $0xFFFF;
	s2 =	simm.s32 @!p0 $0x1C02  }
0xb7: {  	[timem:s3], [sflag:s2] =	dma.local @!p0 [hbm:s0], s1  }
0xb8: {  	s0 =	simm.s32 @!p0 $0x2  }
0xb9: {  	_ =	swait.ge @!p0 [sflag:s0], s1  }
0xba: {  	s1 =	ssub.s32 @!p0 $0x0, s1;
	[sflag:s0] =	ssyncset.done @!p0 $0x0  }
0xbb: {  	[sflag:s0] =	ssyncadd.s32 @!p0 s1  }
0xbc: {  	[bflag:$0x3] =	sbarrier.arrive $0xFFFF  }
0xbd: {  	_ =	shalt  }

</sc_bundles>
